<compile_context>
chip_gen: v7x
topology: tpu7x:2x2x1
jax: 0.10.2.dev20260603
libtpu: 0.0.44.dev20260713+nightly
codegen_flags: <defaults>
</compile_context>

<pallas_src>
import functools

import jax
import jax.numpy as jnp
from jax import lax
from jax.experimental import pallas as pl
from jax.experimental.pallas import tpu as pltpu
from jax.experimental.pallas import tpu_sc as plsc

NC = 2
NS = 16
CHUNK = 432

ROWS = 2000


def _relu(v):
    return jnp.maximum(v, 0.0)


def _dot(a, b):
    return jax.lax.dot_general(a, b, (((1,), (0,)), ((), ())),
                               preferred_element_type=jnp.float32)



def _pack(m):
    q = ROWS // 4
    halves = []
    for h in (0, 1):
        mh = m[:, 32 * h:32 * h + 32]
        halves.append(jnp.concatenate(
            [mh[q * g:q * g + q] for g in range(4)], axis=1))
    return jnp.concatenate(halves, axis=0)


def _unpack(a):
    q = ROWS // 4
    cols = []
    for h in (0, 1):
        ah = a[q * h:q * h + q]
        cols.append(jnp.concatenate(
            [ah[:, 32 * g:32 * g + 32] for g in range(4)], axis=0))
    return jnp.concatenate(cols, axis=1)


def _enc_body(x_ref, w0, b0, w1, b1, w2, b2, cw, out_ref):
    h = _relu(_dot(x_ref[...], w0[...]) + b0[...])
    h = _relu(_dot(h, w1[...]) + b1[...])
    h = _relu(_dot(h, w2[...]) + b2[...])
    out_ref[...] = _pack(_dot(h, cw[...]))


def _mid_body(a_ref, b_ref, cw, out_ref):
    h = _relu(_unpack(a_ref[...]) + b_ref[...])
    out_ref[...] = _pack(_dot(h, cw[...]))


def _dec_body(a_ref, cb, w0, b0, w1, b1, w2, b2, out_ref):
    h = _relu(_unpack(a_ref[...]) + cb[...])
    h = _relu(_dot(h, w0[...]) + b0[...])
    h = _relu(_dot(h, w1[...]) + b1[...])
    out_ref[...] = _relu(_dot(h, w2[...]) + b2[...])


def _full(shape):
    return pl.BlockSpec(shape, lambda b: (0,) * len(shape))


def _enc_call(n):
    grid = n // ROWS
    return pl.pallas_call(
        _enc_body,
        grid=(grid,),
        in_specs=[
            pl.BlockSpec((ROWS, 128), lambda b: (b, 0)),
            _full((128, 128)), _full((1, 128)),
            _full((128, 96)), _full((1, 96)),
            _full((96, 64)), _full((1, 64)),
            _full((64, 64)),
        ],
        out_specs=pl.BlockSpec((ROWS // 2, 128), lambda b: (b, 0)),
        out_shape=jax.ShapeDtypeStruct((n // 2, 128), jnp.float32),
    )


def _mid_call(n):
    grid = n // ROWS
    return pl.pallas_call(
        _mid_body,
        grid=(grid,),
        in_specs=[
            pl.BlockSpec((ROWS // 2, 128), lambda b: (b, 0)),
            _full((1, 64)),
            _full((64, 64)),
        ],
        out_specs=pl.BlockSpec((ROWS // 2, 128), lambda b: (b, 0)),
        out_shape=jax.ShapeDtypeStruct((n // 2, 128), jnp.float32),
    )


def _dec_call(n):
    grid = n // ROWS
    return pl.pallas_call(
        _dec_body,
        grid=(grid,),
        in_specs=[
            pl.BlockSpec((ROWS // 2, 128), lambda b: (b, 0)),
            _full((1, 64)),
            _full((64, 96)), _full((1, 96)),
            _full((96, 128)), _full((1, 128)),
            _full((128, 128)), _full((1, 128)),
        ],
        out_specs=pl.BlockSpec((ROWS, 128), lambda b: (b, 0)),
        out_shape=jax.ShapeDtypeStruct((n, 128), jnp.float32),
    )



def _make_scatter(n, ep):
    cpt = ep // (NS * CHUNK)
    assert cpt % 4 == 0 and cpt >= 8
    zr = (-(-(n + 1) // NS) + 7) // 8 * 8
    np_rows = zr * NS
    nblk = n // ROWS
    assert n % ROWS == 0
    mesh = plsc.VectorSubcoreMesh(core_axis_name="c", subcore_axis_name="s",
                                  num_cores=NC, num_subcores=NS)

    @functools.partial(
        pl.kernel,
        out_type=jax.ShapeDtypeStruct((2 * n, 32), jnp.float32),
        mesh=mesh,
        compiler_params=pltpu.CompilerParams(use_tc_tiling_on_sc=False),
        scratch_types=[
            pltpu.VMEM((CHUNK,), jnp.int32),
            pltpu.VMEM((CHUNK,), jnp.int32),
            pltpu.VMEM((CHUNK,), jnp.int32),
            pltpu.VMEM((CHUNK,), jnp.int32),
            pltpu.VMEM((CHUNK,), jnp.int32),
            pltpu.VMEM((CHUNK,), jnp.int32),
            pltpu.VMEM((CHUNK, 32), jnp.float32),
            pltpu.VMEM((CHUNK, 32), jnp.float32),
            pltpu.VMEM_SHARED((np_rows, 32), jnp.float32),
            pltpu.SemaphoreType.DMA,
            pltpu.SemaphoreType.DMA,
            pltpu.SemaphoreType.DMA,
            pltpu.SemaphoreType.DMA,
            pltpu.SemaphoreType.DMA,
            pltpu.SemaphoreType.DMA,
            pltpu.SemaphoreType.DMA,
            pltpu.SemaphoreType.DMA,
            pltpu.SemaphoreType.DMA,
            pltpu.SemaphoreType.DMA,
        ],
    )
    def scatter(mtab, src1, dst2, zst, out, sb0, sb1, db0, db1, db2, db3,
                rb0, rb1, acc, ss0, ss1, sd0, sd1, sd2, sd3,
                sg0, sg1, sc0, sc1):
        c = lax.axis_index("c")
        s = lax.axis_index("s")
        sbufs, rbufs = (sb0, sb1), (rb0, rb1)
        dbufs = (db0, db1, db2, db3)
        ssems, gsems, csems = (ss0, ss1), (sg0, sg1), (sc0, sc1)
        dsems = (sd0, sd1, sd2, sd3)
        ebase = s * (cpt * CHUNK)
        coff = jax.lax.broadcast(c * ROWS, (16,))

        def start_idx(u, b, d):
            pltpu.async_copy(src1.at[pl.ds(ebase + u * CHUNK, CHUNK)],
                             sbufs[b], ssems[b])
            pltpu.async_copy(dst2.at[pl.ds(ebase + u * CHUNK, CHUNK)],
                             dbufs[d], dsems[d])

        def start_gather(b):
            pltpu.async_copy(mtab.at[sbufs[b]], rbufs[b], gsems[b])

        def wait_idx(b, d):
            pltpu.make_async_copy(src1.at[pl.ds(0, CHUNK)],
                                  sbufs[b], ssems[b]).wait()
            pltpu.make_async_copy(dst2.at[pl.ds(0, CHUNK)],
                                  dbufs[d], dsems[d]).wait()
            for k in range(CHUNK // 16):
                sbufs[b][pl.ds(16 * k, 16)] = (
                    sbufs[b][pl.ds(16 * k, 16)] + coff)

        def wait_gather(b):
            pltpu.make_async_copy(mtab.at[sbufs[b]], rbufs[b],
                                  gsems[b]).wait()

        def start_scatter(b, d):
            pltpu.async_copy(rbufs[b], acc.at[dbufs[d]], csems[b], add=True)

        def drain_scatter(b, d):
            pltpu.make_async_copy(rbufs[b], acc.at[dbufs[d]],
                                  csems[b]).wait()

        start_idx(0, 0, 0)
        start_idx(1, 1, 1)
        wait_idx(0, 0)
        start_gather(0)
        pltpu.sync_copy(zst, acc.at[pl.ds(s * zr, zr)])
        plsc.subcore_barrier()

        def group_body(g, carry):
            for q in range(4):
                b = q % 2
                nb = 1 - b

                u = 4 * g + q

                @pl.when(u >= 1)
                def _drain_prev():
                    drain_scatter(nb, (q + 3) % 4)

                @pl.when(u < cpt - 1)
                def _gather_next():
                    wait_idx(nb, (q + 1) % 4)
                    start_gather(nb)

                wait_gather(b)
                start_scatter(b, q % 4)

                @pl.when(u < cpt - 2)
                def _idx_next():
                    start_idx(u + 2, b, (q + 2) % 4)
            return carry

        lax.fori_loop(0, cpt // 4, group_body, 0)
        drain_scatter((cpt - 1) % 2, (cpt - 1) % 4)
        plsc.subcore_barrier()

        def wb(bb):
            pltpu.sync_copy(acc.at[pl.ds(bb * ROWS, ROWS)],
                            out.at[pl.ds(2 * ROWS * bb + ROWS * c, ROWS)])

        @pl.when(s < nblk)
        def _wb0():
            wb(s)

        @pl.when(s + NS < nblk)
        def _wb1():
            wb(s + NS)

    return scatter


def kernel(x, edge_index, enc_W0, enc_b0, enc_W1, enc_b1, enc_W2, enc_b2,
           conv_W0, conv_b0, conv_W1, conv_b1,
           dec_W0, dec_b0, dec_W1, dec_b1, dec_W2, dec_b2):
    n = x.shape[0]
    e = edge_index.shape[1]
    cpt = (-(-e // (NS * CHUNK)) + 3) // 4 * 4
    ep = cpt * NS * CHUNK
    zr = (-(-(n + 1) // NS) + 7) // 8 * 8

    src = edge_index[0]
    dst = edge_index[1]
    pad = ep - e
    def packed_row(v, half_stride):
        blk = ((v >> 4) * 4195) >> 19
        l = v - ROWS * blk
        g = ((l >> 2) * 4195) >> 19
        p = l - (ROWS // 4) * g
        return half_stride * blk + 4 * p + g

    src_p = jnp.concatenate([src, jnp.zeros((pad,), jnp.int32)])
    src1 = packed_row(src_p, 2 * ROWS)
    dst_p = jnp.concatenate([dst, jnp.full((pad,), n, jnp.int32)])
    dst2 = packed_row(dst_p, ROWS)
    zst = jnp.zeros((zr, 32), jnp.float32)

    def r2(b):
        return b.reshape(1, -1)

    scatter = _make_scatter(n, ep)

    m0 = _enc_call(n)(x, enc_W0, r2(enc_b0), enc_W1, r2(enc_b1),
                      enc_W2, r2(enc_b2), conv_W0)
    agg0 = scatter(m0.reshape(2 * n, 32), src1, dst2, zst)
    m1 = _mid_call(n)(agg0.reshape(n // 2, 128), r2(conv_b0), conv_W1)
    agg1 = scatter(m1.reshape(2 * n, 32), src1, dst2, zst)
    out = _dec_call(n)(agg1.reshape(n // 2, 128), r2(conv_b1),
                       dec_W0, r2(dec_b0), dec_W1, r2(dec_b1),
                       dec_W2, r2(dec_b2))
    return out

# --- scband reference (transcript-rebuilt; emitter-appended) ---
"""Pipeline reference for scband-gae-12910671692013 (READ-ONLY COPY).

The authoritative reference and input builder live on the scoring server;
editing this copy changes nothing except your own understanding.
"""

import jax, jax.numpy as jnp
import numpy as np

N = 50000
E = 800000
IN_DIM = 128
ENC_DIM = 128
LATENT = 64
DEC_DIM = 128
OUT_DIM = 128
# enc_dims = [128, 96, 64] (rate=(128-64)/2=32), dec_dims = [64, 96, 128]


def setup_inputs(seed: int = 0) -> dict:
    key = jax.random.key(seed)
    ks = jax.random.split(key, 20)

    def w(k, shape):
        return (jax.random.normal(k, shape, dtype=jnp.float32) * 0.05)

    inp = {}
    inp["x"] = jax.random.normal(ks[0], (N, IN_DIM), dtype=jnp.float32)
    inp["edge_index"] = jax.random.randint(ks[1], (2, E), 0, N, dtype=jnp.int32)
    # encoder: Linear(128,128) + [Linear(128,96), Linear(96,64)]
    inp["enc_W0"] = w(ks[2], (IN_DIM, ENC_DIM)); inp["enc_b0"] = jnp.zeros((ENC_DIM,), jnp.float32)
    inp["enc_W1"] = w(ks[3], (128, 96));         inp["enc_b1"] = jnp.zeros((96,), jnp.float32)
    inp["enc_W2"] = w(ks[4], (96, 64));          inp["enc_b2"] = jnp.zeros((64,), jnp.float32)
    # 2 GCNConv(latent, latent, normalize=False) layers
    inp["conv_W0"] = w(ks[5], (LATENT, LATENT)); inp["conv_b0"] = jnp.zeros((LATENT,), jnp.float32)
    inp["conv_W1"] = w(ks[6], (LATENT, LATENT)); inp["conv_b1"] = jnp.zeros((LATENT,), jnp.float32)
    # decoder: [Linear(64,96), Linear(96,128)] + Linear(128,128)
    inp["dec_W0"] = w(ks[7], (64, 96));          inp["dec_b0"] = jnp.zeros((96,), jnp.float32)
    inp["dec_W1"] = w(ks[8], (96, 128));         inp["dec_b1"] = jnp.zeros((128,), jnp.float32)
    inp["dec_W2"] = w(ks[9], (DEC_DIM, OUT_DIM)); inp["dec_b2"] = jnp.zeros((OUT_DIM,), jnp.float32)
    return inp


def reference(x, edge_index, enc_W0, enc_b0, enc_W1, enc_b1, enc_W2, enc_b2,
              conv_W0, conv_b0, conv_W1, conv_b1,
              dec_W0, dec_b0, dec_W1, dec_b1, dec_W2, dec_b2):
    # encoder MLP (dropout is identity in eval mode)
    h = jax.nn.relu(x @ enc_W0 + enc_b0)
    h = jax.nn.relu(h @ enc_W1 + enc_b1)
    h = jax.nn.relu(h @ enc_W2 + enc_b2)
    # GCNConv with normalize=False: out = scatter_add(x_src @ W -> dst) + b
    src = edge_index[0]
    dst = edge_index[1]
    for W, b in ((conv_W0, conv_b0), (conv_W1, conv_b1)):
        m = h @ W
        agg = jnp.zeros_like(m).at[dst].add(m[src])
        h = jax.nn.relu(agg + b)
    # decoder MLP
    h = jax.nn.relu(h @ dec_W0 + dec_b0)
    h = jax.nn.relu(h @ dec_W1 + dec_b1)
    out = jax.nn.relu(h @ dec_W2 + dec_b2)
    return out

if __name__ == "__main__":
    import jax
    _d = setup_inputs()
    print(jax.jit(kernel)(*tuple(_d.values())))

</pallas_src>

<mosaic_0001>
#map = affine_map<(d0, d1) -> (0, 0)>
#map1 = affine_map<(d0, d1) -> (0)>
module attributes {stable_mosaic.version = 14 : i64} {
  func.func @scatter(%arg0: i32, %arg1: i32, %arg2: memref<100000x32xf32, #tpu.memory_space<hbm>>, %arg3: memref<801792xi32, #tpu.memory_space<hbm>>, %arg4: memref<801792xi32, #tpu.memory_space<hbm>>, %arg5: memref<3128x32xf32, #tpu.memory_space<hbm>>, %arg6: memref<100000x32xf32, #tpu.memory_space<hbm>>, %arg7: memref<432xi32, #tpu.memory_space<vmem>>, %arg8: memref<432xi32, #tpu.memory_space<vmem>>, %arg9: memref<432xi32, #tpu.memory_space<vmem>>, %arg10: memref<432xi32, #tpu.memory_space<vmem>>, %arg11: memref<432xi32, #tpu.memory_space<vmem>>, %arg12: memref<432xi32, #tpu.memory_space<vmem>>, %arg13: memref<432x32xf32, #tpu.memory_space<vmem>>, %arg14: memref<432x32xf32, #tpu.memory_space<vmem>>, %arg15: memref<50048x32xf32, #tpu.memory_space<vmem_shared>>, %arg16: memref<!tpu.dma_semaphore, #tpu.memory_space<semaphore_mem>>, %arg17: memref<!tpu.dma_semaphore, #tpu.memory_space<semaphore_mem>>, %arg18: memref<!tpu.dma_semaphore, #tpu.memory_space<semaphore_mem>>, %arg19: memref<!tpu.dma_semaphore, #tpu.memory_space<semaphore_mem>>, %arg20: memref<!tpu.dma_semaphore, #tpu.memory_space<semaphore_mem>>, %arg21: memref<!tpu.dma_semaphore, #tpu.memory_space<semaphore_mem>>, %arg22: memref<!tpu.dma_semaphore, #tpu.memory_space<semaphore_mem>>, %arg23: memref<!tpu.dma_semaphore, #tpu.memory_space<semaphore_mem>>, %arg24: memref<!tpu.dma_semaphore, #tpu.memory_space<semaphore_mem>>, %arg25: memref<!tpu.dma_semaphore, #tpu.memory_space<semaphore_mem>>) attributes {dimension_semantics = [#tpu.dimension_semantics<core_parallel>, #tpu.dimension_semantics<subcore_parallel>], iteration_bounds = array<i64: 2, 16>, scalar_prefetch = 0 : i64, scratch_operands = 19 : i64, tpu.core_type = #tpu.core_type<sc_vector_subcore>, window_params = [{transform_indices = #map}, {transform_indices = #map1}, {transform_indices = #map1}, {transform_indices = #map}, {transform_indices = #map}]} {
    %mul3A = arith.constant 50112 : i32
    %mul3A_0 = arith.muli %arg1, %mul3A : i32
    %mul3A_1 = arith.constant 2000 : i32
    %mul3A_2 = arith.muli %arg0, %mul3A_1 : i32
    %broadcast_in_dim3A = vector.broadcast %mul3A_2 : i32 to vector<16xi32>
    %add3A = arith.constant 0 : i32
    %add3A_3 = arith.addi %mul3A_0, %add3A : i32
    %dma_start3A = tpu.memref_slice %arg3[%add3A_3] : memref<801792xi32, #tpu.memory_space<hbm>> -> memref<432xi32, #tpu.memory_space<hbm>>
    %dma_start3A_4 = tpu.memref_slice %arg3[%add3A_3] : memref<801792xi32, #tpu.memory_space<hbm>> -> memref<432xi32, #tpu.memory_space<hbm>>
    tpu.enqueue_dma source(%dma_start3A_4 : memref<432xi32, #tpu.memory_space<hbm>>) target(%arg7 : memref<432xi32, #tpu.memory_space<vmem>>) target_semaphore(%arg16 : memref<!tpu.dma_semaphore, #tpu.memory_space<semaphore_mem>>)
    %add3A_5 = arith.constant 0 : i32
    %add3A_6 = arith.addi %mul3A_0, %add3A_5 : i32
    %dma_start3A_7 = tpu.memref_slice %arg4[%add3A_6] : memref<801792xi32, #tpu.memory_space<hbm>> -> memref<432xi32, #tpu.memory_space<hbm>>
    %dma_start3A_8 = tpu.memref_slice %arg4[%add3A_6] : memref<801792xi32, #tpu.memory_space<hbm>> -> memref<432xi32, #tpu.memory_space<hbm>>
    tpu.enqueue_dma source(%dma_start3A_8 : memref<432xi32, #tpu.memory_space<hbm>>) target(%arg9 : memref<432xi32, #tpu.memory_space<vmem>>) target_semaphore(%arg18 : memref<!tpu.dma_semaphore, #tpu.memory_space<semaphore_mem>>)
    %add3A_9 = arith.constant 432 : i32
    %add3A_10 = arith.addi %mul3A_0, %add3A_9 : i32
    %dma_start3A_11 = tpu.memref_slice %arg3[%add3A_10] : memref<801792xi32, #tpu.memory_space<hbm>> -> memref<432xi32, #tpu.memory_space<hbm>>
    %dma_start3A_12 = tpu.memref_slice %arg3[%add3A_10] : memref<801792xi32, #tpu.memory_space<hbm>> -> memref<432xi32, #tpu.memory_space<hbm>>
    tpu.enqueue_dma source(%dma_start3A_12 : memref<432xi32, #tpu.memory_space<hbm>>) target(%arg8 : memref<432xi32, #tpu.memory_space<vmem>>) target_semaphore(%arg17 : memref<!tpu.dma_semaphore, #tpu.memory_space<semaphore_mem>>)
    %add3A_13 = arith.constant 432 : i32
    %add3A_14 = arith.addi %mul3A_0, %add3A_13 : i32
    %dma_start3A_15 = tpu.memref_slice %arg4[%add3A_14] : memref<801792xi32, #tpu.memory_space<hbm>> -> memref<432xi32, #tpu.memory_space<hbm>>
    %dma_start3A_16 = tpu.memref_slice %arg4[%add3A_14] : memref<801792xi32, #tpu.memory_space<hbm>> -> memref<432xi32, #tpu.memory_space<hbm>>
    tpu.enqueue_dma source(%dma_start3A_16 : memref<432xi32, #tpu.memory_space<hbm>>) target(%arg10 : memref<432xi32, #tpu.memory_space<vmem>>) target_semaphore(%arg19 : memref<!tpu.dma_semaphore, #tpu.memory_space<semaphore_mem>>)
    %dma_wait3A = arith.constant 0 : i32
    %dma_wait3A_17 = tpu.memref_slice %arg3[%dma_wait3A] : memref<801792xi32, #tpu.memory_space<hbm>> -> memref<432xi32, #tpu.memory_space<hbm>>
    %dma_wait3A_18 = arith.constant 0 : i32
    %dma_wait3A_19 = tpu.memref_slice %arg3[%dma_wait3A_18] : memref<801792xi32, #tpu.memory_space<hbm>> -> memref<432xi32, #tpu.memory_space<hbm>>
    tpu.wait_dma2 semaphore(%arg16 : memref<!tpu.dma_semaphore, #tpu.memory_space<semaphore_mem>>) src(%dma_wait3A_19 : memref<432xi32, #tpu.memory_space<hbm>>) dst(%arg7 : memref<432xi32, #tpu.memory_space<vmem>>)
    %dma_wait3A_20 = arith.constant 0 : i32
    %dma_wait3A_21 = tpu.memref_slice %arg4[%dma_wait3A_20] : memref<801792xi32, #tpu.memory_space<hbm>> -> memref<432xi32, #tpu.memory_space<hbm>>
    %dma_wait3A_22 = arith.constant 0 : i32
    %dma_wait3A_23 = tpu.memref_slice %arg4[%dma_wait3A_22] : memref<801792xi32, #tpu.memory_space<hbm>> -> memref<432xi32, #tpu.memory_space<hbm>>
    tpu.wait_dma2 semaphore(%arg18 : memref<!tpu.dma_semaphore, #tpu.memory_space<semaphore_mem>>) src(%dma_wait3A_23 : memref<432xi32, #tpu.memory_space<hbm>>) dst(%arg9 : memref<432xi32, #tpu.memory_space<vmem>>)
    %get3A = arith.constant 0 : index
    %get3A_24 = tpu.vector_load %arg7[%get3A] {strides = array<i32>} : memref<432xi32, #tpu.memory_space<vmem>>, vector<16xi32>,
    %get3A_25 = vector.shape_cast %get3A_24 : vector<16xi32> to vector<16xi32>
    %add3A_26 = arith.addi %get3A_25, %broadcast_in_dim3A : vector<16xi32>
    %swap3A = arith.constant 0 : index
    %swap3A_27 = tpu.vector_load %arg7[%swap3A] {strides = array<i32>} : memref<432xi32, #tpu.memory_space<vmem>>, vector<16xi32>,
    %swap3A_28 = vector.shape_cast %swap3A_27 : vector<16xi32> to vector<16xi32>
    %swap3A_29 = vector.shape_cast %add3A_26 : vector<16xi32> to vector<16xi32>
    tpu.vector_store %arg7[%swap3A], %swap3A_29 {strides = array<i32>} : memref<432xi32, #tpu.memory_space<vmem>>, vector<16xi32>,
    %get3A_30 = arith.constant 16 : index
    %get3A_31 = tpu.vector_load %arg7[%get3A_30] {strides = array<i32>} : memref<432xi32, #tpu.memory_space<vmem>>, vector<16xi32>,
    %get3A_32 = vector.shape_cast %get3A_31 : vector<16xi32> to vector<16xi32>
    %add3A_33 = arith.addi %get3A_32, %broadcast_in_dim3A : vector<16xi32>
    %swap3A_34 = arith.constant 16 : index
    %swap3A_35 = tpu.vector_load %arg7[%swap3A_34] {strides = array<i32>} : memref<432xi32, #tpu.memory_space<vmem>>, vector<16xi32>,
    %swap3A_36 = vector.shape_cast %swap3A_35 : vector<16xi32> to vector<16xi32>
    %swap3A_37 = vector.shape_cast %add3A_33 : vector<16xi32> to vector<16xi32>
    tpu.vector_store %arg7[%swap3A_34], %swap3A_37 {strides = array<i32>} : memref<432xi32, #tpu.memory_space<vmem>>, vector<16xi32>,
    %get3A_38 = arith.constant 32 : index
    %get3A_39 = tpu.vector_load %arg7[%get3A_38] {strides = array<i32>} : memref<432xi32, #tpu.memory_space<vmem>>, vector<16xi32>,
    %get3A_40 = vector.shape_cast %get3A_39 : vector<16xi32> to vector<16xi32>
    %add3A_41 = arith.addi %get3A_40, %broadcast_in_dim3A : vector<16xi32>
    %swap3A_42 = arith.constant 32 : index
    %swap3A_43 = tpu.vector_load %arg7[%swap3A_42] {strides = array<i32>} : memref<432xi32, #tpu.memory_space<vmem>>, vector<16xi32>,
    %swap3A_44 = vector.shape_cast %swap3A_43 : vector<16xi32> to vector<16xi32>
    %swap3A_45 = vector.shape_cast %add3A_41 : vector<16xi32> to vector<16xi32>
    tpu.vector_store %arg7[%swap3A_42], %swap3A_45 {strides = array<i32>} : memref<432xi32, #tpu.memory_space<vmem>>, vector<16xi32>,
    %get3A_46 = arith.constant 48 : index
    %get3A_47 = tpu.vector_load %arg7[%get3A_46] {strides = array<i32>} : memref<432xi32, #tpu.memory_space<vmem>>, vector<16xi32>,
    %get3A_48 = vector.shape_cast %get3A_47 : vector<16xi32> to vector<16xi32>
    %add3A_49 = arith.addi %get3A_48, %broadcast_in_dim3A : vector<16xi32>
    %swap3A_50 = arith.constant 48 : index
    %swap3A_51 = tpu.vector_load %arg7[%swap3A_50] {strides = array<i32>} : memref<432xi32, #tpu.memory_space<vmem>>, vector<16xi32>,
    %swap3A_52 = vector.shape_cast %swap3A_51 : vector<16xi32> to vector<16xi32>
    %swap3A_53 = vector.shape_cast %add3A_49 : vector<16xi32> to vector<16xi32>
    tpu.vector_store %arg7[%swap3A_50], %swap3A_53 {strides = array<i32>} : memref<432xi32, #tpu.memory_space<vmem>>, vector<16xi32>,
    %get3A_54 = arith.constant 64 : index
    %get3A_55 = tpu.vector_load %arg7[%get3A_54] {strides = array<i32>} : memref<432xi32, #tpu.memory_space<vmem>>, vector<16xi32>,
    %get3A_56 = vector.shape_cast %get3A_55 : vector<16xi32> to vector<16xi32>
    %add3A_57 = arith.addi %get3A_56, %broadcast_in_dim3A : vector<16xi32>
    %swap3A_58 = arith.constant 64 : index
    %swap3A_59 = tpu.vector_load %arg7[%swap3A_58] {strides = array<i32>} : memref<432xi32, #tpu.memory_space<vmem>>, vector<16xi32>,
    %swap3A_60 = vector.shape_cast %swap3A_59 : vector<16xi32> to vector<16xi32>
    %swap3A_61 = vector.shape_cast %add3A_57 : vector<16xi32> to vector<16xi32>
    tpu.vector_store %arg7[%swap3A_58], %swap3A_61 {strides = array<i32>} : memref<432xi32, #tpu.memory_space<vmem>>, vector<16xi32>,
    %get3A_62 = arith.constant 80 : index
    %get3A_63 = tpu.vector_load %arg7[%get3A_62] {strides = array<i32>} : memref<432xi32, #tpu.memory_space<vmem>>, vector<16xi32>,
    %get3A_64 = vector.shape_cast %get3A_63 : vector<16xi32> to vector<16xi32>
    %add3A_65 = arith.addi %get3A_64, %broadcast_in_dim3A : vector<16xi32>
    %swap3A_66 = arith.constant 80 : index
    %swap3A_67 = tpu.vector_load %arg7[%swap3A_66] {strides = array<i32>} : memref<432xi32, #tpu.memory_space<vmem>>, vector<16xi32>,
    %swap3A_68 = vector.shape_cast %swap3A_67 : vector<16xi32> to vector<16xi32>
    %swap3A_69 = vector.shape_cast %add3A_65 : vector<16xi32> to vector<16xi32>
    tpu.vector_store %arg7[%swap3A_66], %swap3A_69 {strides = array<i32>} : memref<432xi32, #tpu.memory_space<vmem>>, vector<16xi32>,
    %get3A_70 = arith.constant 96 : index
    %get3A_71 = tpu.vector_load %arg7[%get3A_70] {strides = array<i32>} : memref<432xi32, #tpu.memory_space<vmem>>, vector<16xi32>,
    %get3A_72 = vector.shape_cast %get3A_71 : vector<16xi32> to vector<16xi32>
    %add3A_73 = arith.addi %get3A_72, %broadcast_in_dim3A : vector<16xi32>
    %swap3A_74 = arith.constant 96 : index
    %swap3A_75 = tpu.vector_load %arg7[%swap3A_74] {strides = array<i32>} : memref<432xi32, #tpu.memory_space<vmem>>, vector<16xi32>,
    %swap3A_76 = vector.shape_cast %swap3A_75 : vector<16xi32> to vector<16xi32>
    %swap3A_77 = vector.shape_cast %add3A_73 : vector<16xi32> to vector<16xi32>
    tpu.vector_store %arg7[%swap3A_74], %swap3A_77 {strides = array<i32>} : memref<432xi32, #tpu.memory_space<vmem>>, vector<16xi32>,
    %get3A_78 = arith.constant 112 : index
    %get3A_79 = tpu.vector_load %arg7[%get3A_78] {strides = array<i32>} : memref<432xi32, #tpu.memory_space<vmem>>, vector<16xi32>,
    %get3A_80 = vector.shape_cast %get3A_79 : vector<16xi32> to vector<16xi32>
    %add3A_81 = arith.addi %get3A_80, %broadcast_in_dim3A : vector<16xi32>
    %swap3A_82 = arith.constant 112 : index
    %swap3A_83 = tpu.vector_load %arg7[%swap3A_82] {strides = array<i32>} : memref<432xi32, #tpu.memory_space<vmem>>, vector<16xi32>,
    %swap3A_84 = vector.shape_cast %swap3A_83 : vector<16xi32> to vector<16xi32>
    %swap3A_85 = vector.shape_cast %add3A_81 : vector<16xi32> to vector<16xi32>
    tpu.vector_store %arg7[%swap3A_82], %swap3A_85 {strides = array<i32>} : memref<432xi32, #tpu.memory_space<vmem>>, vector<16xi32>,
    %get3A_86 = arith.constant 128 : index
    %get3A_87 = tpu.vector_load %arg7[%get3A_86] {strides = array<i32>} : memref<432xi32, #tpu.memory_space<vmem>>, vector<16xi32>,
    %get3A_88 = vector.shape_cast %get3A_87 : vector<16xi32> to vector<16xi32>
    %add3A_89 = arith.addi %get3A_88, %broadcast_in_dim3A : vector<16xi32>
    %swap3A_90 = arith.constant 128 : index
    %swap3A_91 = tpu.vector_load %arg7[%swap3A_90] {strides = array<i32>} : memref<432xi32, #tpu.memory_space<vmem>>, vector<16xi32>,
    %swap3A_92 = vector.shape_cast %swap3A_91 : vector<16xi32> to vector<16xi32>
    %swap3A_93 = vector.shape_cast %add3A_89 : vector<16xi32> to vector<16xi32>
    tpu.vector_store %arg7[%swap3A_90], %swap3A_93 {strides = array<i32>} : memref<432xi32, #tpu.memory_space<vmem>>, vector<16xi32>,
    %get3A_94 = arith.constant 144 : index
    %get3A_95 = tpu.vector_load %arg7[%get3A_94] {strides = array<i32>} : memref<432xi32, #tpu.memory_space<vmem>>, vector<16xi32>,
    %get3A_96 = vector.shape_cast %get3A_95 : vector<16xi32> to vector<16xi32>
    %add3A_97 = arith.addi %get3A_96, %broadcast_in_dim3A : vector<16xi32>
    %swap3A_98 = arith.constant 144 : index
    %swap3A_99 = tpu.vector_load %arg7[%swap3A_98] {strides = array<i32>} : memref<432xi32, #tpu.memory_space<vmem>>, vector<16xi32>,
    %swap3A_100 = vector.shape_cast %swap3A_99 : vector<16xi32> to vector<16xi32>
    %swap3A_101 = vector.shape_cast %add3A_97 : vector<16xi32> to vector<16xi32>
    tpu.vector_store %arg7[%swap3A_98], %swap3A_101 {strides = array<i32>} : memref<432xi32, #tpu.memory_space<vmem>>, vector<16xi32>,
    %get3A_102 = arith.constant 160 : index
    %get3A_103 = tpu.vector_load %arg7[%get3A_102] {strides = array<i32>} : memref<432xi32, #tpu.memory_space<vmem>>, vector<16xi32>,
    %get3A_104 = vector.shape_cast %get3A_103 : vector<16xi32> to vector<16xi32>
    %add3A_105 = arith.addi %get3A_104, %broadcast_in_dim3A : vector<16xi32>
    %swap3A_106 = arith.constant 160 : index
    %swap3A_107 = tpu.vector_load %arg7[%swap3A_106] {strides = array<i32>} : memref<432xi32, #tpu.memory_space<vmem>>, vector<16xi32>,
    %swap3A_108 = vector.shape_cast %swap3A_107 : vector<16xi32> to vector<16xi32>
    %swap3A_109 = vector.shape_cast %add3A_105 : vector<16xi32> to vector<16xi32>
    tpu.vector_store %arg7[%swap3A_106], %swap3A_109 {strides = array<i32>} : memref<432xi32, #tpu.memory_space<vmem>>, vector<16xi32>,
    %get3A_110 = arith.constant 176 : index
    %get3A_111 = tpu.vector_load %arg7[%get3A_110] {strides = array<i32>} : memref<432xi32, #tpu.memory_space<vmem>>, vector<16xi32>,
    %get3A_112 = vector.shape_cast %get3A_111 : vector<16xi32> to vector<16xi32>
    %add3A_113 = arith.addi %get3A_112, %broadcast_in_dim3A : vector<16xi32>
    %swap3A_114 = arith.constant 176 : index
    %swap3A_115 = tpu.vector_load %arg7[%swap3A_114] {strides = array<i32>} : memref<432xi32, #tpu.memory_space<vmem>>, vector<16xi32>,
    %swap3A_116 = vector.shape_cast %swap3A_115 : vector<16xi32> to vector<16xi32>
    %swap3A_117 = vector.shape_cast %add3A_113 : vector<16xi32> to vector<16xi32>
    tpu.vector_store %arg7[%swap3A_114], %swap3A_117 {strides = array<i32>} : memref<432xi32, #tpu.memory_space<vmem>>, vector<16xi32>,
    %get3A_118 = arith.constant 192 : index
    %get3A_119 = tpu.vector_load %arg7[%get3A_118] {strides = array<i32>} : memref<432xi32, #tpu.memory_space<vmem>>, vector<16xi32>,
    %get3A_120 = vector.shape_cast %get3A_119 : vector<16xi32> to vector<16xi32>
    %add3A_121 = arith.addi %get3A_120, %broadcast_in_dim3A : vector<16xi32>
    %swap3A_122 = arith.constant 192 : index
    %swap3A_123 = tpu.vector_load %arg7[%swap3A_122] {strides = array<i32>} : memref<432xi32, #tpu.memory_space<vmem>>, vector<16xi32>,
    %swap3A_124 = vector.shape_cast %swap3A_123 : vector<16xi32> to vector<16xi32>
    %swap3A_125 = vector.shape_cast %add3A_121 : vector<16xi32> to vector<16xi32>
    tpu.vector_store %arg7[%swap3A_122], %swap3A_125 {strides = array<i32>} : memref<432xi32, #tpu.memory_space<vmem>>, vector<16xi32>,
    %get3A_126 = arith.constant 208 : index
    %get3A_127 = tpu.vector_load %arg7[%get3A_126] {strides = array<i32>} : memref<432xi32, #tpu.memory_space<vmem>>, vector<16xi32>,
    %get3A_128 = vector.shape_cast %get3A_127 : vector<16xi32> to vector<16xi32>
    %add3A_129 = arith.addi %get3A_128, %broadcast_in_dim3A : vector<16xi32>
    %swap3A_130 = arith.constant 208 : index
    %swap3A_131 = tpu.vector_load %arg7[%swap3A_130] {strides = array<i32>} : memref<432xi32, #tpu.memory_space<vmem>>, vector<16xi32>,
    %swap3A_132 = vector.shape_cast %swap3A_131 : vector<16xi32> to vector<16xi32>
    %swap3A_133 = vector.shape_cast %add3A_129 : vector<16xi32> to vector<16xi32>
    tpu.vector_store %arg7[%swap3A_130], %swap3A_133 {strides = array<i32>} : memref<432xi32, #tpu.memory_space<vmem>>, vector<16xi32>,
    %get3A_134 = arith.constant 224 : index
    %get3A_135 = tpu.vector_load %arg7[%get3A_134] {strides = array<i32>} : memref<432xi32, #tpu.memory_space<vmem>>, vector<16xi32>,
    %get3A_136 = vector.shape_cast %get3A_135 : vector<16xi32> to vector<16xi32>
    %add3A_137 = arith.addi %get3A_136, %broadcast_in_dim3A : vector<16xi32>
    %swap3A_138 = arith.constant 224 : index
    %swap3A_139 = tpu.vector_load %arg7[%swap3A_138] {strides = array<i32>} : memref<432xi32, #tpu.memory_space<vmem>>, vector<16xi32>,
    %swap3A_140 = vector.shape_cast %swap3A_139 : vector<16xi32> to vector<16xi32>
    %swap3A_141 = vector.shape_cast %add3A_137 : vector<16xi32> to vector<16xi32>
    tpu.vector_store %arg7[%swap3A_138], %swap3A_141 {strides = array<i32>} : memref<432xi32, #tpu.memory_space<vmem>>, vector<16xi32>,
    %get3A_142 = arith.constant 240 : index
    %get3A_143 = tpu.vector_load %arg7[%get3A_142] {strides = array<i32>} : memref<432xi32, #tpu.memory_space<vmem>>, vector<16xi32>,
    %get3A_144 = vector.shape_cast %get3A_143 : vector<16xi32> to vector<16xi32>
    %add3A_145 = arith.addi %get3A_144, %broadcast_in_dim3A : vector<16xi32>
    %swap3A_146 = arith.constant 240 : index
    %swap3A_147 = tpu.vector_load %arg7[%swap3A_146] {strides = array<i32>} : memref<432xi32, #tpu.memory_space<vmem>>, vector<16xi32>,
    %swap3A_148 = vector.shape_cast %swap3A_147 : vector<16xi32> to vector<16xi32>
    %swap3A_149 = vector.shape_cast %add3A_145 : vector<16xi32> to vector<16xi32>
    tpu.vector_store %arg7[%swap3A_146], %swap3A_149 {strides = array<i32>} : memref<432xi32, #tpu.memory_space<vmem>>, vector<16xi32>,
    %get3A_150 = arith.constant 256 : index
    %get3A_151 = tpu.vector_load %arg7[%get3A_150] {strides = array<i32>} : memref<432xi32, #tpu.memory_space<vmem>>, vector<16xi32>,
    %get3A_152 = vector.shape_cast %get3A_151 : vector<16xi32> to vector<16xi32>
    %add3A_153 = arith.addi %get3A_152, %broadcast_in_dim3A : vector<16xi32>
    %swap3A_154 = arith.constant 256 : index
    %swap3A_155 = tpu.vector_load %arg7[%swap3A_154] {strides = array<i32>} : memref<432xi32, #tpu.memory_space<vmem>>, vector<16xi32>,
    %swap3A_156 = vector.shape_cast %swap3A_155 : vector<16xi32> to vector<16xi32>
    %swap3A_157 = vector.shape_cast %add3A_153 : vector<16xi32> to vector<16xi32>
    tpu.vector_store %arg7[%swap3A_154], %swap3A_157 {strides = array<i32>} : memref<432xi32, #tpu.memory_space<vmem>>, vector<16xi32>,
    %get3A_158 = arith.constant 272 : index
    %get3A_159 = tpu.vector_load %arg7[%get3A_158] {strides = array<i32>} : memref<432xi32, #tpu.memory_space<vmem>>, vector<16xi32>,
    %get3A_160 = vector.shape_cast %get3A_159 : vector<16xi32> to vector<16xi32>
    %add3A_161 = arith.addi %get3A_160, %broadcast_in_dim3A : vector<16xi32>
    %swap3A_162 = arith.constant 272 : index
    %swap3A_163 = tpu.vector_load %arg7[%swap3A_162] {strides = array<i32>} : memref<432xi32, #tpu.memory_space<vmem>>, vector<16xi32>,
    %swap3A_164 = vector.shape_cast %swap3A_163 : vector<16xi32> to vector<16xi32>
    %swap3A_165 = vector.shape_cast %add3A_161 : vector<16xi32> to vector<16xi32>
    tpu.vector_store %arg7[%swap3A_162], %swap3A_165 {strides = array<i32>} : memref<432xi32, #tpu.memory_space<vmem>>, vector<16xi32>,
    %get3A_166 = arith.constant 288 : index
    %get3A_167 = tpu.vector_load %arg7[%get3A_166] {strides = array<i32>} : memref<432xi32, #tpu.memory_space<vmem>>, vector<16xi32>,
    %get3A_168 = vector.shape_cast %get3A_167 : vector<16xi32> to vector<16xi32>
    %add3A_169 = arith.addi %get3A_168, %broadcast_in_dim3A : vector<16xi32>
    %swap3A_170 = arith.constant 288 : index
    %swap3A_171 = tpu.vector_load %arg7[%swap3A_170] {strides = array<i32>} : memref<432xi32, #tpu.memory_space<vmem>>, vector<16xi32>,
    %swap3A_172 = vector.shape_cast %swap3A_171 : vector<16xi32> to vector<16xi32>
    %swap3A_173 = vector.shape_cast %add3A_169 : vector<16xi32> to vector<16xi32>
    tpu.vector_store %arg7[%swap3A_170], %swap3A_173 {strides = array<i32>} : memref<432xi32, #tpu.memory_space<vmem>>, vector<16xi32>,
    %get3A_174 = arith.constant 304 : index
    %get3A_175 = tpu.vector_load %arg7[%get3A_174] {strides = array<i32>} : memref<432xi32, #tpu.memory_space<vmem>>, vector<16xi32>,
    %get3A_176 = vector.shape_cast %get3A_175 : vector<16xi32> to vector<16xi32>
    %add3A_177 = arith.addi %get3A_176, %broadcast_in_dim3A : vector<16xi32>
    %swap3A_178 = arith.constant 304 : index
    %swap3A_179 = tpu.vector_load %arg7[%swap3A_178] {strides = array<i32>} : memref<432xi32, #tpu.memory_space<vmem>>, vector<16xi32>,
    %swap3A_180 = vector.shape_cast %swap3A_179 : vector<16xi32> to vector<16xi32>
    %swap3A_181 = vector.shape_cast %add3A_177 : vector<16xi32> to vector<16xi32>
    tpu.vector_store %arg7[%swap3A_178], %swap3A_181 {strides = array<i32>} : memref<432xi32, #tpu.memory_space<vmem>>, vector<16xi32>,
    %get3A_182 = arith.constant 320 : index
    %get3A_183 = tpu.vector_load %arg7[%get3A_182] {strides = array<i32>} : memref<432xi32, #tpu.memory_space<vmem>>, vector<16xi32>,
    %get3A_184 = vector.shape_cast %get3A_183 : vector<16xi32> to vector<16xi32>
    %add3A_185 = arith.addi %get3A_184, %broadcast_in_dim3A : vector<16xi32>
    %swap3A_186 = arith.constant 320 : index
    %swap3A_187 = tpu.vector_load %arg7[%swap3A_186] {strides = array<i32>} : memref<432xi32, #tpu.memory_space<vmem>>, vector<16xi32>,
    %swap3A_188 = vector.shape_cast %swap3A_187 : vector<16xi32> to vector<16xi32>
    %swap3A_189 = vector.shape_cast %add3A_185 : vector<16xi32> to vector<16xi32>
    tpu.vector_store %arg7[%swap3A_186], %swap3A_189 {strides = array<i32>} : memref<432xi32, #tpu.memory_space<vmem>>, vector<16xi32>,
    %get3A_190 = arith.constant 336 : index
    %get3A_191 = tpu.vector_load %arg7[%get3A_190] {strides = array<i32>} : memref<432xi32, #tpu.memory_space<vmem>>, vector<16xi32>,
    %get3A_192 = vector.shape_cast %get3A_191 : vector<16xi32> to vector<16xi32>
    %add3A_193 = arith.addi %get3A_192, %broadcast_in_dim3A : vector<16xi32>
    %swap3A_194 = arith.constant 336 : index
    %swap3A_195 = tpu.vector_load %arg7[%swap3A_194] {strides = array<i32>} : memref<432xi32, #tpu.memory_space<vmem>>, vector<16xi32>,
    %swap3A_196 = vector.shape_cast %swap3A_195 : vector<16xi32> to vector<16xi32>
    %swap3A_197 = vector.shape_cast %add3A_193 : vector<16xi32> to vector<16xi32>
    tpu.vector_store %arg7[%swap3A_194], %swap3A_197 {strides = array<i32>} : memref<432xi32, #tpu.memory_space<vmem>>, vector<16xi32>,
    %get3A_198 = arith.constant 352 : index
    %get3A_199 = tpu.vector_load %arg7[%get3A_198] {strides = array<i32>} : memref<432xi32, #tpu.memory_space<vmem>>, vector<16xi32>,
    %get3A_200 = vector.shape_cast %get3A_199 : vector<16xi32> to vector<16xi32>
    %add3A_201 = arith.addi %get3A_200, %broadcast_in_dim3A : vector<16xi32>
    %swap3A_202 = arith.constant 352 : index
    %swap3A_203 = tpu.vector_load %arg7[%swap3A_202] {strides = array<i32>} : memref<432xi32, #tpu.memory_space<vmem>>, vector<16xi32>,
    %swap3A_204 = vector.shape_cast %swap3A_203 : vector<16xi32> to vector<16xi32>
    %swap3A_205 = vector.shape_cast %add3A_201 : vector<16xi32> to vector<16xi32>
    tpu.vector_store %arg7[%swap3A_202], %swap3A_205 {strides = array<i32>} : memref<432xi32, #tpu.memory_space<vmem>>, vector<16xi32>,
    %get3A_206 = arith.constant 368 : index
    %get3A_207 = tpu.vector_load %arg7[%get3A_206] {strides = array<i32>} : memref<432xi32, #tpu.memory_space<vmem>>, vector<16xi32>,
    %get3A_208 = vector.shape_cast %get3A_207 : vector<16xi32> to vector<16xi32>
    %add3A_209 = arith.addi %get3A_208, %broadcast_in_dim3A : vector<16xi32>
    %swap3A_210 = arith.constant 368 : index
    %swap3A_211 = tpu.vector_load %arg7[%swap3A_210] {strides = array<i32>} : memref<432xi32, #tpu.memory_space<vmem>>, vector<16xi32>,
    %swap3A_212 = vector.shape_cast %swap3A_211 : vector<16xi32> to vector<16xi32>
    %swap3A_213 = vector.shape_cast %add3A_209 : vector<16xi32> to vector<16xi32>
    tpu.vector_store %arg7[%swap3A_210], %swap3A_213 {strides = array<i32>} : memref<432xi32, #tpu.memory_space<vmem>>, vector<16xi32>,
    %get3A_214 = arith.constant 384 : index
    %get3A_215 = tpu.vector_load %arg7[%get3A_214] {strides = array<i32>} : memref<432xi32, #tpu.memory_space<vmem>>, vector<16xi32>,
    %get3A_216 = vector.shape_cast %get3A_215 : vector<16xi32> to vector<16xi32>
    %add3A_217 = arith.addi %get3A_216, %broadcast_in_dim3A : vector<16xi32>
    %swap3A_218 = arith.constant 384 : index
    %swap3A_219 = tpu.vector_load %arg7[%swap3A_218] {strides = array<i32>} : memref<432xi32, #tpu.memory_space<vmem>>, vector<16xi32>,
    %swap3A_220 = vector.shape_cast %swap3A_219 : vector<16xi32> to vector<16xi32>
    %swap3A_221 = vector.shape_cast %add3A_217 : vector<16xi32> to vector<16xi32>
    tpu.vector_store %arg7[%swap3A_218], %swap3A_221 {strides = array<i32>} : memref<432xi32, #tpu.memory_space<vmem>>, vector<16xi32>,
    %get3A_222 = arith.constant 400 : index
    %get3A_223 = tpu.vector_load %arg7[%get3A_222] {strides = array<i32>} : memref<432xi32, #tpu.memory_space<vmem>>, vector<16xi32>,
    %get3A_224 = vector.shape_cast %get3A_223 : vector<16xi32> to vector<16xi32>
    %add3A_225 = arith.addi %get3A_224, %broadcast_in_dim3A : vector<16xi32>
    %swap3A_226 = arith.constant 400 : index
    %swap3A_227 = tpu.vector_load %arg7[%swap3A_226] {strides = array<i32>} : memref<432xi32, #tpu.memory_space<vmem>>, vector<16xi32>,
    %swap3A_228 = vector.shape_cast %swap3A_227 : vector<16xi32> to vector<16xi32>
    %swap3A_229 = vector.shape_cast %add3A_225 : vector<16xi32> to vector<16xi32>
    tpu.vector_store %arg7[%swap3A_226], %swap3A_229 {strides = array<i32>} : memref<432xi32, #tpu.memory_space<vmem>>, vector<16xi32>,
    %get3A_230 = arith.constant 416 : index
    %get3A_231 = tpu.vector_load %arg7[%get3A_230] {strides = array<i32>} : memref<432xi32, #tpu.memory_space<vmem>>, vector<16xi32>,
    %get3A_232 = vector.shape_cast %get3A_231 : vector<16xi32> to vector<16xi32>
    %add3A_233 = arith.addi %get3A_232, %broadcast_in_dim3A : vector<16xi32>
    %swap3A_234 = arith.constant 416 : index
    %swap3A_235 = tpu.vector_load %arg7[%swap3A_234] {strides = array<i32>} : memref<432xi32, #tpu.memory_space<vmem>>, vector<16xi32>,
    %swap3A_236 = vector.shape_cast %swap3A_235 : vector<16xi32> to vector<16xi32>
    %swap3A_237 = vector.shape_cast %add3A_233 : vector<16xi32> to vector<16xi32>
    tpu.vector_store %arg7[%swap3A_234], %swap3A_237 {strides = array<i32>} : memref<432xi32, #tpu.memory_space<vmem>>, vector<16xi32>,
    %dma_start3A_238 = arith.constant 0 : i32
    %dma_start3A_239 = arith.constant 0 : i32
    %dma_start3A_240 = tpu.memref_slice %arg2[%dma_start3A_238, %dma_start3A_239] : memref<100000x32xf32, #tpu.memory_space<hbm>> -> memref<100000x32xf32, #tpu.memory_space<hbm>>
    tpu.enqueue_indirect_dma source(%dma_start3A_240 : memref<100000x32xf32, #tpu.memory_space<hbm>>) target(%arg13 : memref<432x32xf32, #tpu.memory_space<vmem>>) offsets(%arg7 : memref<432xi32, #tpu.memory_space<vmem>>) semaphore(%arg22 : memref<!tpu.dma_semaphore, #tpu.memory_space<semaphore_mem>>)
    %mul3A_241 = arith.constant 3128 : i32
    %mul3A_242 = arith.muli %arg1, %mul3A_241 : i32
    "tpu.region"() ({
      %run_scoped3A = tpu.sem_alloc : memref<!tpu.dma_semaphore, #tpu.memory_space<semaphore_mem>>
      %dma_start3A_261 = arith.constant 0 : i32
      %dma_start3A_262 = tpu.memref_slice %arg15[%mul3A_242, %dma_start3A_261] : memref<50048x32xf32, #tpu.memory_space<vmem_shared>> -> memref<3128x32xf32, #tpu.memory_space<vmem_shared>>
      tpu.enqueue_dma source(%arg5 : memref<3128x32xf32, #tpu.memory_space<hbm>>) target(%dma_start3A_262 : memref<3128x32xf32, #tpu.memory_space<vmem_shared>>) target_semaphore(%run_scoped3A : memref<!tpu.dma_semaphore, #tpu.memory_space<semaphore_mem>>)
      %dma_wait3A_263 = arith.constant 0 : i32
      %dma_wait3A_264 = tpu.memref_slice %arg15[%mul3A_242, %dma_wait3A_263] : memref<50048x32xf32, #tpu.memory_space<vmem_shared>> -> memref<3128x32xf32, #tpu.memory_space<vmem_shared>>
      tpu.wait_dma2 semaphore(%run_scoped3A : memref<!tpu.dma_semaphore, #tpu.memory_space<semaphore_mem>>) src(%arg5 : memref<3128x32xf32, #tpu.memory_space<hbm>>) dst(%dma_wait3A_264 : memref<3128x32xf32, #tpu.memory_space<vmem_shared>>)
      tpu.yield
    }) : () -> ()
    %barrier3A = arith.constant 0 : index
    tpu.barrier barrier_id(%barrier3A)
    %scan3A = arith.constant 0 : i32
    %scan3A_243 = arith.constant 0 : i32
    %scan3A_244 = arith.constant 29 : i32
    %scan3A_245 = arith.addi %scan3A_243, %scan3A_244 : i32
    %scan3A_246 = arith.constant 1 : i32
    scf.for %scan3A_261 = %scan3A_243 to %scan3A_245 step %scan3A_246  : i32 {
      %mul3A_262 = arith.constant 4 : i32
      %mul3A_263 = arith.muli %mul3A_262, %scan3A_261 : i32
      %add3A_264 = arith.constant 0 : i32
      %add3A_265 = arith.addi %mul3A_263, %add3A_264 : i32
      %ge3A = arith.constant 1 : i32
      %ge3A_266 = arith.cmpi sge, %add3A_265, %ge3A : i32
      %convert_element_type3A_267 = arith.extui %ge3A_266 : i1 to i32
      %cond3A_268 = arith.constant 0 : i32
      %cond3A_269 = arith.cmpi ne, %convert_element_type3A_267, %cond3A_268 : i32
      scf.if %cond3A_269 {
        %dma_wait3A_361 = arith.constant 0 : i32
        %dma_wait3A_362 = arith.constant 0 : i32
        %dma_wait3A_363 = tpu.memref_slice %arg15[%dma_wait3A_361, %dma_wait3A_362] : memref<50048x32xf32, #tpu.memory_space<vmem_shared>> -> memref<50048x32xf32, #tpu.memory_space<vmem_shared>>
        tpu.wait_indirect_dma semaphore(%arg25 : memref<!tpu.dma_semaphore, #tpu.memory_space<semaphore_mem>>) src(%arg14 : memref<432x32xf32, #tpu.memory_space<vmem>>) dst(%dma_wait3A_363 : memref<50048x32xf32, #tpu.memory_space<vmem_shared>>)
      } else {
      }
      %lt3A_270 = arith.constant 115 : i32
      %lt3A_271 = arith.cmpi slt, %add3A_265, %lt3A_270 : i32
      %convert_element_type3A_272 = arith.extui %lt3A_271 : i1 to i32
      %cond3A_273 = arith.constant 0 : i32
      %cond3A_274 = arith.cmpi ne, %convert_element_type3A_272, %cond3A_273 : i32
      scf.if %cond3A_274 {
        %dma_wait3A_361 = arith.constant 0 : i32
        %dma_wait3A_362 = tpu.memref_slice %arg3[%dma_wait3A_361] : memref<801792xi32, #tpu.memory_space<hbm>> -> memref<432xi32, #tpu.memory_space<hbm>>
        %dma_wait3A_363 = arith.constant 0 : i32
        %dma_wait3A_364 = tpu.memref_slice %arg3[%dma_wait3A_363] : memref<801792xi32, #tpu.memory_space<hbm>> -> memref<432xi32, #tpu.memory_space<hbm>>
        tpu.wait_dma2 semaphore(%arg17 : memref<!tpu.dma_semaphore, #tpu.memory_space<semaphore_mem>>) src(%dma_wait3A_364 : memref<432xi32, #tpu.memory_space<hbm>>) dst(%arg8 : memref<432xi32, #tpu.memory_space<vmem>>)
        %dma_wait3A_365 = arith.constant 0 : i32
        %dma_wait3A_366 = tpu.memref_slice %arg4[%dma_wait3A_365] : memref<801792xi32, #tpu.memory_space<hbm>> -> memref<432xi32, #tpu.memory_space<hbm>>
        %dma_wait3A_367 = arith.constant 0 : i32
        %dma_wait3A_368 = tpu.memref_slice %arg4[%dma_wait3A_367] : memref<801792xi32, #tpu.memory_space<hbm>> -> memref<432xi32, #tpu.memory_space<hbm>>
        tpu.wait_dma2 semaphore(%arg19 : memref<!tpu.dma_semaphore, #tpu.memory_space<semaphore_mem>>) src(%dma_wait3A_368 : memref<432xi32, #tpu.memory_space<hbm>>) dst(%arg10 : memref<432xi32, #tpu.memory_space<vmem>>)
        %get3A_369 = arith.constant 0 : index
        %get3A_370 = tpu.vector_load %arg8[%get3A_369] {strides = array<i32>} : memref<432xi32, #tpu.memory_space<vmem>>, vector<16xi32>,
        %get3A_371 = vector.shape_cast %get3A_370 : vector<16xi32> to vector<16xi32>
        %add3A_372 = arith.addi %get3A_371, %broadcast_in_dim3A : vector<16xi32>
        %swap3A_373 = arith.constant 0 : index
        %swap3A_374 = tpu.vector_load %arg8[%swap3A_373] {strides = array<i32>} : memref<432xi32, #tpu.memory_space<vmem>>, vector<16xi32>,
        %swap3A_375 = vector.shape_cast %swap3A_374 : vector<16xi32> to vector<16xi32>
        %swap3A_376 = vector.shape_cast %add3A_372 : vector<16xi32> to vector<16xi32>
        tpu.vector_store %arg8[%swap3A_373], %swap3A_376 {strides = array<i32>} : memref<432xi32, #tpu.memory_space<vmem>>, vector<16xi32>,
        %get3A_377 = arith.constant 16 : index
        %get3A_378 = tpu.vector_load %arg8[%get3A_377] {strides = array<i32>} : memref<432xi32, #tpu.memory_space<vmem>>, vector<16xi32>,
        %get3A_379 = vector.shape_cast %get3A_378 : vector<16xi32> to vector<16xi32>
        %add3A_380 = arith.addi %get3A_379, %broadcast_in_dim3A : vector<16xi32>
        %swap3A_381 = arith.constant 16 : index
        %swap3A_382 = tpu.vector_load %arg8[%swap3A_381] {strides = array<i32>} : memref<432xi32, #tpu.memory_space<vmem>>, vector<16xi32>,
        %swap3A_383 = vector.shape_cast %swap3A_382 : vector<16xi32> to vector<16xi32>
        %swap3A_384 = vector.shape_cast %add3A_380 : vector<16xi32> to vector<16xi32>
        tpu.vector_store %arg8[%swap3A_381], %swap3A_384 {strides = array<i32>} : memref<432xi32, #tpu.memory_space<vmem>>, vector<16xi32>,
        %get3A_385 = arith.constant 32 : index
        %get3A_386 = tpu.vector_load %arg8[%get3A_385] {strides = array<i32>} : memref<432xi32, #tpu.memory_space<vmem>>, vector<16xi32>,
        %get3A_387 = vector.shape_cast %get3A_386 : vector<16xi32> to vector<16xi32>
        %add3A_388 = arith.addi %get3A_387, %broadcast_in_dim3A : vector<16xi32>
        %swap3A_389 = arith.constant 32 : index
        %swap3A_390 = tpu.vector_load %arg8[%swap3A_389] {strides = array<i32>} : memref<432xi32, #tpu.memory_space<vmem>>, vector<16xi32>,
        %swap3A_391 = vector.shape_cast %swap3A_390 : vector<16xi32> to vector<16xi32>
        %swap3A_392 = vector.shape_cast %add3A_388 : vector<16xi32> to vector<16xi32>
        tpu.vector_store %arg8[%swap3A_389], %swap3A_392 {strides = array<i32>} : memref<432xi32, #tpu.memory_space<vmem>>, vector<16xi32>,
        %get3A_393 = arith.constant 48 : index
        %get3A_394 = tpu.vector_load %arg8[%get3A_393] {strides = array<i32>} : memref<432xi32, #tpu.memory_space<vmem>>, vector<16xi32>,
        %get3A_395 = vector.shape_cast %get3A_394 : vector<16xi32> to vector<16xi32>
        %add3A_396 = arith.addi %get3A_395, %broadcast_in_dim3A : vector<16xi32>
        %swap3A_397 = arith.constant 48 : index
        %swap3A_398 = tpu.vector_load %arg8[%swap3A_397] {strides = array<i32>} : memref<432xi32, #tpu.memory_space<vmem>>, vector<16xi32>,
        %swap3A_399 = vector.shape_cast %swap3A_398 : vector<16xi32> to vector<16xi32>
        %swap3A_400 = vector.shape_cast %add3A_396 : vector<16xi32> to vector<16xi32>
        tpu.vector_store %arg8[%swap3A_397], %swap3A_400 {strides = array<i32>} : memref<432xi32, #tpu.memory_space<vmem>>, vector<16xi32>,
        %get3A_401 = arith.constant 64 : index
        %get3A_402 = tpu.vector_load %arg8[%get3A_401] {strides = array<i32>} : memref<432xi32, #tpu.memory_space<vmem>>, vector<16xi32>,
        %get3A_403 = vector.shape_cast %get3A_402 : vector<16xi32> to vector<16xi32>
        %add3A_404 = arith.addi %get3A_403, %broadcast_in_dim3A : vector<16xi32>
        %swap3A_405 = arith.constant 64 : index
        %swap3A_406 = tpu.vector_load %arg8[%swap3A_405] {strides = array<i32>} : memref<432xi32, #tpu.memory_space<vmem>>, vector<16xi32>,
        %swap3A_407 = vector.shape_cast %swap3A_406 : vector<16xi32> to vector<16xi32>
        %swap3A_408 = vector.shape_cast %add3A_404 : vector<16xi32> to vector<16xi32>
        tpu.vector_store %arg8[%swap3A_405], %swap3A_408 {strides = array<i32>} : memref<432xi32, #tpu.memory_space<vmem>>, vector<16xi32>,
        %get3A_409 = arith.constant 80 : index
        %get3A_410 = tpu.vector_load %arg8[%get3A_409] {strides = array<i32>} : memref<432xi32, #tpu.memory_space<vmem>>, vector<16xi32>,
        %get3A_411 = vector.shape_cast %get3A_410 : vector<16xi32> to vector<16xi32>
        %add3A_412 = arith.addi %get3A_411, %broadcast_in_dim3A : vector<16xi32>
        %swap3A_413 = arith.constant 80 : index
        %swap3A_414 = tpu.vector_load %arg8[%swap3A_413] {strides = array<i32>} : memref<432xi32, #tpu.memory_space<vmem>>, vector<16xi32>,
        %swap3A_415 = vector.shape_cast %swap3A_414 : vector<16xi32> to vector<16xi32>
        %swap3A_416 = vector.shape_cast %add3A_412 : vector<16xi32> to vector<16xi32>
        tpu.vector_store %arg8[%swap3A_413], %swap3A_416 {strides = array<i32>} : memref<432xi32, #tpu.memory_space<vmem>>, vector<16xi32>,
        %get3A_417 = arith.constant 96 : index
        %get3A_418 = tpu.vector_load %arg8[%get3A_417] {strides = array<i32>} : memref<432xi32, #tpu.memory_space<vmem>>, vector<16xi32>,
        %get3A_419 = vector.shape_cast %get3A_418 : vector<16xi32> to vector<16xi32>
        %add3A_420 = arith.addi %get3A_419, %broadcast_in_dim3A : vector<16xi32>
        %swap3A_421 = arith.constant 96 : index
        %swap3A_422 = tpu.vector_load %arg8[%swap3A_421] {strides = array<i32>} : memref<432xi32, #tpu.memory_space<vmem>>, vector<16xi32>,
        %swap3A_423 = vector.shape_cast %swap3A_422 : vector<16xi32> to vector<16xi32>
        %swap3A_424 = vector.shape_cast %add3A_420 : vector<16xi32> to vector<16xi32>
        tpu.vector_store %arg8[%swap3A_421], %swap3A_424 {strides = array<i32>} : memref<432xi32, #tpu.memory_space<vmem>>, vector<16xi32>,
        %get3A_425 = arith.constant 112 : index
        %get3A_426 = tpu.vector_load %arg8[%get3A_425] {strides = array<i32>} : memref<432xi32, #tpu.memory_space<vmem>>, vector<16xi32>,
        %get3A_427 = vector.shape_cast %get3A_426 : vector<16xi32> to vector<16xi32>
        %add3A_428 = arith.addi %get3A_427, %broadcast_in_dim3A : vector<16xi32>
        %swap3A_429 = arith.constant 112 : index
        %swap3A_430 = tpu.vector_load %arg8[%swap3A_429] {strides = array<i32>} : memref<432xi32, #tpu.memory_space<vmem>>, vector<16xi32>,
        %swap3A_431 = vector.shape_cast %swap3A_430 : vector<16xi32> to vector<16xi32>
        %swap3A_432 = vector.shape_cast %add3A_428 : vector<16xi32> to vector<16xi32>
        tpu.vector_store %arg8[%swap3A_429], %swap3A_432 {strides = array<i32>} : memref<432xi32, #tpu.memory_space<vmem>>, vector<16xi32>,
        %get3A_433 = arith.constant 128 : index
        %get3A_434 = tpu.vector_load %arg8[%get3A_433] {strides = array<i32>} : memref<432xi32, #tpu.memory_space<vmem>>, vector<16xi32>,
        %get3A_435 = vector.shape_cast %get3A_434 : vector<16xi32> to vector<16xi32>
        %add3A_436 = arith.addi %get3A_435, %broadcast_in_dim3A : vector<16xi32>
        %swap3A_437 = arith.constant 128 : index
        %swap3A_438 = tpu.vector_load %arg8[%swap3A_437] {strides = array<i32>} : memref<432xi32, #tpu.memory_space<vmem>>, vector<16xi32>,
        %swap3A_439 = vector.shape_cast %swap3A_438 : vector<16xi32> to vector<16xi32>
        %swap3A_440 = vector.shape_cast %add3A_436 : vector<16xi32> to vector<16xi32>
        tpu.vector_store %arg8[%swap3A_437], %swap3A_440 {strides = array<i32>} : memref<432xi32, #tpu.memory_space<vmem>>, vector<16xi32>,
        %get3A_441 = arith.constant 144 : index
        %get3A_442 = tpu.vector_load %arg8[%get3A_441] {strides = array<i32>} : memref<432xi32, #tpu.memory_space<vmem>>, vector<16xi32>,
        %get3A_443 = vector.shape_cast %get3A_442 : vector<16xi32> to vector<16xi32>
        %add3A_444 = arith.addi %get3A_443, %broadcast_in_dim3A : vector<16xi32>
        %swap3A_445 = arith.constant 144 : index
        %swap3A_446 = tpu.vector_load %arg8[%swap3A_445] {strides = array<i32>} : memref<432xi32, #tpu.memory_space<vmem>>, vector<16xi32>,
        %swap3A_447 = vector.shape_cast %swap3A_446 : vector<16xi32> to vector<16xi32>
        %swap3A_448 = vector.shape_cast %add3A_444 : vector<16xi32> to vector<16xi32>
        tpu.vector_store %arg8[%swap3A_445], %swap3A_448 {strides = array<i32>} : memref<432xi32, #tpu.memory_space<vmem>>, vector<16xi32>,
        %get3A_449 = arith.constant 160 : index
        %get3A_450 = tpu.vector_load %arg8[%get3A_449] {strides = array<i32>} : memref<432xi32, #tpu.memory_space<vmem>>, vector<16xi32>,
        %get3A_451 = vector.shape_cast %get3A_450 : vector<16xi32> to vector<16xi32>
        %add3A_452 = arith.addi %get3A_451, %broadcast_in_dim3A : vector<16xi32>
        %swap3A_453 = arith.constant 160 : index
        %swap3A_454 = tpu.vector_load %arg8[%swap3A_453] {strides = array<i32>} : memref<432xi32, #tpu.memory_space<vmem>>, vector<16xi32>,
        %swap3A_455 = vector.shape_cast %swap3A_454 : vector<16xi32> to vector<16xi32>
        %swap3A_456 = vector.shape_cast %add3A_452 : vector<16xi32> to vector<16xi32>
        tpu.vector_store %arg8[%swap3A_453], %swap3A_456 {strides = array<i32>} : memref<432xi32, #tpu.memory_space<vmem>>, vector<16xi32>,
        %get3A_457 = arith.constant 176 : index
        %get3A_458 = tpu.vector_load %arg8[%get3A_457] {strides = array<i32>} : memref<432xi32, #tpu.memory_space<vmem>>, vector<16xi32>,
        %get3A_459 = vector.shape_cast %get3A_458 : vector<16xi32> to vector<16xi32>
        %add3A_460 = arith.addi %get3A_459, %broadcast_in_dim3A : vector<16xi32>
        %swap3A_461 = arith.constant 176 : index
        %swap3A_462 = tpu.vector_load %arg8[%swap3A_461] {strides = array<i32>} : memref<432xi32, #tpu.memory_space<vmem>>, vector<16xi32>,
        %swap3A_463 = vector.shape_cast %swap3A_462 : vector<16xi32> to vector<16xi32>
        %swap3A_464 = vector.shape_cast %add3A_460 : vector<16xi32> to vector<16xi32>
        tpu.vector_store %arg8[%swap3A_461], %swap3A_464 {strides = array<i32>} : memref<432xi32, #tpu.memory_space<vmem>>, vector<16xi32>,
        %get3A_465 = arith.constant 192 : index
        %get3A_466 = tpu.vector_load %arg8[%get3A_465] {strides = array<i32>} : memref<432xi32, #tpu.memory_space<vmem>>, vector<16xi32>,
        %get3A_467 = vector.shape_cast %get3A_466 : vector<16xi32> to vector<16xi32>
        %add3A_468 = arith.addi %get3A_467, %broadcast_in_dim3A : vector<16xi32>
        %swap3A_469 = arith.constant 192 : index
        %swap3A_470 = tpu.vector_load %arg8[%swap3A_469] {strides = array<i32>} : memref<432xi32, #tpu.memory_space<vmem>>, vector<16xi32>,
        %swap3A_471 = vector.shape_cast %swap3A_470 : vector<16xi32> to vector<16xi32>
        %swap3A_472 = vector.shape_cast %add3A_468 : vector<16xi32> to vector<16xi32>
        tpu.vector_store %arg8[%swap3A_469], %swap3A_472 {strides = array<i32>} : memref<432xi32, #tpu.memory_space<vmem>>, vector<16xi32>,
        %get3A_473 = arith.constant 208 : index
        %get3A_474 = tpu.vector_load %arg8[%get3A_473] {strides = array<i32>} : memref<432xi32, #tpu.memory_space<vmem>>, vector<16xi32>,
        %get3A_475 = vector.shape_cast %get3A_474 : vector<16xi32> to vector<16xi32>
        %add3A_476 = arith.addi %get3A_475, %broadcast_in_dim3A : vector<16xi32>
        %swap3A_477 = arith.constant 208 : index
        %swap3A_478 = tpu.vector_load %arg8[%swap3A_477] {strides = array<i32>} : memref<432xi32, #tpu.memory_space<vmem>>, vector<16xi32>,
        %swap3A_479 = vector.shape_cast %swap3A_478 : vector<16xi32> to vector<16xi32>
        %swap3A_480 = vector.shape_cast %add3A_476 : vector<16xi32> to vector<16xi32>
        tpu.vector_store %arg8[%swap3A_477], %swap3A_480 {strides = array<i32>} : memref<432xi32, #tpu.memory_space<vmem>>, vector<16xi32>,
        %get3A_481 = arith.constant 224 : index
        %get3A_482 = tpu.vector_load %arg8[%get3A_481] {strides = array<i32>} : memref<432xi32, #tpu.memory_space<vmem>>, vector<16xi32>,
        %get3A_483 = vector.shape_cast %get3A_482 : vector<16xi32> to vector<16xi32>
        %add3A_484 = arith.addi %get3A_483, %broadcast_in_dim3A : vector<16xi32>
        %swap3A_485 = arith.constant 224 : index
        %swap3A_486 = tpu.vector_load %arg8[%swap3A_485] {strides = array<i32>} : memref<432xi32, #tpu.memory_space<vmem>>, vector<16xi32>,
        %swap3A_487 = vector.shape_cast %swap3A_486 : vector<16xi32> to vector<16xi32>
        %swap3A_488 = vector.shape_cast %add3A_484 : vector<16xi32> to vector<16xi32>
        tpu.vector_store %arg8[%swap3A_485], %swap3A_488 {strides = array<i32>} : memref<432xi32, #tpu.memory_space<vmem>>, vector<16xi32>,
        %get3A_489 = arith.constant 240 : index
        %get3A_490 = tpu.vector_load %arg8[%get3A_489] {strides = array<i32>} : memref<432xi32, #tpu.memory_space<vmem>>, vector<16xi32>,
        %get3A_491 = vector.shape_cast %get3A_490 : vector<16xi32> to vector<16xi32>
        %add3A_492 = arith.addi %get3A_491, %broadcast_in_dim3A : vector<16xi32>
        %swap3A_493 = arith.constant 240 : index
        %swap3A_494 = tpu.vector_load %arg8[%swap3A_493] {strides = array<i32>} : memref<432xi32, #tpu.memory_space<vmem>>, vector<16xi32>,
        %swap3A_495 = vector.shape_cast %swap3A_494 : vector<16xi32> to vector<16xi32>
        %swap3A_496 = vector.shape_cast %add3A_492 : vector<16xi32> to vector<16xi32>
        tpu.vector_store %arg8[%swap3A_493], %swap3A_496 {strides = array<i32>} : memref<432xi32, #tpu.memory_space<vmem>>, vector<16xi32>,
        %get3A_497 = arith.constant 256 : index
        %get3A_498 = tpu.vector_load %arg8[%get3A_497] {strides = array<i32>} : memref<432xi32, #tpu.memory_space<vmem>>, vector<16xi32>,
        %get3A_499 = vector.shape_cast %get3A_498 : vector<16xi32> to vector<16xi32>
        %add3A_500 = arith.addi %get3A_499, %broadcast_in_dim3A : vector<16xi32>
        %swap3A_501 = arith.constant 256 : index
        %swap3A_502 = tpu.vector_load %arg8[%swap3A_501] {strides = array<i32>} : memref<432xi32, #tpu.memory_space<vmem>>, vector<16xi32>,
        %swap3A_503 = vector.shape_cast %swap3A_502 : vector<16xi32> to vector<16xi32>
        %swap3A_504 = vector.shape_cast %add3A_500 : vector<16xi32> to vector<16xi32>
        tpu.vector_store %arg8[%swap3A_501], %swap3A_504 {strides = array<i32>} : memref<432xi32, #tpu.memory_space<vmem>>, vector<16xi32>,
        %get3A_505 = arith.constant 272 : index
        %get3A_506 = tpu.vector_load %arg8[%get3A_505] {strides = array<i32>} : memref<432xi32, #tpu.memory_space<vmem>>, vector<16xi32>,
        %get3A_507 = vector.shape_cast %get3A_506 : vector<16xi32> to vector<16xi32>
        %add3A_508 = arith.addi %get3A_507, %broadcast_in_dim3A : vector<16xi32>
        %swap3A_509 = arith.constant 272 : index
        %swap3A_510 = tpu.vector_load %arg8[%swap3A_509] {strides = array<i32>} : memref<432xi32, #tpu.memory_space<vmem>>, vector<16xi32>,
        %swap3A_511 = vector.shape_cast %swap3A_510 : vector<16xi32> to vector<16xi32>
        %swap3A_512 = vector.shape_cast %add3A_508 : vector<16xi32> to vector<16xi32>
        tpu.vector_store %arg8[%swap3A_509], %swap3A_512 {strides = array<i32>} : memref<432xi32, #tpu.memory_space<vmem>>, vector<16xi32>,
        %get3A_513 = arith.constant 288 : index
        %get3A_514 = tpu.vector_load %arg8[%get3A_513] {strides = array<i32>} : memref<432xi32, #tpu.memory_space<vmem>>, vector<16xi32>,
        %get3A_515 = vector.shape_cast %get3A_514 : vector<16xi32> to vector<16xi32>
        %add3A_516 = arith.addi %get3A_515, %broadcast_in_dim3A : vector<16xi32>
        %swap3A_517 = arith.constant 288 : index
        %swap3A_518 = tpu.vector_load %arg8[%swap3A_517] {strides = array<i32>} : memref<432xi32, #tpu.memory_space<vmem>>, vector<16xi32>,
        %swap3A_519 = vector.shape_cast %swap3A_518 : vector<16xi32> to vector<16xi32>
        %swap3A_520 = vector.shape_cast %add3A_516 : vector<16xi32> to vector<16xi32>
        tpu.vector_store %arg8[%swap3A_517], %swap3A_520 {strides = array<i32>} : memref<432xi32, #tpu.memory_space<vmem>>, vector<16xi32>,
        %get3A_521 = arith.constant 304 : index
        %get3A_522 = tpu.vector_load %arg8[%get3A_521] {strides = array<i32>} : memref<432xi32, #tpu.memory_space<vmem>>, vector<16xi32>,
        %get3A_523 = vector.shape_cast %get3A_522 : vector<16xi32> to vector<16xi32>
        %add3A_524 = arith.addi %get3A_523, %broadcast_in_dim3A : vector<16xi32>
        %swap3A_525 = arith.constant 304 : index
        %swap3A_526 = tpu.vector_load %arg8[%swap3A_525] {strides = array<i32>} : memref<432xi32, #tpu.memory_space<vmem>>, vector<16xi32>,
        %swap3A_527 = vector.shape_cast %swap3A_526 : vector<16xi32> to vector<16xi32>
        %swap3A_528 = vector.shape_cast %add3A_524 : vector<16xi32> to vector<16xi32>
        tpu.vector_store %arg8[%swap3A_525], %swap3A_528 {strides = array<i32>} : memref<432xi32, #tpu.memory_space<vmem>>, vector<16xi32>,
        %get3A_529 = arith.constant 320 : index
        %get3A_530 = tpu.vector_load %arg8[%get3A_529] {strides = array<i32>} : memref<432xi32, #tpu.memory_space<vmem>>, vector<16xi32>,
        %get3A_531 = vector.shape_cast %get3A_530 : vector<16xi32> to vector<16xi32>
        %add3A_532 = arith.addi %get3A_531, %broadcast_in_dim3A : vector<16xi32>
        %swap3A_533 = arith.constant 320 : index
        %swap3A_534 = tpu.vector_load %arg8[%swap3A_533] {strides = array<i32>} : memref<432xi32, #tpu.memory_space<vmem>>, vector<16xi32>,
        %swap3A_535 = vector.shape_cast %swap3A_534 : vector<16xi32> to vector<16xi32>
        %swap3A_536 = vector.shape_cast %add3A_532 : vector<16xi32> to vector<16xi32>
        tpu.vector_store %arg8[%swap3A_533], %swap3A_536 {strides = array<i32>} : memref<432xi32, #tpu.memory_space<vmem>>, vector<16xi32>,
        %get3A_537 = arith.constant 336 : index
        %get3A_538 = tpu.vector_load %arg8[%get3A_537] {strides = array<i32>} : memref<432xi32, #tpu.memory_space<vmem>>, vector<16xi32>,
        %get3A_539 = vector.shape_cast %get3A_538 : vector<16xi32> to vector<16xi32>
        %add3A_540 = arith.addi %get3A_539, %broadcast_in_dim3A : vector<16xi32>
        %swap3A_541 = arith.constant 336 : index
        %swap3A_542 = tpu.vector_load %arg8[%swap3A_541] {strides = array<i32>} : memref<432xi32, #tpu.memory_space<vmem>>, vector<16xi32>,
        %swap3A_543 = vector.shape_cast %swap3A_542 : vector<16xi32> to vector<16xi32>
        %swap3A_544 = vector.shape_cast %add3A_540 : vector<16xi32> to vector<16xi32>
        tpu.vector_store %arg8[%swap3A_541], %swap3A_544 {strides = array<i32>} : memref<432xi32, #tpu.memory_space<vmem>>, vector<16xi32>,
        %get3A_545 = arith.constant 352 : index
        %get3A_546 = tpu.vector_load %arg8[%get3A_545] {strides = array<i32>} : memref<432xi32, #tpu.memory_space<vmem>>, vector<16xi32>,
        %get3A_547 = vector.shape_cast %get3A_546 : vector<16xi32> to vector<16xi32>
        %add3A_548 = arith.addi %get3A_547, %broadcast_in_dim3A : vector<16xi32>
        %swap3A_549 = arith.constant 352 : index
        %swap3A_550 = tpu.vector_load %arg8[%swap3A_549] {strides = array<i32>} : memref<432xi32, #tpu.memory_space<vmem>>, vector<16xi32>,
        %swap3A_551 = vector.shape_cast %swap3A_550 : vector<16xi32> to vector<16xi32>
        %swap3A_552 = vector.shape_cast %add3A_548 : vector<16xi32> to vector<16xi32>
        tpu.vector_store %arg8[%swap3A_549], %swap3A_552 {strides = array<i32>} : memref<432xi32, #tpu.memory_space<vmem>>, vector<16xi32>,
        %get3A_553 = arith.constant 368 : index
        %get3A_554 = tpu.vector_load %arg8[%get3A_553] {strides = array<i32>} : memref<432xi32, #tpu.memory_space<vmem>>, vector<16xi32>,
        %get3A_555 = vector.shape_cast %get3A_554 : vector<16xi32> to vector<16xi32>
        %add3A_556 = arith.addi %get3A_555, %broadcast_in_dim3A : vector<16xi32>
        %swap3A_557 = arith.constant 368 : index
        %swap3A_558 = tpu.vector_load %arg8[%swap3A_557] {strides = array<i32>} : memref<432xi32, #tpu.memory_space<vmem>>, vector<16xi32>,
        %swap3A_559 = vector.shape_cast %swap3A_558 : vector<16xi32> to vector<16xi32>
        %swap3A_560 = vector.shape_cast %add3A_556 : vector<16xi32> to vector<16xi32>
        tpu.vector_store %arg8[%swap3A_557], %swap3A_560 {strides = array<i32>} : memref<432xi32, #tpu.memory_space<vmem>>, vector<16xi32>,
        %get3A_561 = arith.constant 384 : index
        %get3A_562 = tpu.vector_load %arg8[%get3A_561] {strides = array<i32>} : memref<432xi32, #tpu.memory_space<vmem>>, vector<16xi32>,
        %get3A_563 = vector.shape_cast %get3A_562 : vector<16xi32> to vector<16xi32>
        %add3A_564 = arith.addi %get3A_563, %broadcast_in_dim3A : vector<16xi32>
        %swap3A_565 = arith.constant 384 : index
        %swap3A_566 = tpu.vector_load %arg8[%swap3A_565] {strides = array<i32>} : memref<432xi32, #tpu.memory_space<vmem>>, vector<16xi32>,
        %swap3A_567 = vector.shape_cast %swap3A_566 : vector<16xi32> to vector<16xi32>
        %swap3A_568 = vector.shape_cast %add3A_564 : vector<16xi32> to vector<16xi32>
        tpu.vector_store %arg8[%swap3A_565], %swap3A_568 {strides = array<i32>} : memref<432xi32, #tpu.memory_space<vmem>>, vector<16xi32>,
        %get3A_569 = arith.constant 400 : index
        %get3A_570 = tpu.vector_load %arg8[%get3A_569] {strides = array<i32>} : memref<432xi32, #tpu.memory_space<vmem>>, vector<16xi32>,
        %get3A_571 = vector.shape_cast %get3A_570 : vector<16xi32> to vector<16xi32>
        %add3A_572 = arith.addi %get3A_571, %broadcast_in_dim3A : vector<16xi32>
        %swap3A_573 = arith.constant 400 : index
        %swap3A_574 = tpu.vector_load %arg8[%swap3A_573] {strides = array<i32>} : memref<432xi32, #tpu.memory_space<vmem>>, vector<16xi32>,
        %swap3A_575 = vector.shape_cast %swap3A_574 : vector<16xi32> to vector<16xi32>
        %swap3A_576 = vector.shape_cast %add3A_572 : vector<16xi32> to vector<16xi32>
        tpu.vector_store %arg8[%swap3A_573], %swap3A_576 {strides = array<i32>} : memref<432xi32, #tpu.memory_space<vmem>>, vector<16xi32>,
        %get3A_577 = arith.constant 416 : index
        %get3A_578 = tpu.vector_load %arg8[%get3A_577] {strides = array<i32>} : memref<432xi32, #tpu.memory_space<vmem>>, vector<16xi32>,
        %get3A_579 = vector.shape_cast %get3A_578 : vector<16xi32> to vector<16xi32>
        %add3A_580 = arith.addi %get3A_579, %broadcast_in_dim3A : vector<16xi32>
        %swap3A_581 = arith.constant 416 : index
        %swap3A_582 = tpu.vector_load %arg8[%swap3A_581] {strides = array<i32>} : memref<432xi32, #tpu.memory_space<vmem>>, vector<16xi32>,
        %swap3A_583 = vector.shape_cast %swap3A_582 : vector<16xi32> to vector<16xi32>
        %swap3A_584 = vector.shape_cast %add3A_580 : vector<16xi32> to vector<16xi32>
        tpu.vector_store %arg8[%swap3A_581], %swap3A_584 {strides = array<i32>} : memref<432xi32, #tpu.memory_space<vmem>>, vector<16xi32>,
        %dma_start3A_585 = arith.constant 0 : i32
        %dma_start3A_586 = arith.constant 0 : i32
        %dma_start3A_587 = tpu.memref_slice %arg2[%dma_start3A_585, %dma_start3A_586] : memref<100000x32xf32, #tpu.memory_space<hbm>> -> memref<100000x32xf32, #tpu.memory_space<hbm>>
        tpu.enqueue_indirect_dma source(%dma_start3A_587 : memref<100000x32xf32, #tpu.memory_space<hbm>>) target(%arg14 : memref<432x32xf32, #tpu.memory_space<vmem>>) offsets(%arg8 : memref<432xi32, #tpu.memory_space<vmem>>) semaphore(%arg23 : memref<!tpu.dma_semaphore, #tpu.memory_space<semaphore_mem>>)
      } else {
      }
      %dma_wait3A_275 = arith.constant 0 : i32
      %dma_wait3A_276 = arith.constant 0 : i32
      %dma_wait3A_277 = tpu.memref_slice %arg2[%dma_wait3A_275, %dma_wait3A_276] : memref<100000x32xf32, #tpu.memory_space<hbm>> -> memref<100000x32xf32, #tpu.memory_space<hbm>>
      tpu.wait_indirect_dma semaphore(%arg22 : memref<!tpu.dma_semaphore, #tpu.memory_space<semaphore_mem>>) src(%dma_wait3A_277 : memref<100000x32xf32, #tpu.memory_space<hbm>>) dst(%arg13 : memref<432x32xf32, #tpu.memory_space<vmem>>)
      %dma_start3A_278 = arith.constant 0 : i32
      %dma_start3A_279 = arith.constant 0 : i32
      %dma_start3A_280 = tpu.memref_slice %arg15[%dma_start3A_278, %dma_start3A_279] : memref<50048x32xf32, #tpu.memory_space<vmem_shared>> -> memref<50048x32xf32, #tpu.memory_space<vmem_shared>>
      tpu.enqueue_indirect_dma source(%arg13 : memref<432x32xf32, #tpu.memory_space<vmem>>) target(%dma_start3A_280 : memref<50048x32xf32, #tpu.memory_space<vmem_shared>>) offsets(%arg9 : memref<432xi32, #tpu.memory_space<vmem>>) semaphore(%arg24 : memref<!tpu.dma_semaphore, #tpu.memory_space<semaphore_mem>>) {add = true}
      %lt3A_281 = arith.constant 114 : i32
      %lt3A_282 = arith.cmpi slt, %add3A_265, %lt3A_281 : i32
      %convert_element_type3A_283 = arith.extui %lt3A_282 : i1 to i32
      %cond3A_284 = arith.constant 0 : i32
      %cond3A_285 = arith.cmpi ne, %convert_element_type3A_283, %cond3A_284 : i32
      scf.if %cond3A_285 {
        %add3A_361 = arith.constant 2 : i32
        %add3A_362 = arith.addi %add3A_265, %add3A_361 : i32
        %mul3A_363 = arith.constant 432 : i32
        %mul3A_364 = arith.muli %add3A_362, %mul3A_363 : i32
        %add3A_365 = arith.addi %mul3A_0, %mul3A_364 : i32
        %dma_start3A_366 = tpu.memref_slice %arg3[%add3A_365] : memref<801792xi32, #tpu.memory_space<hbm>> -> memref<432xi32, #tpu.memory_space<hbm>>
        %dma_start3A_367 = tpu.memref_slice %arg3[%add3A_365] : memref<801792xi32, #tpu.memory_space<hbm>> -> memref<432xi32, #tpu.memory_space<hbm>>
        tpu.enqueue_dma source(%dma_start3A_367 : memref<432xi32, #tpu.memory_space<hbm>>) target(%arg7 : memref<432xi32, #tpu.memory_space<vmem>>) target_semaphore(%arg16 : memref<!tpu.dma_semaphore, #tpu.memory_space<semaphore_mem>>)
        %mul3A_368 = arith.constant 432 : i32
        %mul3A_369 = arith.muli %add3A_362, %mul3A_368 : i32
        %add3A_370 = arith.addi %mul3A_0, %mul3A_369 : i32
        %dma_start3A_371 = tpu.memref_slice %arg4[%add3A_370] : memref<801792xi32, #tpu.memory_space<hbm>> -> memref<432xi32, #tpu.memory_space<hbm>>
        %dma_start3A_372 = tpu.memref_slice %arg4[%add3A_370] : memref<801792xi32, #tpu.memory_space<hbm>> -> memref<432xi32, #tpu.memory_space<hbm>>
        tpu.enqueue_dma source(%dma_start3A_372 : memref<432xi32, #tpu.memory_space<hbm>>) target(%arg11 : memref<432xi32, #tpu.memory_space<vmem>>) target_semaphore(%arg20 : memref<!tpu.dma_semaphore, #tpu.memory_space<semaphore_mem>>)
      } else {
      }
      %mul3A_286 = arith.constant 4 : i32
      %mul3A_287 = arith.muli %mul3A_286, %scan3A_261 : i32
      %add3A_288 = arith.constant 1 : i32
      %add3A_289 = arith.addi %mul3A_287, %add3A_288 : i32
      %ge3A_290 = arith.constant 1 : i32
      %ge3A_291 = arith.cmpi sge, %add3A_289, %ge3A_290 : i32
      %convert_element_type3A_292 = arith.extui %ge3A_291 : i1 to i32
      %cond3A_293 = arith.constant 0 : i32
      %cond3A_294 = arith.cmpi ne, %convert_element_type3A_292, %cond3A_293 : i32
      scf.if %cond3A_294 {
        %dma_wait3A_361 = arith.constant 0 : i32
        %dma_wait3A_362 = arith.constant 0 : i32
        %dma_wait3A_363 = tpu.memref_slice %arg15[%dma_wait3A_361, %dma_wait3A_362] : memref<50048x32xf32, #tpu.memory_space<vmem_shared>> -> memref<50048x32xf32, #tpu.memory_space<vmem_shared>>
        tpu.wait_indirect_dma semaphore(%arg24 : memref<!tpu.dma_semaphore, #tpu.memory_space<semaphore_mem>>) src(%arg13 : memref<432x32xf32, #tpu.memory_space<vmem>>) dst(%dma_wait3A_363 : memref<50048x32xf32, #tpu.memory_space<vmem_shared>>)
      } else {
      }
      %lt3A_295 = arith.constant 115 : i32
      %lt3A_296 = arith.cmpi slt, %add3A_289, %lt3A_295 : i32
      %convert_element_type3A_297 = arith.extui %lt3A_296 : i1 to i32
      %cond3A_298 = arith.constant 0 : i32
      %cond3A_299 = arith.cmpi ne, %convert_element_type3A_297, %cond3A_298 : i32
      scf.if %cond3A_299 {
        %dma_wait3A_361 = arith.constant 0 : i32
        %dma_wait3A_362 = tpu.memref_slice %arg3[%dma_wait3A_361] : memref<801792xi32, #tpu.memory_space<hbm>> -> memref<432xi32, #tpu.memory_space<hbm>>
        %dma_wait3A_363 = arith.constant 0 : i32
        %dma_wait3A_364 = tpu.memref_slice %arg3[%dma_wait3A_363] : memref<801792xi32, #tpu.memory_space<hbm>> -> memref<432xi32, #tpu.memory_space<hbm>>
        tpu.wait_dma2 semaphore(%arg16 : memref<!tpu.dma_semaphore, #tpu.memory_space<semaphore_mem>>) src(%dma_wait3A_364 : memref<432xi32, #tpu.memory_space<hbm>>) dst(%arg7 : memref<432xi32, #tpu.memory_space<vmem>>)
        %dma_wait3A_365 = arith.constant 0 : i32
        %dma_wait3A_366 = tpu.memref_slice %arg4[%dma_wait3A_365] : memref<801792xi32, #tpu.memory_space<hbm>> -> memref<432xi32, #tpu.memory_space<hbm>>
        %dma_wait3A_367 = arith.constant 0 : i32
        %dma_wait3A_368 = tpu.memref_slice %arg4[%dma_wait3A_367] : memref<801792xi32, #tpu.memory_space<hbm>> -> memref<432xi32, #tpu.memory_space<hbm>>
        tpu.wait_dma2 semaphore(%arg20 : memref<!tpu.dma_semaphore, #tpu.memory_space<semaphore_mem>>) src(%dma_wait3A_368 : memref<432xi32, #tpu.memory_space<hbm>>) dst(%arg11 : memref<432xi32, #tpu.memory_space<vmem>>)
        %get3A_369 = arith.constant 0 : index
        %get3A_370 = tpu.vector_load %arg7[%get3A_369] {strides = array<i32>} : memref<432xi32, #tpu.memory_space<vmem>>, vector<16xi32>,
        %get3A_371 = vector.shape_cast %get3A_370 : vector<16xi32> to vector<16xi32>
        %add3A_372 = arith.addi %get3A_371, %broadcast_in_dim3A : vector<16xi32>
        %swap3A_373 = arith.constant 0 : index
        %swap3A_374 = tpu.vector_load %arg7[%swap3A_373] {strides = array<i32>} : memref<432xi32, #tpu.memory_space<vmem>>, vector<16xi32>,
        %swap3A_375 = vector.shape_cast %swap3A_374 : vector<16xi32> to vector<16xi32>
        %swap3A_376 = vector.shape_cast %add3A_372 : vector<16xi32> to vector<16xi32>
        tpu.vector_store %arg7[%swap3A_373], %swap3A_376 {strides = array<i32>} : memref<432xi32, #tpu.memory_space<vmem>>, vector<16xi32>,
        %get3A_377 = arith.constant 16 : index
        %get3A_378 = tpu.vector_load %arg7[%get3A_377] {strides = array<i32>} : memref<432xi32, #tpu.memory_space<vmem>>, vector<16xi32>,
        %get3A_379 = vector.shape_cast %get3A_378 : vector<16xi32> to vector<16xi32>
        %add3A_380 = arith.addi %get3A_379, %broadcast_in_dim3A : vector<16xi32>
        %swap3A_381 = arith.constant 16 : index
        %swap3A_382 = tpu.vector_load %arg7[%swap3A_381] {strides = array<i32>} : memref<432xi32, #tpu.memory_space<vmem>>, vector<16xi32>,
        %swap3A_383 = vector.shape_cast %swap3A_382 : vector<16xi32> to vector<16xi32>
        %swap3A_384 = vector.shape_cast %add3A_380 : vector<16xi32> to vector<16xi32>
        tpu.vector_store %arg7[%swap3A_381], %swap3A_384 {strides = array<i32>} : memref<432xi32, #tpu.memory_space<vmem>>, vector<16xi32>,
        %get3A_385 = arith.constant 32 : index
        %get3A_386 = tpu.vector_load %arg7[%get3A_385] {strides = array<i32>} : memref<432xi32, #tpu.memory_space<vmem>>, vector<16xi32>,
        %get3A_387 = vector.shape_cast %get3A_386 : vector<16xi32> to vector<16xi32>
        %add3A_388 = arith.addi %get3A_387, %broadcast_in_dim3A : vector<16xi32>
        %swap3A_389 = arith.constant 32 : index
        %swap3A_390 = tpu.vector_load %arg7[%swap3A_389] {strides = array<i32>} : memref<432xi32, #tpu.memory_space<vmem>>, vector<16xi32>,
        %swap3A_391 = vector.shape_cast %swap3A_390 : vector<16xi32> to vector<16xi32>
        %swap3A_392 = vector.shape_cast %add3A_388 : vector<16xi32> to vector<16xi32>
        tpu.vector_store %arg7[%swap3A_389], %swap3A_392 {strides = array<i32>} : memref<432xi32, #tpu.memory_space<vmem>>, vector<16xi32>,
        %get3A_393 = arith.constant 48 : index
        %get3A_394 = tpu.vector_load %arg7[%get3A_393] {strides = array<i32>} : memref<432xi32, #tpu.memory_space<vmem>>, vector<16xi32>,
        %get3A_395 = vector.shape_cast %get3A_394 : vector<16xi32> to vector<16xi32>
        %add3A_396 = arith.addi %get3A_395, %broadcast_in_dim3A : vector<16xi32>
        %swap3A_397 = arith.constant 48 : index
        %swap3A_398 = tpu.vector_load %arg7[%swap3A_397] {strides = array<i32>} : memref<432xi32, #tpu.memory_space<vmem>>, vector<16xi32>,
        %swap3A_399 = vector.shape_cast %swap3A_398 : vector<16xi32> to vector<16xi32>
        %swap3A_400 = vector.shape_cast %add3A_396 : vector<16xi32> to vector<16xi32>
        tpu.vector_store %arg7[%swap3A_397], %swap3A_400 {strides = array<i32>} : memref<432xi32, #tpu.memory_space<vmem>>, vector<16xi32>,
        %get3A_401 = arith.constant 64 : index
        %get3A_402 = tpu.vector_load %arg7[%get3A_401] {strides = array<i32>} : memref<432xi32, #tpu.memory_space<vmem>>, vector<16xi32>,
        %get3A_403 = vector.shape_cast %get3A_402 : vector<16xi32> to vector<16xi32>
        %add3A_404 = arith.addi %get3A_403, %broadcast_in_dim3A : vector<16xi32>
        %swap3A_405 = arith.constant 64 : index
        %swap3A_406 = tpu.vector_load %arg7[%swap3A_405] {strides = array<i32>} : memref<432xi32, #tpu.memory_space<vmem>>, vector<16xi32>,
        %swap3A_407 = vector.shape_cast %swap3A_406 : vector<16xi32> to vector<16xi32>
        %swap3A_408 = vector.shape_cast %add3A_404 : vector<16xi32> to vector<16xi32>
        tpu.vector_store %arg7[%swap3A_405], %swap3A_408 {strides = array<i32>} : memref<432xi32, #tpu.memory_space<vmem>>, vector<16xi32>,
        %get3A_409 = arith.constant 80 : index
        %get3A_410 = tpu.vector_load %arg7[%get3A_409] {strides = array<i32>} : memref<432xi32, #tpu.memory_space<vmem>>, vector<16xi32>,
        %get3A_411 = vector.shape_cast %get3A_410 : vector<16xi32> to vector<16xi32>
        %add3A_412 = arith.addi %get3A_411, %broadcast_in_dim3A : vector<16xi32>
        %swap3A_413 = arith.constant 80 : index
        %swap3A_414 = tpu.vector_load %arg7[%swap3A_413] {strides = array<i32>} : memref<432xi32, #tpu.memory_space<vmem>>, vector<16xi32>,
        %swap3A_415 = vector.shape_cast %swap3A_414 : vector<16xi32> to vector<16xi32>
        %swap3A_416 = vector.shape_cast %add3A_412 : vector<16xi32> to vector<16xi32>
        tpu.vector_store %arg7[%swap3A_413], %swap3A_416 {strides = array<i32>} : memref<432xi32, #tpu.memory_space<vmem>>, vector<16xi32>,
        %get3A_417 = arith.constant 96 : index
        %get3A_418 = tpu.vector_load %arg7[%get3A_417] {strides = array<i32>} : memref<432xi32, #tpu.memory_space<vmem>>, vector<16xi32>,
        %get3A_419 = vector.shape_cast %get3A_418 : vector<16xi32> to vector<16xi32>
        %add3A_420 = arith.addi %get3A_419, %broadcast_in_dim3A : vector<16xi32>
        %swap3A_421 = arith.constant 96 : index
        %swap3A_422 = tpu.vector_load %arg7[%swap3A_421] {strides = array<i32>} : memref<432xi32, #tpu.memory_space<vmem>>, vector<16xi32>,
        %swap3A_423 = vector.shape_cast %swap3A_422 : vector<16xi32> to vector<16xi32>
        %swap3A_424 = vector.shape_cast %add3A_420 : vector<16xi32> to vector<16xi32>
        tpu.vector_store %arg7[%swap3A_421], %swap3A_424 {strides = array<i32>} : memref<432xi32, #tpu.memory_space<vmem>>, vector<16xi32>,
        %get3A_425 = arith.constant 112 : index
        %get3A_426 = tpu.vector_load %arg7[%get3A_425] {strides = array<i32>} : memref<432xi32, #tpu.memory_space<vmem>>, vector<16xi32>,
        %get3A_427 = vector.shape_cast %get3A_426 : vector<16xi32> to vector<16xi32>
        %add3A_428 = arith.addi %get3A_427, %broadcast_in_dim3A : vector<16xi32>
        %swap3A_429 = arith.constant 112 : index
        %swap3A_430 = tpu.vector_load %arg7[%swap3A_429] {strides = array<i32>} : memref<432xi32, #tpu.memory_space<vmem>>, vector<16xi32>,
        %swap3A_431 = vector.shape_cast %swap3A_430 : vector<16xi32> to vector<16xi32>
        %swap3A_432 = vector.shape_cast %add3A_428 : vector<16xi32> to vector<16xi32>
        tpu.vector_store %arg7[%swap3A_429], %swap3A_432 {strides = array<i32>} : memref<432xi32, #tpu.memory_space<vmem>>, vector<16xi32>,
        %get3A_433 = arith.constant 128 : index
        %get3A_434 = tpu.vector_load %arg7[%get3A_433] {strides = array<i32>} : memref<432xi32, #tpu.memory_space<vmem>>, vector<16xi32>,
        %get3A_435 = vector.shape_cast %get3A_434 : vector<16xi32> to vector<16xi32>
        %add3A_436 = arith.addi %get3A_435, %broadcast_in_dim3A : vector<16xi32>
        %swap3A_437 = arith.constant 128 : index
        %swap3A_438 = tpu.vector_load %arg7[%swap3A_437] {strides = array<i32>} : memref<432xi32, #tpu.memory_space<vmem>>, vector<16xi32>,
        %swap3A_439 = vector.shape_cast %swap3A_438 : vector<16xi32> to vector<16xi32>
        %swap3A_440 = vector.shape_cast %add3A_436 : vector<16xi32> to vector<16xi32>
        tpu.vector_store %arg7[%swap3A_437], %swap3A_440 {strides = array<i32>} : memref<432xi32, #tpu.memory_space<vmem>>, vector<16xi32>,
        %get3A_441 = arith.constant 144 : index
        %get3A_442 = tpu.vector_load %arg7[%get3A_441] {strides = array<i32>} : memref<432xi32, #tpu.memory_space<vmem>>, vector<16xi32>,
        %get3A_443 = vector.shape_cast %get3A_442 : vector<16xi32> to vector<16xi32>
        %add3A_444 = arith.addi %get3A_443, %broadcast_in_dim3A : vector<16xi32>
        %swap3A_445 = arith.constant 144 : index
        %swap3A_446 = tpu.vector_load %arg7[%swap3A_445] {strides = array<i32>} : memref<432xi32, #tpu.memory_space<vmem>>, vector<16xi32>,
        %swap3A_447 = vector.shape_cast %swap3A_446 : vector<16xi32> to vector<16xi32>
        %swap3A_448 = vector.shape_cast %add3A_444 : vector<16xi32> to vector<16xi32>
        tpu.vector_store %arg7[%swap3A_445], %swap3A_448 {strides = array<i32>} : memref<432xi32, #tpu.memory_space<vmem>>, vector<16xi32>,
        %get3A_449 = arith.constant 160 : index
        %get3A_450 = tpu.vector_load %arg7[%get3A_449] {strides = array<i32>} : memref<432xi32, #tpu.memory_space<vmem>>, vector<16xi32>,
        %get3A_451 = vector.shape_cast %get3A_450 : vector<16xi32> to vector<16xi32>
        %add3A_452 = arith.addi %get3A_451, %broadcast_in_dim3A : vector<16xi32>
        %swap3A_453 = arith.constant 160 : index
        %swap3A_454 = tpu.vector_load %arg7[%swap3A_453] {strides = array<i32>} : memref<432xi32, #tpu.memory_space<vmem>>, vector<16xi32>,
        %swap3A_455 = vector.shape_cast %swap3A_454 : vector<16xi32> to vector<16xi32>
        %swap3A_456 = vector.shape_cast %add3A_452 : vector<16xi32> to vector<16xi32>
        tpu.vector_store %arg7[%swap3A_453], %swap3A_456 {strides = array<i32>} : memref<432xi32, #tpu.memory_space<vmem>>, vector<16xi32>,
        %get3A_457 = arith.constant 176 : index
        %get3A_458 = tpu.vector_load %arg7[%get3A_457] {strides = array<i32>} : memref<432xi32, #tpu.memory_space<vmem>>, vector<16xi32>,
        %get3A_459 = vector.shape_cast %get3A_458 : vector<16xi32> to vector<16xi32>
        %add3A_460 = arith.addi %get3A_459, %broadcast_in_dim3A : vector<16xi32>
        %swap3A_461 = arith.constant 176 : index
        %swap3A_462 = tpu.vector_load %arg7[%swap3A_461] {strides = array<i32>} : memref<432xi32, #tpu.memory_space<vmem>>, vector<16xi32>,
        %swap3A_463 = vector.shape_cast %swap3A_462 : vector<16xi32> to vector<16xi32>
        %swap3A_464 = vector.shape_cast %add3A_460 : vector<16xi32> to vector<16xi32>
        tpu.vector_store %arg7[%swap3A_461], %swap3A_464 {strides = array<i32>} : memref<432xi32, #tpu.memory_space<vmem>>, vector<16xi32>,
        %get3A_465 = arith.constant 192 : index
        %get3A_466 = tpu.vector_load %arg7[%get3A_465] {strides = array<i32>} : memref<432xi32, #tpu.memory_space<vmem>>, vector<16xi32>,
        %get3A_467 = vector.shape_cast %get3A_466 : vector<16xi32> to vector<16xi32>
        %add3A_468 = arith.addi %get3A_467, %broadcast_in_dim3A : vector<16xi32>
        %swap3A_469 = arith.constant 192 : index
        %swap3A_470 = tpu.vector_load %arg7[%swap3A_469] {strides = array<i32>} : memref<432xi32, #tpu.memory_space<vmem>>, vector<16xi32>,
        %swap3A_471 = vector.shape_cast %swap3A_470 : vector<16xi32> to vector<16xi32>
        %swap3A_472 = vector.shape_cast %add3A_468 : vector<16xi32> to vector<16xi32>
        tpu.vector_store %arg7[%swap3A_469], %swap3A_472 {strides = array<i32>} : memref<432xi32, #tpu.memory_space<vmem>>, vector<16xi32>,
        %get3A_473 = arith.constant 208 : index
        %get3A_474 = tpu.vector_load %arg7[%get3A_473] {strides = array<i32>} : memref<432xi32, #tpu.memory_space<vmem>>, vector<16xi32>,
        %get3A_475 = vector.shape_cast %get3A_474 : vector<16xi32> to vector<16xi32>
        %add3A_476 = arith.addi %get3A_475, %broadcast_in_dim3A : vector<16xi32>
        %swap3A_477 = arith.constant 208 : index
        %swap3A_478 = tpu.vector_load %arg7[%swap3A_477] {strides = array<i32>} : memref<432xi32, #tpu.memory_space<vmem>>, vector<16xi32>,
        %swap3A_479 = vector.shape_cast %swap3A_478 : vector<16xi32> to vector<16xi32>
        %swap3A_480 = vector.shape_cast %add3A_476 : vector<16xi32> to vector<16xi32>
        tpu.vector_store %arg7[%swap3A_477], %swap3A_480 {strides = array<i32>} : memref<432xi32, #tpu.memory_space<vmem>>, vector<16xi32>,
        %get3A_481 = arith.constant 224 : index
        %get3A_482 = tpu.vector_load %arg7[%get3A_481] {strides = array<i32>} : memref<432xi32, #tpu.memory_space<vmem>>, vector<16xi32>,
        %get3A_483 = vector.shape_cast %get3A_482 : vector<16xi32> to vector<16xi32>
        %add3A_484 = arith.addi %get3A_483, %broadcast_in_dim3A : vector<16xi32>
        %swap3A_485 = arith.constant 224 : index
        %swap3A_486 = tpu.vector_load %arg7[%swap3A_485] {strides = array<i32>} : memref<432xi32, #tpu.memory_space<vmem>>, vector<16xi32>,
        %swap3A_487 = vector.shape_cast %swap3A_486 : vector<16xi32> to vector<16xi32>
        %swap3A_488 = vector.shape_cast %add3A_484 : vector<16xi32> to vector<16xi32>
        tpu.vector_store %arg7[%swap3A_485], %swap3A_488 {strides = array<i32>} : memref<432xi32, #tpu.memory_space<vmem>>, vector<16xi32>,
        %get3A_489 = arith.constant 240 : index
        %get3A_490 = tpu.vector_load %arg7[%get3A_489] {strides = array<i32>} : memref<432xi32, #tpu.memory_space<vmem>>, vector<16xi32>,
        %get3A_491 = vector.shape_cast %get3A_490 : vector<16xi32> to vector<16xi32>
        %add3A_492 = arith.addi %get3A_491, %broadcast_in_dim3A : vector<16xi32>
        %swap3A_493 = arith.constant 240 : index
        %swap3A_494 = tpu.vector_load %arg7[%swap3A_493] {strides = array<i32>} : memref<432xi32, #tpu.memory_space<vmem>>, vector<16xi32>,
        %swap3A_495 = vector.shape_cast %swap3A_494 : vector<16xi32> to vector<16xi32>
        %swap3A_496 = vector.shape_cast %add3A_492 : vector<16xi32> to vector<16xi32>
        tpu.vector_store %arg7[%swap3A_493], %swap3A_496 {strides = array<i32>} : memref<432xi32, #tpu.memory_space<vmem>>, vector<16xi32>,
        %get3A_497 = arith.constant 256 : index
        %get3A_498 = tpu.vector_load %arg7[%get3A_497] {strides = array<i32>} : memref<432xi32, #tpu.memory_space<vmem>>, vector<16xi32>,
        %get3A_499 = vector.shape_cast %get3A_498 : vector<16xi32> to vector<16xi32>
        %add3A_500 = arith.addi %get3A_499, %broadcast_in_dim3A : vector<16xi32>
        %swap3A_501 = arith.constant 256 : index
        %swap3A_502 = tpu.vector_load %arg7[%swap3A_501] {strides = array<i32>} : memref<432xi32, #tpu.memory_space<vmem>>, vector<16xi32>,
        %swap3A_503 = vector.shape_cast %swap3A_502 : vector<16xi32> to vector<16xi32>
        %swap3A_504 = vector.shape_cast %add3A_500 : vector<16xi32> to vector<16xi32>
        tpu.vector_store %arg7[%swap3A_501], %swap3A_504 {strides = array<i32>} : memref<432xi32, #tpu.memory_space<vmem>>, vector<16xi32>,
        %get3A_505 = arith.constant 272 : index
        %get3A_506 = tpu.vector_load %arg7[%get3A_505] {strides = array<i32>} : memref<432xi32, #tpu.memory_space<vmem>>, vector<16xi32>,
        %get3A_507 = vector.shape_cast %get3A_506 : vector<16xi32> to vector<16xi32>
        %add3A_508 = arith.addi %get3A_507, %broadcast_in_dim3A : vector<16xi32>
        %swap3A_509 = arith.constant 272 : index
        %swap3A_510 = tpu.vector_load %arg7[%swap3A_509] {strides = array<i32>} : memref<432xi32, #tpu.memory_space<vmem>>, vector<16xi32>,
        %swap3A_511 = vector.shape_cast %swap3A_510 : vector<16xi32> to vector<16xi32>
        %swap3A_512 = vector.shape_cast %add3A_508 : vector<16xi32> to vector<16xi32>
        tpu.vector_store %arg7[%swap3A_509], %swap3A_512 {strides = array<i32>} : memref<432xi32, #tpu.memory_space<vmem>>, vector<16xi32>,
        %get3A_513 = arith.constant 288 : index
        %get3A_514 = tpu.vector_load %arg7[%get3A_513] {strides = array<i32>} : memref<432xi32, #tpu.memory_space<vmem>>, vector<16xi32>,
        %get3A_515 = vector.shape_cast %get3A_514 : vector<16xi32> to vector<16xi32>
        %add3A_516 = arith.addi %get3A_515, %broadcast_in_dim3A : vector<16xi32>
        %swap3A_517 = arith.constant 288 : index
        %swap3A_518 = tpu.vector_load %arg7[%swap3A_517] {strides = array<i32>} : memref<432xi32, #tpu.memory_space<vmem>>, vector<16xi32>,
        %swap3A_519 = vector.shape_cast %swap3A_518 : vector<16xi32> to vector<16xi32>
        %swap3A_520 = vector.shape_cast %add3A_516 : vector<16xi32> to vector<16xi32>
        tpu.vector_store %arg7[%swap3A_517], %swap3A_520 {strides = array<i32>} : memref<432xi32, #tpu.memory_space<vmem>>, vector<16xi32>,
        %get3A_521 = arith.constant 304 : index
        %get3A_522 = tpu.vector_load %arg7[%get3A_521] {strides = array<i32>} : memref<432xi32, #tpu.memory_space<vmem>>, vector<16xi32>,
        %get3A_523 = vector.shape_cast %get3A_522 : vector<16xi32> to vector<16xi32>
        %add3A_524 = arith.addi %get3A_523, %broadcast_in_dim3A : vector<16xi32>
        %swap3A_525 = arith.constant 304 : index
        %swap3A_526 = tpu.vector_load %arg7[%swap3A_525] {strides = array<i32>} : memref<432xi32, #tpu.memory_space<vmem>>, vector<16xi32>,
        %swap3A_527 = vector.shape_cast %swap3A_526 : vector<16xi32> to vector<16xi32>
        %swap3A_528 = vector.shape_cast %add3A_524 : vector<16xi32> to vector<16xi32>
        tpu.vector_store %arg7[%swap3A_525], %swap3A_528 {strides = array<i32>} : memref<432xi32, #tpu.memory_space<vmem>>, vector<16xi32>,
        %get3A_529 = arith.constant 320 : index
        %get3A_530 = tpu.vector_load %arg7[%get3A_529] {strides = array<i32>} : memref<432xi32, #tpu.memory_space<vmem>>, vector<16xi32>,
        %get3A_531 = vector.shape_cast %get3A_530 : vector<16xi32> to vector<16xi32>
        %add3A_532 = arith.addi %get3A_531, %broadcast_in_dim3A : vector<16xi32>
        %swap3A_533 = arith.constant 320 : index
        %swap3A_534 = tpu.vector_load %arg7[%swap3A_533] {strides = array<i32>} : memref<432xi32, #tpu.memory_space<vmem>>, vector<16xi32>,
        %swap3A_535 = vector.shape_cast %swap3A_534 : vector<16xi32> to vector<16xi32>
        %swap3A_536 = vector.shape_cast %add3A_532 : vector<16xi32> to vector<16xi32>
        tpu.vector_store %arg7[%swap3A_533], %swap3A_536 {strides = array<i32>} : memref<432xi32, #tpu.memory_space<vmem>>, vector<16xi32>,
        %get3A_537 = arith.constant 336 : index
        %get3A_538 = tpu.vector_load %arg7[%get3A_537] {strides = array<i32>} : memref<432xi32, #tpu.memory_space<vmem>>, vector<16xi32>,
        %get3A_539 = vector.shape_cast %get3A_538 : vector<16xi32> to vector<16xi32>
        %add3A_540 = arith.addi %get3A_539, %broadcast_in_dim3A : vector<16xi32>
        %swap3A_541 = arith.constant 336 : index
        %swap3A_542 = tpu.vector_load %arg7[%swap3A_541] {strides = array<i32>} : memref<432xi32, #tpu.memory_space<vmem>>, vector<16xi32>,
        %swap3A_543 = vector.shape_cast %swap3A_542 : vector<16xi32> to vector<16xi32>
        %swap3A_544 = vector.shape_cast %add3A_540 : vector<16xi32> to vector<16xi32>
        tpu.vector_store %arg7[%swap3A_541], %swap3A_544 {strides = array<i32>} : memref<432xi32, #tpu.memory_space<vmem>>, vector<16xi32>,
        %get3A_545 = arith.constant 352 : index
        %get3A_546 = tpu.vector_load %arg7[%get3A_545] {strides = array<i32>} : memref<432xi32, #tpu.memory_space<vmem>>, vector<16xi32>,
        %get3A_547 = vector.shape_cast %get3A_546 : vector<16xi32> to vector<16xi32>
        %add3A_548 = arith.addi %get3A_547, %broadcast_in_dim3A : vector<16xi32>
        %swap3A_549 = arith.constant 352 : index
        %swap3A_550 = tpu.vector_load %arg7[%swap3A_549] {strides = array<i32>} : memref<432xi32, #tpu.memory_space<vmem>>, vector<16xi32>,
        %swap3A_551 = vector.shape_cast %swap3A_550 : vector<16xi32> to vector<16xi32>
        %swap3A_552 = vector.shape_cast %add3A_548 : vector<16xi32> to vector<16xi32>
        tpu.vector_store %arg7[%swap3A_549], %swap3A_552 {strides = array<i32>} : memref<432xi32, #tpu.memory_space<vmem>>, vector<16xi32>,
        %get3A_553 = arith.constant 368 : index
        %get3A_554 = tpu.vector_load %arg7[%get3A_553] {strides = array<i32>} : memref<432xi32, #tpu.memory_space<vmem>>, vector<16xi32>,
        %get3A_555 = vector.shape_cast %get3A_554 : vector<16xi32> to vector<16xi32>
        %add3A_556 = arith.addi %get3A_555, %broadcast_in_dim3A : vector<16xi32>
        %swap3A_557 = arith.constant 368 : index
        %swap3A_558 = tpu.vector_load %arg7[%swap3A_557] {strides = array<i32>} : memref<432xi32, #tpu.memory_space<vmem>>, vector<16xi32>,
        %swap3A_559 = vector.shape_cast %swap3A_558 : vector<16xi32> to vector<16xi32>
        %swap3A_560 = vector.shape_cast %add3A_556 : vector<16xi32> to vector<16xi32>
        tpu.vector_store %arg7[%swap3A_557], %swap3A_560 {strides = array<i32>} : memref<432xi32, #tpu.memory_space<vmem>>, vector<16xi32>,
        %get3A_561 = arith.constant 384 : index
        %get3A_562 = tpu.vector_load %arg7[%get3A_561] {strides = array<i32>} : memref<432xi32, #tpu.memory_space<vmem>>, vector<16xi32>,
        %get3A_563 = vector.shape_cast %get3A_562 : vector<16xi32> to vector<16xi32>
        %add3A_564 = arith.addi %get3A_563, %broadcast_in_dim3A : vector<16xi32>
        %swap3A_565 = arith.constant 384 : index
        %swap3A_566 = tpu.vector_load %arg7[%swap3A_565] {strides = array<i32>} : memref<432xi32, #tpu.memory_space<vmem>>, vector<16xi32>,
        %swap3A_567 = vector.shape_cast %swap3A_566 : vector<16xi32> to vector<16xi32>
        %swap3A_568 = vector.shape_cast %add3A_564 : vector<16xi32> to vector<16xi32>
        tpu.vector_store %arg7[%swap3A_565], %swap3A_568 {strides = array<i32>} : memref<432xi32, #tpu.memory_space<vmem>>, vector<16xi32>,
        %get3A_569 = arith.constant 400 : index
        %get3A_570 = tpu.vector_load %arg7[%get3A_569] {strides = array<i32>} : memref<432xi32, #tpu.memory_space<vmem>>, vector<16xi32>,
        %get3A_571 = vector.shape_cast %get3A_570 : vector<16xi32> to vector<16xi32>
        %add3A_572 = arith.addi %get3A_571, %broadcast_in_dim3A : vector<16xi32>
        %swap3A_573 = arith.constant 400 : index
        %swap3A_574 = tpu.vector_load %arg7[%swap3A_573] {strides = array<i32>} : memref<432xi32, #tpu.memory_space<vmem>>, vector<16xi32>,
        %swap3A_575 = vector.shape_cast %swap3A_574 : vector<16xi32> to vector<16xi32>
        %swap3A_576 = vector.shape_cast %add3A_572 : vector<16xi32> to vector<16xi32>
        tpu.vector_store %arg7[%swap3A_573], %swap3A_576 {strides = array<i32>} : memref<432xi32, #tpu.memory_space<vmem>>, vector<16xi32>,
        %get3A_577 = arith.constant 416 : index
        %get3A_578 = tpu.vector_load %arg7[%get3A_577] {strides = array<i32>} : memref<432xi32, #tpu.memory_space<vmem>>, vector<16xi32>,
        %get3A_579 = vector.shape_cast %get3A_578 : vector<16xi32> to vector<16xi32>
        %add3A_580 = arith.addi %get3A_579, %broadcast_in_dim3A : vector<16xi32>
        %swap3A_581 = arith.constant 416 : index
        %swap3A_582 = tpu.vector_load %arg7[%swap3A_581] {strides = array<i32>} : memref<432xi32, #tpu.memory_space<vmem>>, vector<16xi32>,
        %swap3A_583 = vector.shape_cast %swap3A_582 : vector<16xi32> to vector<16xi32>
        %swap3A_584 = vector.shape_cast %add3A_580 : vector<16xi32> to vector<16xi32>
        tpu.vector_store %arg7[%swap3A_581], %swap3A_584 {strides = array<i32>} : memref<432xi32, #tpu.memory_space<vmem>>, vector<16xi32>,
        %dma_start3A_585 = arith.constant 0 : i32
        %dma_start3A_586 = arith.constant 0 : i32
        %dma_start3A_587 = tpu.memref_slice %arg2[%dma_start3A_585, %dma_start3A_586] : memref<100000x32xf32, #tpu.memory_space<hbm>> -> memref<100000x32xf32, #tpu.memory_space<hbm>>
        tpu.enqueue_indirect_dma source(%dma_start3A_587 : memref<100000x32xf32, #tpu.memory_space<hbm>>) target(%arg13 : memref<432x32xf32, #tpu.memory_space<vmem>>) offsets(%arg7 : memref<432xi32, #tpu.memory_space<vmem>>) semaphore(%arg22 : memref<!tpu.dma_semaphore, #tpu.memory_space<semaphore_mem>>)
      } else {
      }
      %dma_wait3A_300 = arith.constant 0 : i32
      %dma_wait3A_301 = arith.constant 0 : i32
      %dma_wait3A_302 = tpu.memref_slice %arg2[%dma_wait3A_300, %dma_wait3A_301] : memref<100000x32xf32, #tpu.memory_space<hbm>> -> memref<100000x32xf32, #tpu.memory_space<hbm>>
      tpu.wait_indirect_dma semaphore(%arg23 : memref<!tpu.dma_semaphore, #tpu.memory_space<semaphore_mem>>) src(%dma_wait3A_302 : memref<100000x32xf32, #tpu.memory_space<hbm>>) dst(%arg14 : memref<432x32xf32, #tpu.memory_space<vmem>>)
      %dma_start3A_303 = arith.constant 0 : i32
      %dma_start3A_304 = arith.constant 0 : i32
      %dma_start3A_305 = tpu.memref_slice %arg15[%dma_start3A_303, %dma_start3A_304] : memref<50048x32xf32, #tpu.memory_space<vmem_shared>> -> memref<50048x32xf32, #tpu.memory_space<vmem_shared>>
      tpu.enqueue_indirect_dma source(%arg14 : memref<432x32xf32, #tpu.memory_space<vmem>>) target(%dma_start3A_305 : memref<50048x32xf32, #tpu.memory_space<vmem_shared>>) offsets(%arg10 : memref<432xi32, #tpu.memory_space<vmem>>) semaphore(%arg25 : memref<!tpu.dma_semaphore, #tpu.memory_space<semaphore_mem>>) {add = true}
      %lt3A_306 = arith.constant 114 : i32
      %lt3A_307 = arith.cmpi slt, %add3A_289, %lt3A_306 : i32
      %convert_element_type3A_308 = arith.extui %lt3A_307 : i1 to i32
      %cond3A_309 = arith.constant 0 : i32
      %cond3A_310 = arith.cmpi ne, %convert_element_type3A_308, %cond3A_309 : i32
      scf.if %cond3A_310 {
        %add3A_361 = arith.constant 2 : i32
        %add3A_362 = arith.addi %add3A_289, %add3A_361 : i32
        %mul3A_363 = arith.constant 432 : i32
        %mul3A_364 = arith.muli %add3A_362, %mul3A_363 : i32
        %add3A_365 = arith.addi %mul3A_0, %mul3A_364 : i32
        %dma_start3A_366 = tpu.memref_slice %arg3[%add3A_365] : memref<801792xi32, #tpu.memory_space<hbm>> -> memref<432xi32, #tpu.memory_space<hbm>>
        %dma_start3A_367 = tpu.memref_slice %arg3[%add3A_365] : memref<801792xi32, #tpu.memory_space<hbm>> -> memref<432xi32, #tpu.memory_space<hbm>>
        tpu.enqueue_dma source(%dma_start3A_367 : memref<432xi32, #tpu.memory_space<hbm>>) target(%arg8 : memref<432xi32, #tpu.memory_space<vmem>>) target_semaphore(%arg17 : memref<!tpu.dma_semaphore, #tpu.memory_space<semaphore_mem>>)
        %mul3A_368 = arith.constant 432 : i32
        %mul3A_369 = arith.muli %add3A_362, %mul3A_368 : i32
        %add3A_370 = arith.addi %mul3A_0, %mul3A_369 : i32
        %dma_start3A_371 = tpu.memref_slice %arg4[%add3A_370] : memref<801792xi32, #tpu.memory_space<hbm>> -> memref<432xi32, #tpu.memory_space<hbm>>
        %dma_start3A_372 = tpu.memref_slice %arg4[%add3A_370] : memref<801792xi32, #tpu.memory_space<hbm>> -> memref<432xi32, #tpu.memory_space<hbm>>
        tpu.enqueue_dma source(%dma_start3A_372 : memref<432xi32, #tpu.memory_space<hbm>>) target(%arg12 : memref<432xi32, #tpu.memory_space<vmem>>) target_semaphore(%arg21 : memref<!tpu.dma_semaphore, #tpu.memory_space<semaphore_mem>>)
      } else {
      }
      %mul3A_311 = arith.constant 4 : i32
      %mul3A_312 = arith.muli %mul3A_311, %scan3A_261 : i32
      %add3A_313 = arith.constant 2 : i32
      %add3A_314 = arith.addi %mul3A_312, %add3A_313 : i32
      %ge3A_315 = arith.constant 1 : i32
      %ge3A_316 = arith.cmpi sge, %add3A_314, %ge3A_315 : i32
      %convert_element_type3A_317 = arith.extui %ge3A_316 : i1 to i32
      %cond3A_318 = arith.constant 0 : i32
      %cond3A_319 = arith.cmpi ne, %convert_element_type3A_317, %cond3A_318 : i32
      scf.if %cond3A_319 {
        %dma_wait3A_361 = arith.constant 0 : i32
        %dma_wait3A_362 = arith.constant 0 : i32
        %dma_wait3A_363 = tpu.memref_slice %arg15[%dma_wait3A_361, %dma_wait3A_362] : memref<50048x32xf32, #tpu.memory_space<vmem_shared>> -> memref<50048x32xf32, #tpu.memory_space<vmem_shared>>
        tpu.wait_indirect_dma semaphore(%arg25 : memref<!tpu.dma_semaphore, #tpu.memory_space<semaphore_mem>>) src(%arg14 : memref<432x32xf32, #tpu.memory_space<vmem>>) dst(%dma_wait3A_363 : memref<50048x32xf32, #tpu.memory_space<vmem_shared>>)
      } else {
      }
      %lt3A_320 = arith.constant 115 : i32
      %lt3A_321 = arith.cmpi slt, %add3A_314, %lt3A_320 : i32
      %convert_element_type3A_322 = arith.extui %lt3A_321 : i1 to i32
      %cond3A_323 = arith.constant 0 : i32
      %cond3A_324 = arith.cmpi ne, %convert_element_type3A_322, %cond3A_323 : i32
      scf.if %cond3A_324 {
        %dma_wait3A_361 = arith.constant 0 : i32
        %dma_wait3A_362 = tpu.memref_slice %arg3[%dma_wait3A_361] : memref<801792xi32, #tpu.memory_space<hbm>> -> memref<432xi32, #tpu.memory_space<hbm>>
        %dma_wait3A_363 = arith.constant 0 : i32
        %dma_wait3A_364 = tpu.memref_slice %arg3[%dma_wait3A_363] : memref<801792xi32, #tpu.memory_space<hbm>> -> memref<432xi32, #tpu.memory_space<hbm>>
        tpu.wait_dma2 semaphore(%arg17 : memref<!tpu.dma_semaphore, #tpu.memory_space<semaphore_mem>>) src(%dma_wait3A_364 : memref<432xi32, #tpu.memory_space<hbm>>) dst(%arg8 : memref<432xi32, #tpu.memory_space<vmem>>)
        %dma_wait3A_365 = arith.constant 0 : i32
        %dma_wait3A_366 = tpu.memref_slice %arg4[%dma_wait3A_365] : memref<801792xi32, #tpu.memory_space<hbm>> -> memref<432xi32, #tpu.memory_space<hbm>>
        %dma_wait3A_367 = arith.constant 0 : i32
        %dma_wait3A_368 = tpu.memref_slice %arg4[%dma_wait3A_367] : memref<801792xi32, #tpu.memory_space<hbm>> -> memref<432xi32, #tpu.memory_space<hbm>>
        tpu.wait_dma2 semaphore(%arg21 : memref<!tpu.dma_semaphore, #tpu.memory_space<semaphore_mem>>) src(%dma_wait3A_368 : memref<432xi32, #tpu.memory_space<hbm>>) dst(%arg12 : memref<432xi32, #tpu.memory_space<vmem>>)
        %get3A_369 = arith.constant 0 : index
        %get3A_370 = tpu.vector_load %arg8[%get3A_369] {strides = array<i32>} : memref<432xi32, #tpu.memory_space<vmem>>, vector<16xi32>,
        %get3A_371 = vector.shape_cast %get3A_370 : vector<16xi32> to vector<16xi32>
        %add3A_372 = arith.addi %get3A_371, %broadcast_in_dim3A : vector<16xi32>
        %swap3A_373 = arith.constant 0 : index
        %swap3A_374 = tpu.vector_load %arg8[%swap3A_373] {strides = array<i32>} : memref<432xi32, #tpu.memory_space<vmem>>, vector<16xi32>,
        %swap3A_375 = vector.shape_cast %swap3A_374 : vector<16xi32> to vector<16xi32>
        %swap3A_376 = vector.shape_cast %add3A_372 : vector<16xi32> to vector<16xi32>
        tpu.vector_store %arg8[%swap3A_373], %swap3A_376 {strides = array<i32>} : memref<432xi32, #tpu.memory_space<vmem>>, vector<16xi32>,
        %get3A_377 = arith.constant 16 : index
        %get3A_378 = tpu.vector_load %arg8[%get3A_377] {strides = array<i32>} : memref<432xi32, #tpu.memory_space<vmem>>, vector<16xi32>,
        %get3A_379 = vector.shape_cast %get3A_378 : vector<16xi32> to vector<16xi32>
        %add3A_380 = arith.addi %get3A_379, %broadcast_in_dim3A : vector<16xi32>
        %swap3A_381 = arith.constant 16 : index
        %swap3A_382 = tpu.vector_load %arg8[%swap3A_381] {strides = array<i32>} : memref<432xi32, #tpu.memory_space<vmem>>, vector<16xi32>,
        %swap3A_383 = vector.shape_cast %swap3A_382 : vector<16xi32> to vector<16xi32>
        %swap3A_384 = vector.shape_cast %add3A_380 : vector<16xi32> to vector<16xi32>
        tpu.vector_store %arg8[%swap3A_381], %swap3A_384 {strides = array<i32>} : memref<432xi32, #tpu.memory_space<vmem>>, vector<16xi32>,
        %get3A_385 = arith.constant 32 : index
        %get3A_386 = tpu.vector_load %arg8[%get3A_385] {strides = array<i32>} : memref<432xi32, #tpu.memory_space<vmem>>, vector<16xi32>,
        %get3A_387 = vector.shape_cast %get3A_386 : vector<16xi32> to vector<16xi32>
        %add3A_388 = arith.addi %get3A_387, %broadcast_in_dim3A : vector<16xi32>
        %swap3A_389 = arith.constant 32 : index
        %swap3A_390 = tpu.vector_load %arg8[%swap3A_389] {strides = array<i32>} : memref<432xi32, #tpu.memory_space<vmem>>, vector<16xi32>,
        %swap3A_391 = vector.shape_cast %swap3A_390 : vector<16xi32> to vector<16xi32>
        %swap3A_392 = vector.shape_cast %add3A_388 : vector<16xi32> to vector<16xi32>
        tpu.vector_store %arg8[%swap3A_389], %swap3A_392 {strides = array<i32>} : memref<432xi32, #tpu.memory_space<vmem>>, vector<16xi32>,
        %get3A_393 = arith.constant 48 : index
        %get3A_394 = tpu.vector_load %arg8[%get3A_393] {strides = array<i32>} : memref<432xi32, #tpu.memory_space<vmem>>, vector<16xi32>,
        %get3A_395 = vector.shape_cast %get3A_394 : vector<16xi32> to vector<16xi32>
        %add3A_396 = arith.addi %get3A_395, %broadcast_in_dim3A : vector<16xi32>
        %swap3A_397 = arith.constant 48 : index
        %swap3A_398 = tpu.vector_load %arg8[%swap3A_397] {strides = array<i32>} : memref<432xi32, #tpu.memory_space<vmem>>, vector<16xi32>,
        %swap3A_399 = vector.shape_cast %swap3A_398 : vector<16xi32> to vector<16xi32>
        %swap3A_400 = vector.shape_cast %add3A_396 : vector<16xi32> to vector<16xi32>
        tpu.vector_store %arg8[%swap3A_397], %swap3A_400 {strides = array<i32>} : memref<432xi32, #tpu.memory_space<vmem>>, vector<16xi32>,
        %get3A_401 = arith.constant 64 : index
        %get3A_402 = tpu.vector_load %arg8[%get3A_401] {strides = array<i32>} : memref<432xi32, #tpu.memory_space<vmem>>, vector<16xi32>,
        %get3A_403 = vector.shape_cast %get3A_402 : vector<16xi32> to vector<16xi32>
        %add3A_404 = arith.addi %get3A_403, %broadcast_in_dim3A : vector<16xi32>
        %swap3A_405 = arith.constant 64 : index
        %swap3A_406 = tpu.vector_load %arg8[%swap3A_405] {strides = array<i32>} : memref<432xi32, #tpu.memory_space<vmem>>, vector<16xi32>,
        %swap3A_407 = vector.shape_cast %swap3A_406 : vector<16xi32> to vector<16xi32>
        %swap3A_408 = vector.shape_cast %add3A_404 : vector<16xi32> to vector<16xi32>
        tpu.vector_store %arg8[%swap3A_405], %swap3A_408 {strides = array<i32>} : memref<432xi32, #tpu.memory_space<vmem>>, vector<16xi32>,
        %get3A_409 = arith.constant 80 : index
        %get3A_410 = tpu.vector_load %arg8[%get3A_409] {strides = array<i32>} : memref<432xi32, #tpu.memory_space<vmem>>, vector<16xi32>,
        %get3A_411 = vector.shape_cast %get3A_410 : vector<16xi32> to vector<16xi32>
        %add3A_412 = arith.addi %get3A_411, %broadcast_in_dim3A : vector<16xi32>
        %swap3A_413 = arith.constant 80 : index
        %swap3A_414 = tpu.vector_load %arg8[%swap3A_413] {strides = array<i32>} : memref<432xi32, #tpu.memory_space<vmem>>, vector<16xi32>,
        %swap3A_415 = vector.shape_cast %swap3A_414 : vector<16xi32> to vector<16xi32>
        %swap3A_416 = vector.shape_cast %add3A_412 : vector<16xi32> to vector<16xi32>
        tpu.vector_store %arg8[%swap3A_413], %swap3A_416 {strides = array<i32>} : memref<432xi32, #tpu.memory_space<vmem>>, vector<16xi32>,
        %get3A_417 = arith.constant 96 : index
        %get3A_418 = tpu.vector_load %arg8[%get3A_417] {strides = array<i32>} : memref<432xi32, #tpu.memory_space<vmem>>, vector<16xi32>,
        %get3A_419 = vector.shape_cast %get3A_418 : vector<16xi32> to vector<16xi32>
        %add3A_420 = arith.addi %get3A_419, %broadcast_in_dim3A : vector<16xi32>
        %swap3A_421 = arith.constant 96 : index
        %swap3A_422 = tpu.vector_load %arg8[%swap3A_421] {strides = array<i32>} : memref<432xi32, #tpu.memory_space<vmem>>, vector<16xi32>,
        %swap3A_423 = vector.shape_cast %swap3A_422 : vector<16xi32> to vector<16xi32>
        %swap3A_424 = vector.shape_cast %add3A_420 : vector<16xi32> to vector<16xi32>
        tpu.vector_store %arg8[%swap3A_421], %swap3A_424 {strides = array<i32>} : memref<432xi32, #tpu.memory_space<vmem>>, vector<16xi32>,
        %get3A_425 = arith.constant 112 : index
        %get3A_426 = tpu.vector_load %arg8[%get3A_425] {strides = array<i32>} : memref<432xi32, #tpu.memory_space<vmem>>, vector<16xi32>,
        %get3A_427 = vector.shape_cast %get3A_426 : vector<16xi32> to vector<16xi32>
        %add3A_428 = arith.addi %get3A_427, %broadcast_in_dim3A : vector<16xi32>
        %swap3A_429 = arith.constant 112 : index
        %swap3A_430 = tpu.vector_load %arg8[%swap3A_429] {strides = array<i32>} : memref<432xi32, #tpu.memory_space<vmem>>, vector<16xi32>,
        %swap3A_431 = vector.shape_cast %swap3A_430 : vector<16xi32> to vector<16xi32>
        %swap3A_432 = vector.shape_cast %add3A_428 : vector<16xi32> to vector<16xi32>
        tpu.vector_store %arg8[%swap3A_429], %swap3A_432 {strides = array<i32>} : memref<432xi32, #tpu.memory_space<vmem>>, vector<16xi32>,
        %get3A_433 = arith.constant 128 : index
        %get3A_434 = tpu.vector_load %arg8[%get3A_433] {strides = array<i32>} : memref<432xi32, #tpu.memory_space<vmem>>, vector<16xi32>,
        %get3A_435 = vector.shape_cast %get3A_434 : vector<16xi32> to vector<16xi32>
        %add3A_436 = arith.addi %get3A_435, %broadcast_in_dim3A : vector<16xi32>
        %swap3A_437 = arith.constant 128 : index
        %swap3A_438 = tpu.vector_load %arg8[%swap3A_437] {strides = array<i32>} : memref<432xi32, #tpu.memory_space<vmem>>, vector<16xi32>,
        %swap3A_439 = vector.shape_cast %swap3A_438 : vector<16xi32> to vector<16xi32>
        %swap3A_440 = vector.shape_cast %add3A_436 : vector<16xi32> to vector<16xi32>
        tpu.vector_store %arg8[%swap3A_437], %swap3A_440 {strides = array<i32>} : memref<432xi32, #tpu.memory_space<vmem>>, vector<16xi32>,
        %get3A_441 = arith.constant 144 : index
        %get3A_442 = tpu.vector_load %arg8[%get3A_441] {strides = array<i32>} : memref<432xi32, #tpu.memory_space<vmem>>, vector<16xi32>,
        %get3A_443 = vector.shape_cast %get3A_442 : vector<16xi32> to vector<16xi32>
        %add3A_444 = arith.addi %get3A_443, %broadcast_in_dim3A : vector<16xi32>
        %swap3A_445 = arith.constant 144 : index
        %swap3A_446 = tpu.vector_load %arg8[%swap3A_445] {strides = array<i32>} : memref<432xi32, #tpu.memory_space<vmem>>, vector<16xi32>,
        %swap3A_447 = vector.shape_cast %swap3A_446 : vector<16xi32> to vector<16xi32>
        %swap3A_448 = vector.shape_cast %add3A_444 : vector<16xi32> to vector<16xi32>
        tpu.vector_store %arg8[%swap3A_445], %swap3A_448 {strides = array<i32>} : memref<432xi32, #tpu.memory_space<vmem>>, vector<16xi32>,
        %get3A_449 = arith.constant 160 : index
        %get3A_450 = tpu.vector_load %arg8[%get3A_449] {strides = array<i32>} : memref<432xi32, #tpu.memory_space<vmem>>, vector<16xi32>,
        %get3A_451 = vector.shape_cast %get3A_450 : vector<16xi32> to vector<16xi32>
        %add3A_452 = arith.addi %get3A_451, %broadcast_in_dim3A : vector<16xi32>
        %swap3A_453 = arith.constant 160 : index
        %swap3A_454 = tpu.vector_load %arg8[%swap3A_453] {strides = array<i32>} : memref<432xi32, #tpu.memory_space<vmem>>, vector<16xi32>,
        %swap3A_455 = vector.shape_cast %swap3A_454 : vector<16xi32> to vector<16xi32>
        %swap3A_456 = vector.shape_cast %add3A_452 : vector<16xi32> to vector<16xi32>
        tpu.vector_store %arg8[%swap3A_453], %swap3A_456 {strides = array<i32>} : memref<432xi32, #tpu.memory_space<vmem>>, vector<16xi32>,
        %get3A_457 = arith.constant 176 : index
        %get3A_458 = tpu.vector_load %arg8[%get3A_457] {strides = array<i32>} : memref<432xi32, #tpu.memory_space<vmem>>, vector<16xi32>,
        %get3A_459 = vector.shape_cast %get3A_458 : vector<16xi32> to vector<16xi32>
        %add3A_460 = arith.addi %get3A_459, %broadcast_in_dim3A : vector<16xi32>
        %swap3A_461 = arith.constant 176 : index
        %swap3A_462 = tpu.vector_load %arg8[%swap3A_461] {strides = array<i32>} : memref<432xi32, #tpu.memory_space<vmem>>, vector<16xi32>,
        %swap3A_463 = vector.shape_cast %swap3A_462 : vector<16xi32> to vector<16xi32>
        %swap3A_464 = vector.shape_cast %add3A_460 : vector<16xi32> to vector<16xi32>
        tpu.vector_store %arg8[%swap3A_461], %swap3A_464 {strides = array<i32>} : memref<432xi32, #tpu.memory_space<vmem>>, vector<16xi32>,
        %get3A_465 = arith.constant 192 : index
        %get3A_466 = tpu.vector_load %arg8[%get3A_465] {strides = array<i32>} : memref<432xi32, #tpu.memory_space<vmem>>, vector<16xi32>,
        %get3A_467 = vector.shape_cast %get3A_466 : vector<16xi32> to vector<16xi32>
        %add3A_468 = arith.addi %get3A_467, %broadcast_in_dim3A : vector<16xi32>
        %swap3A_469 = arith.constant 192 : index
        %swap3A_470 = tpu.vector_load %arg8[%swap3A_469] {strides = array<i32>} : memref<432xi32, #tpu.memory_space<vmem>>, vector<16xi32>,
        %swap3A_471 = vector.shape_cast %swap3A_470 : vector<16xi32> to vector<16xi32>
        %swap3A_472 = vector.shape_cast %add3A_468 : vector<16xi32> to vector<16xi32>
        tpu.vector_store %arg8[%swap3A_469], %swap3A_472 {strides = array<i32>} : memref<432xi32, #tpu.memory_space<vmem>>, vector<16xi32>,
        %get3A_473 = arith.constant 208 : index
        %get3A_474 = tpu.vector_load %arg8[%get3A_473] {strides = array<i32>} : memref<432xi32, #tpu.memory_space<vmem>>, vector<16xi32>,
        %get3A_475 = vector.shape_cast %get3A_474 : vector<16xi32> to vector<16xi32>
        %add3A_476 = arith.addi %get3A_475, %broadcast_in_dim3A : vector<16xi32>
        %swap3A_477 = arith.constant 208 : index
        %swap3A_478 = tpu.vector_load %arg8[%swap3A_477] {strides = array<i32>} : memref<432xi32, #tpu.memory_space<vmem>>, vector<16xi32>,
        %swap3A_479 = vector.shape_cast %swap3A_478 : vector<16xi32> to vector<16xi32>
        %swap3A_480 = vector.shape_cast %add3A_476 : vector<16xi32> to vector<16xi32>
        tpu.vector_store %arg8[%swap3A_477], %swap3A_480 {strides = array<i32>} : memref<432xi32, #tpu.memory_space<vmem>>, vector<16xi32>,
        %get3A_481 = arith.constant 224 : index
        %get3A_482 = tpu.vector_load %arg8[%get3A_481] {strides = array<i32>} : memref<432xi32, #tpu.memory_space<vmem>>, vector<16xi32>,
        %get3A_483 = vector.shape_cast %get3A_482 : vector<16xi32> to vector<16xi32>
        %add3A_484 = arith.addi %get3A_483, %broadcast_in_dim3A : vector<16xi32>
        %swap3A_485 = arith.constant 224 : index
        %swap3A_486 = tpu.vector_load %arg8[%swap3A_485] {strides = array<i32>} : memref<432xi32, #tpu.memory_space<vmem>>, vector<16xi32>,
        %swap3A_487 = vector.shape_cast %swap3A_486 : vector<16xi32> to vector<16xi32>
        %swap3A_488 = vector.shape_cast %add3A_484 : vector<16xi32> to vector<16xi32>
        tpu.vector_store %arg8[%swap3A_485], %swap3A_488 {strides = array<i32>} : memref<432xi32, #tpu.memory_space<vmem>>, vector<16xi32>,
        %get3A_489 = arith.constant 240 : index
        %get3A_490 = tpu.vector_load %arg8[%get3A_489] {strides = array<i32>} : memref<432xi32, #tpu.memory_space<vmem>>, vector<16xi32>,
        %get3A_491 = vector.shape_cast %get3A_490 : vector<16xi32> to vector<16xi32>
        %add3A_492 = arith.addi %get3A_491, %broadcast_in_dim3A : vector<16xi32>
        %swap3A_493 = arith.constant 240 : index
        %swap3A_494 = tpu.vector_load %arg8[%swap3A_493] {strides = array<i32>} : memref<432xi32, #tpu.memory_space<vmem>>, vector<16xi32>,
        %swap3A_495 = vector.shape_cast %swap3A_494 : vector<16xi32> to vector<16xi32>
        %swap3A_496 = vector.shape_cast %add3A_492 : vector<16xi32> to vector<16xi32>
        tpu.vector_store %arg8[%swap3A_493], %swap3A_496 {strides = array<i32>} : memref<432xi32, #tpu.memory_space<vmem>>, vector<16xi32>,
        %get3A_497 = arith.constant 256 : index
        %get3A_498 = tpu.vector_load %arg8[%get3A_497] {strides = array<i32>} : memref<432xi32, #tpu.memory_space<vmem>>, vector<16xi32>,
        %get3A_499 = vector.shape_cast %get3A_498 : vector<16xi32> to vector<16xi32>
        %add3A_500 = arith.addi %get3A_499, %broadcast_in_dim3A : vector<16xi32>
        %swap3A_501 = arith.constant 256 : index
        %swap3A_502 = tpu.vector_load %arg8[%swap3A_501] {strides = array<i32>} : memref<432xi32, #tpu.memory_space<vmem>>, vector<16xi32>,
        %swap3A_503 = vector.shape_cast %swap3A_502 : vector<16xi32> to vector<16xi32>
        %swap3A_504 = vector.shape_cast %add3A_500 : vector<16xi32> to vector<16xi32>
        tpu.vector_store %arg8[%swap3A_501], %swap3A_504 {strides = array<i32>} : memref<432xi32, #tpu.memory_space<vmem>>, vector<16xi32>,
        %get3A_505 = arith.constant 272 : index
        %get3A_506 = tpu.vector_load %arg8[%get3A_505] {strides = array<i32>} : memref<432xi32, #tpu.memory_space<vmem>>, vector<16xi32>,
        %get3A_507 = vector.shape_cast %get3A_506 : vector<16xi32> to vector<16xi32>
        %add3A_508 = arith.addi %get3A_507, %broadcast_in_dim3A : vector<16xi32>
        %swap3A_509 = arith.constant 272 : index
        %swap3A_510 = tpu.vector_load %arg8[%swap3A_509] {strides = array<i32>} : memref<432xi32, #tpu.memory_space<vmem>>, vector<16xi32>,
        %swap3A_511 = vector.shape_cast %swap3A_510 : vector<16xi32> to vector<16xi32>
        %swap3A_512 = vector.shape_cast %add3A_508 : vector<16xi32> to vector<16xi32>
        tpu.vector_store %arg8[%swap3A_509], %swap3A_512 {strides = array<i32>} : memref<432xi32, #tpu.memory_space<vmem>>, vector<16xi32>,
        %get3A_513 = arith.constant 288 : index
        %get3A_514 = tpu.vector_load %arg8[%get3A_513] {strides = array<i32>} : memref<432xi32, #tpu.memory_space<vmem>>, vector<16xi32>,
        %get3A_515 = vector.shape_cast %get3A_514 : vector<16xi32> to vector<16xi32>
        %add3A_516 = arith.addi %get3A_515, %broadcast_in_dim3A : vector<16xi32>
        %swap3A_517 = arith.constant 288 : index
        %swap3A_518 = tpu.vector_load %arg8[%swap3A_517] {strides = array<i32>} : memref<432xi32, #tpu.memory_space<vmem>>, vector<16xi32>,
        %swap3A_519 = vector.shape_cast %swap3A_518 : vector<16xi32> to vector<16xi32>
        %swap3A_520 = vector.shape_cast %add3A_516 : vector<16xi32> to vector<16xi32>
        tpu.vector_store %arg8[%swap3A_517], %swap3A_520 {strides = array<i32>} : memref<432xi32, #tpu.memory_space<vmem>>, vector<16xi32>,
        %get3A_521 = arith.constant 304 : index
        %get3A_522 = tpu.vector_load %arg8[%get3A_521] {strides = array<i32>} : memref<432xi32, #tpu.memory_space<vmem>>, vector<16xi32>,
        %get3A_523 = vector.shape_cast %get3A_522 : vector<16xi32> to vector<16xi32>
        %add3A_524 = arith.addi %get3A_523, %broadcast_in_dim3A : vector<16xi32>
        %swap3A_525 = arith.constant 304 : index
        %swap3A_526 = tpu.vector_load %arg8[%swap3A_525] {strides = array<i32>} : memref<432xi32, #tpu.memory_space<vmem>>, vector<16xi32>,
        %swap3A_527 = vector.shape_cast %swap3A_526 : vector<16xi32> to vector<16xi32>
        %swap3A_528 = vector.shape_cast %add3A_524 : vector<16xi32> to vector<16xi32>
        tpu.vector_store %arg8[%swap3A_525], %swap3A_528 {strides = array<i32>} : memref<432xi32, #tpu.memory_space<vmem>>, vector<16xi32>,
        %get3A_529 = arith.constant 320 : index
        %get3A_530 = tpu.vector_load %arg8[%get3A_529] {strides = array<i32>} : memref<432xi32, #tpu.memory_space<vmem>>, vector<16xi32>,
        %get3A_531 = vector.shape_cast %get3A_530 : vector<16xi32> to vector<16xi32>
        %add3A_532 = arith.addi %get3A_531, %broadcast_in_dim3A : vector<16xi32>
        %swap3A_533 = arith.constant 320 : index
        %swap3A_534 = tpu.vector_load %arg8[%swap3A_533] {strides = array<i32>} : memref<432xi32, #tpu.memory_space<vmem>>, vector<16xi32>,
        %swap3A_535 = vector.shape_cast %swap3A_534 : vector<16xi32> to vector<16xi32>
        %swap3A_536 = vector.shape_cast %add3A_532 : vector<16xi32> to vector<16xi32>
        tpu.vector_store %arg8[%swap3A_533], %swap3A_536 {strides = array<i32>} : memref<432xi32, #tpu.memory_space<vmem>>, vector<16xi32>,
        %get3A_537 = arith.constant 336 : index
        %get3A_538 = tpu.vector_load %arg8[%get3A_537] {strides = array<i32>} : memref<432xi32, #tpu.memory_space<vmem>>, vector<16xi32>,
        %get3A_539 = vector.shape_cast %get3A_538 : vector<16xi32> to vector<16xi32>
        %add3A_540 = arith.addi %get3A_539, %broadcast_in_dim3A : vector<16xi32>
        %swap3A_541 = arith.constant 336 : index
        %swap3A_542 = tpu.vector_load %arg8[%swap3A_541] {strides = array<i32>} : memref<432xi32, #tpu.memory_space<vmem>>, vector<16xi32>,
        %swap3A_543 = vector.shape_cast %swap3A_542 : vector<16xi32> to vector<16xi32>
        %swap3A_544 = vector.shape_cast %add3A_540 : vector<16xi32> to vector<16xi32>
        tpu.vector_store %arg8[%swap3A_541], %swap3A_544 {strides = array<i32>} : memref<432xi32, #tpu.memory_space<vmem>>, vector<16xi32>,
        %get3A_545 = arith.constant 352 : index
        %get3A_546 = tpu.vector_load %arg8[%get3A_545] {strides = array<i32>} : memref<432xi32, #tpu.memory_space<vmem>>, vector<16xi32>,
        %get3A_547 = vector.shape_cast %get3A_546 : vector<16xi32> to vector<16xi32>
        %add3A_548 = arith.addi %get3A_547, %broadcast_in_dim3A : vector<16xi32>
        %swap3A_549 = arith.constant 352 : index
        %swap3A_550 = tpu.vector_load %arg8[%swap3A_549] {strides = array<i32>} : memref<432xi32, #tpu.memory_space<vmem>>, vector<16xi32>,
        %swap3A_551 = vector.shape_cast %swap3A_550 : vector<16xi32> to vector<16xi32>
        %swap3A_552 = vector.shape_cast %add3A_548 : vector<16xi32> to vector<16xi32>
        tpu.vector_store %arg8[%swap3A_549], %swap3A_552 {strides = array<i32>} : memref<432xi32, #tpu.memory_space<vmem>>, vector<16xi32>,
        %get3A_553 = arith.constant 368 : index
        %get3A_554 = tpu.vector_load %arg8[%get3A_553] {strides = array<i32>} : memref<432xi32, #tpu.memory_space<vmem>>, vector<16xi32>,
        %get3A_555 = vector.shape_cast %get3A_554 : vector<16xi32> to vector<16xi32>
        %add3A_556 = arith.addi %get3A_555, %broadcast_in_dim3A : vector<16xi32>
        %swap3A_557 = arith.constant 368 : index
        %swap3A_558 = tpu.vector_load %arg8[%swap3A_557] {strides = array<i32>} : memref<432xi32, #tpu.memory_space<vmem>>, vector<16xi32>,
        %swap3A_559 = vector.shape_cast %swap3A_558 : vector<16xi32> to vector<16xi32>
        %swap3A_560 = vector.shape_cast %add3A_556 : vector<16xi32> to vector<16xi32>
        tpu.vector_store %arg8[%swap3A_557], %swap3A_560 {strides = array<i32>} : memref<432xi32, #tpu.memory_space<vmem>>, vector<16xi32>,
        %get3A_561 = arith.constant 384 : index
        %get3A_562 = tpu.vector_load %arg8[%get3A_561] {strides = array<i32>} : memref<432xi32, #tpu.memory_space<vmem>>, vector<16xi32>,
        %get3A_563 = vector.shape_cast %get3A_562 : vector<16xi32> to vector<16xi32>
        %add3A_564 = arith.addi %get3A_563, %broadcast_in_dim3A : vector<16xi32>
        %swap3A_565 = arith.constant 384 : index
        %swap3A_566 = tpu.vector_load %arg8[%swap3A_565] {strides = array<i32>} : memref<432xi32, #tpu.memory_space<vmem>>, vector<16xi32>,
        %swap3A_567 = vector.shape_cast %swap3A_566 : vector<16xi32> to vector<16xi32>
        %swap3A_568 = vector.shape_cast %add3A_564 : vector<16xi32> to vector<16xi32>
        tpu.vector_store %arg8[%swap3A_565], %swap3A_568 {strides = array<i32>} : memref<432xi32, #tpu.memory_space<vmem>>, vector<16xi32>,
        %get3A_569 = arith.constant 400 : index
        %get3A_570 = tpu.vector_load %arg8[%get3A_569] {strides = array<i32>} : memref<432xi32, #tpu.memory_space<vmem>>, vector<16xi32>,
        %get3A_571 = vector.shape_cast %get3A_570 : vector<16xi32> to vector<16xi32>
        %add3A_572 = arith.addi %get3A_571, %broadcast_in_dim3A : vector<16xi32>
        %swap3A_573 = arith.constant 400 : index
        %swap3A_574 = tpu.vector_load %arg8[%swap3A_573] {strides = array<i32>} : memref<432xi32, #tpu.memory_space<vmem>>, vector<16xi32>,
        %swap3A_575 = vector.shape_cast %swap3A_574 : vector<16xi32> to vector<16xi32>
        %swap3A_576 = vector.shape_cast %add3A_572 : vector<16xi32> to vector<16xi32>
        tpu.vector_store %arg8[%swap3A_573], %swap3A_576 {strides = array<i32>} : memref<432xi32, #tpu.memory_space<vmem>>, vector<16xi32>,
        %get3A_577 = arith.constant 416 : index
        %get3A_578 = tpu.vector_load %arg8[%get3A_577] {strides = array<i32>} : memref<432xi32, #tpu.memory_space<vmem>>, vector<16xi32>,
        %get3A_579 = vector.shape_cast %get3A_578 : vector<16xi32> to vector<16xi32>
        %add3A_580 = arith.addi %get3A_579, %broadcast_in_dim3A : vector<16xi32>
        %swap3A_581 = arith.constant 416 : index
        %swap3A_582 = tpu.vector_load %arg8[%swap3A_581] {strides = array<i32>} : memref<432xi32, #tpu.memory_space<vmem>>, vector<16xi32>,
        %swap3A_583 = vector.shape_cast %swap3A_582 : vector<16xi32> to vector<16xi32>
        %swap3A_584 = vector.shape_cast %add3A_580 : vector<16xi32> to vector<16xi32>
        tpu.vector_store %arg8[%swap3A_581], %swap3A_584 {strides = array<i32>} : memref<432xi32, #tpu.memory_space<vmem>>, vector<16xi32>,
        %dma_start3A_585 = arith.constant 0 : i32
        %dma_start3A_586 = arith.constant 0 : i32
        %dma_start3A_587 = tpu.memref_slice %arg2[%dma_start3A_585, %dma_start3A_586] : memref<100000x32xf32, #tpu.memory_space<hbm>> -> memref<100000x32xf32, #tpu.memory_space<hbm>>
        tpu.enqueue_indirect_dma source(%dma_start3A_587 : memref<100000x32xf32, #tpu.memory_space<hbm>>) target(%arg14 : memref<432x32xf32, #tpu.memory_space<vmem>>) offsets(%arg8 : memref<432xi32, #tpu.memory_space<vmem>>) semaphore(%arg23 : memref<!tpu.dma_semaphore, #tpu.memory_space<semaphore_mem>>)
      } else {
      }
      %dma_wait3A_325 = arith.constant 0 : i32
      %dma_wait3A_326 = arith.constant 0 : i32
      %dma_wait3A_327 = tpu.memref_slice %arg2[%dma_wait3A_325, %dma_wait3A_326] : memref<100000x32xf32, #tpu.memory_space<hbm>> -> memref<100000x32xf32, #tpu.memory_space<hbm>>
      tpu.wait_indirect_dma semaphore(%arg22 : memref<!tpu.dma_semaphore, #tpu.memory_space<semaphore_mem>>) src(%dma_wait3A_327 : memref<100000x32xf32, #tpu.memory_space<hbm>>) dst(%arg13 : memref<432x32xf32, #tpu.memory_space<vmem>>)
      %dma_start3A_328 = arith.constant 0 : i32
      %dma_start3A_329 = arith.constant 0 : i32
      %dma_start3A_330 = tpu.memref_slice %arg15[%dma_start3A_328, %dma_start3A_329] : memref<50048x32xf32, #tpu.memory_space<vmem_shared>> -> memref<50048x32xf32, #tpu.memory_space<vmem_shared>>
      tpu.enqueue_indirect_dma source(%arg13 : memref<432x32xf32, #tpu.memory_space<vmem>>) target(%dma_start3A_330 : memref<50048x32xf32, #tpu.memory_space<vmem_shared>>) offsets(%arg11 : memref<432xi32, #tpu.memory_space<vmem>>) semaphore(%arg24 : memref<!tpu.dma_semaphore, #tpu.memory_space<semaphore_mem>>) {add = true}
      %lt3A_331 = arith.constant 114 : i32
      %lt3A_332 = arith.cmpi slt, %add3A_314, %lt3A_331 : i32
      %convert_element_type3A_333 = arith.extui %lt3A_332 : i1 to i32
      %cond3A_334 = arith.constant 0 : i32
      %cond3A_335 = arith.cmpi ne, %convert_element_type3A_333, %cond3A_334 : i32
      scf.if %cond3A_335 {
        %add3A_361 = arith.constant 2 : i32
        %add3A_362 = arith.addi %add3A_314, %add3A_361 : i32
        %mul3A_363 = arith.constant 432 : i32
        %mul3A_364 = arith.muli %add3A_362, %mul3A_363 : i32
        %add3A_365 = arith.addi %mul3A_0, %mul3A_364 : i32
        %dma_start3A_366 = tpu.memref_slice %arg3[%add3A_365] : memref<801792xi32, #tpu.memory_space<hbm>> -> memref<432xi32, #tpu.memory_space<hbm>>
        %dma_start3A_367 = tpu.memref_slice %arg3[%add3A_365] : memref<801792xi32, #tpu.memory_space<hbm>> -> memref<432xi32, #tpu.memory_space<hbm>>
        tpu.enqueue_dma source(%dma_start3A_367 : memref<432xi32, #tpu.memory_space<hbm>>) target(%arg7 : memref<432xi32, #tpu.memory_space<vmem>>) target_semaphore(%arg16 : memref<!tpu.dma_semaphore, #tpu.memory_space<semaphore_mem>>)
        %mul3A_368 = arith.constant 432 : i32
        %mul3A_369 = arith.muli %add3A_362, %mul3A_368 : i32
        %add3A_370 = arith.addi %mul3A_0, %mul3A_369 : i32
        %dma_start3A_371 = tpu.memref_slice %arg4[%add3A_370] : memref<801792xi32, #tpu.memory_space<hbm>> -> memref<432xi32, #tpu.memory_space<hbm>>
        %dma_start3A_372 = tpu.memref_slice %arg4[%add3A_370] : memref<801792xi32, #tpu.memory_space<hbm>> -> memref<432xi32, #tpu.memory_space<hbm>>
        tpu.enqueue_dma source(%dma_start3A_372 : memref<432xi32, #tpu.memory_space<hbm>>) target(%arg9 : memref<432xi32, #tpu.memory_space<vmem>>) target_semaphore(%arg18 : memref<!tpu.dma_semaphore, #tpu.memory_space<semaphore_mem>>)
      } else {
      }
      %mul3A_336 = arith.constant 4 : i32
      %mul3A_337 = arith.muli %mul3A_336, %scan3A_261 : i32
      %add3A_338 = arith.constant 3 : i32
      %add3A_339 = arith.addi %mul3A_337, %add3A_338 : i32
      %ge3A_340 = arith.constant 1 : i32
      %ge3A_341 = arith.cmpi sge, %add3A_339, %ge3A_340 : i32
      %convert_element_type3A_342 = arith.extui %ge3A_341 : i1 to i32
      %cond3A_343 = arith.constant 0 : i32
      %cond3A_344 = arith.cmpi ne, %convert_element_type3A_342, %cond3A_343 : i32
      scf.if %cond3A_344 {
        %dma_wait3A_361 = arith.constant 0 : i32
        %dma_wait3A_362 = arith.constant 0 : i32
        %dma_wait3A_363 = tpu.memref_slice %arg15[%dma_wait3A_361, %dma_wait3A_362] : memref<50048x32xf32, #tpu.memory_space<vmem_shared>> -> memref<50048x32xf32, #tpu.memory_space<vmem_shared>>
        tpu.wait_indirect_dma semaphore(%arg24 : memref<!tpu.dma_semaphore, #tpu.memory_space<semaphore_mem>>) src(%arg13 : memref<432x32xf32, #tpu.memory_space<vmem>>) dst(%dma_wait3A_363 : memref<50048x32xf32, #tpu.memory_space<vmem_shared>>)
      } else {
      }
      %lt3A_345 = arith.constant 115 : i32
      %lt3A_346 = arith.cmpi slt, %add3A_339, %lt3A_345 : i32
      %convert_element_type3A_347 = arith.extui %lt3A_346 : i1 to i32
      %cond3A_348 = arith.constant 0 : i32
      %cond3A_349 = arith.cmpi ne, %convert_element_type3A_347, %cond3A_348 : i32
      scf.if %cond3A_349 {
        %dma_wait3A_361 = arith.constant 0 : i32
        %dma_wait3A_362 = tpu.memref_slice %arg3[%dma_wait3A_361] : memref<801792xi32, #tpu.memory_space<hbm>> -> memref<432xi32, #tpu.memory_space<hbm>>
        %dma_wait3A_363 = arith.constant 0 : i32
        %dma_wait3A_364 = tpu.memref_slice %arg3[%dma_wait3A_363] : memref<801792xi32, #tpu.memory_space<hbm>> -> memref<432xi32, #tpu.memory_space<hbm>>
        tpu.wait_dma2 semaphore(%arg16 : memref<!tpu.dma_semaphore, #tpu.memory_space<semaphore_mem>>) src(%dma_wait3A_364 : memref<432xi32, #tpu.memory_space<hbm>>) dst(%arg7 : memref<432xi32, #tpu.memory_space<vmem>>)
        %dma_wait3A_365 = arith.constant 0 : i32
        %dma_wait3A_366 = tpu.memref_slice %arg4[%dma_wait3A_365] : memref<801792xi32, #tpu.memory_space<hbm>> -> memref<432xi32, #tpu.memory_space<hbm>>
        %dma_wait3A_367 = arith.constant 0 : i32
        %dma_wait3A_368 = tpu.memref_slice %arg4[%dma_wait3A_367] : memref<801792xi32, #tpu.memory_space<hbm>> -> memref<432xi32, #tpu.memory_space<hbm>>
        tpu.wait_dma2 semaphore(%arg18 : memref<!tpu.dma_semaphore, #tpu.memory_space<semaphore_mem>>) src(%dma_wait3A_368 : memref<432xi32, #tpu.memory_space<hbm>>) dst(%arg9 : memref<432xi32, #tpu.memory_space<vmem>>)
        %get3A_369 = arith.constant 0 : index
        %get3A_370 = tpu.vector_load %arg7[%get3A_369] {strides = array<i32>} : memref<432xi32, #tpu.memory_space<vmem>>, vector<16xi32>,
        %get3A_371 = vector.shape_cast %get3A_370 : vector<16xi32> to vector<16xi32>
        %add3A_372 = arith.addi %get3A_371, %broadcast_in_dim3A : vector<16xi32>
        %swap3A_373 = arith.constant 0 : index
        %swap3A_374 = tpu.vector_load %arg7[%swap3A_373] {strides = array<i32>} : memref<432xi32, #tpu.memory_space<vmem>>, vector<16xi32>,
        %swap3A_375 = vector.shape_cast %swap3A_374 : vector<16xi32> to vector<16xi32>
        %swap3A_376 = vector.shape_cast %add3A_372 : vector<16xi32> to vector<16xi32>
        tpu.vector_store %arg7[%swap3A_373], %swap3A_376 {strides = array<i32>} : memref<432xi32, #tpu.memory_space<vmem>>, vector<16xi32>,
        %get3A_377 = arith.constant 16 : index
        %get3A_378 = tpu.vector_load %arg7[%get3A_377] {strides = array<i32>} : memref<432xi32, #tpu.memory_space<vmem>>, vector<16xi32>,
        %get3A_379 = vector.shape_cast %get3A_378 : vector<16xi32> to vector<16xi32>
        %add3A_380 = arith.addi %get3A_379, %broadcast_in_dim3A : vector<16xi32>
        %swap3A_381 = arith.constant 16 : index
        %swap3A_382 = tpu.vector_load %arg7[%swap3A_381] {strides = array<i32>} : memref<432xi32, #tpu.memory_space<vmem>>, vector<16xi32>,
        %swap3A_383 = vector.shape_cast %swap3A_382 : vector<16xi32> to vector<16xi32>
        %swap3A_384 = vector.shape_cast %add3A_380 : vector<16xi32> to vector<16xi32>
        tpu.vector_store %arg7[%swap3A_381], %swap3A_384 {strides = array<i32>} : memref<432xi32, #tpu.memory_space<vmem>>, vector<16xi32>,
        %get3A_385 = arith.constant 32 : index
        %get3A_386 = tpu.vector_load %arg7[%get3A_385] {strides = array<i32>} : memref<432xi32, #tpu.memory_space<vmem>>, vector<16xi32>,
        %get3A_387 = vector.shape_cast %get3A_386 : vector<16xi32> to vector<16xi32>
        %add3A_388 = arith.addi %get3A_387, %broadcast_in_dim3A : vector<16xi32>
        %swap3A_389 = arith.constant 32 : index
        %swap3A_390 = tpu.vector_load %arg7[%swap3A_389] {strides = array<i32>} : memref<432xi32, #tpu.memory_space<vmem>>, vector<16xi32>,
        %swap3A_391 = vector.shape_cast %swap3A_390 : vector<16xi32> to vector<16xi32>
        %swap3A_392 = vector.shape_cast %add3A_388 : vector<16xi32> to vector<16xi32>
        tpu.vector_store %arg7[%swap3A_389], %swap3A_392 {strides = array<i32>} : memref<432xi32, #tpu.memory_space<vmem>>, vector<16xi32>,
        %get3A_393 = arith.constant 48 : index
        %get3A_394 = tpu.vector_load %arg7[%get3A_393] {strides = array<i32>} : memref<432xi32, #tpu.memory_space<vmem>>, vector<16xi32>,
        %get3A_395 = vector.shape_cast %get3A_394 : vector<16xi32> to vector<16xi32>
        %add3A_396 = arith.addi %get3A_395, %broadcast_in_dim3A : vector<16xi32>
        %swap3A_397 = arith.constant 48 : index
        %swap3A_398 = tpu.vector_load %arg7[%swap3A_397] {strides = array<i32>} : memref<432xi32, #tpu.memory_space<vmem>>, vector<16xi32>,
        %swap3A_399 = vector.shape_cast %swap3A_398 : vector<16xi32> to vector<16xi32>
        %swap3A_400 = vector.shape_cast %add3A_396 : vector<16xi32> to vector<16xi32>
        tpu.vector_store %arg7[%swap3A_397], %swap3A_400 {strides = array<i32>} : memref<432xi32, #tpu.memory_space<vmem>>, vector<16xi32>,
        %get3A_401 = arith.constant 64 : index
        %get3A_402 = tpu.vector_load %arg7[%get3A_401] {strides = array<i32>} : memref<432xi32, #tpu.memory_space<vmem>>, vector<16xi32>,
        %get3A_403 = vector.shape_cast %get3A_402 : vector<16xi32> to vector<16xi32>
        %add3A_404 = arith.addi %get3A_403, %broadcast_in_dim3A : vector<16xi32>
        %swap3A_405 = arith.constant 64 : index
        %swap3A_406 = tpu.vector_load %arg7[%swap3A_405] {strides = array<i32>} : memref<432xi32, #tpu.memory_space<vmem>>, vector<16xi32>,
        %swap3A_407 = vector.shape_cast %swap3A_406 : vector<16xi32> to vector<16xi32>
        %swap3A_408 = vector.shape_cast %add3A_404 : vector<16xi32> to vector<16xi32>
        tpu.vector_store %arg7[%swap3A_405], %swap3A_408 {strides = array<i32>} : memref<432xi32, #tpu.memory_space<vmem>>, vector<16xi32>,
        %get3A_409 = arith.constant 80 : index
        %get3A_410 = tpu.vector_load %arg7[%get3A_409] {strides = array<i32>} : memref<432xi32, #tpu.memory_space<vmem>>, vector<16xi32>,
        %get3A_411 = vector.shape_cast %get3A_410 : vector<16xi32> to vector<16xi32>
        %add3A_412 = arith.addi %get3A_411, %broadcast_in_dim3A : vector<16xi32>
        %swap3A_413 = arith.constant 80 : index
        %swap3A_414 = tpu.vector_load %arg7[%swap3A_413] {strides = array<i32>} : memref<432xi32, #tpu.memory_space<vmem>>, vector<16xi32>,
        %swap3A_415 = vector.shape_cast %swap3A_414 : vector<16xi32> to vector<16xi32>
        %swap3A_416 = vector.shape_cast %add3A_412 : vector<16xi32> to vector<16xi32>
        tpu.vector_store %arg7[%swap3A_413], %swap3A_416 {strides = array<i32>} : memref<432xi32, #tpu.memory_space<vmem>>, vector<16xi32>,
        %get3A_417 = arith.constant 96 : index
        %get3A_418 = tpu.vector_load %arg7[%get3A_417] {strides = array<i32>} : memref<432xi32, #tpu.memory_space<vmem>>, vector<16xi32>,
        %get3A_419 = vector.shape_cast %get3A_418 : vector<16xi32> to vector<16xi32>
        %add3A_420 = arith.addi %get3A_419, %broadcast_in_dim3A : vector<16xi32>
        %swap3A_421 = arith.constant 96 : index
        %swap3A_422 = tpu.vector_load %arg7[%swap3A_421] {strides = array<i32>} : memref<432xi32, #tpu.memory_space<vmem>>, vector<16xi32>,
        %swap3A_423 = vector.shape_cast %swap3A_422 : vector<16xi32> to vector<16xi32>
        %swap3A_424 = vector.shape_cast %add3A_420 : vector<16xi32> to vector<16xi32>
        tpu.vector_store %arg7[%swap3A_421], %swap3A_424 {strides = array<i32>} : memref<432xi32, #tpu.memory_space<vmem>>, vector<16xi32>,
        %get3A_425 = arith.constant 112 : index
        %get3A_426 = tpu.vector_load %arg7[%get3A_425] {strides = array<i32>} : memref<432xi32, #tpu.memory_space<vmem>>, vector<16xi32>,
        %get3A_427 = vector.shape_cast %get3A_426 : vector<16xi32> to vector<16xi32>
        %add3A_428 = arith.addi %get3A_427, %broadcast_in_dim3A : vector<16xi32>
        %swap3A_429 = arith.constant 112 : index
        %swap3A_430 = tpu.vector_load %arg7[%swap3A_429] {strides = array<i32>} : memref<432xi32, #tpu.memory_space<vmem>>, vector<16xi32>,
        %swap3A_431 = vector.shape_cast %swap3A_430 : vector<16xi32> to vector<16xi32>
        %swap3A_432 = vector.shape_cast %add3A_428 : vector<16xi32> to vector<16xi32>
        tpu.vector_store %arg7[%swap3A_429], %swap3A_432 {strides = array<i32>} : memref<432xi32, #tpu.memory_space<vmem>>, vector<16xi32>,
        %get3A_433 = arith.constant 128 : index
        %get3A_434 = tpu.vector_load %arg7[%get3A_433] {strides = array<i32>} : memref<432xi32, #tpu.memory_space<vmem>>, vector<16xi32>,
        %get3A_435 = vector.shape_cast %get3A_434 : vector<16xi32> to vector<16xi32>
        %add3A_436 = arith.addi %get3A_435, %broadcast_in_dim3A : vector<16xi32>
        %swap3A_437 = arith.constant 128 : index
        %swap3A_438 = tpu.vector_load %arg7[%swap3A_437] {strides = array<i32>} : memref<432xi32, #tpu.memory_space<vmem>>, vector<16xi32>,
        %swap3A_439 = vector.shape_cast %swap3A_438 : vector<16xi32> to vector<16xi32>
        %swap3A_440 = vector.shape_cast %add3A_436 : vector<16xi32> to vector<16xi32>
        tpu.vector_store %arg7[%swap3A_437], %swap3A_440 {strides = array<i32>} : memref<432xi32, #tpu.memory_space<vmem>>, vector<16xi32>,
        %get3A_441 = arith.constant 144 : index
        %get3A_442 = tpu.vector_load %arg7[%get3A_441] {strides = array<i32>} : memref<432xi32, #tpu.memory_space<vmem>>, vector<16xi32>,
        %get3A_443 = vector.shape_cast %get3A_442 : vector<16xi32> to vector<16xi32>
        %add3A_444 = arith.addi %get3A_443, %broadcast_in_dim3A : vector<16xi32>
        %swap3A_445 = arith.constant 144 : index
        %swap3A_446 = tpu.vector_load %arg7[%swap3A_445] {strides = array<i32>} : memref<432xi32, #tpu.memory_space<vmem>>, vector<16xi32>,
        %swap3A_447 = vector.shape_cast %swap3A_446 : vector<16xi32> to vector<16xi32>
        %swap3A_448 = vector.shape_cast %add3A_444 : vector<16xi32> to vector<16xi32>
        tpu.vector_store %arg7[%swap3A_445], %swap3A_448 {strides = array<i32>} : memref<432xi32, #tpu.memory_space<vmem>>, vector<16xi32>,
        %get3A_449 = arith.constant 160 : index
        %get3A_450 = tpu.vector_load %arg7[%get3A_449] {strides = array<i32>} : memref<432xi32, #tpu.memory_space<vmem>>, vector<16xi32>,
        %get3A_451 = vector.shape_cast %get3A_450 : vector<16xi32> to vector<16xi32>
        %add3A_452 = arith.addi %get3A_451, %broadcast_in_dim3A : vector<16xi32>
        %swap3A_453 = arith.constant 160 : index
        %swap3A_454 = tpu.vector_load %arg7[%swap3A_453] {strides = array<i32>} : memref<432xi32, #tpu.memory_space<vmem>>, vector<16xi32>,
        %swap3A_455 = vector.shape_cast %swap3A_454 : vector<16xi32> to vector<16xi32>
        %swap3A_456 = vector.shape_cast %add3A_452 : vector<16xi32> to vector<16xi32>
        tpu.vector_store %arg7[%swap3A_453], %swap3A_456 {strides = array<i32>} : memref<432xi32, #tpu.memory_space<vmem>>, vector<16xi32>,
        %get3A_457 = arith.constant 176 : index
        %get3A_458 = tpu.vector_load %arg7[%get3A_457] {strides = array<i32>} : memref<432xi32, #tpu.memory_space<vmem>>, vector<16xi32>,
        %get3A_459 = vector.shape_cast %get3A_458 : vector<16xi32> to vector<16xi32>
        %add3A_460 = arith.addi %get3A_459, %broadcast_in_dim3A : vector<16xi32>
        %swap3A_461 = arith.constant 176 : index
        %swap3A_462 = tpu.vector_load %arg7[%swap3A_461] {strides = array<i32>} : memref<432xi32, #tpu.memory_space<vmem>>, vector<16xi32>,
        %swap3A_463 = vector.shape_cast %swap3A_462 : vector<16xi32> to vector<16xi32>
        %swap3A_464 = vector.shape_cast %add3A_460 : vector<16xi32> to vector<16xi32>
        tpu.vector_store %arg7[%swap3A_461], %swap3A_464 {strides = array<i32>} : memref<432xi32, #tpu.memory_space<vmem>>, vector<16xi32>,
        %get3A_465 = arith.constant 192 : index
        %get3A_466 = tpu.vector_load %arg7[%get3A_465] {strides = array<i32>} : memref<432xi32, #tpu.memory_space<vmem>>, vector<16xi32>,
        %get3A_467 = vector.shape_cast %get3A_466 : vector<16xi32> to vector<16xi32>
        %add3A_468 = arith.addi %get3A_467, %broadcast_in_dim3A : vector<16xi32>
        %swap3A_469 = arith.constant 192 : index
        %swap3A_470 = tpu.vector_load %arg7[%swap3A_469] {strides = array<i32>} : memref<432xi32, #tpu.memory_space<vmem>>, vector<16xi32>,
        %swap3A_471 = vector.shape_cast %swap3A_470 : vector<16xi32> to vector<16xi32>
        %swap3A_472 = vector.shape_cast %add3A_468 : vector<16xi32> to vector<16xi32>
        tpu.vector_store %arg7[%swap3A_469], %swap3A_472 {strides = array<i32>} : memref<432xi32, #tpu.memory_space<vmem>>, vector<16xi32>,
        %get3A_473 = arith.constant 208 : index
        %get3A_474 = tpu.vector_load %arg7[%get3A_473] {strides = array<i32>} : memref<432xi32, #tpu.memory_space<vmem>>, vector<16xi32>,
        %get3A_475 = vector.shape_cast %get3A_474 : vector<16xi32> to vector<16xi32>
        %add3A_476 = arith.addi %get3A_475, %broadcast_in_dim3A : vector<16xi32>
        %swap3A_477 = arith.constant 208 : index
        %swap3A_478 = tpu.vector_load %arg7[%swap3A_477] {strides = array<i32>} : memref<432xi32, #tpu.memory_space<vmem>>, vector<16xi32>,
        %swap3A_479 = vector.shape_cast %swap3A_478 : vector<16xi32> to vector<16xi32>
        %swap3A_480 = vector.shape_cast %add3A_476 : vector<16xi32> to vector<16xi32>
        tpu.vector_store %arg7[%swap3A_477], %swap3A_480 {strides = array<i32>} : memref<432xi32, #tpu.memory_space<vmem>>, vector<16xi32>,
        %get3A_481 = arith.constant 224 : index
        %get3A_482 = tpu.vector_load %arg7[%get3A_481] {strides = array<i32>} : memref<432xi32, #tpu.memory_space<vmem>>, vector<16xi32>,
        %get3A_483 = vector.shape_cast %get3A_482 : vector<16xi32> to vector<16xi32>
        %add3A_484 = arith.addi %get3A_483, %broadcast_in_dim3A : vector<16xi32>
        %swap3A_485 = arith.constant 224 : index
        %swap3A_486 = tpu.vector_load %arg7[%swap3A_485] {strides = array<i32>} : memref<432xi32, #tpu.memory_space<vmem>>, vector<16xi32>,
        %swap3A_487 = vector.shape_cast %swap3A_486 : vector<16xi32> to vector<16xi32>
        %swap3A_488 = vector.shape_cast %add3A_484 : vector<16xi32> to vector<16xi32>
        tpu.vector_store %arg7[%swap3A_485], %swap3A_488 {strides = array<i32>} : memref<432xi32, #tpu.memory_space<vmem>>, vector<16xi32>,
        %get3A_489 = arith.constant 240 : index
        %get3A_490 = tpu.vector_load %arg7[%get3A_489] {strides = array<i32>} : memref<432xi32, #tpu.memory_space<vmem>>, vector<16xi32>,
        %get3A_491 = vector.shape_cast %get3A_490 : vector<16xi32> to vector<16xi32>
        %add3A_492 = arith.addi %get3A_491, %broadcast_in_dim3A : vector<16xi32>
        %swap3A_493 = arith.constant 240 : index
        %swap3A_494 = tpu.vector_load %arg7[%swap3A_493] {strides = array<i32>} : memref<432xi32, #tpu.memory_space<vmem>>, vector<16xi32>,
        %swap3A_495 = vector.shape_cast %swap3A_494 : vector<16xi32> to vector<16xi32>
        %swap3A_496 = vector.shape_cast %add3A_492 : vector<16xi32> to vector<16xi32>
        tpu.vector_store %arg7[%swap3A_493], %swap3A_496 {strides = array<i32>} : memref<432xi32, #tpu.memory_space<vmem>>, vector<16xi32>,
        %get3A_497 = arith.constant 256 : index
        %get3A_498 = tpu.vector_load %arg7[%get3A_497] {strides = array<i32>} : memref<432xi32, #tpu.memory_space<vmem>>, vector<16xi32>,
        %get3A_499 = vector.shape_cast %get3A_498 : vector<16xi32> to vector<16xi32>
        %add3A_500 = arith.addi %get3A_499, %broadcast_in_dim3A : vector<16xi32>
        %swap3A_501 = arith.constant 256 : index
        %swap3A_502 = tpu.vector_load %arg7[%swap3A_501] {strides = array<i32>} : memref<432xi32, #tpu.memory_space<vmem>>, vector<16xi32>,
        %swap3A_503 = vector.shape_cast %swap3A_502 : vector<16xi32> to vector<16xi32>
        %swap3A_504 = vector.shape_cast %add3A_500 : vector<16xi32> to vector<16xi32>
        tpu.vector_store %arg7[%swap3A_501], %swap3A_504 {strides = array<i32>} : memref<432xi32, #tpu.memory_space<vmem>>, vector<16xi32>,
        %get3A_505 = arith.constant 272 : index
        %get3A_506 = tpu.vector_load %arg7[%get3A_505] {strides = array<i32>} : memref<432xi32, #tpu.memory_space<vmem>>, vector<16xi32>,
        %get3A_507 = vector.shape_cast %get3A_506 : vector<16xi32> to vector<16xi32>
        %add3A_508 = arith.addi %get3A_507, %broadcast_in_dim3A : vector<16xi32>
        %swap3A_509 = arith.constant 272 : index
        %swap3A_510 = tpu.vector_load %arg7[%swap3A_509] {strides = array<i32>} : memref<432xi32, #tpu.memory_space<vmem>>, vector<16xi32>,
        %swap3A_511 = vector.shape_cast %swap3A_510 : vector<16xi32> to vector<16xi32>
        %swap3A_512 = vector.shape_cast %add3A_508 : vector<16xi32> to vector<16xi32>
        tpu.vector_store %arg7[%swap3A_509], %swap3A_512 {strides = array<i32>} : memref<432xi32, #tpu.memory_space<vmem>>, vector<16xi32>,
        %get3A_513 = arith.constant 288 : index
        %get3A_514 = tpu.vector_load %arg7[%get3A_513] {strides = array<i32>} : memref<432xi32, #tpu.memory_space<vmem>>, vector<16xi32>,
        %get3A_515 = vector.shape_cast %get3A_514 : vector<16xi32> to vector<16xi32>
        %add3A_516 = arith.addi %get3A_515, %broadcast_in_dim3A : vector<16xi32>
        %swap3A_517 = arith.constant 288 : index
        %swap3A_518 = tpu.vector_load %arg7[%swap3A_517] {strides = array<i32>} : memref<432xi32, #tpu.memory_space<vmem>>, vector<16xi32>,
        %swap3A_519 = vector.shape_cast %swap3A_518 : vector<16xi32> to vector<16xi32>
        %swap3A_520 = vector.shape_cast %add3A_516 : vector<16xi32> to vector<16xi32>
        tpu.vector_store %arg7[%swap3A_517], %swap3A_520 {strides = array<i32>} : memref<432xi32, #tpu.memory_space<vmem>>, vector<16xi32>,
        %get3A_521 = arith.constant 304 : index
        %get3A_522 = tpu.vector_load %arg7[%get3A_521] {strides = array<i32>} : memref<432xi32, #tpu.memory_space<vmem>>, vector<16xi32>,
        %get3A_523 = vector.shape_cast %get3A_522 : vector<16xi32> to vector<16xi32>
        %add3A_524 = arith.addi %get3A_523, %broadcast_in_dim3A : vector<16xi32>
        %swap3A_525 = arith.constant 304 : index
        %swap3A_526 = tpu.vector_load %arg7[%swap3A_525] {strides = array<i32>} : memref<432xi32, #tpu.memory_space<vmem>>, vector<16xi32>,
        %swap3A_527 = vector.shape_cast %swap3A_526 : vector<16xi32> to vector<16xi32>
        %swap3A_528 = vector.shape_cast %add3A_524 : vector<16xi32> to vector<16xi32>
        tpu.vector_store %arg7[%swap3A_525], %swap3A_528 {strides = array<i32>} : memref<432xi32, #tpu.memory_space<vmem>>, vector<16xi32>,
        %get3A_529 = arith.constant 320 : index
        %get3A_530 = tpu.vector_load %arg7[%get3A_529] {strides = array<i32>} : memref<432xi32, #tpu.memory_space<vmem>>, vector<16xi32>,
        %get3A_531 = vector.shape_cast %get3A_530 : vector<16xi32> to vector<16xi32>
        %add3A_532 = arith.addi %get3A_531, %broadcast_in_dim3A : vector<16xi32>
        %swap3A_533 = arith.constant 320 : index
        %swap3A_534 = tpu.vector_load %arg7[%swap3A_533] {strides = array<i32>} : memref<432xi32, #tpu.memory_space<vmem>>, vector<16xi32>,
        %swap3A_535 = vector.shape_cast %swap3A_534 : vector<16xi32> to vector<16xi32>
        %swap3A_536 = vector.shape_cast %add3A_532 : vector<16xi32> to vector<16xi32>
        tpu.vector_store %arg7[%swap3A_533], %swap3A_536 {strides = array<i32>} : memref<432xi32, #tpu.memory_space<vmem>>, vector<16xi32>,
        %get3A_537 = arith.constant 336 : index
        %get3A_538 = tpu.vector_load %arg7[%get3A_537] {strides = array<i32>} : memref<432xi32, #tpu.memory_space<vmem>>, vector<16xi32>,
        %get3A_539 = vector.shape_cast %get3A_538 : vector<16xi32> to vector<16xi32>
        %add3A_540 = arith.addi %get3A_539, %broadcast_in_dim3A : vector<16xi32>
        %swap3A_541 = arith.constant 336 : index
        %swap3A_542 = tpu.vector_load %arg7[%swap3A_541] {strides = array<i32>} : memref<432xi32, #tpu.memory_space<vmem>>, vector<16xi32>,
        %swap3A_543 = vector.shape_cast %swap3A_542 : vector<16xi32> to vector<16xi32>
        %swap3A_544 = vector.shape_cast %add3A_540 : vector<16xi32> to vector<16xi32>
        tpu.vector_store %arg7[%swap3A_541], %swap3A_544 {strides = array<i32>} : memref<432xi32, #tpu.memory_space<vmem>>, vector<16xi32>,
        %get3A_545 = arith.constant 352 : index
        %get3A_546 = tpu.vector_load %arg7[%get3A_545] {strides = array<i32>} : memref<432xi32, #tpu.memory_space<vmem>>, vector<16xi32>,
        %get3A_547 = vector.shape_cast %get3A_546 : vector<16xi32> to vector<16xi32>
        %add3A_548 = arith.addi %get3A_547, %broadcast_in_dim3A : vector<16xi32>
        %swap3A_549 = arith.constant 352 : index
        %swap3A_550 = tpu.vector_load %arg7[%swap3A_549] {strides = array<i32>} : memref<432xi32, #tpu.memory_space<vmem>>, vector<16xi32>,
        %swap3A_551 = vector.shape_cast %swap3A_550 : vector<16xi32> to vector<16xi32>
        %swap3A_552 = vector.shape_cast %add3A_548 : vector<16xi32> to vector<16xi32>
        tpu.vector_store %arg7[%swap3A_549], %swap3A_552 {strides = array<i32>} : memref<432xi32, #tpu.memory_space<vmem>>, vector<16xi32>,
        %get3A_553 = arith.constant 368 : index
        %get3A_554 = tpu.vector_load %arg7[%get3A_553] {strides = array<i32>} : memref<432xi32, #tpu.memory_space<vmem>>, vector<16xi32>,
        %get3A_555 = vector.shape_cast %get3A_554 : vector<16xi32> to vector<16xi32>
        %add3A_556 = arith.addi %get3A_555, %broadcast_in_dim3A : vector<16xi32>
        %swap3A_557 = arith.constant 368 : index
        %swap3A_558 = tpu.vector_load %arg7[%swap3A_557] {strides = array<i32>} : memref<432xi32, #tpu.memory_space<vmem>>, vector<16xi32>,
        %swap3A_559 = vector.shape_cast %swap3A_558 : vector<16xi32> to vector<16xi32>
        %swap3A_560 = vector.shape_cast %add3A_556 : vector<16xi32> to vector<16xi32>
        tpu.vector_store %arg7[%swap3A_557], %swap3A_560 {strides = array<i32>} : memref<432xi32, #tpu.memory_space<vmem>>, vector<16xi32>,
        %get3A_561 = arith.constant 384 : index
        %get3A_562 = tpu.vector_load %arg7[%get3A_561] {strides = array<i32>} : memref<432xi32, #tpu.memory_space<vmem>>, vector<16xi32>,
        %get3A_563 = vector.shape_cast %get3A_562 : vector<16xi32> to vector<16xi32>
        %add3A_564 = arith.addi %get3A_563, %broadcast_in_dim3A : vector<16xi32>
        %swap3A_565 = arith.constant 384 : index
        %swap3A_566 = tpu.vector_load %arg7[%swap3A_565] {strides = array<i32>} : memref<432xi32, #tpu.memory_space<vmem>>, vector<16xi32>,
        %swap3A_567 = vector.shape_cast %swap3A_566 : vector<16xi32> to vector<16xi32>
        %swap3A_568 = vector.shape_cast %add3A_564 : vector<16xi32> to vector<16xi32>
        tpu.vector_store %arg7[%swap3A_565], %swap3A_568 {strides = array<i32>} : memref<432xi32, #tpu.memory_space<vmem>>, vector<16xi32>,
        %get3A_569 = arith.constant 400 : index
        %get3A_570 = tpu.vector_load %arg7[%get3A_569] {strides = array<i32>} : memref<432xi32, #tpu.memory_space<vmem>>, vector<16xi32>,
        %get3A_571 = vector.shape_cast %get3A_570 : vector<16xi32> to vector<16xi32>
        %add3A_572 = arith.addi %get3A_571, %broadcast_in_dim3A : vector<16xi32>
        %swap3A_573 = arith.constant 400 : index
        %swap3A_574 = tpu.vector_load %arg7[%swap3A_573] {strides = array<i32>} : memref<432xi32, #tpu.memory_space<vmem>>, vector<16xi32>,
        %swap3A_575 = vector.shape_cast %swap3A_574 : vector<16xi32> to vector<16xi32>
        %swap3A_576 = vector.shape_cast %add3A_572 : vector<16xi32> to vector<16xi32>
        tpu.vector_store %arg7[%swap3A_573], %swap3A_576 {strides = array<i32>} : memref<432xi32, #tpu.memory_space<vmem>>, vector<16xi32>,
        %get3A_577 = arith.constant 416 : index
        %get3A_578 = tpu.vector_load %arg7[%get3A_577] {strides = array<i32>} : memref<432xi32, #tpu.memory_space<vmem>>, vector<16xi32>,
        %get3A_579 = vector.shape_cast %get3A_578 : vector<16xi32> to vector<16xi32>
        %add3A_580 = arith.addi %get3A_579, %broadcast_in_dim3A : vector<16xi32>
        %swap3A_581 = arith.constant 416 : index
        %swap3A_582 = tpu.vector_load %arg7[%swap3A_581] {strides = array<i32>} : memref<432xi32, #tpu.memory_space<vmem>>, vector<16xi32>,
        %swap3A_583 = vector.shape_cast %swap3A_582 : vector<16xi32> to vector<16xi32>
        %swap3A_584 = vector.shape_cast %add3A_580 : vector<16xi32> to vector<16xi32>
        tpu.vector_store %arg7[%swap3A_581], %swap3A_584 {strides = array<i32>} : memref<432xi32, #tpu.memory_space<vmem>>, vector<16xi32>,
        %dma_start3A_585 = arith.constant 0 : i32
        %dma_start3A_586 = arith.constant 0 : i32
        %dma_start3A_587 = tpu.memref_slice %arg2[%dma_start3A_585, %dma_start3A_586] : memref<100000x32xf32, #tpu.memory_space<hbm>> -> memref<100000x32xf32, #tpu.memory_space<hbm>>
        tpu.enqueue_indirect_dma source(%dma_start3A_587 : memref<100000x32xf32, #tpu.memory_space<hbm>>) target(%arg13 : memref<432x32xf32, #tpu.memory_space<vmem>>) offsets(%arg7 : memref<432xi32, #tpu.memory_space<vmem>>) semaphore(%arg22 : memref<!tpu.dma_semaphore, #tpu.memory_space<semaphore_mem>>)
      } else {
      }
      %dma_wait3A_350 = arith.constant 0 : i32
      %dma_wait3A_351 = arith.constant 0 : i32
      %dma_wait3A_352 = tpu.memref_slice %arg2[%dma_wait3A_350, %dma_wait3A_351] : memref<100000x32xf32, #tpu.memory_space<hbm>> -> memref<100000x32xf32, #tpu.memory_space<hbm>>
      tpu.wait_indirect_dma semaphore(%arg23 : memref<!tpu.dma_semaphore, #tpu.memory_space<semaphore_mem>>) src(%dma_wait3A_352 : memref<100000x32xf32, #tpu.memory_space<hbm>>) dst(%arg14 : memref<432x32xf32, #tpu.memory_space<vmem>>)
      %dma_start3A_353 = arith.constant 0 : i32
      %dma_start3A_354 = arith.constant 0 : i32
      %dma_start3A_355 = tpu.memref_slice %arg15[%dma_start3A_353, %dma_start3A_354] : memref<50048x32xf32, #tpu.memory_space<vmem_shared>> -> memref<50048x32xf32, #tpu.memory_space<vmem_shared>>
      tpu.enqueue_indirect_dma source(%arg14 : memref<432x32xf32, #tpu.memory_space<vmem>>) target(%dma_start3A_355 : memref<50048x32xf32, #tpu.memory_space<vmem_shared>>) offsets(%arg12 : memref<432xi32, #tpu.memory_space<vmem>>) semaphore(%arg25 : memref<!tpu.dma_semaphore, #tpu.memory_space<semaphore_mem>>) {add = true}
      %lt3A_356 = arith.constant 114 : i32
      %lt3A_357 = arith.cmpi slt, %add3A_339, %lt3A_356 : i32
      %convert_element_type3A_358 = arith.extui %lt3A_357 : i1 to i32
      %cond3A_359 = arith.constant 0 : i32
      %cond3A_360 = arith.cmpi ne, %convert_element_type3A_358, %cond3A_359 : i32
      scf.if %cond3A_360 {
        %add3A_361 = arith.constant 2 : i32
        %add3A_362 = arith.addi %add3A_339, %add3A_361 : i32
        %mul3A_363 = arith.constant 432 : i32
        %mul3A_364 = arith.muli %add3A_362, %mul3A_363 : i32
        %add3A_365 = arith.addi %mul3A_0, %mul3A_364 : i32
        %dma_start3A_366 = tpu.memref_slice %arg3[%add3A_365] : memref<801792xi32, #tpu.memory_space<hbm>> -> memref<432xi32, #tpu.memory_space<hbm>>
        %dma_start3A_367 = tpu.memref_slice %arg3[%add3A_365] : memref<801792xi32, #tpu.memory_space<hbm>> -> memref<432xi32, #tpu.memory_space<hbm>>
        tpu.enqueue_dma source(%dma_start3A_367 : memref<432xi32, #tpu.memory_space<hbm>>) target(%arg8 : memref<432xi32, #tpu.memory_space<vmem>>) target_semaphore(%arg17 : memref<!tpu.dma_semaphore, #tpu.memory_space<semaphore_mem>>)
        %mul3A_368 = arith.constant 432 : i32
        %mul3A_369 = arith.muli %add3A_362, %mul3A_368 : i32
        %add3A_370 = arith.addi %mul3A_0, %mul3A_369 : i32
        %dma_start3A_371 = tpu.memref_slice %arg4[%add3A_370] : memref<801792xi32, #tpu.memory_space<hbm>> -> memref<432xi32, #tpu.memory_space<hbm>>
        %dma_start3A_372 = tpu.memref_slice %arg4[%add3A_370] : memref<801792xi32, #tpu.memory_space<hbm>> -> memref<432xi32, #tpu.memory_space<hbm>>
        tpu.enqueue_dma source(%dma_start3A_372 : memref<432xi32, #tpu.memory_space<hbm>>) target(%arg10 : memref<432xi32, #tpu.memory_space<vmem>>) target_semaphore(%arg19 : memref<!tpu.dma_semaphore, #tpu.memory_space<semaphore_mem>>)
      } else {
      }
    }
    %scan3A_247 = arith.constant 29 : i32
    %dma_wait3A_248 = arith.constant 0 : i32
    %dma_wait3A_249 = arith.constant 0 : i32
    %dma_wait3A_250 = tpu.memref_slice %arg15[%dma_wait3A_248, %dma_wait3A_249] : memref<50048x32xf32, #tpu.memory_space<vmem_shared>> -> memref<50048x32xf32, #tpu.memory_space<vmem_shared>>
    tpu.wait_indirect_dma semaphore(%arg25 : memref<!tpu.dma_semaphore, #tpu.memory_space<semaphore_mem>>) src(%arg14 : memref<432x32xf32, #tpu.memory_space<vmem>>) dst(%dma_wait3A_250 : memref<50048x32xf32, #tpu.memory_space<vmem_shared>>)
    %barrier3A_251 = arith.constant 0 : index
    tpu.barrier barrier_id(%barrier3A_251)
    %lt3A = arith.constant 25 : i32
    %lt3A_252 = arith.cmpi slt, %arg1, %lt3A : i32
    %convert_element_type3A = arith.extui %lt3A_252 : i1 to i32
    %cond3A = arith.constant 0 : i32
    %cond3A_253 = arith.cmpi ne, %convert_element_type3A, %cond3A : i32
    scf.if %cond3A_253 {
      %mul3A_261 = arith.constant 2000 : i32
      %mul3A_262 = arith.muli %arg1, %mul3A_261 : i32
      %mul3A_263 = arith.constant 4000 : i32
      %mul3A_264 = arith.muli %mul3A_263, %arg1 : i32
      %mul3A_265 = arith.constant 2000 : i32
      %mul3A_266 = arith.muli %mul3A_265, %arg0 : i32
      %add3A_267 = arith.addi %mul3A_264, %mul3A_266 : i32
      "tpu.region"() ({
        %run_scoped3A = tpu.sem_alloc : memref<!tpu.dma_semaphore, #tpu.memory_space<semaphore_mem>>
        %dma_start3A_268 = arith.constant 0 : i32
        %dma_start3A_269 = tpu.memref_slice %arg6[%add3A_267, %dma_start3A_268] : memref<100000x32xf32, #tpu.memory_space<hbm>> -> memref<2000x32xf32, #tpu.memory_space<hbm>>
        %dma_start3A_270 = arith.constant 0 : i32
        %dma_start3A_271 = tpu.memref_slice %arg15[%mul3A_262, %dma_start3A_270] : memref<50048x32xf32, #tpu.memory_space<vmem_shared>> -> memref<2000x32xf32, #tpu.memory_space<vmem_shared>>
        tpu.enqueue_dma source(%dma_start3A_271 : memref<2000x32xf32, #tpu.memory_space<vmem_shared>>) target(%dma_start3A_269 : memref<2000x32xf32, #tpu.memory_space<hbm>>) target_semaphore(%run_scoped3A : memref<!tpu.dma_semaphore, #tpu.memory_space<semaphore_mem>>)
        %dma_wait3A_272 = arith.constant 0 : i32
        %dma_wait3A_273 = tpu.memref_slice %arg6[%add3A_267, %dma_wait3A_272] : memref<100000x32xf32, #tpu.memory_space<hbm>> -> memref<2000x32xf32, #tpu.memory_space<hbm>>
        %dma_wait3A_274 = arith.constant 0 : i32
        %dma_wait3A_275 = tpu.memref_slice %arg15[%mul3A_262, %dma_wait3A_274] : memref<50048x32xf32, #tpu.memory_space<vmem_shared>> -> memref<2000x32xf32, #tpu.memory_space<vmem_shared>>
        tpu.wait_dma2 semaphore(%run_scoped3A : memref<!tpu.dma_semaphore, #tpu.memory_space<semaphore_mem>>) src(%dma_wait3A_275 : memref<2000x32xf32, #tpu.memory_space<vmem_shared>>) dst(%dma_wait3A_273 : memref<2000x32xf32, #tpu.memory_space<hbm>>)
        tpu.yield
      }) : () -> ()
    } else {
    }
    %add3A_254 = arith.constant 16 : i32
    %add3A_255 = arith.addi %arg1, %add3A_254 : i32
    %lt3A_256 = arith.constant 25 : i32
    %lt3A_257 = arith.cmpi slt, %add3A_255, %lt3A_256 : i32
    %convert_element_type3A_258 = arith.extui %lt3A_257 : i1 to i32
    %cond3A_259 = arith.constant 0 : i32
    %cond3A_260 = arith.cmpi ne, %convert_element_type3A_258, %cond3A_259 : i32
    scf.if %cond3A_260 {
      %add3A_261 = arith.constant 16 : i32
      %add3A_262 = arith.addi %arg1, %add3A_261 : i32
      %mul3A_263 = arith.constant 2000 : i32
      %mul3A_264 = arith.muli %add3A_262, %mul3A_263 : i32
      %mul3A_265 = arith.constant 4000 : i32
      %mul3A_266 = arith.muli %mul3A_265, %add3A_262 : i32
      %mul3A_267 = arith.constant 2000 : i32
      %mul3A_268 = arith.muli %mul3A_267, %arg0 : i32
      %add3A_269 = arith.addi %mul3A_266, %mul3A_268 : i32
      "tpu.region"() ({
        %run_scoped3A = tpu.sem_alloc : memref<!tpu.dma_semaphore, #tpu.memory_space<semaphore_mem>>
        %dma_start3A_270 = arith.constant 0 : i32
        %dma_start3A_271 = tpu.memref_slice %arg6[%add3A_269, %dma_start3A_270] : memref<100000x32xf32, #tpu.memory_space<hbm>> -> memref<2000x32xf32, #tpu.memory_space<hbm>>
        %dma_start3A_272 = arith.constant 0 : i32
        %dma_start3A_273 = tpu.memref_slice %arg15[%mul3A_264, %dma_start3A_272] : memref<50048x32xf32, #tpu.memory_space<vmem_shared>> -> memref<2000x32xf32, #tpu.memory_space<vmem_shared>>
        tpu.enqueue_dma source(%dma_start3A_273 : memref<2000x32xf32, #tpu.memory_space<vmem_shared>>) target(%dma_start3A_271 : memref<2000x32xf32, #tpu.memory_space<hbm>>) target_semaphore(%run_scoped3A : memref<!tpu.dma_semaphore, #tpu.memory_space<semaphore_mem>>)
        %dma_wait3A_274 = arith.constant 0 : i32
        %dma_wait3A_275 = tpu.memref_slice %arg6[%add3A_269, %dma_wait3A_274] : memref<100000x32xf32, #tpu.memory_space<hbm>> -> memref<2000x32xf32, #tpu.memory_space<hbm>>
        %dma_wait3A_276 = arith.constant 0 : i32
        %dma_wait3A_277 = tpu.memref_slice %arg15[%mul3A_264, %dma_wait3A_276] : memref<50048x32xf32, #tpu.memory_space<vmem_shared>> -> memref<2000x32xf32, #tpu.memory_space<vmem_shared>>
        tpu.wait_dma2 semaphore(%run_scoped3A : memref<!tpu.dma_semaphore, #tpu.memory_space<semaphore_mem>>) src(%dma_wait3A_277 : memref<2000x32xf32, #tpu.memory_space<vmem_shared>>) dst(%dma_wait3A_275 : memref<2000x32xf32, #tpu.memory_space<hbm>>)
        tpu.yield
      }) : () -> ()
    } else {
    }
    return
  }
}

#map = affine_map<(d0, d1) -> (0, 0)>
#map1 = affine_map<(d0, d1) -> (0)>
module attributes {stable_mosaic.version = 14 : i64} {
  func.func @scatter(%arg0: i32, %arg1: i32, %arg2: memref<100000x32xf32, #tpu.memory_space<hbm>>, %arg3: memref<801792xi32, #tpu.memory_space<hbm>>, %arg4: memref<801792xi32, #tpu.memory_space<hbm>>, %arg5: memref<3128x32xf32, #tpu.memory_space<hbm>>, %arg6: memref<100000x32xf32, #tpu.memory_space<hbm>>, %arg7: memref<432xi32, #tpu.memory_space<vmem>>, %arg8: memref<432xi32, #tpu.memory_space<vmem>>, %arg9: memref<432xi32, #tpu.memory_space<vmem>>, %arg10: memref<432xi32, #tpu.memory_space<vmem>>, %arg11: memref<432xi32, #tpu.memory_space<vmem>>, %arg12: memref<432xi32, #tpu.memory_space<vmem>>, %arg13: memref<432x32xf32, #tpu.memory_space<vmem>>, %arg14: memref<432x32xf32, #tpu.memory_space<vmem>>, %arg15: memref<50048x32xf32, #tpu.memory_space<vmem_shared>>, %arg16: memref<!tpu.dma_semaphore, #tpu.memory_space<semaphore_mem>>, %arg17: memref<!tpu.dma_semaphore, #tpu.memory_space<semaphore_mem>>, %arg18: memref<!tpu.dma_semaphore, #tpu.memory_space<semaphore_mem>>, %arg19: memref<!tpu.dma_semaphore, #tpu.memory_space<semaphore_mem>>, %arg20: memref<!tpu.dma_semaphore, #tpu.memory_space<semaphore_mem>>, %arg21: memref<!tpu.dma_semaphore, #tpu.memory_space<semaphore_mem>>, %arg22: memref<!tpu.dma_semaphore, #tpu.memory_space<semaphore_mem>>, %arg23: memref<!tpu.dma_semaphore, #tpu.memory_space<semaphore_mem>>, %arg24: memref<!tpu.dma_semaphore, #tpu.memory_space<semaphore_mem>>, %arg25: memref<!tpu.dma_semaphore, #tpu.memory_space<semaphore_mem>>) attributes {dimension_semantics = [#tpu.dimension_semantics<core_parallel>, #tpu.dimension_semantics<subcore_parallel>], iteration_bounds = array<i64: 2, 16>, scalar_prefetch = 0 : i64, scratch_operands = 19 : i64, tpu.core_type = #tpu.core_type<sc_vector_subcore>, window_params = [{transform_indices = #map}, {transform_indices = #map1}, {transform_indices = #map1}, {transform_indices = #map}, {transform_indices = #map}]} {
    %mul3A = arith.constant 50112 : i32
    %mul3A_0 = arith.muli %arg1, %mul3A : i32
    %mul3A_1 = arith.constant 2000 : i32
    %mul3A_2 = arith.muli %arg0, %mul3A_1 : i32
    %broadcast_in_dim3A = vector.broadcast %mul3A_2 : i32 to vector<16xi32>
    %add3A = arith.constant 0 : i32
    %add3A_3 = arith.addi %mul3A_0, %add3A : i32
    %dma_start3A = tpu.memref_slice %arg3[%add3A_3] : memref<801792xi32, #tpu.memory_space<hbm>> -> memref<432xi32, #tpu.memory_space<hbm>>
    %dma_start3A_4 = tpu.memref_slice %arg3[%add3A_3] : memref<801792xi32, #tpu.memory_space<hbm>> -> memref<432xi32, #tpu.memory_space<hbm>>
    tpu.enqueue_dma source(%dma_start3A_4 : memref<432xi32, #tpu.memory_space<hbm>>) target(%arg7 : memref<432xi32, #tpu.memory_space<vmem>>) target_semaphore(%arg16 : memref<!tpu.dma_semaphore, #tpu.memory_space<semaphore_mem>>)
    %add3A_5 = arith.constant 0 : i32
    %add3A_6 = arith.addi %mul3A_0, %add3A_5 : i32
    %dma_start3A_7 = tpu.memref_slice %arg4[%add3A_6] : memref<801792xi32, #tpu.memory_space<hbm>> -> memref<432xi32, #tpu.memory_space<hbm>>
    %dma_start3A_8 = tpu.memref_slice %arg4[%add3A_6] : memref<801792xi32, #tpu.memory_space<hbm>> -> memref<432xi32, #tpu.memory_space<hbm>>
    tpu.enqueue_dma source(%dma_start3A_8 : memref<432xi32, #tpu.memory_space<hbm>>) target(%arg9 : memref<432xi32, #tpu.memory_space<vmem>>) target_semaphore(%arg18 : memref<!tpu.dma_semaphore, #tpu.memory_space<semaphore_mem>>)
    %add3A_9 = arith.constant 432 : i32
    %add3A_10 = arith.addi %mul3A_0, %add3A_9 : i32
    %dma_start3A_11 = tpu.memref_slice %arg3[%add3A_10] : memref<801792xi32, #tpu.memory_space<hbm>> -> memref<432xi32, #tpu.memory_space<hbm>>
    %dma_start3A_12 = tpu.memref_slice %arg3[%add3A_10] : memref<801792xi32, #tpu.memory_space<hbm>> -> memref<432xi32, #tpu.memory_space<hbm>>
    tpu.enqueue_dma source(%dma_start3A_12 : memref<432xi32, #tpu.memory_space<hbm>>) target(%arg8 : memref<432xi32, #tpu.memory_space<vmem>>) target_semaphore(%arg17 : memref<!tpu.dma_semaphore, #tpu.memory_space<semaphore_mem>>)
    %add3A_13 = arith.constant 432 : i32
    %add3A_14 = arith.addi %mul3A_0, %add3A_13 : i32
    %dma_start3A_15 = tpu.memref_slice %arg4[%add3A_14] : memref<801792xi32, #tpu.memory_space<hbm>> -> memref<432xi32, #tpu.memory_space<hbm>>
    %dma_start3A_16 = tpu.memref_slice %arg4[%add3A_14] : memref<801792xi32, #tpu.memory_space<hbm>> -> memref<432xi32, #tpu.memory_space<hbm>>
    tpu.enqueue_dma source(%dma_start3A_16 : memref<432xi32, #tpu.memory_space<hbm>>) target(%arg10 : memref<432xi32, #tpu.memory_space<vmem>>) target_semaphore(%arg19 : memref<!tpu.dma_semaphore, #tpu.memory_space<semaphore_mem>>)
    %dma_wait3A = arith.constant 0 : i32
    %dma_wait3A_17 = tpu.memref_slice %arg3[%dma_wait3A] : memref<801792xi32, #tpu.memory_space<hbm>> -> memref<432xi32, #tpu.memory_space<hbm>>
    %dma_wait3A_18 = arith.constant 0 : i32
    %dma_wait3A_19 = tpu.memref_slice %arg3[%dma_wait3A_18] : memref<801792xi32, #tpu.memory_space<hbm>> -> memref<432xi32, #tpu.memory_space<hbm>>
    tpu.wait_dma2 semaphore(%arg16 : memref<!tpu.dma_semaphore, #tpu.memory_space<semaphore_mem>>) src(%dma_wait3A_19 : memref<432xi32, #tpu.memory_space<hbm>>) dst(%arg7 : memref<432xi32, #tpu.memory_space<vmem>>)
    %dma_wait3A_20 = arith.constant 0 : i32
    %dma_wait3A_21 = tpu.memref_slice %arg4[%dma_wait3A_20] : memref<801792xi32, #tpu.memory_space<hbm>> -> memref<432xi32, #tpu.memory_space<hbm>>
    %dma_wait3A_22 = arith.constant 0 : i32
    %dma_wait3A_23 = tpu.memref_slice %arg4[%dma_wait3A_22] : memref<801792xi32, #tpu.memory_space<hbm>> -> memref<432xi32, #tpu.memory_space<hbm>>
    tpu.wait_dma2 semaphore(%arg18 : memref<!tpu.dma_semaphore, #tpu.memory_space<semaphore_mem>>) src(%dma_wait3A_23 : memref<432xi32, #tpu.memory_space<hbm>>) dst(%arg9 : memref<432xi32, #tpu.memory_space<vmem>>)
    %get3A = arith.constant 0 : index
    %get3A_24 = tpu.vector_load %arg7[%get3A] {strides = array<i32>} : memref<432xi32, #tpu.memory_space<vmem>>, vector<16xi32>,
    %get3A_25 = vector.shape_cast %get3A_24 : vector<16xi32> to vector<16xi32>
    %add3A_26 = arith.addi %get3A_25, %broadcast_in_dim3A : vector<16xi32>
    %swap3A = arith.constant 0 : index
    %swap3A_27 = tpu.vector_load %arg7[%swap3A] {strides = array<i32>} : memref<432xi32, #tpu.memory_space<vmem>>, vector<16xi32>,
    %swap3A_28 = vector.shape_cast %swap3A_27 : vector<16xi32> to vector<16xi32>
    %swap3A_29 = vector.shape_cast %add3A_26 : vector<16xi32> to vector<16xi32>
    tpu.vector_store %arg7[%swap3A], %swap3A_29 {strides = array<i32>} : memref<432xi32, #tpu.memory_space<vmem>>, vector<16xi32>,
    %get3A_30 = arith.constant 16 : index
    %get3A_31 = tpu.vector_load %arg7[%get3A_30] {strides = array<i32>} : memref<432xi32, #tpu.memory_space<vmem>>, vector<16xi32>,
    %get3A_32 = vector.shape_cast %get3A_31 : vector<16xi32> to vector<16xi32>
    %add3A_33 = arith.addi %get3A_32, %broadcast_in_dim3A : vector<16xi32>
    %swap3A_34 = arith.constant 16 : index
    %swap3A_35 = tpu.vector_load %arg7[%swap3A_34] {strides = array<i32>} : memref<432xi32, #tpu.memory_space<vmem>>, vector<16xi32>,
    %swap3A_36 = vector.shape_cast %swap3A_35 : vector<16xi32> to vector<16xi32>
    %swap3A_37 = vector.shape_cast %add3A_33 : vector<16xi32> to vector<16xi32>
    tpu.vector_store %arg7[%swap3A_34], %swap3A_37 {strides = array<i32>} : memref<432xi32, #tpu.memory_space<vmem>>, vector<16xi32>,
    %get3A_38 = arith.constant 32 : index
    %get3A_39 = tpu.vector_load %arg7[%get3A_38] {strides = array<i32>} : memref<432xi32, #tpu.memory_space<vmem>>, vector<16xi32>,
    %get3A_40 = vector.shape_cast %get3A_39 : vector<16xi32> to vector<16xi32>
    %add3A_41 = arith.addi %get3A_40, %broadcast_in_dim3A : vector<16xi32>
    %swap3A_42 = arith.constant 32 : index
    %swap3A_43 = tpu.vector_load %arg7[%swap3A_42] {strides = array<i32>} : memref<432xi32, #tpu.memory_space<vmem>>, vector<16xi32>,
    %swap3A_44 = vector.shape_cast %swap3A_43 : vector<16xi32> to vector<16xi32>
    %swap3A_45 = vector.shape_cast %add3A_41 : vector<16xi32> to vector<16xi32>
    tpu.vector_store %arg7[%swap3A_42], %swap3A_45 {strides = array<i32>} : memref<432xi32, #tpu.memory_space<vmem>>, vector<16xi32>,
    %get3A_46 = arith.constant 48 : index
    %get3A_47 = tpu.vector_load %arg7[%get3A_46] {strides = array<i32>} : memref<432xi32, #tpu.memory_space<vmem>>, vector<16xi32>,
    %get3A_48 = vector.shape_cast %get3A_47 : vector<16xi32> to vector<16xi32>
    %add3A_49 = arith.addi %get3A_48, %broadcast_in_dim3A : vector<16xi32>
    %swap3A_50 = arith.constant 48 : index
    %swap3A_51 = tpu.vector_load %arg7[%swap3A_50] {strides = array<i32>} : memref<432xi32, #tpu.memory_space<vmem>>, vector<16xi32>,
    %swap3A_52 = vector.shape_cast %swap3A_51 : vector<16xi32> to vector<16xi32>
    %swap3A_53 = vector.shape_cast %add3A_49 : vector<16xi32> to vector<16xi32>
    tpu.vector_store %arg7[%swap3A_50], %swap3A_53 {strides = array<i32>} : memref<432xi32, #tpu.memory_space<vmem>>, vector<16xi32>,
    %get3A_54 = arith.constant 64 : index
    %get3A_55 = tpu.vector_load %arg7[%get3A_54] {strides = array<i32>} : memref<432xi32, #tpu.memory_space<vmem>>, vector<16xi32>,
    %get3A_56 = vector.shape_cast %get3A_55 : vector<16xi32> to vector<16xi32>
    %add3A_57 = arith.addi %get3A_56, %broadcast_in_dim3A : vector<16xi32>
    %swap3A_58 = arith.constant 64 : index
    %swap3A_59 = tpu.vector_load %arg7[%swap3A_58] {strides = array<i32>} : memref<432xi32, #tpu.memory_space<vmem>>, vector<16xi32>,
    %swap3A_60 = vector.shape_cast %swap3A_59 : vector<16xi32> to vector<16xi32>
    %swap3A_61 = vector.shape_cast %add3A_57 : vector<16xi32> to vector<16xi32>
    tpu.vector_store %arg7[%swap3A_58], %swap3A_61 {strides = array<i32>} : memref<432xi32, #tpu.memory_space<vmem>>, vector<16xi32>,
    %get3A_62 = arith.constant 80 : index
    %get3A_63 = tpu.vector_load %arg7[%get3A_62] {strides = array<i32>} : memref<432xi32, #tpu.memory_space<vmem>>, vector<16xi32>,
    %get3A_64 = vector.shape_cast %get3A_63 : vector<16xi32> to vector<16xi32>
    %add3A_65 = arith.addi %get3A_64, %broadcast_in_dim3A : vector<16xi32>
    %swap3A_66 = arith.constant 80 : index
    %swap3A_67 = tpu.vector_load %arg7[%swap3A_66] {strides = array<i32>} : memref<432xi32, #tpu.memory_space<vmem>>, vector<16xi32>,
    %swap3A_68 = vector.shape_cast %swap3A_67 : vector<16xi32> to vector<16xi32>
    %swap3A_69 = vector.shape_cast %add3A_65 : vector<16xi32> to vector<16xi32>
    tpu.vector_store %arg7[%swap3A_66], %swap3A_69 {strides = array<i32>} : memref<432xi32, #tpu.memory_space<vmem>>, vector<16xi32>,
    %get3A_70 = arith.constant 96 : index
    %get3A_71 = tpu.vector_load %arg7[%get3A_70] {strides = array<i32>} : memref<432xi32, #tpu.memory_space<vmem>>, vector<16xi32>,
    %get3A_72 = vector.shape_cast %get3A_71 : vector<16xi32> to vector<16xi32>
    %add3A_73 = arith.addi %get3A_72, %broadcast_in_dim3A : vector<16xi32>
    %swap3A_74 = arith.constant 96 : index
    %swap3A_75 = tpu.vector_load %arg7[%swap3A_74] {strides = array<i32>} : memref<432xi32, #tpu.memory_space<vmem>>, vector<16xi32>,
    %swap3A_76 = vector.shape_cast %swap3A_75 : vector<16xi32> to vector<16xi32>
    %swap3A_77 = vector.shape_cast %add3A_73 : vector<16xi32> to vector<16xi32>
    tpu.vector_store %arg7[%swap3A_74], %swap3A_77 {strides = array<i32>} : memref<432xi32, #tpu.memory_space<vmem>>, vector<16xi32>,
    %get3A_78 = arith.constant 112 : index
    %get3A_79 = tpu.vector_load %arg7[%get3A_78] {strides = array<i32>} : memref<432xi32, #tpu.memory_space<vmem>>, vector<16xi32>,
    %get3A_80 = vector.shape_cast %get3A_79 : vector<16xi32> to vector<16xi32>
    %add3A_81 = arith.addi %get3A_80, %broadcast_in_dim3A : vector<16xi32>
    %swap3A_82 = arith.constant 112 : index
    %swap3A_83 = tpu.vector_load %arg7[%swap3A_82] {strides = array<i32>} : memref<432xi32, #tpu.memory_space<vmem>>, vector<16xi32>,
    %swap3A_84 = vector.shape_cast %swap3A_83 : vector<16xi32> to vector<16xi32>
    %swap3A_85 = vector.shape_cast %add3A_81 : vector<16xi32> to vector<16xi32>
    tpu.vector_store %arg7[%swap3A_82], %swap3A_85 {strides = array<i32>} : memref<432xi32, #tpu.memory_space<vmem>>, vector<16xi32>,
    %get3A_86 = arith.constant 128 : index
    %get3A_87 = tpu.vector_load %arg7[%get3A_86] {strides = array<i32>} : memref<432xi32, #tpu.memory_space<vmem>>, vector<16xi32>,
    %get3A_88 = vector.shape_cast %get3A_87 : vector<16xi32> to vector<16xi32>
    %add3A_89 = arith.addi %get3A_88, %broadcast_in_dim3A : vector<16xi32>
    %swap3A_90 = arith.constant 128 : index
    %swap3A_91 = tpu.vector_load %arg7[%swap3A_90] {strides = array<i32>} : memref<432xi32, #tpu.memory_space<vmem>>, vector<16xi32>,
    %swap3A_92 = vector.shape_cast %swap3A_91 : vector<16xi32> to vector<16xi32>
    %swap3A_93 = vector.shape_cast %add3A_89 : vector<16xi32> to vector<16xi32>
    tpu.vector_store %arg7[%swap3A_90], %swap3A_93 {strides = array<i32>} : memref<432xi32, #tpu.memory_space<vmem>>, vector<16xi32>,
    %get3A_94 = arith.constant 144 : index
    %get3A_95 = tpu.vector_load %arg7[%get3A_94] {strides = array<i32>} : memref<432xi32, #tpu.memory_space<vmem>>, vector<16xi32>,
    %get3A_96 = vector.shape_cast %get3A_95 : vector<16xi32> to vector<16xi32>
    %add3A_97 = arith.addi %get3A_96, %broadcast_in_dim3A : vector<16xi32>
    %swap3A_98 = arith.constant 144 : index
    %swap3A_99 = tpu.vector_load %arg7[%swap3A_98] {strides = array<i32>} : memref<432xi32, #tpu.memory_space<vmem>>, vector<16xi32>,
    %swap3A_100 = vector.shape_cast %swap3A_99 : vector<16xi32> to vector<16xi32>
    %swap3A_101 = vector.shape_cast %add3A_97 : vector<16xi32> to vector<16xi32>
    tpu.vector_store %arg7[%swap3A_98], %swap3A_101 {strides = array<i32>} : memref<432xi32, #tpu.memory_space<vmem>>, vector<16xi32>,
    %get3A_102 = arith.constant 160 : index
    %get3A_103 = tpu.vector_load %arg7[%get3A_102] {strides = array<i32>} : memref<432xi32, #tpu.memory_space<vmem>>, vector<16xi32>,
    %get3A_104 = vector.shape_cast %get3A_103 : vector<16xi32> to vector<16xi32>
    %add3A_105 = arith.addi %get3A_104, %broadcast_in_dim3A : vector<16xi32>
    %swap3A_106 = arith.constant 160 : index
    %swap3A_107 = tpu.vector_load %arg7[%swap3A_106] {strides = array<i32>} : memref<432xi32, #tpu.memory_space<vmem>>, vector<16xi32>,
    %swap3A_108 = vector.shape_cast %swap3A_107 : vector<16xi32> to vector<16xi32>
    %swap3A_109 = vector.shape_cast %add3A_105 : vector<16xi32> to vector<16xi32>
    tpu.vector_store %arg7[%swap3A_106], %swap3A_109 {strides = array<i32>} : memref<432xi32, #tpu.memory_space<vmem>>, vector<16xi32>,
    %get3A_110 = arith.constant 176 : index
    %get3A_111 = tpu.vector_load %arg7[%get3A_110] {strides = array<i32>} : memref<432xi32, #tpu.memory_space<vmem>>, vector<16xi32>,
    %get3A_112 = vector.shape_cast %get3A_111 : vector<16xi32> to vector<16xi32>
    %add3A_113 = arith.addi %get3A_112, %broadcast_in_dim3A : vector<16xi32>
    %swap3A_114 = arith.constant 176 : index
    %swap3A_115 = tpu.vector_load %arg7[%swap3A_114] {strides = array<i32>} : memref<432xi32, #tpu.memory_space<vmem>>, vector<16xi32>,
    %swap3A_116 = vector.shape_cast %swap3A_115 : vector<16xi32> to vector<16xi32>
    %swap3A_117 = vector.shape_cast %add3A_113 : vector<16xi32> to vector<16xi32>
    tpu.vector_store %arg7[%swap3A_114], %swap3A_117 {strides = array<i32>} : memref<432xi32, #tpu.memory_space<vmem>>, vector<16xi32>,
    %get3A_118 = arith.constant 192 : index
    %get3A_119 = tpu.vector_load %arg7[%get3A_118] {strides = array<i32>} : memref<432xi32, #tpu.memory_space<vmem>>, vector<16xi32>,
    %get3A_120 = vector.shape_cast %get3A_119 : vector<16xi32> to vector<16xi32>
    %add3A_121 = arith.addi %get3A_120, %broadcast_in_dim3A : vector<16xi32>
    %swap3A_122 = arith.constant 192 : index
    %swap3A_123 = tpu.vector_load %arg7[%swap3A_122] {strides = array<i32>} : memref<432xi32, #tpu.memory_space<vmem>>, vector<16xi32>,
    %swap3A_124 = vector.shape_cast %swap3A_123 : vector<16xi32> to vector<16xi32>
    %swap3A_125 = vector.shape_cast %add3A_121 : vector<16xi32> to vector<16xi32>
    tpu.vector_store %arg7[%swap3A_122], %swap3A_125 {strides = array<i32>} : memref<432xi32, #tpu.memory_space<vmem>>, vector<16xi32>,
    %get3A_126 = arith.constant 208 : index
    %get3A_127 = tpu.vector_load %arg7[%get3A_126] {strides = array<i32>} : memref<432xi32, #tpu.memory_space<vmem>>, vector<16xi32>,
    %get3A_128 = vector.shape_cast %get3A_127 : vector<16xi32> to vector<16xi32>
    %add3A_129 = arith.addi %get3A_128, %broadcast_in_dim3A : vector<16xi32>
    %swap3A_130 = arith.constant 208 : index
    %swap3A_131 = tpu.vector_load %arg7[%swap3A_130] {strides = array<i32>} : memref<432xi32, #tpu.memory_space<vmem>>, vector<16xi32>,
    %swap3A_132 = vector.shape_cast %swap3A_131 : vector<16xi32> to vector<16xi32>
    %swap3A_133 = vector.shape_cast %add3A_129 : vector<16xi32> to vector<16xi32>
    tpu.vector_store %arg7[%swap3A_130], %swap3A_133 {strides = array<i32>} : memref<432xi32, #tpu.memory_space<vmem>>, vector<16xi32>,
    %get3A_134 = arith.constant 224 : index
    %get3A_135 = tpu.vector_load %arg7[%get3A_134] {strides = array<i32>} : memref<432xi32, #tpu.memory_space<vmem>>, vector<16xi32>,
    %get3A_136 = vector.shape_cast %get3A_135 : vector<16xi32> to vector<16xi32>
    %add3A_137 = arith.addi %get3A_136, %broadcast_in_dim3A : vector<16xi32>
    %swap3A_138 = arith.constant 224 : index
    %swap3A_139 = tpu.vector_load %arg7[%swap3A_138] {strides = array<i32>} : memref<432xi32, #tpu.memory_space<vmem>>, vector<16xi32>,
    %swap3A_140 = vector.shape_cast %swap3A_139 : vector<16xi32> to vector<16xi32>
    %swap3A_141 = vector.shape_cast %add3A_137 : vector<16xi32> to vector<16xi32>
    tpu.vector_store %arg7[%swap3A_138], %swap3A_141 {strides = array<i32>} : memref<432xi32, #tpu.memory_space<vmem>>, vector<16xi32>,
    %get3A_142 = arith.constant 240 : index
    %get3A_143 = tpu.vector_load %arg7[%get3A_142] {strides = array<i32>} : memref<432xi32, #tpu.memory_space<vmem>>, vector<16xi32>,
    %get3A_144 = vector.shape_cast %get3A_143 : vector<16xi32> to vector<16xi32>
    %add3A_145 = arith.addi %get3A_144, %broadcast_in_dim3A : vector<16xi32>
    %swap3A_146 = arith.constant 240 : index
    %swap3A_147 = tpu.vector_load %arg7[%swap3A_146] {strides = array<i32>} : memref<432xi32, #tpu.memory_space<vmem>>, vector<16xi32>,
    %swap3A_148 = vector.shape_cast %swap3A_147 : vector<16xi32> to vector<16xi32>
    %swap3A_149 = vector.shape_cast %add3A_145 : vector<16xi32> to vector<16xi32>
    tpu.vector_store %arg7[%swap3A_146], %swap3A_149 {strides = array<i32>} : memref<432xi32, #tpu.memory_space<vmem>>, vector<16xi32>,
    %get3A_150 = arith.constant 256 : index
    %get3A_151 = tpu.vector_load %arg7[%get3A_150] {strides = array<i32>} : memref<432xi32, #tpu.memory_space<vmem>>, vector<16xi32>,
    %get3A_152 = vector.shape_cast %get3A_151 : vector<16xi32> to vector<16xi32>
    %add3A_153 = arith.addi %get3A_152, %broadcast_in_dim3A : vector<16xi32>
    %swap3A_154 = arith.constant 256 : index
    %swap3A_155 = tpu.vector_load %arg7[%swap3A_154] {strides = array<i32>} : memref<432xi32, #tpu.memory_space<vmem>>, vector<16xi32>,
    %swap3A_156 = vector.shape_cast %swap3A_155 : vector<16xi32> to vector<16xi32>
    %swap3A_157 = vector.shape_cast %add3A_153 : vector<16xi32> to vector<16xi32>
    tpu.vector_store %arg7[%swap3A_154], %swap3A_157 {strides = array<i32>} : memref<432xi32, #tpu.memory_space<vmem>>, vector<16xi32>,
    %get3A_158 = arith.constant 272 : index
    %get3A_159 = tpu.vector_load %arg7[%get3A_158] {strides = array<i32>} : memref<432xi32, #tpu.memory_space<vmem>>, vector<16xi32>,
    %get3A_160 = vector.shape_cast %get3A_159 : vector<16xi32> to vector<16xi32>
    %add3A_161 = arith.addi %get3A_160, %broadcast_in_dim3A : vector<16xi32>
    %swap3A_162 = arith.constant 272 : index
    %swap3A_163 = tpu.vector_load %arg7[%swap3A_162] {strides = array<i32>} : memref<432xi32, #tpu.memory_space<vmem>>, vector<16xi32>,
    %swap3A_164 = vector.shape_cast %swap3A_163 : vector<16xi32> to vector<16xi32>
    %swap3A_165 = vector.shape_cast %add3A_161 : vector<16xi32> to vector<16xi32>
    tpu.vector_store %arg7[%swap3A_162], %swap3A_165 {strides = array<i32>} : memref<432xi32, #tpu.memory_space<vmem>>, vector<16xi32>,
    %get3A_166 = arith.constant 288 : index
    %get3A_167 = tpu.vector_load %arg7[%get3A_166] {strides = array<i32>} : memref<432xi32, #tpu.memory_space<vmem>>, vector<16xi32>,
    %get3A_168 = vector.shape_cast %get3A_167 : vector<16xi32> to vector<16xi32>
    %add3A_169 = arith.addi %get3A_168, %broadcast_in_dim3A : vector<16xi32>
    %swap3A_170 = arith.constant 288 : index
    %swap3A_171 = tpu.vector_load %arg7[%swap3A_170] {strides = array<i32>} : memref<432xi32, #tpu.memory_space<vmem>>, vector<16xi32>,
    %swap3A_172 = vector.shape_cast %swap3A_171 : vector<16xi32> to vector<16xi32>
    %swap3A_173 = vector.shape_cast %add3A_169 : vector<16xi32> to vector<16xi32>
    tpu.vector_store %arg7[%swap3A_170], %swap3A_173 {strides = array<i32>} : memref<432xi32, #tpu.memory_space<vmem>>, vector<16xi32>,
    %get3A_174 = arith.constant 304 : index
    %get3A_175 = tpu.vector_load %arg7[%get3A_174] {strides = array<i32>} : memref<432xi32, #tpu.memory_space<vmem>>, vector<16xi32>,
    %get3A_176 = vector.shape_cast %get3A_175 : vector<16xi32> to vector<16xi32>
    %add3A_177 = arith.addi %get3A_176, %broadcast_in_dim3A : vector<16xi32>
    %swap3A_178 = arith.constant 304 : index
    %swap3A_179 = tpu.vector_load %arg7[%swap3A_178] {strides = array<i32>} : memref<432xi32, #tpu.memory_space<vmem>>, vector<16xi32>,
    %swap3A_180 = vector.shape_cast %swap3A_179 : vector<16xi32> to vector<16xi32>
    %swap3A_181 = vector.shape_cast %add3A_177 : vector<16xi32> to vector<16xi32>
    tpu.vector_store %arg7[%swap3A_178], %swap3A_181 {strides = array<i32>} : memref<432xi32, #tpu.memory_space<vmem>>, vector<16xi32>,
    %get3A_182 = arith.constant 320 : index
    %get3A_183 = tpu.vector_load %arg7[%get3A_182] {strides = array<i32>} : memref<432xi32, #tpu.memory_space<vmem>>, vector<16xi32>,
    %get3A_184 = vector.shape_cast %get3A_183 : vector<16xi32> to vector<16xi32>
    %add3A_185 = arith.addi %get3A_184, %broadcast_in_dim3A : vector<16xi32>
    %swap3A_186 = arith.constant 320 : index
    %swap3A_187 = tpu.vector_load %arg7[%swap3A_186] {strides = array<i32>} : memref<432xi32, #tpu.memory_space<vmem>>, vector<16xi32>,
    %swap3A_188 = vector.shape_cast %swap3A_187 : vector<16xi32> to vector<16xi32>
    %swap3A_189 = vector.shape_cast %add3A_185 : vector<16xi32> to vector<16xi32>
    tpu.vector_store %arg7[%swap3A_186], %swap3A_189 {strides = array<i32>} : memref<432xi32, #tpu.memory_space<vmem>>, vector<16xi32>,
    %get3A_190 = arith.constant 336 : index
    %get3A_191 = tpu.vector_load %arg7[%get3A_190] {strides = array<i32>} : memref<432xi32, #tpu.memory_space<vmem>>, vector<16xi32>,
    %get3A_192 = vector.shape_cast %get3A_191 : vector<16xi32> to vector<16xi32>
    %add3A_193 = arith.addi %get3A_192, %broadcast_in_dim3A : vector<16xi32>
    %swap3A_194 = arith.constant 336 : index
    %swap3A_195 = tpu.vector_load %arg7[%swap3A_194] {strides = array<i32>} : memref<432xi32, #tpu.memory_space<vmem>>, vector<16xi32>,
    %swap3A_196 = vector.shape_cast %swap3A_195 : vector<16xi32> to vector<16xi32>
    %swap3A_197 = vector.shape_cast %add3A_193 : vector<16xi32> to vector<16xi32>
    tpu.vector_store %arg7[%swap3A_194], %swap3A_197 {strides = array<i32>} : memref<432xi32, #tpu.memory_space<vmem>>, vector<16xi32>,
    %get3A_198 = arith.constant 352 : index
    %get3A_199 = tpu.vector_load %arg7[%get3A_198] {strides = array<i32>} : memref<432xi32, #tpu.memory_space<vmem>>, vector<16xi32>,
    %get3A_200 = vector.shape_cast %get3A_199 : vector<16xi32> to vector<16xi32>
    %add3A_201 = arith.addi %get3A_200, %broadcast_in_dim3A : vector<16xi32>
    %swap3A_202 = arith.constant 352 : index
    %swap3A_203 = tpu.vector_load %arg7[%swap3A_202] {strides = array<i32>} : memref<432xi32, #tpu.memory_space<vmem>>, vector<16xi32>,
    %swap3A_204 = vector.shape_cast %swap3A_203 : vector<16xi32> to vector<16xi32>
    %swap3A_205 = vector.shape_cast %add3A_201 : vector<16xi32> to vector<16xi32>
    tpu.vector_store %arg7[%swap3A_202], %swap3A_205 {strides = array<i32>} : memref<432xi32, #tpu.memory_space<vmem>>, vector<16xi32>,
    %get3A_206 = arith.constant 368 : index
    %get3A_207 = tpu.vector_load %arg7[%get3A_206] {strides = array<i32>} : memref<432xi32, #tpu.memory_space<vmem>>, vector<16xi32>,
    %get3A_208 = vector.shape_cast %get3A_207 : vector<16xi32> to vector<16xi32>
    %add3A_209 = arith.addi %get3A_208, %broadcast_in_dim3A : vector<16xi32>
    %swap3A_210 = arith.constant 368 : index
    %swap3A_211 = tpu.vector_load %arg7[%swap3A_210] {strides = array<i32>} : memref<432xi32, #tpu.memory_space<vmem>>, vector<16xi32>,
    %swap3A_212 = vector.shape_cast %swap3A_211 : vector<16xi32> to vector<16xi32>
    %swap3A_213 = vector.shape_cast %add3A_209 : vector<16xi32> to vector<16xi32>
    tpu.vector_store %arg7[%swap3A_210], %swap3A_213 {strides = array<i32>} : memref<432xi32, #tpu.memory_space<vmem>>, vector<16xi32>,
    %get3A_214 = arith.constant 384 : index
    %get3A_215 = tpu.vector_load %arg7[%get3A_214] {strides = array<i32>} : memref<432xi32, #tpu.memory_space<vmem>>, vector<16xi32>,
    %get3A_216 = vector.shape_cast %get3A_215 : vector<16xi32> to vector<16xi32>
    %add3A_217 = arith.addi %get3A_216, %broadcast_in_dim3A : vector<16xi32>
    %swap3A_218 = arith.constant 384 : index
    %swap3A_219 = tpu.vector_load %arg7[%swap3A_218] {strides = array<i32>} : memref<432xi32, #tpu.memory_space<vmem>>, vector<16xi32>,
    %swap3A_220 = vector.shape_cast %swap3A_219 : vector<16xi32> to vector<16xi32>
    %swap3A_221 = vector.shape_cast %add3A_217 : vector<16xi32> to vector<16xi32>
    tpu.vector_store %arg7[%swap3A_218], %swap3A_221 {strides = array<i32>} : memref<432xi32, #tpu.memory_space<vmem>>, vector<16xi32>,
    %get3A_222 = arith.constant 400 : index
    %get3A_223 = tpu.vector_load %arg7[%get3A_222] {strides = array<i32>} : memref<432xi32, #tpu.memory_space<vmem>>, vector<16xi32>,
    %get3A_224 = vector.shape_cast %get3A_223 : vector<16xi32> to vector<16xi32>
    %add3A_225 = arith.addi %get3A_224, %broadcast_in_dim3A : vector<16xi32>
    %swap3A_226 = arith.constant 400 : index
    %swap3A_227 = tpu.vector_load %arg7[%swap3A_226] {strides = array<i32>} : memref<432xi32, #tpu.memory_space<vmem>>, vector<16xi32>,
    %swap3A_228 = vector.shape_cast %swap3A_227 : vector<16xi32> to vector<16xi32>
    %swap3A_229 = vector.shape_cast %add3A_225 : vector<16xi32> to vector<16xi32>
    tpu.vector_store %arg7[%swap3A_226], %swap3A_229 {strides = array<i32>} : memref<432xi32, #tpu.memory_space<vmem>>, vector<16xi32>,
    %get3A_230 = arith.constant 416 : index
    %get3A_231 = tpu.vector_load %arg7[%get3A_230] {strides = array<i32>} : memref<432xi32, #tpu.memory_space<vmem>>, vector<16xi32>,
    %get3A_232 = vector.shape_cast %get3A_231 : vector<16xi32> to vector<16xi32>
    %add3A_233 = arith.addi %get3A_232, %broadcast_in_dim3A : vector<16xi32>
    %swap3A_234 = arith.constant 416 : index
    %swap3A_235 = tpu.vector_load %arg7[%swap3A_234] {strides = array<i32>} : memref<432xi32, #tpu.memory_space<vmem>>, vector<16xi32>,
    %swap3A_236 = vector.shape_cast %swap3A_235 : vector<16xi32> to vector<16xi32>
    %swap3A_237 = vector.shape_cast %add3A_233 : vector<16xi32> to vector<16xi32>
    tpu.vector_store %arg7[%swap3A_234], %swap3A_237 {strides = array<i32>} : memref<432xi32, #tpu.memory_space<vmem>>, vector<16xi32>,
    %dma_start3A_238 = arith.constant 0 : i32
    %dma_start3A_239 = arith.constant 0 : i32
    %dma_start3A_240 = tpu.memref_slice %arg2[%dma_start3A_238, %dma_start3A_239] : memref<100000x32xf32, #tpu.memory_space<hbm>> -> memref<100000x32xf32, #tpu.memory_space<hbm>>
    tpu.enqueue_indirect_dma source(%dma_start3A_240 : memref<100000x32xf32, #tpu.memory_space<hbm>>) target(%arg13 : memref<432x32xf32, #tpu.memory_space<vmem>>) offsets(%arg7 : memref<432xi32, #tpu.memory_space<vmem>>) semaphore(%arg22 : memref<!tpu.dma_semaphore, #tpu.memory_space<semaphore_mem>>)
    %mul3A_241 = arith.constant 3128 : i32
    %mul3A_242 = arith.muli %arg1, %mul3A_241 : i32
    "tpu.region"() ({
      %run_scoped3A = tpu.sem_alloc : memref<!tpu.dma_semaphore, #tpu.memory_space<semaphore_mem>>
      %dma_start3A_261 = arith.constant 0 : i32
      %dma_start3A_262 = tpu.memref_slice %arg15[%mul3A_242, %dma_start3A_261] : memref<50048x32xf32, #tpu.memory_space<vmem_shared>> -> memref<3128x32xf32, #tpu.memory_space<vmem_shared>>
      tpu.enqueue_dma source(%arg5 : memref<3128x32xf32, #tpu.memory_space<hbm>>) target(%dma_start3A_262 : memref<3128x32xf32, #tpu.memory_space<vmem_shared>>) target_semaphore(%run_scoped3A : memref<!tpu.dma_semaphore, #tpu.memory_space<semaphore_mem>>)
      %dma_wait3A_263 = arith.constant 0 : i32
      %dma_wait3A_264 = tpu.memref_slice %arg15[%mul3A_242, %dma_wait3A_263] : memref<50048x32xf32, #tpu.memory_space<vmem_shared>> -> memref<3128x32xf32, #tpu.memory_space<vmem_shared>>
      tpu.wait_dma2 semaphore(%run_scoped3A : memref<!tpu.dma_semaphore, #tpu.memory_space<semaphore_mem>>) src(%arg5 : memref<3128x32xf32, #tpu.memory_space<hbm>>) dst(%dma_wait3A_264 : memref<3128x32xf32, #tpu.memory_space<vmem_shared>>)
      tpu.yield
    }) : () -> ()
    %barrier3A = arith.constant 0 : index
    tpu.barrier barrier_id(%barrier3A)
    %scan3A = arith.constant 0 : i32
    %scan3A_243 = arith.constant 0 : i32
    %scan3A_244 = arith.constant 29 : i32
    %scan3A_245 = arith.addi %scan3A_243, %scan3A_244 : i32
    %scan3A_246 = arith.constant 1 : i32
    scf.for %scan3A_261 = %scan3A_243 to %scan3A_245 step %scan3A_246  : i32 {
      %mul3A_262 = arith.constant 4 : i32
      %mul3A_263 = arith.muli %mul3A_262, %scan3A_261 : i32
      %add3A_264 = arith.constant 0 : i32
      %add3A_265 = arith.addi %mul3A_263, %add3A_264 : i32
      %ge3A = arith.constant 1 : i32
      %ge3A_266 = arith.cmpi sge, %add3A_265, %ge3A : i32
      %convert_element_type3A_267 = arith.extui %ge3A_266 : i1 to i32
      %cond3A_268 = arith.constant 0 : i32
      %cond3A_269 = arith.cmpi ne, %convert_element_type3A_267, %cond3A_268 : i32
      scf.if %cond3A_269 {
        %dma_wait3A_361 = arith.constant 0 : i32
        %dma_wait3A_362 = arith.constant 0 : i32
        %dma_wait3A_363 = tpu.memref_slice %arg15[%dma_wait3A_361, %dma_wait3A_362] : memref<50048x32xf32, #tpu.memory_space<vmem_shared>> -> memref<50048x32xf32, #tpu.memory_space<vmem_shared>>
        tpu.wait_indirect_dma semaphore(%arg25 : memref<!tpu.dma_semaphore, #tpu.memory_space<semaphore_mem>>) src(%arg14 : memref<432x32xf32, #tpu.memory_space<vmem>>) dst(%dma_wait3A_363 : memref<50048x32xf32, #tpu.memory_space<vmem_shared>>)
      } else {
      }
      %lt3A_270 = arith.constant 115 : i32
      %lt3A_271 = arith.cmpi slt, %add3A_265, %lt3A_270 : i32
      %convert_element_type3A_272 = arith.extui %lt3A_271 : i1 to i32
      %cond3A_273 = arith.constant 0 : i32
      %cond3A_274 = arith.cmpi ne, %convert_element_type3A_272, %cond3A_273 : i32
      scf.if %cond3A_274 {
        %dma_wait3A_361 = arith.constant 0 : i32
        %dma_wait3A_362 = tpu.memref_slice %arg3[%dma_wait3A_361] : memref<801792xi32, #tpu.memory_space<hbm>> -> memref<432xi32, #tpu.memory_space<hbm>>
        %dma_wait3A_363 = arith.constant 0 : i32
        %dma_wait3A_364 = tpu.memref_slice %arg3[%dma_wait3A_363] : memref<801792xi32, #tpu.memory_space<hbm>> -> memref<432xi32, #tpu.memory_space<hbm>>
        tpu.wait_dma2 semaphore(%arg17 : memref<!tpu.dma_semaphore, #tpu.memory_space<semaphore_mem>>) src(%dma_wait3A_364 : memref<432xi32, #tpu.memory_space<hbm>>) dst(%arg8 : memref<432xi32, #tpu.memory_space<vmem>>)
        %dma_wait3A_365 = arith.constant 0 : i32
        %dma_wait3A_366 = tpu.memref_slice %arg4[%dma_wait3A_365] : memref<801792xi32, #tpu.memory_space<hbm>> -> memref<432xi32, #tpu.memory_space<hbm>>
        %dma_wait3A_367 = arith.constant 0 : i32
        %dma_wait3A_368 = tpu.memref_slice %arg4[%dma_wait3A_367] : memref<801792xi32, #tpu.memory_space<hbm>> -> memref<432xi32, #tpu.memory_space<hbm>>
        tpu.wait_dma2 semaphore(%arg19 : memref<!tpu.dma_semaphore, #tpu.memory_space<semaphore_mem>>) src(%dma_wait3A_368 : memref<432xi32, #tpu.memory_space<hbm>>) dst(%arg10 : memref<432xi32, #tpu.memory_space<vmem>>)
        %get3A_369 = arith.constant 0 : index
        %get3A_370 = tpu.vector_load %arg8[%get3A_369] {strides = array<i32>} : memref<432xi32, #tpu.memory_space<vmem>>, vector<16xi32>,
        %get3A_371 = vector.shape_cast %get3A_370 : vector<16xi32> to vector<16xi32>
        %add3A_372 = arith.addi %get3A_371, %broadcast_in_dim3A : vector<16xi32>
        %swap3A_373 = arith.constant 0 : index
        %swap3A_374 = tpu.vector_load %arg8[%swap3A_373] {strides = array<i32>} : memref<432xi32, #tpu.memory_space<vmem>>, vector<16xi32>,
        %swap3A_375 = vector.shape_cast %swap3A_374 : vector<16xi32> to vector<16xi32>
        %swap3A_376 = vector.shape_cast %add3A_372 : vector<16xi32> to vector<16xi32>
        tpu.vector_store %arg8[%swap3A_373], %swap3A_376 {strides = array<i32>} : memref<432xi32, #tpu.memory_space<vmem>>, vector<16xi32>,
        %get3A_377 = arith.constant 16 : index
        %get3A_378 = tpu.vector_load %arg8[%get3A_377] {strides = array<i32>} : memref<432xi32, #tpu.memory_space<vmem>>, vector<16xi32>,
        %get3A_379 = vector.shape_cast %get3A_378 : vector<16xi32> to vector<16xi32>
        %add3A_380 = arith.addi %get3A_379, %broadcast_in_dim3A : vector<16xi32>
        %swap3A_381 = arith.constant 16 : index
        %swap3A_382 = tpu.vector_load %arg8[%swap3A_381] {strides = array<i32>} : memref<432xi32, #tpu.memory_space<vmem>>, vector<16xi32>,
        %swap3A_383 = vector.shape_cast %swap3A_382 : vector<16xi32> to vector<16xi32>
        %swap3A_384 = vector.shape_cast %add3A_380 : vector<16xi32> to vector<16xi32>
        tpu.vector_store %arg8[%swap3A_381], %swap3A_384 {strides = array<i32>} : memref<432xi32, #tpu.memory_space<vmem>>, vector<16xi32>,
        %get3A_385 = arith.constant 32 : index
        %get3A_386 = tpu.vector_load %arg8[%get3A_385] {strides = array<i32>} : memref<432xi32, #tpu.memory_space<vmem>>, vector<16xi32>,
        %get3A_387 = vector.shape_cast %get3A_386 : vector<16xi32> to vector<16xi32>
        %add3A_388 = arith.addi %get3A_387, %broadcast_in_dim3A : vector<16xi32>
        %swap3A_389 = arith.constant 32 : index
        %swap3A_390 = tpu.vector_load %arg8[%swap3A_389] {strides = array<i32>} : memref<432xi32, #tpu.memory_space<vmem>>, vector<16xi32>,
        %swap3A_391 = vector.shape_cast %swap3A_390 : vector<16xi32> to vector<16xi32>
        %swap3A_392 = vector.shape_cast %add3A_388 : vector<16xi32> to vector<16xi32>
        tpu.vector_store %arg8[%swap3A_389], %swap3A_392 {strides = array<i32>} : memref<432xi32, #tpu.memory_space<vmem>>, vector<16xi32>,
        %get3A_393 = arith.constant 48 : index
        %get3A_394 = tpu.vector_load %arg8[%get3A_393] {strides = array<i32>} : memref<432xi32, #tpu.memory_space<vmem>>, vector<16xi32>,
        %get3A_395 = vector.shape_cast %get3A_394 : vector<16xi32> to vector<16xi32>
        %add3A_396 = arith.addi %get3A_395, %broadcast_in_dim3A : vector<16xi32>
        %swap3A_397 = arith.constant 48 : index
        %swap3A_398 = tpu.vector_load %arg8[%swap3A_397] {strides = array<i32>} : memref<432xi32, #tpu.memory_space<vmem>>, vector<16xi32>,
        %swap3A_399 = vector.shape_cast %swap3A_398 : vector<16xi32> to vector<16xi32>
        %swap3A_400 = vector.shape_cast %add3A_396 : vector<16xi32> to vector<16xi32>
        tpu.vector_store %arg8[%swap3A_397], %swap3A_400 {strides = array<i32>} : memref<432xi32, #tpu.memory_space<vmem>>, vector<16xi32>,
        %get3A_401 = arith.constant 64 : index
        %get3A_402 = tpu.vector_load %arg8[%get3A_401] {strides = array<i32>} : memref<432xi32, #tpu.memory_space<vmem>>, vector<16xi32>,
        %get3A_403 = vector.shape_cast %get3A_402 : vector<16xi32> to vector<16xi32>
        %add3A_404 = arith.addi %get3A_403, %broadcast_in_dim3A : vector<16xi32>
        %swap3A_405 = arith.constant 64 : index
        %swap3A_406 = tpu.vector_load %arg8[%swap3A_405] {strides = array<i32>} : memref<432xi32, #tpu.memory_space<vmem>>, vector<16xi32>,
        %swap3A_407 = vector.shape_cast %swap3A_406 : vector<16xi32> to vector<16xi32>
        %swap3A_408 = vector.shape_cast %add3A_404 : vector<16xi32> to vector<16xi32>
        tpu.vector_store %arg8[%swap3A_405], %swap3A_408 {strides = array<i32>} : memref<432xi32, #tpu.memory_space<vmem>>, vector<16xi32>,
        %get3A_409 = arith.constant 80 : index
        %get3A_410 = tpu.vector_load %arg8[%get3A_409] {strides = array<i32>} : memref<432xi32, #tpu.memory_space<vmem>>, vector<16xi32>,
        %get3A_411 = vector.shape_cast %get3A_410 : vector<16xi32> to vector<16xi32>
        %add3A_412 = arith.addi %get3A_411, %broadcast_in_dim3A : vector<16xi32>
        %swap3A_413 = arith.constant 80 : index
        %swap3A_414 = tpu.vector_load %arg8[%swap3A_413] {strides = array<i32>} : memref<432xi32, #tpu.memory_space<vmem>>, vector<16xi32>,
        %swap3A_415 = vector.shape_cast %swap3A_414 : vector<16xi32> to vector<16xi32>
        %swap3A_416 = vector.shape_cast %add3A_412 : vector<16xi32> to vector<16xi32>
        tpu.vector_store %arg8[%swap3A_413], %swap3A_416 {strides = array<i32>} : memref<432xi32, #tpu.memory_space<vmem>>, vector<16xi32>,
        %get3A_417 = arith.constant 96 : index
        %get3A_418 = tpu.vector_load %arg8[%get3A_417] {strides = array<i32>} : memref<432xi32, #tpu.memory_space<vmem>>, vector<16xi32>,
        %get3A_419 = vector.shape_cast %get3A_418 : vector<16xi32> to vector<16xi32>
        %add3A_420 = arith.addi %get3A_419, %broadcast_in_dim3A : vector<16xi32>
        %swap3A_421 = arith.constant 96 : index
        %swap3A_422 = tpu.vector_load %arg8[%swap3A_421] {strides = array<i32>} : memref<432xi32, #tpu.memory_space<vmem>>, vector<16xi32>,
        %swap3A_423 = vector.shape_cast %swap3A_422 : vector<16xi32> to vector<16xi32>
        %swap3A_424 = vector.shape_cast %add3A_420 : vector<16xi32> to vector<16xi32>
        tpu.vector_store %arg8[%swap3A_421], %swap3A_424 {strides = array<i32>} : memref<432xi32, #tpu.memory_space<vmem>>, vector<16xi32>,
        %get3A_425 = arith.constant 112 : index
        %get3A_426 = tpu.vector_load %arg8[%get3A_425] {strides = array<i32>} : memref<432xi32, #tpu.memory_space<vmem>>, vector<16xi32>,
        %get3A_427 = vector.shape_cast %get3A_426 : vector<16xi32> to vector<16xi32>
        %add3A_428 = arith.addi %get3A_427, %broadcast_in_dim3A : vector<16xi32>
        %swap3A_429 = arith.constant 112 : index
        %swap3A_430 = tpu.vector_load %arg8[%swap3A_429] {strides = array<i32>} : memref<432xi32, #tpu.memory_space<vmem>>, vector<16xi32>,
        %swap3A_431 = vector.shape_cast %swap3A_430 : vector<16xi32> to vector<16xi32>
        %swap3A_432 = vector.shape_cast %add3A_428 : vector<16xi32> to vector<16xi32>
        tpu.vector_store %arg8[%swap3A_429], %swap3A_432 {strides = array<i32>} : memref<432xi32, #tpu.memory_space<vmem>>, vector<16xi32>,
        %get3A_433 = arith.constant 128 : index
        %get3A_434 = tpu.vector_load %arg8[%get3A_433] {strides = array<i32>} : memref<432xi32, #tpu.memory_space<vmem>>, vector<16xi32>,
        %get3A_435 = vector.shape_cast %get3A_434 : vector<16xi32> to vector<16xi32>
        %add3A_436 = arith.addi %get3A_435, %broadcast_in_dim3A : vector<16xi32>
        %swap3A_437 = arith.constant 128 : index
        %swap3A_438 = tpu.vector_load %arg8[%swap3A_437] {strides = array<i32>} : memref<432xi32, #tpu.memory_space<vmem>>, vector<16xi32>,
        %swap3A_439 = vector.shape_cast %swap3A_438 : vector<16xi32> to vector<16xi32>
        %swap3A_440 = vector.shape_cast %add3A_436 : vector<16xi32> to vector<16xi32>
        tpu.vector_store %arg8[%swap3A_437], %swap3A_440 {strides = array<i32>} : memref<432xi32, #tpu.memory_space<vmem>>, vector<16xi32>,
        %get3A_441 = arith.constant 144 : index
        %get3A_442 = tpu.vector_load %arg8[%get3A_441] {strides = array<i32>} : memref<432xi32, #tpu.memory_space<vmem>>, vector<16xi32>,
        %get3A_443 = vector.shape_cast %get3A_442 : vector<16xi32> to vector<16xi32>
        %add3A_444 = arith.addi %get3A_443, %broadcast_in_dim3A : vector<16xi32>
        %swap3A_445 = arith.constant 144 : index
        %swap3A_446 = tpu.vector_load %arg8[%swap3A_445] {strides = array<i32>} : memref<432xi32, #tpu.memory_space<vmem>>, vector<16xi32>,
        %swap3A_447 = vector.shape_cast %swap3A_446 : vector<16xi32> to vector<16xi32>
        %swap3A_448 = vector.shape_cast %add3A_444 : vector<16xi32> to vector<16xi32>
        tpu.vector_store %arg8[%swap3A_445], %swap3A_448 {strides = array<i32>} : memref<432xi32, #tpu.memory_space<vmem>>, vector<16xi32>,
        %get3A_449 = arith.constant 160 : index
        %get3A_450 = tpu.vector_load %arg8[%get3A_449] {strides = array<i32>} : memref<432xi32, #tpu.memory_space<vmem>>, vector<16xi32>,
        %get3A_451 = vector.shape_cast %get3A_450 : vector<16xi32> to vector<16xi32>
        %add3A_452 = arith.addi %get3A_451, %broadcast_in_dim3A : vector<16xi32>
        %swap3A_453 = arith.constant 160 : index
        %swap3A_454 = tpu.vector_load %arg8[%swap3A_453] {strides = array<i32>} : memref<432xi32, #tpu.memory_space<vmem>>, vector<16xi32>,
        %swap3A_455 = vector.shape_cast %swap3A_454 : vector<16xi32> to vector<16xi32>
        %swap3A_456 = vector.shape_cast %add3A_452 : vector<16xi32> to vector<16xi32>
        tpu.vector_store %arg8[%swap3A_453], %swap3A_456 {strides = array<i32>} : memref<432xi32, #tpu.memory_space<vmem>>, vector<16xi32>,
        %get3A_457 = arith.constant 176 : index
        %get3A_458 = tpu.vector_load %arg8[%get3A_457] {strides = array<i32>} : memref<432xi32, #tpu.memory_space<vmem>>, vector<16xi32>,
        %get3A_459 = vector.shape_cast %get3A_458 : vector<16xi32> to vector<16xi32>
        %add3A_460 = arith.addi %get3A_459, %broadcast_in_dim3A : vector<16xi32>
        %swap3A_461 = arith.constant 176 : index
        %swap3A_462 = tpu.vector_load %arg8[%swap3A_461] {strides = array<i32>} : memref<432xi32, #tpu.memory_space<vmem>>, vector<16xi32>,
        %swap3A_463 = vector.shape_cast %swap3A_462 : vector<16xi32> to vector<16xi32>
        %swap3A_464 = vector.shape_cast %add3A_460 : vector<16xi32> to vector<16xi32>
        tpu.vector_store %arg8[%swap3A_461], %swap3A_464 {strides = array<i32>} : memref<432xi32, #tpu.memory_space<vmem>>, vector<16xi32>,
        %get3A_465 = arith.constant 192 : index
        %get3A_466 = tpu.vector_load %arg8[%get3A_465] {strides = array<i32>} : memref<432xi32, #tpu.memory_space<vmem>>, vector<16xi32>,
        %get3A_467 = vector.shape_cast %get3A_466 : vector<16xi32> to vector<16xi32>
        %add3A_468 = arith.addi %get3A_467, %broadcast_in_dim3A : vector<16xi32>
        %swap3A_469 = arith.constant 192 : index
        %swap3A_470 = tpu.vector_load %arg8[%swap3A_469] {strides = array<i32>} : memref<432xi32, #tpu.memory_space<vmem>>, vector<16xi32>,
        %swap3A_471 = vector.shape_cast %swap3A_470 : vector<16xi32> to vector<16xi32>
        %swap3A_472 = vector.shape_cast %add3A_468 : vector<16xi32> to vector<16xi32>
        tpu.vector_store %arg8[%swap3A_469], %swap3A_472 {strides = array<i32>} : memref<432xi32, #tpu.memory_space<vmem>>, vector<16xi32>,
        %get3A_473 = arith.constant 208 : index
        %get3A_474 = tpu.vector_load %arg8[%get3A_473] {strides = array<i32>} : memref<432xi32, #tpu.memory_space<vmem>>, vector<16xi32>,
        %get3A_475 = vector.shape_cast %get3A_474 : vector<16xi32> to vector<16xi32>
        %add3A_476 = arith.addi %get3A_475, %broadcast_in_dim3A : vector<16xi32>
        %swap3A_477 = arith.constant 208 : index
        %swap3A_478 = tpu.vector_load %arg8[%swap3A_477] {strides = array<i32>} : memref<432xi32, #tpu.memory_space<vmem>>, vector<16xi32>,
        %swap3A_479 = vector.shape_cast %swap3A_478 : vector<16xi32> to vector<16xi32>
        %swap3A_480 = vector.shape_cast %add3A_476 : vector<16xi32> to vector<16xi32>
        tpu.vector_store %arg8[%swap3A_477], %swap3A_480 {strides = array<i32>} : memref<432xi32, #tpu.memory_space<vmem>>, vector<16xi32>,
        %get3A_481 = arith.constant 224 : index
        %get3A_482 = tpu.vector_load %arg8[%get3A_481] {strides = array<i32>} : memref<432xi32, #tpu.memory_space<vmem>>, vector<16xi32>,
        %get3A_483 = vector.shape_cast %get3A_482 : vector<16xi32> to vector<16xi32>
        %add3A_484 = arith.addi %get3A_483, %broadcast_in_dim3A : vector<16xi32>
        %swap3A_485 = arith.constant 224 : index
        %swap3A_486 = tpu.vector_load %arg8[%swap3A_485] {strides = array<i32>} : memref<432xi32, #tpu.memory_space<vmem>>, vector<16xi32>,
        %swap3A_487 = vector.shape_cast %swap3A_486 : vector<16xi32> to vector<16xi32>
        %swap3A_488 = vector.shape_cast %add3A_484 : vector<16xi32> to vector<16xi32>
        tpu.vector_store %arg8[%swap3A_485], %swap3A_488 {strides = array<i32>} : memref<432xi32, #tpu.memory_space<vmem>>, vector<16xi32>,
        %get3A_489 = arith.constant 240 : index
        %get3A_490 = tpu.vector_load %arg8[%get3A_489] {strides = array<i32>} : memref<432xi32, #tpu.memory_space<vmem>>, vector<16xi32>,
        %get3A_491 = vector.shape_cast %get3A_490 : vector<16xi32> to vector<16xi32>
        %add3A_492 = arith.addi %get3A_491, %broadcast_in_dim3A : vector<16xi32>
        %swap3A_493 = arith.constant 240 : index
        %swap3A_494 = tpu.vector_load %arg8[%swap3A_493] {strides = array<i32>} : memref<432xi32, #tpu.memory_space<vmem>>, vector<16xi32>,
        %swap3A_495 = vector.shape_cast %swap3A_494 : vector<16xi32> to vector<16xi32>
        %swap3A_496 = vector.shape_cast %add3A_492 : vector<16xi32> to vector<16xi32>
        tpu.vector_store %arg8[%swap3A_493], %swap3A_496 {strides = array<i32>} : memref<432xi32, #tpu.memory_space<vmem>>, vector<16xi32>,
        %get3A_497 = arith.constant 256 : index
        %get3A_498 = tpu.vector_load %arg8[%get3A_497] {strides = array<i32>} : memref<432xi32, #tpu.memory_space<vmem>>, vector<16xi32>,
        %get3A_499 = vector.shape_cast %get3A_498 : vector<16xi32> to vector<16xi32>
        %add3A_500 = arith.addi %get3A_499, %broadcast_in_dim3A : vector<16xi32>
        %swap3A_501 = arith.constant 256 : index
        %swap3A_502 = tpu.vector_load %arg8[%swap3A_501] {strides = array<i32>} : memref<432xi32, #tpu.memory_space<vmem>>, vector<16xi32>,
        %swap3A_503 = vector.shape_cast %swap3A_502 : vector<16xi32> to vector<16xi32>
        %swap3A_504 = vector.shape_cast %add3A_500 : vector<16xi32> to vector<16xi32>
        tpu.vector_store %arg8[%swap3A_501], %swap3A_504 {strides = array<i32>} : memref<432xi32, #tpu.memory_space<vmem>>, vector<16xi32>,
        %get3A_505 = arith.constant 272 : index
        %get3A_506 = tpu.vector_load %arg8[%get3A_505] {strides = array<i32>} : memref<432xi32, #tpu.memory_space<vmem>>, vector<16xi32>,
        %get3A_507 = vector.shape_cast %get3A_506 : vector<16xi32> to vector<16xi32>
        %add3A_508 = arith.addi %get3A_507, %broadcast_in_dim3A : vector<16xi32>
        %swap3A_509 = arith.constant 272 : index
        %swap3A_510 = tpu.vector_load %arg8[%swap3A_509] {strides = array<i32>} : memref<432xi32, #tpu.memory_space<vmem>>, vector<16xi32>,
        %swap3A_511 = vector.shape_cast %swap3A_510 : vector<16xi32> to vector<16xi32>
        %swap3A_512 = vector.shape_cast %add3A_508 : vector<16xi32> to vector<16xi32>
        tpu.vector_store %arg8[%swap3A_509], %swap3A_512 {strides = array<i32>} : memref<432xi32, #tpu.memory_space<vmem>>, vector<16xi32>,
        %get3A_513 = arith.constant 288 : index
        %get3A_514 = tpu.vector_load %arg8[%get3A_513] {strides = array<i32>} : memref<432xi32, #tpu.memory_space<vmem>>, vector<16xi32>,
        %get3A_515 = vector.shape_cast %get3A_514 : vector<16xi32> to vector<16xi32>
        %add3A_516 = arith.addi %get3A_515, %broadcast_in_dim3A : vector<16xi32>
        %swap3A_517 = arith.constant 288 : index
        %swap3A_518 = tpu.vector_load %arg8[%swap3A_517] {strides = array<i32>} : memref<432xi32, #tpu.memory_space<vmem>>, vector<16xi32>,
        %swap3A_519 = vector.shape_cast %swap3A_518 : vector<16xi32> to vector<16xi32>
        %swap3A_520 = vector.shape_cast %add3A_516 : vector<16xi32> to vector<16xi32>
        tpu.vector_store %arg8[%swap3A_517], %swap3A_520 {strides = array<i32>} : memref<432xi32, #tpu.memory_space<vmem>>, vector<16xi32>,
        %get3A_521 = arith.constant 304 : index
        %get3A_522 = tpu.vector_load %arg8[%get3A_521] {strides = array<i32>} : memref<432xi32, #tpu.memory_space<vmem>>, vector<16xi32>,
        %get3A_523 = vector.shape_cast %get3A_522 : vector<16xi32> to vector<16xi32>
        %add3A_524 = arith.addi %get3A_523, %broadcast_in_dim3A : vector<16xi32>
        %swap3A_525 = arith.constant 304 : index
        %swap3A_526 = tpu.vector_load %arg8[%swap3A_525] {strides = array<i32>} : memref<432xi32, #tpu.memory_space<vmem>>, vector<16xi32>,
        %swap3A_527 = vector.shape_cast %swap3A_526 : vector<16xi32> to vector<16xi32>
        %swap3A_528 = vector.shape_cast %add3A_524 : vector<16xi32> to vector<16xi32>
        tpu.vector_store %arg8[%swap3A_525], %swap3A_528 {strides = array<i32>} : memref<432xi32, #tpu.memory_space<vmem>>, vector<16xi32>,
        %get3A_529 = arith.constant 320 : index
        %get3A_530 = tpu.vector_load %arg8[%get3A_529] {strides = array<i32>} : memref<432xi32, #tpu.memory_space<vmem>>, vector<16xi32>,
        %get3A_531 = vector.shape_cast %get3A_530 : vector<16xi32> to vector<16xi32>
        %add3A_532 = arith.addi %get3A_531, %broadcast_in_dim3A : vector<16xi32>
        %swap3A_533 = arith.constant 320 : index
        %swap3A_534 = tpu.vector_load %arg8[%swap3A_533] {strides = array<i32>} : memref<432xi32, #tpu.memory_space<vmem>>, vector<16xi32>,
        %swap3A_535 = vector.shape_cast %swap3A_534 : vector<16xi32> to vector<16xi32>
        %swap3A_536 = vector.shape_cast %add3A_532 : vector<16xi32> to vector<16xi32>
        tpu.vector_store %arg8[%swap3A_533], %swap3A_536 {strides = array<i32>} : memref<432xi32, #tpu.memory_space<vmem>>, vector<16xi32>,
        %get3A_537 = arith.constant 336 : index
        %get3A_538 = tpu.vector_load %arg8[%get3A_537] {strides = array<i32>} : memref<432xi32, #tpu.memory_space<vmem>>, vector<16xi32>,
        %get3A_539 = vector.shape_cast %get3A_538 : vector<16xi32> to vector<16xi32>
        %add3A_540 = arith.addi %get3A_539, %broadcast_in_dim3A : vector<16xi32>
        %swap3A_541 = arith.constant 336 : index
        %swap3A_542 = tpu.vector_load %arg8[%swap3A_541] {strides = array<i32>} : memref<432xi32, #tpu.memory_space<vmem>>, vector<16xi32>,
        %swap3A_543 = vector.shape_cast %swap3A_542 : vector<16xi32> to vector<16xi32>
        %swap3A_544 = vector.shape_cast %add3A_540 : vector<16xi32> to vector<16xi32>
        tpu.vector_store %arg8[%swap3A_541], %swap3A_544 {strides = array<i32>} : memref<432xi32, #tpu.memory_space<vmem>>, vector<16xi32>,
        %get3A_545 = arith.constant 352 : index
        %get3A_546 = tpu.vector_load %arg8[%get3A_545] {strides = array<i32>} : memref<432xi32, #tpu.memory_space<vmem>>, vector<16xi32>,
        %get3A_547 = vector.shape_cast %get3A_546 : vector<16xi32> to vector<16xi32>
        %add3A_548 = arith.addi %get3A_547, %broadcast_in_dim3A : vector<16xi32>
        %swap3A_549 = arith.constant 352 : index
        %swap3A_550 = tpu.vector_load %arg8[%swap3A_549] {strides = array<i32>} : memref<432xi32, #tpu.memory_space<vmem>>, vector<16xi32>,
        %swap3A_551 = vector.shape_cast %swap3A_550 : vector<16xi32> to vector<16xi32>
        %swap3A_552 = vector.shape_cast %add3A_548 : vector<16xi32> to vector<16xi32>
        tpu.vector_store %arg8[%swap3A_549], %swap3A_552 {strides = array<i32>} : memref<432xi32, #tpu.memory_space<vmem>>, vector<16xi32>,
        %get3A_553 = arith.constant 368 : index
        %get3A_554 = tpu.vector_load %arg8[%get3A_553] {strides = array<i32>} : memref<432xi32, #tpu.memory_space<vmem>>, vector<16xi32>,
        %get3A_555 = vector.shape_cast %get3A_554 : vector<16xi32> to vector<16xi32>
        %add3A_556 = arith.addi %get3A_555, %broadcast_in_dim3A : vector<16xi32>
        %swap3A_557 = arith.constant 368 : index
        %swap3A_558 = tpu.vector_load %arg8[%swap3A_557] {strides = array<i32>} : memref<432xi32, #tpu.memory_space<vmem>>, vector<16xi32>,
        %swap3A_559 = vector.shape_cast %swap3A_558 : vector<16xi32> to vector<16xi32>
        %swap3A_560 = vector.shape_cast %add3A_556 : vector<16xi32> to vector<16xi32>
        tpu.vector_store %arg8[%swap3A_557], %swap3A_560 {strides = array<i32>} : memref<432xi32, #tpu.memory_space<vmem>>, vector<16xi32>,
        %get3A_561 = arith.constant 384 : index
        %get3A_562 = tpu.vector_load %arg8[%get3A_561] {strides = array<i32>} : memref<432xi32, #tpu.memory_space<vmem>>, vector<16xi32>,
        %get3A_563 = vector.shape_cast %get3A_562 : vector<16xi32> to vector<16xi32>
        %add3A_564 = arith.addi %get3A_563, %broadcast_in_dim3A : vector<16xi32>
        %swap3A_565 = arith.constant 384 : index
        %swap3A_566 = tpu.vector_load %arg8[%swap3A_565] {strides = array<i32>} : memref<432xi32, #tpu.memory_space<vmem>>, vector<16xi32>,
        %swap3A_567 = vector.shape_cast %swap3A_566 : vector<16xi32> to vector<16xi32>
        %swap3A_568 = vector.shape_cast %add3A_564 : vector<16xi32> to vector<16xi32>
        tpu.vector_store %arg8[%swap3A_565], %swap3A_568 {strides = array<i32>} : memref<432xi32, #tpu.memory_space<vmem>>, vector<16xi32>,
        %get3A_569 = arith.constant 400 : index
        %get3A_570 = tpu.vector_load %arg8[%get3A_569] {strides = array<i32>} : memref<432xi32, #tpu.memory_space<vmem>>, vector<16xi32>,
        %get3A_571 = vector.shape_cast %get3A_570 : vector<16xi32> to vector<16xi32>
        %add3A_572 = arith.addi %get3A_571, %broadcast_in_dim3A : vector<16xi32>
        %swap3A_573 = arith.constant 400 : index
        %swap3A_574 = tpu.vector_load %arg8[%swap3A_573] {strides = array<i32>} : memref<432xi32, #tpu.memory_space<vmem>>, vector<16xi32>,
        %swap3A_575 = vector.shape_cast %swap3A_574 : vector<16xi32> to vector<16xi32>
        %swap3A_576 = vector.shape_cast %add3A_572 : vector<16xi32> to vector<16xi32>
        tpu.vector_store %arg8[%swap3A_573], %swap3A_576 {strides = array<i32>} : memref<432xi32, #tpu.memory_space<vmem>>, vector<16xi32>,
        %get3A_577 = arith.constant 416 : index
        %get3A_578 = tpu.vector_load %arg8[%get3A_577] {strides = array<i32>} : memref<432xi32, #tpu.memory_space<vmem>>, vector<16xi32>,
        %get3A_579 = vector.shape_cast %get3A_578 : vector<16xi32> to vector<16xi32>
        %add3A_580 = arith.addi %get3A_579, %broadcast_in_dim3A : vector<16xi32>
        %swap3A_581 = arith.constant 416 : index
        %swap3A_582 = tpu.vector_load %arg8[%swap3A_581] {strides = array<i32>} : memref<432xi32, #tpu.memory_space<vmem>>, vector<16xi32>,
        %swap3A_583 = vector.shape_cast %swap3A_582 : vector<16xi32> to vector<16xi32>
        %swap3A_584 = vector.shape_cast %add3A_580 : vector<16xi32> to vector<16xi32>
        tpu.vector_store %arg8[%swap3A_581], %swap3A_584 {strides = array<i32>} : memref<432xi32, #tpu.memory_space<vmem>>, vector<16xi32>,
        %dma_start3A_585 = arith.constant 0 : i32
        %dma_start3A_586 = arith.constant 0 : i32
        %dma_start3A_587 = tpu.memref_slice %arg2[%dma_start3A_585, %dma_start3A_586] : memref<100000x32xf32, #tpu.memory_space<hbm>> -> memref<100000x32xf32, #tpu.memory_space<hbm>>
        tpu.enqueue_indirect_dma source(%dma_start3A_587 : memref<100000x32xf32, #tpu.memory_space<hbm>>) target(%arg14 : memref<432x32xf32, #tpu.memory_space<vmem>>) offsets(%arg8 : memref<432xi32, #tpu.memory_space<vmem>>) semaphore(%arg23 : memref<!tpu.dma_semaphore, #tpu.memory_space<semaphore_mem>>)
      } else {
      }
      %dma_wait3A_275 = arith.constant 0 : i32
      %dma_wait3A_276 = arith.constant 0 : i32
      %dma_wait3A_277 = tpu.memref_slice %arg2[%dma_wait3A_275, %dma_wait3A_276] : memref<100000x32xf32, #tpu.memory_space<hbm>> -> memref<100000x32xf32, #tpu.memory_space<hbm>>
      tpu.wait_indirect_dma semaphore(%arg22 : memref<!tpu.dma_semaphore, #tpu.memory_space<semaphore_mem>>) src(%dma_wait3A_277 : memref<100000x32xf32, #tpu.memory_space<hbm>>) dst(%arg13 : memref<432x32xf32, #tpu.memory_space<vmem>>)
      %dma_start3A_278 = arith.constant 0 : i32
      %dma_start3A_279 = arith.constant 0 : i32
      %dma_start3A_280 = tpu.memref_slice %arg15[%dma_start3A_278, %dma_start3A_279] : memref<50048x32xf32, #tpu.memory_space<vmem_shared>> -> memref<50048x32xf32, #tpu.memory_space<vmem_shared>>
      tpu.enqueue_indirect_dma source(%arg13 : memref<432x32xf32, #tpu.memory_space<vmem>>) target(%dma_start3A_280 : memref<50048x32xf32, #tpu.memory_space<vmem_shared>>) offsets(%arg9 : memref<432xi32, #tpu.memory_space<vmem>>) semaphore(%arg24 : memref<!tpu.dma_semaphore, #tpu.memory_space<semaphore_mem>>) {add = true}
      %lt3A_281 = arith.constant 114 : i32
      %lt3A_282 = arith.cmpi slt, %add3A_265, %lt3A_281 : i32
      %convert_element_type3A_283 = arith.extui %lt3A_282 : i1 to i32
      %cond3A_284 = arith.constant 0 : i32
      %cond3A_285 = arith.cmpi ne, %convert_element_type3A_283, %cond3A_284 : i32
      scf.if %cond3A_285 {
        %add3A_361 = arith.constant 2 : i32
        %add3A_362 = arith.addi %add3A_265, %add3A_361 : i32
        %mul3A_363 = arith.constant 432 : i32
        %mul3A_364 = arith.muli %add3A_362, %mul3A_363 : i32
        %add3A_365 = arith.addi %mul3A_0, %mul3A_364 : i32
        %dma_start3A_366 = tpu.memref_slice %arg3[%add3A_365] : memref<801792xi32, #tpu.memory_space<hbm>> -> memref<432xi32, #tpu.memory_space<hbm>>
        %dma_start3A_367 = tpu.memref_slice %arg3[%add3A_365] : memref<801792xi32, #tpu.memory_space<hbm>> -> memref<432xi32, #tpu.memory_space<hbm>>
        tpu.enqueue_dma source(%dma_start3A_367 : memref<432xi32, #tpu.memory_space<hbm>>) target(%arg7 : memref<432xi32, #tpu.memory_space<vmem>>) target_semaphore(%arg16 : memref<!tpu.dma_semaphore, #tpu.memory_space<semaphore_mem>>)
        %mul3A_368 = arith.constant 432 : i32
        %mul3A_369 = arith.muli %add3A_362, %mul3A_368 : i32
        %add3A_370 = arith.addi %mul3A_0, %mul3A_369 : i32
        %dma_start3A_371 = tpu.memref_slice %arg4[%add3A_370] : memref<801792xi32, #tpu.memory_space<hbm>> -> memref<432xi32, #tpu.memory_space<hbm>>
        %dma_start3A_372 = tpu.memref_slice %arg4[%add3A_370] : memref<801792xi32, #tpu.memory_space<hbm>> -> memref<432xi32, #tpu.memory_space<hbm>>
        tpu.enqueue_dma source(%dma_start3A_372 : memref<432xi32, #tpu.memory_space<hbm>>) target(%arg11 : memref<432xi32, #tpu.memory_space<vmem>>) target_semaphore(%arg20 : memref<!tpu.dma_semaphore, #tpu.memory_space<semaphore_mem>>)
      } else {
      }
      %mul3A_286 = arith.constant 4 : i32
      %mul3A_287 = arith.muli %mul3A_286, %scan3A_261 : i32
      %add3A_288 = arith.constant 1 : i32
      %add3A_289 = arith.addi %mul3A_287, %add3A_288 : i32
      %ge3A_290 = arith.constant 1 : i32
      %ge3A_291 = arith.cmpi sge, %add3A_289, %ge3A_290 : i32
      %convert_element_type3A_292 = arith.extui %ge3A_291 : i1 to i32
      %cond3A_293 = arith.constant 0 : i32
      %cond3A_294 = arith.cmpi ne, %convert_element_type3A_292, %cond3A_293 : i32
      scf.if %cond3A_294 {
        %dma_wait3A_361 = arith.constant 0 : i32
        %dma_wait3A_362 = arith.constant 0 : i32
        %dma_wait3A_363 = tpu.memref_slice %arg15[%dma_wait3A_361, %dma_wait3A_362] : memref<50048x32xf32, #tpu.memory_space<vmem_shared>> -> memref<50048x32xf32, #tpu.memory_space<vmem_shared>>
        tpu.wait_indirect_dma semaphore(%arg24 : memref<!tpu.dma_semaphore, #tpu.memory_space<semaphore_mem>>) src(%arg13 : memref<432x32xf32, #tpu.memory_space<vmem>>) dst(%dma_wait3A_363 : memref<50048x32xf32, #tpu.memory_space<vmem_shared>>)
      } else {
      }
      %lt3A_295 = arith.constant 115 : i32
      %lt3A_296 = arith.cmpi slt, %add3A_289, %lt3A_295 : i32
      %convert_element_type3A_297 = arith.extui %lt3A_296 : i1 to i32
      %cond3A_298 = arith.constant 0 : i32
      %cond3A_299 = arith.cmpi ne, %convert_element_type3A_297, %cond3A_298 : i32
      scf.if %cond3A_299 {
        %dma_wait3A_361 = arith.constant 0 : i32
        %dma_wait3A_362 = tpu.memref_slice %arg3[%dma_wait3A_361] : memref<801792xi32, #tpu.memory_space<hbm>> -> memref<432xi32, #tpu.memory_space<hbm>>
        %dma_wait3A_363 = arith.constant 0 : i32
        %dma_wait3A_364 = tpu.memref_slice %arg3[%dma_wait3A_363] : memref<801792xi32, #tpu.memory_space<hbm>> -> memref<432xi32, #tpu.memory_space<hbm>>
        tpu.wait_dma2 semaphore(%arg16 : memref<!tpu.dma_semaphore, #tpu.memory_space<semaphore_mem>>) src(%dma_wait3A_364 : memref<432xi32, #tpu.memory_space<hbm>>) dst(%arg7 : memref<432xi32, #tpu.memory_space<vmem>>)
        %dma_wait3A_365 = arith.constant 0 : i32
        %dma_wait3A_366 = tpu.memref_slice %arg4[%dma_wait3A_365] : memref<801792xi32, #tpu.memory_space<hbm>> -> memref<432xi32, #tpu.memory_space<hbm>>
        %dma_wait3A_367 = arith.constant 0 : i32
        %dma_wait3A_368 = tpu.memref_slice %arg4[%dma_wait3A_367] : memref<801792xi32, #tpu.memory_space<hbm>> -> memref<432xi32, #tpu.memory_space<hbm>>
        tpu.wait_dma2 semaphore(%arg20 : memref<!tpu.dma_semaphore, #tpu.memory_space<semaphore_mem>>) src(%dma_wait3A_368 : memref<432xi32, #tpu.memory_space<hbm>>) dst(%arg11 : memref<432xi32, #tpu.memory_space<vmem>>)
        %get3A_369 = arith.constant 0 : index
        %get3A_370 = tpu.vector_load %arg7[%get3A_369] {strides = array<i32>} : memref<432xi32, #tpu.memory_space<vmem>>, vector<16xi32>,
        %get3A_371 = vector.shape_cast %get3A_370 : vector<16xi32> to vector<16xi32>
        %add3A_372 = arith.addi %get3A_371, %broadcast_in_dim3A : vector<16xi32>
        %swap3A_373 = arith.constant 0 : index
        %swap3A_374 = tpu.vector_load %arg7[%swap3A_373] {strides = array<i32>} : memref<432xi32, #tpu.memory_space<vmem>>, vector<16xi32>,
        %swap3A_375 = vector.shape_cast %swap3A_374 : vector<16xi32> to vector<16xi32>
        %swap3A_376 = vector.shape_cast %add3A_372 : vector<16xi32> to vector<16xi32>
        tpu.vector_store %arg7[%swap3A_373], %swap3A_376 {strides = array<i32>} : memref<432xi32, #tpu.memory_space<vmem>>, vector<16xi32>,
        %get3A_377 = arith.constant 16 : index
        %get3A_378 = tpu.vector_load %arg7[%get3A_377] {strides = array<i32>} : memref<432xi32, #tpu.memory_space<vmem>>, vector<16xi32>,
        %get3A_379 = vector.shape_cast %get3A_378 : vector<16xi32> to vector<16xi32>
        %add3A_380 = arith.addi %get3A_379, %broadcast_in_dim3A : vector<16xi32>
        %swap3A_381 = arith.constant 16 : index
        %swap3A_382 = tpu.vector_load %arg7[%swap3A_381] {strides = array<i32>} : memref<432xi32, #tpu.memory_space<vmem>>, vector<16xi32>,
        %swap3A_383 = vector.shape_cast %swap3A_382 : vector<16xi32> to vector<16xi32>
        %swap3A_384 = vector.shape_cast %add3A_380 : vector<16xi32> to vector<16xi32>
        tpu.vector_store %arg7[%swap3A_381], %swap3A_384 {strides = array<i32>} : memref<432xi32, #tpu.memory_space<vmem>>, vector<16xi32>,
        %get3A_385 = arith.constant 32 : index
        %get3A_386 = tpu.vector_load %arg7[%get3A_385] {strides = array<i32>} : memref<432xi32, #tpu.memory_space<vmem>>, vector<16xi32>,
        %get3A_387 = vector.shape_cast %get3A_386 : vector<16xi32> to vector<16xi32>
        %add3A_388 = arith.addi %get3A_387, %broadcast_in_dim3A : vector<16xi32>
        %swap3A_389 = arith.constant 32 : index
        %swap3A_390 = tpu.vector_load %arg7[%swap3A_389] {strides = array<i32>} : memref<432xi32, #tpu.memory_space<vmem>>, vector<16xi32>,
        %swap3A_391 = vector.shape_cast %swap3A_390 : vector<16xi32> to vector<16xi32>
        %swap3A_392 = vector.shape_cast %add3A_388 : vector<16xi32> to vector<16xi32>
        tpu.vector_store %arg7[%swap3A_389], %swap3A_392 {strides = array<i32>} : memref<432xi32, #tpu.memory_space<vmem>>, vector<16xi32>,
        %get3A_393 = arith.constant 48 : index
        %get3A_394 = tpu.vector_load %arg7[%get3A_393] {strides = array<i32>} : memref<432xi32, #tpu.memory_space<vmem>>, vector<16xi32>,
        %get3A_395 = vector.shape_cast %get3A_394 : vector<16xi32> to vector<16xi32>
        %add3A_396 = arith.addi %get3A_395, %broadcast_in_dim3A : vector<16xi32>
        %swap3A_397 = arith.constant 48 : index
        %swap3A_398 = tpu.vector_load %arg7[%swap3A_397] {strides = array<i32>} : memref<432xi32, #tpu.memory_space<vmem>>, vector<16xi32>,
        %swap3A_399 = vector.shape_cast %swap3A_398 : vector<16xi32> to vector<16xi32>
        %swap3A_400 = vector.shape_cast %add3A_396 : vector<16xi32> to vector<16xi32>
        tpu.vector_store %arg7[%swap3A_397], %swap3A_400 {strides = array<i32>} : memref<432xi32, #tpu.memory_space<vmem>>, vector<16xi32>,
        %get3A_401 = arith.constant 64 : index
        %get3A_402 = tpu.vector_load %arg7[%get3A_401] {strides = array<i32>} : memref<432xi32, #tpu.memory_space<vmem>>, vector<16xi32>,
        %get3A_403 = vector.shape_cast %get3A_402 : vector<16xi32> to vector<16xi32>
        %add3A_404 = arith.addi %get3A_403, %broadcast_in_dim3A : vector<16xi32>
        %swap3A_405 = arith.constant 64 : index
        %swap3A_406 = tpu.vector_load %arg7[%swap3A_405] {strides = array<i32>} : memref<432xi32, #tpu.memory_space<vmem>>, vector<16xi32>,
        %swap3A_407 = vector.shape_cast %swap3A_406 : vector<16xi32> to vector<16xi32>
        %swap3A_408 = vector.shape_cast %add3A_404 : vector<16xi32> to vector<16xi32>
        tpu.vector_store %arg7[%swap3A_405], %swap3A_408 {strides = array<i32>} : memref<432xi32, #tpu.memory_space<vmem>>, vector<16xi32>,
        %get3A_409 = arith.constant 80 : index
        %get3A_410 = tpu.vector_load %arg7[%get3A_409] {strides = array<i32>} : memref<432xi32, #tpu.memory_space<vmem>>, vector<16xi32>,
        %get3A_411 = vector.shape_cast %get3A_410 : vector<16xi32> to vector<16xi32>
        %add3A_412 = arith.addi %get3A_411, %broadcast_in_dim3A : vector<16xi32>
        %swap3A_413 = arith.constant 80 : index
        %swap3A_414 = tpu.vector_load %arg7[%swap3A_413] {strides = array<i32>} : memref<432xi32, #tpu.memory_space<vmem>>, vector<16xi32>,
        %swap3A_415 = vector.shape_cast %swap3A_414 : vector<16xi32> to vector<16xi32>
        %swap3A_416 = vector.shape_cast %add3A_412 : vector<16xi32> to vector<16xi32>
        tpu.vector_store %arg7[%swap3A_413], %swap3A_416 {strides = array<i32>} : memref<432xi32, #tpu.memory_space<vmem>>, vector<16xi32>,
        %get3A_417 = arith.constant 96 : index
        %get3A_418 = tpu.vector_load %arg7[%get3A_417] {strides = array<i32>} : memref<432xi32, #tpu.memory_space<vmem>>, vector<16xi32>,
        %get3A_419 = vector.shape_cast %get3A_418 : vector<16xi32> to vector<16xi32>
        %add3A_420 = arith.addi %get3A_419, %broadcast_in_dim3A : vector<16xi32>
        %swap3A_421 = arith.constant 96 : index
        %swap3A_422 = tpu.vector_load %arg7[%swap3A_421] {strides = array<i32>} : memref<432xi32, #tpu.memory_space<vmem>>, vector<16xi32>,
        %swap3A_423 = vector.shape_cast %swap3A_422 : vector<16xi32> to vector<16xi32>
        %swap3A_424 = vector.shape_cast %add3A_420 : vector<16xi32> to vector<16xi32>
        tpu.vector_store %arg7[%swap3A_421], %swap3A_424 {strides = array<i32>} : memref<432xi32, #tpu.memory_space<vmem>>, vector<16xi32>,
        %get3A_425 = arith.constant 112 : index
        %get3A_426 = tpu.vector_load %arg7[%get3A_425] {strides = array<i32>} : memref<432xi32, #tpu.memory_space<vmem>>, vector<16xi32>,
        %get3A_427 = vector.shape_cast %get3A_426 : vector<16xi32> to vector<16xi32>
        %add3A_428 = arith.addi %get3A_427, %broadcast_in_dim3A : vector<16xi32>
        %swap3A_429 = arith.constant 112 : index
        %swap3A_430 = tpu.vector_load %arg7[%swap3A_429] {strides = array<i32>} : memref<432xi32, #tpu.memory_space<vmem>>, vector<16xi32>,
        %swap3A_431 = vector.shape_cast %swap3A_430 : vector<16xi32> to vector<16xi32>
        %swap3A_432 = vector.shape_cast %add3A_428 : vector<16xi32> to vector<16xi32>
        tpu.vector_store %arg7[%swap3A_429], %swap3A_432 {strides = array<i32>} : memref<432xi32, #tpu.memory_space<vmem>>, vector<16xi32>,
        %get3A_433 = arith.constant 128 : index
        %get3A_434 = tpu.vector_load %arg7[%get3A_433] {strides = array<i32>} : memref<432xi32, #tpu.memory_space<vmem>>, vector<16xi32>,
        %get3A_435 = vector.shape_cast %get3A_434 : vector<16xi32> to vector<16xi32>
        %add3A_436 = arith.addi %get3A_435, %broadcast_in_dim3A : vector<16xi32>
        %swap3A_437 = arith.constant 128 : index
        %swap3A_438 = tpu.vector_load %arg7[%swap3A_437] {strides = array<i32>} : memref<432xi32, #tpu.memory_space<vmem>>, vector<16xi32>,
        %swap3A_439 = vector.shape_cast %swap3A_438 : vector<16xi32> to vector<16xi32>
        %swap3A_440 = vector.shape_cast %add3A_436 : vector<16xi32> to vector<16xi32>
        tpu.vector_store %arg7[%swap3A_437], %swap3A_440 {strides = array<i32>} : memref<432xi32, #tpu.memory_space<vmem>>, vector<16xi32>,
        %get3A_441 = arith.constant 144 : index
        %get3A_442 = tpu.vector_load %arg7[%get3A_441] {strides = array<i32>} : memref<432xi32, #tpu.memory_space<vmem>>, vector<16xi32>,
        %get3A_443 = vector.shape_cast %get3A_442 : vector<16xi32> to vector<16xi32>
        %add3A_444 = arith.addi %get3A_443, %broadcast_in_dim3A : vector<16xi32>
        %swap3A_445 = arith.constant 144 : index
        %swap3A_446 = tpu.vector_load %arg7[%swap3A_445] {strides = array<i32>} : memref<432xi32, #tpu.memory_space<vmem>>, vector<16xi32>,
        %swap3A_447 = vector.shape_cast %swap3A_446 : vector<16xi32> to vector<16xi32>
        %swap3A_448 = vector.shape_cast %add3A_444 : vector<16xi32> to vector<16xi32>
        tpu.vector_store %arg7[%swap3A_445], %swap3A_448 {strides = array<i32>} : memref<432xi32, #tpu.memory_space<vmem>>, vector<16xi32>,
        %get3A_449 = arith.constant 160 : index
        %get3A_450 = tpu.vector_load %arg7[%get3A_449] {strides = array<i32>} : memref<432xi32, #tpu.memory_space<vmem>>, vector<16xi32>,
        %get3A_451 = vector.shape_cast %get3A_450 : vector<16xi32> to vector<16xi32>
        %add3A_452 = arith.addi %get3A_451, %broadcast_in_dim3A : vector<16xi32>
        %swap3A_453 = arith.constant 160 : index
        %swap3A_454 = tpu.vector_load %arg7[%swap3A_453] {strides = array<i32>} : memref<432xi32, #tpu.memory_space<vmem>>, vector<16xi32>,
        %swap3A_455 = vector.shape_cast %swap3A_454 : vector<16xi32> to vector<16xi32>
        %swap3A_456 = vector.shape_cast %add3A_452 : vector<16xi32> to vector<16xi32>
        tpu.vector_store %arg7[%swap3A_453], %swap3A_456 {strides = array<i32>} : memref<432xi32, #tpu.memory_space<vmem>>, vector<16xi32>,
        %get3A_457 = arith.constant 176 : index
        %get3A_458 = tpu.vector_load %arg7[%get3A_457] {strides = array<i32>} : memref<432xi32, #tpu.memory_space<vmem>>, vector<16xi32>,
        %get3A_459 = vector.shape_cast %get3A_458 : vector<16xi32> to vector<16xi32>
        %add3A_460 = arith.addi %get3A_459, %broadcast_in_dim3A : vector<16xi32>
        %swap3A_461 = arith.constant 176 : index
        %swap3A_462 = tpu.vector_load %arg7[%swap3A_461] {strides = array<i32>} : memref<432xi32, #tpu.memory_space<vmem>>, vector<16xi32>,
        %swap3A_463 = vector.shape_cast %swap3A_462 : vector<16xi32> to vector<16xi32>
        %swap3A_464 = vector.shape_cast %add3A_460 : vector<16xi32> to vector<16xi32>
        tpu.vector_store %arg7[%swap3A_461], %swap3A_464 {strides = array<i32>} : memref<432xi32, #tpu.memory_space<vmem>>, vector<16xi32>,
        %get3A_465 = arith.constant 192 : index
        %get3A_466 = tpu.vector_load %arg7[%get3A_465] {strides = array<i32>} : memref<432xi32, #tpu.memory_space<vmem>>, vector<16xi32>,
        %get3A_467 = vector.shape_cast %get3A_466 : vector<16xi32> to vector<16xi32>
        %add3A_468 = arith.addi %get3A_467, %broadcast_in_dim3A : vector<16xi32>
        %swap3A_469 = arith.constant 192 : index
        %swap3A_470 = tpu.vector_load %arg7[%swap3A_469] {strides = array<i32>} : memref<432xi32, #tpu.memory_space<vmem>>, vector<16xi32>,
        %swap3A_471 = vector.shape_cast %swap3A_470 : vector<16xi32> to vector<16xi32>
        %swap3A_472 = vector.shape_cast %add3A_468 : vector<16xi32> to vector<16xi32>
        tpu.vector_store %arg7[%swap3A_469], %swap3A_472 {strides = array<i32>} : memref<432xi32, #tpu.memory_space<vmem>>, vector<16xi32>,
        %get3A_473 = arith.constant 208 : index
        %get3A_474 = tpu.vector_load %arg7[%get3A_473] {strides = array<i32>} : memref<432xi32, #tpu.memory_space<vmem>>, vector<16xi32>,
        %get3A_475 = vector.shape_cast %get3A_474 : vector<16xi32> to vector<16xi32>
        %add3A_476 = arith.addi %get3A_475, %broadcast_in_dim3A : vector<16xi32>
        %swap3A_477 = arith.constant 208 : index
        %swap3A_478 = tpu.vector_load %arg7[%swap3A_477] {strides = array<i32>} : memref<432xi32, #tpu.memory_space<vmem>>, vector<16xi32>,
        %swap3A_479 = vector.shape_cast %swap3A_478 : vector<16xi32> to vector<16xi32>
        %swap3A_480 = vector.shape_cast %add3A_476 : vector<16xi32> to vector<16xi32>
        tpu.vector_store %arg7[%swap3A_477], %swap3A_480 {strides = array<i32>} : memref<432xi32, #tpu.memory_space<vmem>>, vector<16xi32>,
        %get3A_481 = arith.constant 224 : index
        %get3A_482 = tpu.vector_load %arg7[%get3A_481] {strides = array<i32>} : memref<432xi32, #tpu.memory_space<vmem>>, vector<16xi32>,
        %get3A_483 = vector.shape_cast %get3A_482 : vector<16xi32> to vector<16xi32>
        %add3A_484 = arith.addi %get3A_483, %broadcast_in_dim3A : vector<16xi32>
        %swap3A_485 = arith.constant 224 : index
        %swap3A_486 = tpu.vector_load %arg7[%swap3A_485] {strides = array<i32>} : memref<432xi32, #tpu.memory_space<vmem>>, vector<16xi32>,
        %swap3A_487 = vector.shape_cast %swap3A_486 : vector<16xi32> to vector<16xi32>
        %swap3A_488 = vector.shape_cast %add3A_484 : vector<16xi32> to vector<16xi32>
        tpu.vector_store %arg7[%swap3A_485], %swap3A_488 {strides = array<i32>} : memref<432xi32, #tpu.memory_space<vmem>>, vector<16xi32>,
        %get3A_489 = arith.constant 240 : index
        %get3A_490 = tpu.vector_load %arg7[%get3A_489] {strides = array<i32>} : memref<432xi32, #tpu.memory_space<vmem>>, vector<16xi32>,
        %get3A_491 = vector.shape_cast %get3A_490 : vector<16xi32> to vector<16xi32>
        %add3A_492 = arith.addi %get3A_491, %broadcast_in_dim3A : vector<16xi32>
        %swap3A_493 = arith.constant 240 : index
        %swap3A_494 = tpu.vector_load %arg7[%swap3A_493] {strides = array<i32>} : memref<432xi32, #tpu.memory_space<vmem>>, vector<16xi32>,
        %swap3A_495 = vector.shape_cast %swap3A_494 : vector<16xi32> to vector<16xi32>
        %swap3A_496 = vector.shape_cast %add3A_492 : vector<16xi32> to vector<16xi32>
        tpu.vector_store %arg7[%swap3A_493], %swap3A_496 {strides = array<i32>} : memref<432xi32, #tpu.memory_space<vmem>>, vector<16xi32>,
        %get3A_497 = arith.constant 256 : index
        %get3A_498 = tpu.vector_load %arg7[%get3A_497] {strides = array<i32>} : memref<432xi32, #tpu.memory_space<vmem>>, vector<16xi32>,
        %get3A_499 = vector.shape_cast %get3A_498 : vector<16xi32> to vector<16xi32>
        %add3A_500 = arith.addi %get3A_499, %broadcast_in_dim3A : vector<16xi32>
        %swap3A_501 = arith.constant 256 : index
        %swap3A_502 = tpu.vector_load %arg7[%swap3A_501] {strides = array<i32>} : memref<432xi32, #tpu.memory_space<vmem>>, vector<16xi32>,
        %swap3A_503 = vector.shape_cast %swap3A_502 : vector<16xi32> to vector<16xi32>
        %swap3A_504 = vector.shape_cast %add3A_500 : vector<16xi32> to vector<16xi32>
        tpu.vector_store %arg7[%swap3A_501], %swap3A_504 {strides = array<i32>} : memref<432xi32, #tpu.memory_space<vmem>>, vector<16xi32>,
        %get3A_505 = arith.constant 272 : index
        %get3A_506 = tpu.vector_load %arg7[%get3A_505] {strides = array<i32>} : memref<432xi32, #tpu.memory_space<vmem>>, vector<16xi32>,
        %get3A_507 = vector.shape_cast %get3A_506 : vector<16xi32> to vector<16xi32>
        %add3A_508 = arith.addi %get3A_507, %broadcast_in_dim3A : vector<16xi32>
        %swap3A_509 = arith.constant 272 : index
        %swap3A_510 = tpu.vector_load %arg7[%swap3A_509] {strides = array<i32>} : memref<432xi32, #tpu.memory_space<vmem>>, vector<16xi32>,
        %swap3A_511 = vector.shape_cast %swap3A_510 : vector<16xi32> to vector<16xi32>
        %swap3A_512 = vector.shape_cast %add3A_508 : vector<16xi32> to vector<16xi32>
        tpu.vector_store %arg7[%swap3A_509], %swap3A_512 {strides = array<i32>} : memref<432xi32, #tpu.memory_space<vmem>>, vector<16xi32>,
        %get3A_513 = arith.constant 288 : index
        %get3A_514 = tpu.vector_load %arg7[%get3A_513] {strides = array<i32>} : memref<432xi32, #tpu.memory_space<vmem>>, vector<16xi32>,
        %get3A_515 = vector.shape_cast %get3A_514 : vector<16xi32> to vector<16xi32>
        %add3A_516 = arith.addi %get3A_515, %broadcast_in_dim3A : vector<16xi32>
        %swap3A_517 = arith.constant 288 : index
        %swap3A_518 = tpu.vector_load %arg7[%swap3A_517] {strides = array<i32>} : memref<432xi32, #tpu.memory_space<vmem>>, vector<16xi32>,
        %swap3A_519 = vector.shape_cast %swap3A_518 : vector<16xi32> to vector<16xi32>
        %swap3A_520 = vector.shape_cast %add3A_516 : vector<16xi32> to vector<16xi32>
        tpu.vector_store %arg7[%swap3A_517], %swap3A_520 {strides = array<i32>} : memref<432xi32, #tpu.memory_space<vmem>>, vector<16xi32>,
        %get3A_521 = arith.constant 304 : index
        %get3A_522 = tpu.vector_load %arg7[%get3A_521] {strides = array<i32>} : memref<432xi32, #tpu.memory_space<vmem>>, vector<16xi32>,
        %get3A_523 = vector.shape_cast %get3A_522 : vector<16xi32> to vector<16xi32>
        %add3A_524 = arith.addi %get3A_523, %broadcast_in_dim3A : vector<16xi32>
        %swap3A_525 = arith.constant 304 : index
        %swap3A_526 = tpu.vector_load %arg7[%swap3A_525] {strides = array<i32>} : memref<432xi32, #tpu.memory_space<vmem>>, vector<16xi32>,
        %swap3A_527 = vector.shape_cast %swap3A_526 : vector<16xi32> to vector<16xi32>
        %swap3A_528 = vector.shape_cast %add3A_524 : vector<16xi32> to vector<16xi32>
        tpu.vector_store %arg7[%swap3A_525], %swap3A_528 {strides = array<i32>} : memref<432xi32, #tpu.memory_space<vmem>>, vector<16xi32>,
        %get3A_529 = arith.constant 320 : index
        %get3A_530 = tpu.vector_load %arg7[%get3A_529] {strides = array<i32>} : memref<432xi32, #tpu.memory_space<vmem>>, vector<16xi32>,
        %get3A_531 = vector.shape_cast %get3A_530 : vector<16xi32> to vector<16xi32>
        %add3A_532 = arith.addi %get3A_531, %broadcast_in_dim3A : vector<16xi32>
        %swap3A_533 = arith.constant 320 : index
        %swap3A_534 = tpu.vector_load %arg7[%swap3A_533] {strides = array<i32>} : memref<432xi32, #tpu.memory_space<vmem>>, vector<16xi32>,
        %swap3A_535 = vector.shape_cast %swap3A_534 : vector<16xi32> to vector<16xi32>
        %swap3A_536 = vector.shape_cast %add3A_532 : vector<16xi32> to vector<16xi32>
        tpu.vector_store %arg7[%swap3A_533], %swap3A_536 {strides = array<i32>} : memref<432xi32, #tpu.memory_space<vmem>>, vector<16xi32>,
        %get3A_537 = arith.constant 336 : index
        %get3A_538 = tpu.vector_load %arg7[%get3A_537] {strides = array<i32>} : memref<432xi32, #tpu.memory_space<vmem>>, vector<16xi32>,
        %get3A_539 = vector.shape_cast %get3A_538 : vector<16xi32> to vector<16xi32>
        %add3A_540 = arith.addi %get3A_539, %broadcast_in_dim3A : vector<16xi32>
        %swap3A_541 = arith.constant 336 : index
        %swap3A_542 = tpu.vector_load %arg7[%swap3A_541] {strides = array<i32>} : memref<432xi32, #tpu.memory_space<vmem>>, vector<16xi32>,
        %swap3A_543 = vector.shape_cast %swap3A_542 : vector<16xi32> to vector<16xi32>
        %swap3A_544 = vector.shape_cast %add3A_540 : vector<16xi32> to vector<16xi32>
        tpu.vector_store %arg7[%swap3A_541], %swap3A_544 {strides = array<i32>} : memref<432xi32, #tpu.memory_space<vmem>>, vector<16xi32>,
        %get3A_545 = arith.constant 352 : index
        %get3A_546 = tpu.vector_load %arg7[%get3A_545] {strides = array<i32>} : memref<432xi32, #tpu.memory_space<vmem>>, vector<16xi32>,
        %get3A_547 = vector.shape_cast %get3A_546 : vector<16xi32> to vector<16xi32>
        %add3A_548 = arith.addi %get3A_547, %broadcast_in_dim3A : vector<16xi32>
        %swap3A_549 = arith.constant 352 : index
        %swap3A_550 = tpu.vector_load %arg7[%swap3A_549] {strides = array<i32>} : memref<432xi32, #tpu.memory_space<vmem>>, vector<16xi32>,
        %swap3A_551 = vector.shape_cast %swap3A_550 : vector<16xi32> to vector<16xi32>
        %swap3A_552 = vector.shape_cast %add3A_548 : vector<16xi32> to vector<16xi32>
        tpu.vector_store %arg7[%swap3A_549], %swap3A_552 {strides = array<i32>} : memref<432xi32, #tpu.memory_space<vmem>>, vector<16xi32>,
        %get3A_553 = arith.constant 368 : index
        %get3A_554 = tpu.vector_load %arg7[%get3A_553] {strides = array<i32>} : memref<432xi32, #tpu.memory_space<vmem>>, vector<16xi32>,
        %get3A_555 = vector.shape_cast %get3A_554 : vector<16xi32> to vector<16xi32>
        %add3A_556 = arith.addi %get3A_555, %broadcast_in_dim3A : vector<16xi32>
        %swap3A_557 = arith.constant 368 : index
        %swap3A_558 = tpu.vector_load %arg7[%swap3A_557] {strides = array<i32>} : memref<432xi32, #tpu.memory_space<vmem>>, vector<16xi32>,
        %swap3A_559 = vector.shape_cast %swap3A_558 : vector<16xi32> to vector<16xi32>
        %swap3A_560 = vector.shape_cast %add3A_556 : vector<16xi32> to vector<16xi32>
        tpu.vector_store %arg7[%swap3A_557], %swap3A_560 {strides = array<i32>} : memref<432xi32, #tpu.memory_space<vmem>>, vector<16xi32>,
        %get3A_561 = arith.constant 384 : index
        %get3A_562 = tpu.vector_load %arg7[%get3A_561] {strides = array<i32>} : memref<432xi32, #tpu.memory_space<vmem>>, vector<16xi32>,
        %get3A_563 = vector.shape_cast %get3A_562 : vector<16xi32> to vector<16xi32>
        %add3A_564 = arith.addi %get3A_563, %broadcast_in_dim3A : vector<16xi32>
        %swap3A_565 = arith.constant 384 : index
        %swap3A_566 = tpu.vector_load %arg7[%swap3A_565] {strides = array<i32>} : memref<432xi32, #tpu.memory_space<vmem>>, vector<16xi32>,
        %swap3A_567 = vector.shape_cast %swap3A_566 : vector<16xi32> to vector<16xi32>
        %swap3A_568 = vector.shape_cast %add3A_564 : vector<16xi32> to vector<16xi32>
        tpu.vector_store %arg7[%swap3A_565], %swap3A_568 {strides = array<i32>} : memref<432xi32, #tpu.memory_space<vmem>>, vector<16xi32>,
        %get3A_569 = arith.constant 400 : index
        %get3A_570 = tpu.vector_load %arg7[%get3A_569] {strides = array<i32>} : memref<432xi32, #tpu.memory_space<vmem>>, vector<16xi32>,
        %get3A_571 = vector.shape_cast %get3A_570 : vector<16xi32> to vector<16xi32>
        %add3A_572 = arith.addi %get3A_571, %broadcast_in_dim3A : vector<16xi32>
        %swap3A_573 = arith.constant 400 : index
        %swap3A_574 = tpu.vector_load %arg7[%swap3A_573] {strides = array<i32>} : memref<432xi32, #tpu.memory_space<vmem>>, vector<16xi32>,
        %swap3A_575 = vector.shape_cast %swap3A_574 : vector<16xi32> to vector<16xi32>
        %swap3A_576 = vector.shape_cast %add3A_572 : vector<16xi32> to vector<16xi32>
        tpu.vector_store %arg7[%swap3A_573], %swap3A_576 {strides = array<i32>} : memref<432xi32, #tpu.memory_space<vmem>>, vector<16xi32>,
        %get3A_577 = arith.constant 416 : index
        %get3A_578 = tpu.vector_load %arg7[%get3A_577] {strides = array<i32>} : memref<432xi32, #tpu.memory_space<vmem>>, vector<16xi32>,
        %get3A_579 = vector.shape_cast %get3A_578 : vector<16xi32> to vector<16xi32>
        %add3A_580 = arith.addi %get3A_579, %broadcast_in_dim3A : vector<16xi32>
        %swap3A_581 = arith.constant 416 : index
        %swap3A_582 = tpu.vector_load %arg7[%swap3A_581] {strides = array<i32>} : memref<432xi32, #tpu.memory_space<vmem>>, vector<16xi32>,
        %swap3A_583 = vector.shape_cast %swap3A_582 : vector<16xi32> to vector<16xi32>
        %swap3A_584 = vector.shape_cast %add3A_580 : vector<16xi32> to vector<16xi32>
        tpu.vector_store %arg7[%swap3A_581], %swap3A_584 {strides = array<i32>} : memref<432xi32, #tpu.memory_space<vmem>>, vector<16xi32>,
        %dma_start3A_585 = arith.constant 0 : i32
        %dma_start3A_586 = arith.constant 0 : i32
        %dma_start3A_587 = tpu.memref_slice %arg2[%dma_start3A_585, %dma_start3A_586] : memref<100000x32xf32, #tpu.memory_space<hbm>> -> memref<100000x32xf32, #tpu.memory_space<hbm>>
        tpu.enqueue_indirect_dma source(%dma_start3A_587 : memref<100000x32xf32, #tpu.memory_space<hbm>>) target(%arg13 : memref<432x32xf32, #tpu.memory_space<vmem>>) offsets(%arg7 : memref<432xi32, #tpu.memory_space<vmem>>) semaphore(%arg22 : memref<!tpu.dma_semaphore, #tpu.memory_space<semaphore_mem>>)
      } else {
      }
      %dma_wait3A_300 = arith.constant 0 : i32
      %dma_wait3A_301 = arith.constant 0 : i32
      %dma_wait3A_302 = tpu.memref_slice %arg2[%dma_wait3A_300, %dma_wait3A_301] : memref<100000x32xf32, #tpu.memory_space<hbm>> -> memref<100000x32xf32, #tpu.memory_space<hbm>>
      tpu.wait_indirect_dma semaphore(%arg23 : memref<!tpu.dma_semaphore, #tpu.memory_space<semaphore_mem>>) src(%dma_wait3A_302 : memref<100000x32xf32, #tpu.memory_space<hbm>>) dst(%arg14 : memref<432x32xf32, #tpu.memory_space<vmem>>)
      %dma_start3A_303 = arith.constant 0 : i32
      %dma_start3A_304 = arith.constant 0 : i32
      %dma_start3A_305 = tpu.memref_slice %arg15[%dma_start3A_303, %dma_start3A_304] : memref<50048x32xf32, #tpu.memory_space<vmem_shared>> -> memref<50048x32xf32, #tpu.memory_space<vmem_shared>>
      tpu.enqueue_indirect_dma source(%arg14 : memref<432x32xf32, #tpu.memory_space<vmem>>) target(%dma_start3A_305 : memref<50048x32xf32, #tpu.memory_space<vmem_shared>>) offsets(%arg10 : memref<432xi32, #tpu.memory_space<vmem>>) semaphore(%arg25 : memref<!tpu.dma_semaphore, #tpu.memory_space<semaphore_mem>>) {add = true}
      %lt3A_306 = arith.constant 114 : i32
      %lt3A_307 = arith.cmpi slt, %add3A_289, %lt3A_306 : i32
      %convert_element_type3A_308 = arith.extui %lt3A_307 : i1 to i32
      %cond3A_309 = arith.constant 0 : i32
      %cond3A_310 = arith.cmpi ne, %convert_element_type3A_308, %cond3A_309 : i32
      scf.if %cond3A_310 {
        %add3A_361 = arith.constant 2 : i32
        %add3A_362 = arith.addi %add3A_289, %add3A_361 : i32
        %mul3A_363 = arith.constant 432 : i32
        %mul3A_364 = arith.muli %add3A_362, %mul3A_363 : i32
        %add3A_365 = arith.addi %mul3A_0, %mul3A_364 : i32
        %dma_start3A_366 = tpu.memref_slice %arg3[%add3A_365] : memref<801792xi32, #tpu.memory_space<hbm>> -> memref<432xi32, #tpu.memory_space<hbm>>
        %dma_start3A_367 = tpu.memref_slice %arg3[%add3A_365] : memref<801792xi32, #tpu.memory_space<hbm>> -> memref<432xi32, #tpu.memory_space<hbm>>
        tpu.enqueue_dma source(%dma_start3A_367 : memref<432xi32, #tpu.memory_space<hbm>>) target(%arg8 : memref<432xi32, #tpu.memory_space<vmem>>) target_semaphore(%arg17 : memref<!tpu.dma_semaphore, #tpu.memory_space<semaphore_mem>>)
        %mul3A_368 = arith.constant 432 : i32
        %mul3A_369 = arith.muli %add3A_362, %mul3A_368 : i32
        %add3A_370 = arith.addi %mul3A_0, %mul3A_369 : i32
        %dma_start3A_371 = tpu.memref_slice %arg4[%add3A_370] : memref<801792xi32, #tpu.memory_space<hbm>> -> memref<432xi32, #tpu.memory_space<hbm>>
        %dma_start3A_372 = tpu.memref_slice %arg4[%add3A_370] : memref<801792xi32, #tpu.memory_space<hbm>> -> memref<432xi32, #tpu.memory_space<hbm>>
        tpu.enqueue_dma source(%dma_start3A_372 : memref<432xi32, #tpu.memory_space<hbm>>) target(%arg12 : memref<432xi32, #tpu.memory_space<vmem>>) target_semaphore(%arg21 : memref<!tpu.dma_semaphore, #tpu.memory_space<semaphore_mem>>)
      } else {
      }
      %mul3A_311 = arith.constant 4 : i32
      %mul3A_312 = arith.muli %mul3A_311, %scan3A_261 : i32
      %add3A_313 = arith.constant 2 : i32
      %add3A_314 = arith.addi %mul3A_312, %add3A_313 : i32
      %ge3A_315 = arith.constant 1 : i32
      %ge3A_316 = arith.cmpi sge, %add3A_314, %ge3A_315 : i32
      %convert_element_type3A_317 = arith.extui %ge3A_316 : i1 to i32
      %cond3A_318 = arith.constant 0 : i32
      %cond3A_319 = arith.cmpi ne, %convert_element_type3A_317, %cond3A_318 : i32
      scf.if %cond3A_319 {
        %dma_wait3A_361 = arith.constant 0 : i32
        %dma_wait3A_362 = arith.constant 0 : i32
        %dma_wait3A_363 = tpu.memref_slice %arg15[%dma_wait3A_361, %dma_wait3A_362] : memref<50048x32xf32, #tpu.memory_space<vmem_shared>> -> memref<50048x32xf32, #tpu.memory_space<vmem_shared>>
        tpu.wait_indirect_dma semaphore(%arg25 : memref<!tpu.dma_semaphore, #tpu.memory_space<semaphore_mem>>) src(%arg14 : memref<432x32xf32, #tpu.memory_space<vmem>>) dst(%dma_wait3A_363 : memref<50048x32xf32, #tpu.memory_space<vmem_shared>>)
      } else {
      }
      %lt3A_320 = arith.constant 115 : i32
      %lt3A_321 = arith.cmpi slt, %add3A_314, %lt3A_320 : i32
      %convert_element_type3A_322 = arith.extui %lt3A_321 : i1 to i32
      %cond3A_323 = arith.constant 0 : i32
      %cond3A_324 = arith.cmpi ne, %convert_element_type3A_322, %cond3A_323 : i32
      scf.if %cond3A_324 {
        %dma_wait3A_361 = arith.constant 0 : i32
        %dma_wait3A_362 = tpu.memref_slice %arg3[%dma_wait3A_361] : memref<801792xi32, #tpu.memory_space<hbm>> -> memref<432xi32, #tpu.memory_space<hbm>>
        %dma_wait3A_363 = arith.constant 0 : i32
        %dma_wait3A_364 = tpu.memref_slice %arg3[%dma_wait3A_363] : memref<801792xi32, #tpu.memory_space<hbm>> -> memref<432xi32, #tpu.memory_space<hbm>>
        tpu.wait_dma2 semaphore(%arg17 : memref<!tpu.dma_semaphore, #tpu.memory_space<semaphore_mem>>) src(%dma_wait3A_364 : memref<432xi32, #tpu.memory_space<hbm>>) dst(%arg8 : memref<432xi32, #tpu.memory_space<vmem>>)
        %dma_wait3A_365 = arith.constant 0 : i32
        %dma_wait3A_366 = tpu.memref_slice %arg4[%dma_wait3A_365] : memref<801792xi32, #tpu.memory_space<hbm>> -> memref<432xi32, #tpu.memory_space<hbm>>
        %dma_wait3A_367 = arith.constant 0 : i32
        %dma_wait3A_368 = tpu.memref_slice %arg4[%dma_wait3A_367] : memref<801792xi32, #tpu.memory_space<hbm>> -> memref<432xi32, #tpu.memory_space<hbm>>
        tpu.wait_dma2 semaphore(%arg21 : memref<!tpu.dma_semaphore, #tpu.memory_space<semaphore_mem>>) src(%dma_wait3A_368 : memref<432xi32, #tpu.memory_space<hbm>>) dst(%arg12 : memref<432xi32, #tpu.memory_space<vmem>>)
        %get3A_369 = arith.constant 0 : index
        %get3A_370 = tpu.vector_load %arg8[%get3A_369] {strides = array<i32>} : memref<432xi32, #tpu.memory_space<vmem>>, vector<16xi32>,
        %get3A_371 = vector.shape_cast %get3A_370 : vector<16xi32> to vector<16xi32>
        %add3A_372 = arith.addi %get3A_371, %broadcast_in_dim3A : vector<16xi32>
        %swap3A_373 = arith.constant 0 : index
        %swap3A_374 = tpu.vector_load %arg8[%swap3A_373] {strides = array<i32>} : memref<432xi32, #tpu.memory_space<vmem>>, vector<16xi32>,
        %swap3A_375 = vector.shape_cast %swap3A_374 : vector<16xi32> to vector<16xi32>
        %swap3A_376 = vector.shape_cast %add3A_372 : vector<16xi32> to vector<16xi32>
        tpu.vector_store %arg8[%swap3A_373], %swap3A_376 {strides = array<i32>} : memref<432xi32, #tpu.memory_space<vmem>>, vector<16xi32>,
        %get3A_377 = arith.constant 16 : index
        %get3A_378 = tpu.vector_load %arg8[%get3A_377] {strides = array<i32>} : memref<432xi32, #tpu.memory_space<vmem>>, vector<16xi32>,
        %get3A_379 = vector.shape_cast %get3A_378 : vector<16xi32> to vector<16xi32>
        %add3A_380 = arith.addi %get3A_379, %broadcast_in_dim3A : vector<16xi32>
        %swap3A_381 = arith.constant 16 : index
        %swap3A_382 = tpu.vector_load %arg8[%swap3A_381] {strides = array<i32>} : memref<432xi32, #tpu.memory_space<vmem>>, vector<16xi32>,
        %swap3A_383 = vector.shape_cast %swap3A_382 : vector<16xi32> to vector<16xi32>
        %swap3A_384 = vector.shape_cast %add3A_380 : vector<16xi32> to vector<16xi32>
        tpu.vector_store %arg8[%swap3A_381], %swap3A_384 {strides = array<i32>} : memref<432xi32, #tpu.memory_space<vmem>>, vector<16xi32>,
        %get3A_385 = arith.constant 32 : index
        %get3A_386 = tpu.vector_load %arg8[%get3A_385] {strides = array<i32>} : memref<432xi32, #tpu.memory_space<vmem>>, vector<16xi32>,
        %get3A_387 = vector.shape_cast %get3A_386 : vector<16xi32> to vector<16xi32>
        %add3A_388 = arith.addi %get3A_387, %broadcast_in_dim3A : vector<16xi32>
        %swap3A_389 = arith.constant 32 : index
        %swap3A_390 = tpu.vector_load %arg8[%swap3A_389] {strides = array<i32>} : memref<432xi32, #tpu.memory_space<vmem>>, vector<16xi32>,
        %swap3A_391 = vector.shape_cast %swap3A_390 : vector<16xi32> to vector<16xi32>
        %swap3A_392 = vector.shape_cast %add3A_388 : vector<16xi32> to vector<16xi32>
        tpu.vector_store %arg8[%swap3A_389], %swap3A_392 {strides = array<i32>} : memref<432xi32, #tpu.memory_space<vmem>>, vector<16xi32>,
        %get3A_393 = arith.constant 48 : index
        %get3A_394 = tpu.vector_load %arg8[%get3A_393] {strides = array<i32>} : memref<432xi32, #tpu.memory_space<vmem>>, vector<16xi32>,
        %get3A_395 = vector.shape_cast %get3A_394 : vector<16xi32> to vector<16xi32>
        %add3A_396 = arith.addi %get3A_395, %broadcast_in_dim3A : vector<16xi32>
        %swap3A_397 = arith.constant 48 : index
        %swap3A_398 = tpu.vector_load %arg8[%swap3A_397] {strides = array<i32>} : memref<432xi32, #tpu.memory_space<vmem>>, vector<16xi32>,
        %swap3A_399 = vector.shape_cast %swap3A_398 : vector<16xi32> to vector<16xi32>
        %swap3A_400 = vector.shape_cast %add3A_396 : vector<16xi32> to vector<16xi32>
        tpu.vector_store %arg8[%swap3A_397], %swap3A_400 {strides = array<i32>} : memref<432xi32, #tpu.memory_space<vmem>>, vector<16xi32>,
        %get3A_401 = arith.constant 64 : index
        %get3A_402 = tpu.vector_load %arg8[%get3A_401] {strides = array<i32>} : memref<432xi32, #tpu.memory_space<vmem>>, vector<16xi32>,
        %get3A_403 = vector.shape_cast %get3A_402 : vector<16xi32> to vector<16xi32>
        %add3A_404 = arith.addi %get3A_403, %broadcast_in_dim3A : vector<16xi32>
        %swap3A_405 = arith.constant 64 : index
        %swap3A_406 = tpu.vector_load %arg8[%swap3A_405] {strides = array<i32>} : memref<432xi32, #tpu.memory_space<vmem>>, vector<16xi32>,
        %swap3A_407 = vector.shape_cast %swap3A_406 : vector<16xi32> to vector<16xi32>
        %swap3A_408 = vector.shape_cast %add3A_404 : vector<16xi32> to vector<16xi32>
        tpu.vector_store %arg8[%swap3A_405], %swap3A_408 {strides = array<i32>} : memref<432xi32, #tpu.memory_space<vmem>>, vector<16xi32>,
        %get3A_409 = arith.constant 80 : index
        %get3A_410 = tpu.vector_load %arg8[%get3A_409] {strides = array<i32>} : memref<432xi32, #tpu.memory_space<vmem>>, vector<16xi32>,
        %get3A_411 = vector.shape_cast %get3A_410 : vector<16xi32> to vector<16xi32>
        %add3A_412 = arith.addi %get3A_411, %broadcast_in_dim3A : vector<16xi32>
        %swap3A_413 = arith.constant 80 : index
        %swap3A_414 = tpu.vector_load %arg8[%swap3A_413] {strides = array<i32>} : memref<432xi32, #tpu.memory_space<vmem>>, vector<16xi32>,
        %swap3A_415 = vector.shape_cast %swap3A_414 : vector<16xi32> to vector<16xi32>
        %swap3A_416 = vector.shape_cast %add3A_412 : vector<16xi32> to vector<16xi32>
        tpu.vector_store %arg8[%swap3A_413], %swap3A_416 {strides = array<i32>} : memref<432xi32, #tpu.memory_space<vmem>>, vector<16xi32>,
        %get3A_417 = arith.constant 96 : index
        %get3A_418 = tpu.vector_load %arg8[%get3A_417] {strides = array<i32>} : memref<432xi32, #tpu.memory_space<vmem>>, vector<16xi32>,
        %get3A_419 = vector.shape_cast %get3A_418 : vector<16xi32> to vector<16xi32>
        %add3A_420 = arith.addi %get3A_419, %broadcast_in_dim3A : vector<16xi32>
        %swap3A_421 = arith.constant 96 : index
        %swap3A_422 = tpu.vector_load %arg8[%swap3A_421] {strides = array<i32>} : memref<432xi32, #tpu.memory_space<vmem>>, vector<16xi32>,
        %swap3A_423 = vector.shape_cast %swap3A_422 : vector<16xi32> to vector<16xi32>
        %swap3A_424 = vector.shape_cast %add3A_420 : vector<16xi32> to vector<16xi32>
        tpu.vector_store %arg8[%swap3A_421], %swap3A_424 {strides = array<i32>} : memref<432xi32, #tpu.memory_space<vmem>>, vector<16xi32>,
        %get3A_425 = arith.constant 112 : index
        %get3A_426 = tpu.vector_load %arg8[%get3A_425] {strides = array<i32>} : memref<432xi32, #tpu.memory_space<vmem>>, vector<16xi32>,
        %get3A_427 = vector.shape_cast %get3A_426 : vector<16xi32> to vector<16xi32>
        %add3A_428 = arith.addi %get3A_427, %broadcast_in_dim3A : vector<16xi32>
        %swap3A_429 = arith.constant 112 : index
        %swap3A_430 = tpu.vector_load %arg8[%swap3A_429] {strides = array<i32>} : memref<432xi32, #tpu.memory_space<vmem>>, vector<16xi32>,
        %swap3A_431 = vector.shape_cast %swap3A_430 : vector<16xi32> to vector<16xi32>
        %swap3A_432 = vector.shape_cast %add3A_428 : vector<16xi32> to vector<16xi32>
        tpu.vector_store %arg8[%swap3A_429], %swap3A_432 {strides = array<i32>} : memref<432xi32, #tpu.memory_space<vmem>>, vector<16xi32>,
        %get3A_433 = arith.constant 128 : index
        %get3A_434 = tpu.vector_load %arg8[%get3A_433] {strides = array<i32>} : memref<432xi32, #tpu.memory_space<vmem>>, vector<16xi32>,
        %get3A_435 = vector.shape_cast %get3A_434 : vector<16xi32> to vector<16xi32>
        %add3A_436 = arith.addi %get3A_435, %broadcast_in_dim3A : vector<16xi32>
        %swap3A_437 = arith.constant 128 : index
        %swap3A_438 = tpu.vector_load %arg8[%swap3A_437] {strides = array<i32>} : memref<432xi32, #tpu.memory_space<vmem>>, vector<16xi32>,
        %swap3A_439 = vector.shape_cast %swap3A_438 : vector<16xi32> to vector<16xi32>
        %swap3A_440 = vector.shape_cast %add3A_436 : vector<16xi32> to vector<16xi32>
        tpu.vector_store %arg8[%swap3A_437], %swap3A_440 {strides = array<i32>} : memref<432xi32, #tpu.memory_space<vmem>>, vector<16xi32>,
        %get3A_441 = arith.constant 144 : index
        %get3A_442 = tpu.vector_load %arg8[%get3A_441] {strides = array<i32>} : memref<432xi32, #tpu.memory_space<vmem>>, vector<16xi32>,
        %get3A_443 = vector.shape_cast %get3A_442 : vector<16xi32> to vector<16xi32>
        %add3A_444 = arith.addi %get3A_443, %broadcast_in_dim3A : vector<16xi32>
        %swap3A_445 = arith.constant 144 : index
        %swap3A_446 = tpu.vector_load %arg8[%swap3A_445] {strides = array<i32>} : memref<432xi32, #tpu.memory_space<vmem>>, vector<16xi32>,
        %swap3A_447 = vector.shape_cast %swap3A_446 : vector<16xi32> to vector<16xi32>
        %swap3A_448 = vector.shape_cast %add3A_444 : vector<16xi32> to vector<16xi32>
        tpu.vector_store %arg8[%swap3A_445], %swap3A_448 {strides = array<i32>} : memref<432xi32, #tpu.memory_space<vmem>>, vector<16xi32>,
        %get3A_449 = arith.constant 160 : index
        %get3A_450 = tpu.vector_load %arg8[%get3A_449] {strides = array<i32>} : memref<432xi32, #tpu.memory_space<vmem>>, vector<16xi32>,
        %get3A_451 = vector.shape_cast %get3A_450 : vector<16xi32> to vector<16xi32>
        %add3A_452 = arith.addi %get3A_451, %broadcast_in_dim3A : vector<16xi32>
        %swap3A_453 = arith.constant 160 : index
        %swap3A_454 = tpu.vector_load %arg8[%swap3A_453] {strides = array<i32>} : memref<432xi32, #tpu.memory_space<vmem>>, vector<16xi32>,
        %swap3A_455 = vector.shape_cast %swap3A_454 : vector<16xi32> to vector<16xi32>
        %swap3A_456 = vector.shape_cast %add3A_452 : vector<16xi32> to vector<16xi32>
        tpu.vector_store %arg8[%swap3A_453], %swap3A_456 {strides = array<i32>} : memref<432xi32, #tpu.memory_space<vmem>>, vector<16xi32>,
        %get3A_457 = arith.constant 176 : index
        %get3A_458 = tpu.vector_load %arg8[%get3A_457] {strides = array<i32>} : memref<432xi32, #tpu.memory_space<vmem>>, vector<16xi32>,
        %get3A_459 = vector.shape_cast %get3A_458 : vector<16xi32> to vector<16xi32>
        %add3A_460 = arith.addi %get3A_459, %broadcast_in_dim3A : vector<16xi32>
        %swap3A_461 = arith.constant 176 : index
        %swap3A_462 = tpu.vector_load %arg8[%swap3A_461] {strides = array<i32>} : memref<432xi32, #tpu.memory_space<vmem>>, vector<16xi32>,
        %swap3A_463 = vector.shape_cast %swap3A_462 : vector<16xi32> to vector<16xi32>
        %swap3A_464 = vector.shape_cast %add3A_460 : vector<16xi32> to vector<16xi32>
        tpu.vector_store %arg8[%swap3A_461], %swap3A_464 {strides = array<i32>} : memref<432xi32, #tpu.memory_space<vmem>>, vector<16xi32>,
        %get3A_465 = arith.constant 192 : index
        %get3A_466 = tpu.vector_load %arg8[%get3A_465] {strides = array<i32>} : memref<432xi32, #tpu.memory_space<vmem>>, vector<16xi32>,
        %get3A_467 = vector.shape_cast %get3A_466 : vector<16xi32> to vector<16xi32>
        %add3A_468 = arith.addi %get3A_467, %broadcast_in_dim3A : vector<16xi32>
        %swap3A_469 = arith.constant 192 : index
        %swap3A_470 = tpu.vector_load %arg8[%swap3A_469] {strides = array<i32>} : memref<432xi32, #tpu.memory_space<vmem>>, vector<16xi32>,
        %swap3A_471 = vector.shape_cast %swap3A_470 : vector<16xi32> to vector<16xi32>
        %swap3A_472 = vector.shape_cast %add3A_468 : vector<16xi32> to vector<16xi32>
        tpu.vector_store %arg8[%swap3A_469], %swap3A_472 {strides = array<i32>} : memref<432xi32, #tpu.memory_space<vmem>>, vector<16xi32>,
        %get3A_473 = arith.constant 208 : index
        %get3A_474 = tpu.vector_load %arg8[%get3A_473] {strides = array<i32>} : memref<432xi32, #tpu.memory_space<vmem>>, vector<16xi32>,
        %get3A_475 = vector.shape_cast %get3A_474 : vector<16xi32> to vector<16xi32>
        %add3A_476 = arith.addi %get3A_475, %broadcast_in_dim3A : vector<16xi32>
        %swap3A_477 = arith.constant 208 : index
        %swap3A_478 = tpu.vector_load %arg8[%swap3A_477] {strides = array<i32>} : memref<432xi32, #tpu.memory_space<vmem>>, vector<16xi32>,
        %swap3A_479 = vector.shape_cast %swap3A_478 : vector<16xi32> to vector<16xi32>
        %swap3A_480 = vector.shape_cast %add3A_476 : vector<16xi32> to vector<16xi32>
        tpu.vector_store %arg8[%swap3A_477], %swap3A_480 {strides = array<i32>} : memref<432xi32, #tpu.memory_space<vmem>>, vector<16xi32>,
        %get3A_481 = arith.constant 224 : index
        %get3A_482 = tpu.vector_load %arg8[%get3A_481] {strides = array<i32>} : memref<432xi32, #tpu.memory_space<vmem>>, vector<16xi32>,
        %get3A_483 = vector.shape_cast %get3A_482 : vector<16xi32> to vector<16xi32>
        %add3A_484 = arith.addi %get3A_483, %broadcast_in_dim3A : vector<16xi32>
        %swap3A_485 = arith.constant 224 : index
        %swap3A_486 = tpu.vector_load %arg8[%swap3A_485] {strides = array<i32>} : memref<432xi32, #tpu.memory_space<vmem>>, vector<16xi32>,
        %swap3A_487 = vector.shape_cast %swap3A_486 : vector<16xi32> to vector<16xi32>
        %swap3A_488 = vector.shape_cast %add3A_484 : vector<16xi32> to vector<16xi32>
        tpu.vector_store %arg8[%swap3A_485], %swap3A_488 {strides = array<i32>} : memref<432xi32, #tpu.memory_space<vmem>>, vector<16xi32>,
        %get3A_489 = arith.constant 240 : index
        %get3A_490 = tpu.vector_load %arg8[%get3A_489] {strides = array<i32>} : memref<432xi32, #tpu.memory_space<vmem>>, vector<16xi32>,
        %get3A_491 = vector.shape_cast %get3A_490 : vector<16xi32> to vector<16xi32>
        %add3A_492 = arith.addi %get3A_491, %broadcast_in_dim3A : vector<16xi32>
        %swap3A_493 = arith.constant 240 : index
        %swap3A_494 = tpu.vector_load %arg8[%swap3A_493] {strides = array<i32>} : memref<432xi32, #tpu.memory_space<vmem>>, vector<16xi32>,
        %swap3A_495 = vector.shape_cast %swap3A_494 : vector<16xi32> to vector<16xi32>
        %swap3A_496 = vector.shape_cast %add3A_492 : vector<16xi32> to vector<16xi32>
        tpu.vector_store %arg8[%swap3A_493], %swap3A_496 {strides = array<i32>} : memref<432xi32, #tpu.memory_space<vmem>>, vector<16xi32>,
        %get3A_497 = arith.constant 256 : index
        %get3A_498 = tpu.vector_load %arg8[%get3A_497] {strides = array<i32>} : memref<432xi32, #tpu.memory_space<vmem>>, vector<16xi32>,
        %get3A_499 = vector.shape_cast %get3A_498 : vector<16xi32> to vector<16xi32>
        %add3A_500 = arith.addi %get3A_499, %broadcast_in_dim3A : vector<16xi32>
        %swap3A_501 = arith.constant 256 : index
        %swap3A_502 = tpu.vector_load %arg8[%swap3A_501] {strides = array<i32>} : memref<432xi32, #tpu.memory_space<vmem>>, vector<16xi32>,
        %swap3A_503 = vector.shape_cast %swap3A_502 : vector<16xi32> to vector<16xi32>
        %swap3A_504 = vector.shape_cast %add3A_500 : vector<16xi32> to vector<16xi32>
        tpu.vector_store %arg8[%swap3A_501], %swap3A_504 {strides = array<i32>} : memref<432xi32, #tpu.memory_space<vmem>>, vector<16xi32>,
        %get3A_505 = arith.constant 272 : index
        %get3A_506 = tpu.vector_load %arg8[%get3A_505] {strides = array<i32>} : memref<432xi32, #tpu.memory_space<vmem>>, vector<16xi32>,
        %get3A_507 = vector.shape_cast %get3A_506 : vector<16xi32> to vector<16xi32>
        %add3A_508 = arith.addi %get3A_507, %broadcast_in_dim3A : vector<16xi32>
        %swap3A_509 = arith.constant 272 : index
        %swap3A_510 = tpu.vector_load %arg8[%swap3A_509] {strides = array<i32>} : memref<432xi32, #tpu.memory_space<vmem>>, vector<16xi32>,
        %swap3A_511 = vector.shape_cast %swap3A_510 : vector<16xi32> to vector<16xi32>
        %swap3A_512 = vector.shape_cast %add3A_508 : vector<16xi32> to vector<16xi32>
        tpu.vector_store %arg8[%swap3A_509], %swap3A_512 {strides = array<i32>} : memref<432xi32, #tpu.memory_space<vmem>>, vector<16xi32>,
        %get3A_513 = arith.constant 288 : index
        %get3A_514 = tpu.vector_load %arg8[%get3A_513] {strides = array<i32>} : memref<432xi32, #tpu.memory_space<vmem>>, vector<16xi32>,
        %get3A_515 = vector.shape_cast %get3A_514 : vector<16xi32> to vector<16xi32>
        %add3A_516 = arith.addi %get3A_515, %broadcast_in_dim3A : vector<16xi32>
        %swap3A_517 = arith.constant 288 : index
        %swap3A_518 = tpu.vector_load %arg8[%swap3A_517] {strides = array<i32>} : memref<432xi32, #tpu.memory_space<vmem>>, vector<16xi32>,
        %swap3A_519 = vector.shape_cast %swap3A_518 : vector<16xi32> to vector<16xi32>
        %swap3A_520 = vector.shape_cast %add3A_516 : vector<16xi32> to vector<16xi32>
        tpu.vector_store %arg8[%swap3A_517], %swap3A_520 {strides = array<i32>} : memref<432xi32, #tpu.memory_space<vmem>>, vector<16xi32>,
        %get3A_521 = arith.constant 304 : index
        %get3A_522 = tpu.vector_load %arg8[%get3A_521] {strides = array<i32>} : memref<432xi32, #tpu.memory_space<vmem>>, vector<16xi32>,
        %get3A_523 = vector.shape_cast %get3A_522 : vector<16xi32> to vector<16xi32>
        %add3A_524 = arith.addi %get3A_523, %broadcast_in_dim3A : vector<16xi32>
        %swap3A_525 = arith.constant 304 : index
        %swap3A_526 = tpu.vector_load %arg8[%swap3A_525] {strides = array<i32>} : memref<432xi32, #tpu.memory_space<vmem>>, vector<16xi32>,
        %swap3A_527 = vector.shape_cast %swap3A_526 : vector<16xi32> to vector<16xi32>
        %swap3A_528 = vector.shape_cast %add3A_524 : vector<16xi32> to vector<16xi32>
        tpu.vector_store %arg8[%swap3A_525], %swap3A_528 {strides = array<i32>} : memref<432xi32, #tpu.memory_space<vmem>>, vector<16xi32>,
        %get3A_529 = arith.constant 320 : index
        %get3A_530 = tpu.vector_load %arg8[%get3A_529] {strides = array<i32>} : memref<432xi32, #tpu.memory_space<vmem>>, vector<16xi32>,
        %get3A_531 = vector.shape_cast %get3A_530 : vector<16xi32> to vector<16xi32>
        %add3A_532 = arith.addi %get3A_531, %broadcast_in_dim3A : vector<16xi32>
        %swap3A_533 = arith.constant 320 : index
        %swap3A_534 = tpu.vector_load %arg8[%swap3A_533] {strides = array<i32>} : memref<432xi32, #tpu.memory_space<vmem>>, vector<16xi32>,
        %swap3A_535 = vector.shape_cast %swap3A_534 : vector<16xi32> to vector<16xi32>
        %swap3A_536 = vector.shape_cast %add3A_532 : vector<16xi32> to vector<16xi32>
        tpu.vector_store %arg8[%swap3A_533], %swap3A_536 {strides = array<i32>} : memref<432xi32, #tpu.memory_space<vmem>>, vector<16xi32>,
        %get3A_537 = arith.constant 336 : index
        %get3A_538 = tpu.vector_load %arg8[%get3A_537] {strides = array<i32>} : memref<432xi32, #tpu.memory_space<vmem>>, vector<16xi32>,
        %get3A_539 = vector.shape_cast %get3A_538 : vector<16xi32> to vector<16xi32>
        %add3A_540 = arith.addi %get3A_539, %broadcast_in_dim3A : vector<16xi32>
        %swap3A_541 = arith.constant 336 : index
        %swap3A_542 = tpu.vector_load %arg8[%swap3A_541] {strides = array<i32>} : memref<432xi32, #tpu.memory_space<vmem>>, vector<16xi32>,
        %swap3A_543 = vector.shape_cast %swap3A_542 : vector<16xi32> to vector<16xi32>
        %swap3A_544 = vector.shape_cast %add3A_540 : vector<16xi32> to vector<16xi32>
        tpu.vector_store %arg8[%swap3A_541], %swap3A_544 {strides = array<i32>} : memref<432xi32, #tpu.memory_space<vmem>>, vector<16xi32>,
        %get3A_545 = arith.constant 352 : index
        %get3A_546 = tpu.vector_load %arg8[%get3A_545] {strides = array<i32>} : memref<432xi32, #tpu.memory_space<vmem>>, vector<16xi32>,
        %get3A_547 = vector.shape_cast %get3A_546 : vector<16xi32> to vector<16xi32>
        %add3A_548 = arith.addi %get3A_547, %broadcast_in_dim3A : vector<16xi32>
        %swap3A_549 = arith.constant 352 : index
        %swap3A_550 = tpu.vector_load %arg8[%swap3A_549] {strides = array<i32>} : memref<432xi32, #tpu.memory_space<vmem>>, vector<16xi32>,
        %swap3A_551 = vector.shape_cast %swap3A_550 : vector<16xi32> to vector<16xi32>
        %swap3A_552 = vector.shape_cast %add3A_548 : vector<16xi32> to vector<16xi32>
        tpu.vector_store %arg8[%swap3A_549], %swap3A_552 {strides = array<i32>} : memref<432xi32, #tpu.memory_space<vmem>>, vector<16xi32>,
        %get3A_553 = arith.constant 368 : index
        %get3A_554 = tpu.vector_load %arg8[%get3A_553] {strides = array<i32>} : memref<432xi32, #tpu.memory_space<vmem>>, vector<16xi32>,
        %get3A_555 = vector.shape_cast %get3A_554 : vector<16xi32> to vector<16xi32>
        %add3A_556 = arith.addi %get3A_555, %broadcast_in_dim3A : vector<16xi32>
        %swap3A_557 = arith.constant 368 : index
        %swap3A_558 = tpu.vector_load %arg8[%swap3A_557] {strides = array<i32>} : memref<432xi32, #tpu.memory_space<vmem>>, vector<16xi32>,
        %swap3A_559 = vector.shape_cast %swap3A_558 : vector<16xi32> to vector<16xi32>
        %swap3A_560 = vector.shape_cast %add3A_556 : vector<16xi32> to vector<16xi32>
        tpu.vector_store %arg8[%swap3A_557], %swap3A_560 {strides = array<i32>} : memref<432xi32, #tpu.memory_space<vmem>>, vector<16xi32>,
        %get3A_561 = arith.constant 384 : index
        %get3A_562 = tpu.vector_load %arg8[%get3A_561] {strides = array<i32>} : memref<432xi32, #tpu.memory_space<vmem>>, vector<16xi32>,
        %get3A_563 = vector.shape_cast %get3A_562 : vector<16xi32> to vector<16xi32>
        %add3A_564 = arith.addi %get3A_563, %broadcast_in_dim3A : vector<16xi32>
        %swap3A_565 = arith.constant 384 : index
        %swap3A_566 = tpu.vector_load %arg8[%swap3A_565] {strides = array<i32>} : memref<432xi32, #tpu.memory_space<vmem>>, vector<16xi32>,
        %swap3A_567 = vector.shape_cast %swap3A_566 : vector<16xi32> to vector<16xi32>
        %swap3A_568 = vector.shape_cast %add3A_564 : vector<16xi32> to vector<16xi32>
        tpu.vector_store %arg8[%swap3A_565], %swap3A_568 {strides = array<i32>} : memref<432xi32, #tpu.memory_space<vmem>>, vector<16xi32>,
        %get3A_569 = arith.constant 400 : index
        %get3A_570 = tpu.vector_load %arg8[%get3A_569] {strides = array<i32>} : memref<432xi32, #tpu.memory_space<vmem>>, vector<16xi32>,
        %get3A_571 = vector.shape_cast %get3A_570 : vector<16xi32> to vector<16xi32>
        %add3A_572 = arith.addi %get3A_571, %broadcast_in_dim3A : vector<16xi32>
        %swap3A_573 = arith.constant 400 : index
        %swap3A_574 = tpu.vector_load %arg8[%swap3A_573] {strides = array<i32>} : memref<432xi32, #tpu.memory_space<vmem>>, vector<16xi32>,
        %swap3A_575 = vector.shape_cast %swap3A_574 : vector<16xi32> to vector<16xi32>
        %swap3A_576 = vector.shape_cast %add3A_572 : vector<16xi32> to vector<16xi32>
        tpu.vector_store %arg8[%swap3A_573], %swap3A_576 {strides = array<i32>} : memref<432xi32, #tpu.memory_space<vmem>>, vector<16xi32>,
        %get3A_577 = arith.constant 416 : index
        %get3A_578 = tpu.vector_load %arg8[%get3A_577] {strides = array<i32>} : memref<432xi32, #tpu.memory_space<vmem>>, vector<16xi32>,
        %get3A_579 = vector.shape_cast %get3A_578 : vector<16xi32> to vector<16xi32>
        %add3A_580 = arith.addi %get3A_579, %broadcast_in_dim3A : vector<16xi32>
        %swap3A_581 = arith.constant 416 : index
        %swap3A_582 = tpu.vector_load %arg8[%swap3A_581] {strides = array<i32>} : memref<432xi32, #tpu.memory_space<vmem>>, vector<16xi32>,
        %swap3A_583 = vector.shape_cast %swap3A_582 : vector<16xi32> to vector<16xi32>
        %swap3A_584 = vector.shape_cast %add3A_580 : vector<16xi32> to vector<16xi32>
        tpu.vector_store %arg8[%swap3A_581], %swap3A_584 {strides = array<i32>} : memref<432xi32, #tpu.memory_space<vmem>>, vector<16xi32>,
        %dma_start3A_585 = arith.constant 0 : i32
        %dma_start3A_586 = arith.constant 0 : i32
        %dma_start3A_587 = tpu.memref_slice %arg2[%dma_start3A_585, %dma_start3A_586] : memref<100000x32xf32, #tpu.memory_space<hbm>> -> memref<100000x32xf32, #tpu.memory_space<hbm>>
        tpu.enqueue_indirect_dma source(%dma_start3A_587 : memref<100000x32xf32, #tpu.memory_space<hbm>>) target(%arg14 : memref<432x32xf32, #tpu.memory_space<vmem>>) offsets(%arg8 : memref<432xi32, #tpu.memory_space<vmem>>) semaphore(%arg23 : memref<!tpu.dma_semaphore, #tpu.memory_space<semaphore_mem>>)
      } else {
      }
      %dma_wait3A_325 = arith.constant 0 : i32
      %dma_wait3A_326 = arith.constant 0 : i32
      %dma_wait3A_327 = tpu.memref_slice %arg2[%dma_wait3A_325, %dma_wait3A_326] : memref<100000x32xf32, #tpu.memory_space<hbm>> -> memref<100000x32xf32, #tpu.memory_space<hbm>>
      tpu.wait_indirect_dma semaphore(%arg22 : memref<!tpu.dma_semaphore, #tpu.memory_space<semaphore_mem>>) src(%dma_wait3A_327 : memref<100000x32xf32, #tpu.memory_space<hbm>>) dst(%arg13 : memref<432x32xf32, #tpu.memory_space<vmem>>)
      %dma_start3A_328 = arith.constant 0 : i32
      %dma_start3A_329 = arith.constant 0 : i32
      %dma_start3A_330 = tpu.memref_slice %arg15[%dma_start3A_328, %dma_start3A_329] : memref<50048x32xf32, #tpu.memory_space<vmem_shared>> -> memref<50048x32xf32, #tpu.memory_space<vmem_shared>>
      tpu.enqueue_indirect_dma source(%arg13 : memref<432x32xf32, #tpu.memory_space<vmem>>) target(%dma_start3A_330 : memref<50048x32xf32, #tpu.memory_space<vmem_shared>>) offsets(%arg11 : memref<432xi32, #tpu.memory_space<vmem>>) semaphore(%arg24 : memref<!tpu.dma_semaphore, #tpu.memory_space<semaphore_mem>>) {add = true}
      %lt3A_331 = arith.constant 114 : i32
      %lt3A_332 = arith.cmpi slt, %add3A_314, %lt3A_331 : i32
      %convert_element_type3A_333 = arith.extui %lt3A_332 : i1 to i32
      %cond3A_334 = arith.constant 0 : i32
      %cond3A_335 = arith.cmpi ne, %convert_element_type3A_333, %cond3A_334 : i32
      scf.if %cond3A_335 {
        %add3A_361 = arith.constant 2 : i32
        %add3A_362 = arith.addi %add3A_314, %add3A_361 : i32
        %mul3A_363 = arith.constant 432 : i32
        %mul3A_364 = arith.muli %add3A_362, %mul3A_363 : i32
        %add3A_365 = arith.addi %mul3A_0, %mul3A_364 : i32
        %dma_start3A_366 = tpu.memref_slice %arg3[%add3A_365] : memref<801792xi32, #tpu.memory_space<hbm>> -> memref<432xi32, #tpu.memory_space<hbm>>
        %dma_start3A_367 = tpu.memref_slice %arg3[%add3A_365] : memref<801792xi32, #tpu.memory_space<hbm>> -> memref<432xi32, #tpu.memory_space<hbm>>
        tpu.enqueue_dma source(%dma_start3A_367 : memref<432xi32, #tpu.memory_space<hbm>>) target(%arg7 : memref<432xi32, #tpu.memory_space<vmem>>) target_semaphore(%arg16 : memref<!tpu.dma_semaphore, #tpu.memory_space<semaphore_mem>>)
        %mul3A_368 = arith.constant 432 : i32
        %mul3A_369 = arith.muli %add3A_362, %mul3A_368 : i32
        %add3A_370 = arith.addi %mul3A_0, %mul3A_369 : i32
        %dma_start3A_371 = tpu.memref_slice %arg4[%add3A_370] : memref<801792xi32, #tpu.memory_space<hbm>> -> memref<432xi32, #tpu.memory_space<hbm>>
        %dma_start3A_372 = tpu.memref_slice %arg4[%add3A_370] : memref<801792xi32, #tpu.memory_space<hbm>> -> memref<432xi32, #tpu.memory_space<hbm>>
        tpu.enqueue_dma source(%dma_start3A_372 : memref<432xi32, #tpu.memory_space<hbm>>) target(%arg9 : memref<432xi32, #tpu.memory_space<vmem>>) target_semaphore(%arg18 : memref<!tpu.dma_semaphore, #tpu.memory_space<semaphore_mem>>)
      } else {
      }
      %mul3A_336 = arith.constant 4 : i32
      %mul3A_337 = arith.muli %mul3A_336, %scan3A_261 : i32
      %add3A_338 = arith.constant 3 : i32
      %add3A_339 = arith.addi %mul3A_337, %add3A_338 : i32
      %ge3A_340 = arith.constant 1 : i32
      %ge3A_341 = arith.cmpi sge, %add3A_339, %ge3A_340 : i32
      %convert_element_type3A_342 = arith.extui %ge3A_341 : i1 to i32
      %cond3A_343 = arith.constant 0 : i32
      %cond3A_344 = arith.cmpi ne, %convert_element_type3A_342, %cond3A_343 : i32
      scf.if %cond3A_344 {
        %dma_wait3A_361 = arith.constant 0 : i32
        %dma_wait3A_362 = arith.constant 0 : i32
        %dma_wait3A_363 = tpu.memref_slice %arg15[%dma_wait3A_361, %dma_wait3A_362] : memref<50048x32xf32, #tpu.memory_space<vmem_shared>> -> memref<50048x32xf32, #tpu.memory_space<vmem_shared>>
        tpu.wait_indirect_dma semaphore(%arg24 : memref<!tpu.dma_semaphore, #tpu.memory_space<semaphore_mem>>) src(%arg13 : memref<432x32xf32, #tpu.memory_space<vmem>>) dst(%dma_wait3A_363 : memref<50048x32xf32, #tpu.memory_space<vmem_shared>>)
      } else {
      }
      %lt3A_345 = arith.constant 115 : i32
      %lt3A_346 = arith.cmpi slt, %add3A_339, %lt3A_345 : i32
      %convert_element_type3A_347 = arith.extui %lt3A_346 : i1 to i32
      %cond3A_348 = arith.constant 0 : i32
      %cond3A_349 = arith.cmpi ne, %convert_element_type3A_347, %cond3A_348 : i32
      scf.if %cond3A_349 {
        %dma_wait3A_361 = arith.constant 0 : i32
        %dma_wait3A_362 = tpu.memref_slice %arg3[%dma_wait3A_361] : memref<801792xi32, #tpu.memory_space<hbm>> -> memref<432xi32, #tpu.memory_space<hbm>>
        %dma_wait3A_363 = arith.constant 0 : i32
        %dma_wait3A_364 = tpu.memref_slice %arg3[%dma_wait3A_363] : memref<801792xi32, #tpu.memory_space<hbm>> -> memref<432xi32, #tpu.memory_space<hbm>>
        tpu.wait_dma2 semaphore(%arg16 : memref<!tpu.dma_semaphore, #tpu.memory_space<semaphore_mem>>) src(%dma_wait3A_364 : memref<432xi32, #tpu.memory_space<hbm>>) dst(%arg7 : memref<432xi32, #tpu.memory_space<vmem>>)
        %dma_wait3A_365 = arith.constant 0 : i32
        %dma_wait3A_366 = tpu.memref_slice %arg4[%dma_wait3A_365] : memref<801792xi32, #tpu.memory_space<hbm>> -> memref<432xi32, #tpu.memory_space<hbm>>
        %dma_wait3A_367 = arith.constant 0 : i32
        %dma_wait3A_368 = tpu.memref_slice %arg4[%dma_wait3A_367] : memref<801792xi32, #tpu.memory_space<hbm>> -> memref<432xi32, #tpu.memory_space<hbm>>
        tpu.wait_dma2 semaphore(%arg18 : memref<!tpu.dma_semaphore, #tpu.memory_space<semaphore_mem>>) src(%dma_wait3A_368 : memref<432xi32, #tpu.memory_space<hbm>>) dst(%arg9 : memref<432xi32, #tpu.memory_space<vmem>>)
        %get3A_369 = arith.constant 0 : index
        %get3A_370 = tpu.vector_load %arg7[%get3A_369] {strides = array<i32>} : memref<432xi32, #tpu.memory_space<vmem>>, vector<16xi32>,
        %get3A_371 = vector.shape_cast %get3A_370 : vector<16xi32> to vector<16xi32>
        %add3A_372 = arith.addi %get3A_371, %broadcast_in_dim3A : vector<16xi32>
        %swap3A_373 = arith.constant 0 : index
        %swap3A_374 = tpu.vector_load %arg7[%swap3A_373] {strides = array<i32>} : memref<432xi32, #tpu.memory_space<vmem>>, vector<16xi32>,
        %swap3A_375 = vector.shape_cast %swap3A_374 : vector<16xi32> to vector<16xi32>
        %swap3A_376 = vector.shape_cast %add3A_372 : vector<16xi32> to vector<16xi32>
        tpu.vector_store %arg7[%swap3A_373], %swap3A_376 {strides = array<i32>} : memref<432xi32, #tpu.memory_space<vmem>>, vector<16xi32>,
        %get3A_377 = arith.constant 16 : index
        %get3A_378 = tpu.vector_load %arg7[%get3A_377] {strides = array<i32>} : memref<432xi32, #tpu.memory_space<vmem>>, vector<16xi32>,
        %get3A_379 = vector.shape_cast %get3A_378 : vector<16xi32> to vector<16xi32>
        %add3A_380 = arith.addi %get3A_379, %broadcast_in_dim3A : vector<16xi32>
        %swap3A_381 = arith.constant 16 : index
        %swap3A_382 = tpu.vector_load %arg7[%swap3A_381] {strides = array<i32>} : memref<432xi32, #tpu.memory_space<vmem>>, vector<16xi32>,
        %swap3A_383 = vector.shape_cast %swap3A_382 : vector<16xi32> to vector<16xi32>
        %swap3A_384 = vector.shape_cast %add3A_380 : vector<16xi32> to vector<16xi32>
        tpu.vector_store %arg7[%swap3A_381], %swap3A_384 {strides = array<i32>} : memref<432xi32, #tpu.memory_space<vmem>>, vector<16xi32>,
        %get3A_385 = arith.constant 32 : index
        %get3A_386 = tpu.vector_load %arg7[%get3A_385] {strides = array<i32>} : memref<432xi32, #tpu.memory_space<vmem>>, vector<16xi32>,
        %get3A_387 = vector.shape_cast %get3A_386 : vector<16xi32> to vector<16xi32>
        %add3A_388 = arith.addi %get3A_387, %broadcast_in_dim3A : vector<16xi32>
        %swap3A_389 = arith.constant 32 : index
        %swap3A_390 = tpu.vector_load %arg7[%swap3A_389] {strides = array<i32>} : memref<432xi32, #tpu.memory_space<vmem>>, vector<16xi32>,
        %swap3A_391 = vector.shape_cast %swap3A_390 : vector<16xi32> to vector<16xi32>
        %swap3A_392 = vector.shape_cast %add3A_388 : vector<16xi32> to vector<16xi32>
        tpu.vector_store %arg7[%swap3A_389], %swap3A_392 {strides = array<i32>} : memref<432xi32, #tpu.memory_space<vmem>>, vector<16xi32>,
        %get3A_393 = arith.constant 48 : index
        %get3A_394 = tpu.vector_load %arg7[%get3A_393] {strides = array<i32>} : memref<432xi32, #tpu.memory_space<vmem>>, vector<16xi32>,
        %get3A_395 = vector.shape_cast %get3A_394 : vector<16xi32> to vector<16xi32>
        %add3A_396 = arith.addi %get3A_395, %broadcast_in_dim3A : vector<16xi32>
        %swap3A_397 = arith.constant 48 : index
        %swap3A_398 = tpu.vector_load %arg7[%swap3A_397] {strides = array<i32>} : memref<432xi32, #tpu.memory_space<vmem>>, vector<16xi32>,
        %swap3A_399 = vector.shape_cast %swap3A_398 : vector<16xi32> to vector<16xi32>
        %swap3A_400 = vector.shape_cast %add3A_396 : vector<16xi32> to vector<16xi32>
        tpu.vector_store %arg7[%swap3A_397], %swap3A_400 {strides = array<i32>} : memref<432xi32, #tpu.memory_space<vmem>>, vector<16xi32>,
        %get3A_401 = arith.constant 64 : index
        %get3A_402 = tpu.vector_load %arg7[%get3A_401] {strides = array<i32>} : memref<432xi32, #tpu.memory_space<vmem>>, vector<16xi32>,
        %get3A_403 = vector.shape_cast %get3A_402 : vector<16xi32> to vector<16xi32>
        %add3A_404 = arith.addi %get3A_403, %broadcast_in_dim3A : vector<16xi32>
        %swap3A_405 = arith.constant 64 : index
        %swap3A_406 = tpu.vector_load %arg7[%swap3A_405] {strides = array<i32>} : memref<432xi32, #tpu.memory_space<vmem>>, vector<16xi32>,
        %swap3A_407 = vector.shape_cast %swap3A_406 : vector<16xi32> to vector<16xi32>
        %swap3A_408 = vector.shape_cast %add3A_404 : vector<16xi32> to vector<16xi32>
        tpu.vector_store %arg7[%swap3A_405], %swap3A_408 {strides = array<i32>} : memref<432xi32, #tpu.memory_space<vmem>>, vector<16xi32>,
        %get3A_409 = arith.constant 80 : index
        %get3A_410 = tpu.vector_load %arg7[%get3A_409] {strides = array<i32>} : memref<432xi32, #tpu.memory_space<vmem>>, vector<16xi32>,
        %get3A_411 = vector.shape_cast %get3A_410 : vector<16xi32> to vector<16xi32>
        %add3A_412 = arith.addi %get3A_411, %broadcast_in_dim3A : vector<16xi32>
        %swap3A_413 = arith.constant 80 : index
        %swap3A_414 = tpu.vector_load %arg7[%swap3A_413] {strides = array<i32>} : memref<432xi32, #tpu.memory_space<vmem>>, vector<16xi32>,
        %swap3A_415 = vector.shape_cast %swap3A_414 : vector<16xi32> to vector<16xi32>
        %swap3A_416 = vector.shape_cast %add3A_412 : vector<16xi32> to vector<16xi32>
        tpu.vector_store %arg7[%swap3A_413], %swap3A_416 {strides = array<i32>} : memref<432xi32, #tpu.memory_space<vmem>>, vector<16xi32>,
        %get3A_417 = arith.constant 96 : index
        %get3A_418 = tpu.vector_load %arg7[%get3A_417] {strides = array<i32>} : memref<432xi32, #tpu.memory_space<vmem>>, vector<16xi32>,
        %get3A_419 = vector.shape_cast %get3A_418 : vector<16xi32> to vector<16xi32>
        %add3A_420 = arith.addi %get3A_419, %broadcast_in_dim3A : vector<16xi32>
        %swap3A_421 = arith.constant 96 : index
        %swap3A_422 = tpu.vector_load %arg7[%swap3A_421] {strides = array<i32>} : memref<432xi32, #tpu.memory_space<vmem>>, vector<16xi32>,
        %swap3A_423 = vector.shape_cast %swap3A_422 : vector<16xi32> to vector<16xi32>
        %swap3A_424 = vector.shape_cast %add3A_420 : vector<16xi32> to vector<16xi32>
        tpu.vector_store %arg7[%swap3A_421], %swap3A_424 {strides = array<i32>} : memref<432xi32, #tpu.memory_space<vmem>>, vector<16xi32>,
        %get3A_425 = arith.constant 112 : index
        %get3A_426 = tpu.vector_load %arg7[%get3A_425] {strides = array<i32>} : memref<432xi32, #tpu.memory_space<vmem>>, vector<16xi32>,
        %get3A_427 = vector.shape_cast %get3A_426 : vector<16xi32> to vector<16xi32>
        %add3A_428 = arith.addi %get3A_427, %broadcast_in_dim3A : vector<16xi32>
        %swap3A_429 = arith.constant 112 : index
        %swap3A_430 = tpu.vector_load %arg7[%swap3A_429] {strides = array<i32>} : memref<432xi32, #tpu.memory_space<vmem>>, vector<16xi32>,
        %swap3A_431 = vector.shape_cast %swap3A_430 : vector<16xi32> to vector<16xi32>
        %swap3A_432 = vector.shape_cast %add3A_428 : vector<16xi32> to vector<16xi32>
        tpu.vector_store %arg7[%swap3A_429], %swap3A_432 {strides = array<i32>} : memref<432xi32, #tpu.memory_space<vmem>>, vector<16xi32>,
        %get3A_433 = arith.constant 128 : index
        %get3A_434 = tpu.vector_load %arg7[%get3A_433] {strides = array<i32>} : memref<432xi32, #tpu.memory_space<vmem>>, vector<16xi32>,
        %get3A_435 = vector.shape_cast %get3A_434 : vector<16xi32> to vector<16xi32>
        %add3A_436 = arith.addi %get3A_435, %broadcast_in_dim3A : vector<16xi32>
        %swap3A_437 = arith.constant 128 : index
        %swap3A_438 = tpu.vector_load %arg7[%swap3A_437] {strides = array<i32>} : memref<432xi32, #tpu.memory_space<vmem>>, vector<16xi32>,
        %swap3A_439 = vector.shape_cast %swap3A_438 : vector<16xi32> to vector<16xi32>
        %swap3A_440 = vector.shape_cast %add3A_436 : vector<16xi32> to vector<16xi32>
        tpu.vector_store %arg7[%swap3A_437], %swap3A_440 {strides = array<i32>} : memref<432xi32, #tpu.memory_space<vmem>>, vector<16xi32>,
        %get3A_441 = arith.constant 144 : index
        %get3A_442 = tpu.vector_load %arg7[%get3A_441] {strides = array<i32>} : memref<432xi32, #tpu.memory_space<vmem>>, vector<16xi32>,
        %get3A_443 = vector.shape_cast %get3A_442 : vector<16xi32> to vector<16xi32>
        %add3A_444 = arith.addi %get3A_443, %broadcast_in_dim3A : vector<16xi32>
        %swap3A_445 = arith.constant 144 : index
        %swap3A_446 = tpu.vector_load %arg7[%swap3A_445] {strides = array<i32>} : memref<432xi32, #tpu.memory_space<vmem>>, vector<16xi32>,
        %swap3A_447 = vector.shape_cast %swap3A_446 : vector<16xi32> to vector<16xi32>
        %swap3A_448 = vector.shape_cast %add3A_444 : vector<16xi32> to vector<16xi32>
        tpu.vector_store %arg7[%swap3A_445], %swap3A_448 {strides = array<i32>} : memref<432xi32, #tpu.memory_space<vmem>>, vector<16xi32>,
        %get3A_449 = arith.constant 160 : index
        %get3A_450 = tpu.vector_load %arg7[%get3A_449] {strides = array<i32>} : memref<432xi32, #tpu.memory_space<vmem>>, vector<16xi32>,
        %get3A_451 = vector.shape_cast %get3A_450 : vector<16xi32> to vector<16xi32>
        %add3A_452 = arith.addi %get3A_451, %broadcast_in_dim3A : vector<16xi32>
        %swap3A_453 = arith.constant 160 : index
        %swap3A_454 = tpu.vector_load %arg7[%swap3A_453] {strides = array<i32>} : memref<432xi32, #tpu.memory_space<vmem>>, vector<16xi32>,
        %swap3A_455 = vector.shape_cast %swap3A_454 : vector<16xi32> to vector<16xi32>
        %swap3A_456 = vector.shape_cast %add3A_452 : vector<16xi32> to vector<16xi32>
        tpu.vector_store %arg7[%swap3A_453], %swap3A_456 {strides = array<i32>} : memref<432xi32, #tpu.memory_space<vmem>>, vector<16xi32>,
        %get3A_457 = arith.constant 176 : index
        %get3A_458 = tpu.vector_load %arg7[%get3A_457] {strides = array<i32>} : memref<432xi32, #tpu.memory_space<vmem>>, vector<16xi32>,
        %get3A_459 = vector.shape_cast %get3A_458 : vector<16xi32> to vector<16xi32>
        %add3A_460 = arith.addi %get3A_459, %broadcast_in_dim3A : vector<16xi32>
        %swap3A_461 = arith.constant 176 : index
        %swap3A_462 = tpu.vector_load %arg7[%swap3A_461] {strides = array<i32>} : memref<432xi32, #tpu.memory_space<vmem>>, vector<16xi32>,
        %swap3A_463 = vector.shape_cast %swap3A_462 : vector<16xi32> to vector<16xi32>
        %swap3A_464 = vector.shape_cast %add3A_460 : vector<16xi32> to vector<16xi32>
        tpu.vector_store %arg7[%swap3A_461], %swap3A_464 {strides = array<i32>} : memref<432xi32, #tpu.memory_space<vmem>>, vector<16xi32>,
        %get3A_465 = arith.constant 192 : index
        %get3A_466 = tpu.vector_load %arg7[%get3A_465] {strides = array<i32>} : memref<432xi32, #tpu.memory_space<vmem>>, vector<16xi32>,
        %get3A_467 = vector.shape_cast %get3A_466 : vector<16xi32> to vector<16xi32>
        %add3A_468 = arith.addi %get3A_467, %broadcast_in_dim3A : vector<16xi32>
        %swap3A_469 = arith.constant 192 : index
        %swap3A_470 = tpu.vector_load %arg7[%swap3A_469] {strides = array<i32>} : memref<432xi32, #tpu.memory_space<vmem>>, vector<16xi32>,
        %swap3A_471 = vector.shape_cast %swap3A_470 : vector<16xi32> to vector<16xi32>
        %swap3A_472 = vector.shape_cast %add3A_468 : vector<16xi32> to vector<16xi32>
        tpu.vector_store %arg7[%swap3A_469], %swap3A_472 {strides = array<i32>} : memref<432xi32, #tpu.memory_space<vmem>>, vector<16xi32>,
        %get3A_473 = arith.constant 208 : index
        %get3A_474 = tpu.vector_load %arg7[%get3A_473] {strides = array<i32>} : memref<432xi32, #tpu.memory_space<vmem>>, vector<16xi32>,
        %get3A_475 = vector.shape_cast %get3A_474 : vector<16xi32> to vector<16xi32>
        %add3A_476 = arith.addi %get3A_475, %broadcast_in_dim3A : vector<16xi32>
        %swap3A_477 = arith.constant 208 : index
        %swap3A_478 = tpu.vector_load %arg7[%swap3A_477] {strides = array<i32>} : memref<432xi32, #tpu.memory_space<vmem>>, vector<16xi32>,
        %swap3A_479 = vector.shape_cast %swap3A_478 : vector<16xi32> to vector<16xi32>
        %swap3A_480 = vector.shape_cast %add3A_476 : vector<16xi32> to vector<16xi32>
        tpu.vector_store %arg7[%swap3A_477], %swap3A_480 {strides = array<i32>} : memref<432xi32, #tpu.memory_space<vmem>>, vector<16xi32>,
        %get3A_481 = arith.constant 224 : index
        %get3A_482 = tpu.vector_load %arg7[%get3A_481] {strides = array<i32>} : memref<432xi32, #tpu.memory_space<vmem>>, vector<16xi32>,
        %get3A_483 = vector.shape_cast %get3A_482 : vector<16xi32> to vector<16xi32>
        %add3A_484 = arith.addi %get3A_483, %broadcast_in_dim3A : vector<16xi32>
        %swap3A_485 = arith.constant 224 : index
        %swap3A_486 = tpu.vector_load %arg7[%swap3A_485] {strides = array<i32>} : memref<432xi32, #tpu.memory_space<vmem>>, vector<16xi32>,
        %swap3A_487 = vector.shape_cast %swap3A_486 : vector<16xi32> to vector<16xi32>
        %swap3A_488 = vector.shape_cast %add3A_484 : vector<16xi32> to vector<16xi32>
        tpu.vector_store %arg7[%swap3A_485], %swap3A_488 {strides = array<i32>} : memref<432xi32, #tpu.memory_space<vmem>>, vector<16xi32>,
        %get3A_489 = arith.constant 240 : index
        %get3A_490 = tpu.vector_load %arg7[%get3A_489] {strides = array<i32>} : memref<432xi32, #tpu.memory_space<vmem>>, vector<16xi32>,
        %get3A_491 = vector.shape_cast %get3A_490 : vector<16xi32> to vector<16xi32>
        %add3A_492 = arith.addi %get3A_491, %broadcast_in_dim3A : vector<16xi32>
        %swap3A_493 = arith.constant 240 : index
        %swap3A_494 = tpu.vector_load %arg7[%swap3A_493] {strides = array<i32>} : memref<432xi32, #tpu.memory_space<vmem>>, vector<16xi32>,
        %swap3A_495 = vector.shape_cast %swap3A_494 : vector<16xi32> to vector<16xi32>
        %swap3A_496 = vector.shape_cast %add3A_492 : vector<16xi32> to vector<16xi32>
        tpu.vector_store %arg7[%swap3A_493], %swap3A_496 {strides = array<i32>} : memref<432xi32, #tpu.memory_space<vmem>>, vector<16xi32>,
        %get3A_497 = arith.constant 256 : index
        %get3A_498 = tpu.vector_load %arg7[%get3A_497] {strides = array<i32>} : memref<432xi32, #tpu.memory_space<vmem>>, vector<16xi32>,
        %get3A_499 = vector.shape_cast %get3A_498 : vector<16xi32> to vector<16xi32>
        %add3A_500 = arith.addi %get3A_499, %broadcast_in_dim3A : vector<16xi32>
        %swap3A_501 = arith.constant 256 : index
        %swap3A_502 = tpu.vector_load %arg7[%swap3A_501] {strides = array<i32>} : memref<432xi32, #tpu.memory_space<vmem>>, vector<16xi32>,
        %swap3A_503 = vector.shape_cast %swap3A_502 : vector<16xi32> to vector<16xi32>
        %swap3A_504 = vector.shape_cast %add3A_500 : vector<16xi32> to vector<16xi32>
        tpu.vector_store %arg7[%swap3A_501], %swap3A_504 {strides = array<i32>} : memref<432xi32, #tpu.memory_space<vmem>>, vector<16xi32>,
        %get3A_505 = arith.constant 272 : index
        %get3A_506 = tpu.vector_load %arg7[%get3A_505] {strides = array<i32>} : memref<432xi32, #tpu.memory_space<vmem>>, vector<16xi32>,
        %get3A_507 = vector.shape_cast %get3A_506 : vector<16xi32> to vector<16xi32>
        %add3A_508 = arith.addi %get3A_507, %broadcast_in_dim3A : vector<16xi32>
        %swap3A_509 = arith.constant 272 : index
        %swap3A_510 = tpu.vector_load %arg7[%swap3A_509] {strides = array<i32>} : memref<432xi32, #tpu.memory_space<vmem>>, vector<16xi32>,
        %swap3A_511 = vector.shape_cast %swap3A_510 : vector<16xi32> to vector<16xi32>
        %swap3A_512 = vector.shape_cast %add3A_508 : vector<16xi32> to vector<16xi32>
        tpu.vector_store %arg7[%swap3A_509], %swap3A_512 {strides = array<i32>} : memref<432xi32, #tpu.memory_space<vmem>>, vector<16xi32>,
        %get3A_513 = arith.constant 288 : index
        %get3A_514 = tpu.vector_load %arg7[%get3A_513] {strides = array<i32>} : memref<432xi32, #tpu.memory_space<vmem>>, vector<16xi32>,
        %get3A_515 = vector.shape_cast %get3A_514 : vector<16xi32> to vector<16xi32>
        %add3A_516 = arith.addi %get3A_515, %broadcast_in_dim3A : vector<16xi32>
        %swap3A_517 = arith.constant 288 : index
        %swap3A_518 = tpu.vector_load %arg7[%swap3A_517] {strides = array<i32>} : memref<432xi32, #tpu.memory_space<vmem>>, vector<16xi32>,
        %swap3A_519 = vector.shape_cast %swap3A_518 : vector<16xi32> to vector<16xi32>
        %swap3A_520 = vector.shape_cast %add3A_516 : vector<16xi32> to vector<16xi32>
        tpu.vector_store %arg7[%swap3A_517], %swap3A_520 {strides = array<i32>} : memref<432xi32, #tpu.memory_space<vmem>>, vector<16xi32>,
        %get3A_521 = arith.constant 304 : index
        %get3A_522 = tpu.vector_load %arg7[%get3A_521] {strides = array<i32>} : memref<432xi32, #tpu.memory_space<vmem>>, vector<16xi32>,
        %get3A_523 = vector.shape_cast %get3A_522 : vector<16xi32> to vector<16xi32>
        %add3A_524 = arith.addi %get3A_523, %broadcast_in_dim3A : vector<16xi32>
        %swap3A_525 = arith.constant 304 : index
        %swap3A_526 = tpu.vector_load %arg7[%swap3A_525] {strides = array<i32>} : memref<432xi32, #tpu.memory_space<vmem>>, vector<16xi32>,
        %swap3A_527 = vector.shape_cast %swap3A_526 : vector<16xi32> to vector<16xi32>
        %swap3A_528 = vector.shape_cast %add3A_524 : vector<16xi32> to vector<16xi32>
        tpu.vector_store %arg7[%swap3A_525], %swap3A_528 {strides = array<i32>} : memref<432xi32, #tpu.memory_space<vmem>>, vector<16xi32>,
        %get3A_529 = arith.constant 320 : index
        %get3A_530 = tpu.vector_load %arg7[%get3A_529] {strides = array<i32>} : memref<432xi32, #tpu.memory_space<vmem>>, vector<16xi32>,
        %get3A_531 = vector.shape_cast %get3A_530 : vector<16xi32> to vector<16xi32>
        %add3A_532 = arith.addi %get3A_531, %broadcast_in_dim3A : vector<16xi32>
        %swap3A_533 = arith.constant 320 : index
        %swap3A_534 = tpu.vector_load %arg7[%swap3A_533] {strides = array<i32>} : memref<432xi32, #tpu.memory_space<vmem>>, vector<16xi32>,
        %swap3A_535 = vector.shape_cast %swap3A_534 : vector<16xi32> to vector<16xi32>
        %swap3A_536 = vector.shape_cast %add3A_532 : vector<16xi32> to vector<16xi32>
        tpu.vector_store %arg7[%swap3A_533], %swap3A_536 {strides = array<i32>} : memref<432xi32, #tpu.memory_space<vmem>>, vector<16xi32>,
        %get3A_537 = arith.constant 336 : index
        %get3A_538 = tpu.vector_load %arg7[%get3A_537] {strides = array<i32>} : memref<432xi32, #tpu.memory_space<vmem>>, vector<16xi32>,
        %get3A_539 = vector.shape_cast %get3A_538 : vector<16xi32> to vector<16xi32>
        %add3A_540 = arith.addi %get3A_539, %broadcast_in_dim3A : vector<16xi32>
        %swap3A_541 = arith.constant 336 : index
        %swap3A_542 = tpu.vector_load %arg7[%swap3A_541] {strides = array<i32>} : memref<432xi32, #tpu.memory_space<vmem>>, vector<16xi32>,
        %swap3A_543 = vector.shape_cast %swap3A_542 : vector<16xi32> to vector<16xi32>
        %swap3A_544 = vector.shape_cast %add3A_540 : vector<16xi32> to vector<16xi32>
        tpu.vector_store %arg7[%swap3A_541], %swap3A_544 {strides = array<i32>} : memref<432xi32, #tpu.memory_space<vmem>>, vector<16xi32>,
        %get3A_545 = arith.constant 352 : index
        %get3A_546 = tpu.vector_load %arg7[%get3A_545] {strides = array<i32>} : memref<432xi32, #tpu.memory_space<vmem>>, vector<16xi32>,
        %get3A_547 = vector.shape_cast %get3A_546 : vector<16xi32> to vector<16xi32>
        %add3A_548 = arith.addi %get3A_547, %broadcast_in_dim3A : vector<16xi32>
        %swap3A_549 = arith.constant 352 : index
        %swap3A_550 = tpu.vector_load %arg7[%swap3A_549] {strides = array<i32>} : memref<432xi32, #tpu.memory_space<vmem>>, vector<16xi32>,
        %swap3A_551 = vector.shape_cast %swap3A_550 : vector<16xi32> to vector<16xi32>
        %swap3A_552 = vector.shape_cast %add3A_548 : vector<16xi32> to vector<16xi32>
        tpu.vector_store %arg7[%swap3A_549], %swap3A_552 {strides = array<i32>} : memref<432xi32, #tpu.memory_space<vmem>>, vector<16xi32>,
        %get3A_553 = arith.constant 368 : index
        %get3A_554 = tpu.vector_load %arg7[%get3A_553] {strides = array<i32>} : memref<432xi32, #tpu.memory_space<vmem>>, vector<16xi32>,
        %get3A_555 = vector.shape_cast %get3A_554 : vector<16xi32> to vector<16xi32>
        %add3A_556 = arith.addi %get3A_555, %broadcast_in_dim3A : vector<16xi32>
        %swap3A_557 = arith.constant 368 : index
        %swap3A_558 = tpu.vector_load %arg7[%swap3A_557] {strides = array<i32>} : memref<432xi32, #tpu.memory_space<vmem>>, vector<16xi32>,
        %swap3A_559 = vector.shape_cast %swap3A_558 : vector<16xi32> to vector<16xi32>
        %swap3A_560 = vector.shape_cast %add3A_556 : vector<16xi32> to vector<16xi32>
        tpu.vector_store %arg7[%swap3A_557], %swap3A_560 {strides = array<i32>} : memref<432xi32, #tpu.memory_space<vmem>>, vector<16xi32>,
        %get3A_561 = arith.constant 384 : index
        %get3A_562 = tpu.vector_load %arg7[%get3A_561] {strides = array<i32>} : memref<432xi32, #tpu.memory_space<vmem>>, vector<16xi32>,
        %get3A_563 = vector.shape_cast %get3A_562 : vector<16xi32> to vector<16xi32>
        %add3A_564 = arith.addi %get3A_563, %broadcast_in_dim3A : vector<16xi32>
        %swap3A_565 = arith.constant 384 : index
        %swap3A_566 = tpu.vector_load %arg7[%swap3A_565] {strides = array<i32>} : memref<432xi32, #tpu.memory_space<vmem>>, vector<16xi32>,
        %swap3A_567 = vector.shape_cast %swap3A_566 : vector<16xi32> to vector<16xi32>
        %swap3A_568 = vector.shape_cast %add3A_564 : vector<16xi32> to vector<16xi32>
        tpu.vector_store %arg7[%swap3A_565], %swap3A_568 {strides = array<i32>} : memref<432xi32, #tpu.memory_space<vmem>>, vector<16xi32>,
        %get3A_569 = arith.constant 400 : index
        %get3A_570 = tpu.vector_load %arg7[%get3A_569] {strides = array<i32>} : memref<432xi32, #tpu.memory_space<vmem>>, vector<16xi32>,
        %get3A_571 = vector.shape_cast %get3A_570 : vector<16xi32> to vector<16xi32>
        %add3A_572 = arith.addi %get3A_571, %broadcast_in_dim3A : vector<16xi32>
        %swap3A_573 = arith.constant 400 : index
        %swap3A_574 = tpu.vector_load %arg7[%swap3A_573] {strides = array<i32>} : memref<432xi32, #tpu.memory_space<vmem>>, vector<16xi32>,
        %swap3A_575 = vector.shape_cast %swap3A_574 : vector<16xi32> to vector<16xi32>
        %swap3A_576 = vector.shape_cast %add3A_572 : vector<16xi32> to vector<16xi32>
        tpu.vector_store %arg7[%swap3A_573], %swap3A_576 {strides = array<i32>} : memref<432xi32, #tpu.memory_space<vmem>>, vector<16xi32>,
        %get3A_577 = arith.constant 416 : index
        %get3A_578 = tpu.vector_load %arg7[%get3A_577] {strides = array<i32>} : memref<432xi32, #tpu.memory_space<vmem>>, vector<16xi32>,
        %get3A_579 = vector.shape_cast %get3A_578 : vector<16xi32> to vector<16xi32>
        %add3A_580 = arith.addi %get3A_579, %broadcast_in_dim3A : vector<16xi32>
        %swap3A_581 = arith.constant 416 : index
        %swap3A_582 = tpu.vector_load %arg7[%swap3A_581] {strides = array<i32>} : memref<432xi32, #tpu.memory_space<vmem>>, vector<16xi32>,
        %swap3A_583 = vector.shape_cast %swap3A_582 : vector<16xi32> to vector<16xi32>
        %swap3A_584 = vector.shape_cast %add3A_580 : vector<16xi32> to vector<16xi32>
        tpu.vector_store %arg7[%swap3A_581], %swap3A_584 {strides = array<i32>} : memref<432xi32, #tpu.memory_space<vmem>>, vector<16xi32>,
        %dma_start3A_585 = arith.constant 0 : i32
        %dma_start3A_586 = arith.constant 0 : i32
        %dma_start3A_587 = tpu.memref_slice %arg2[%dma_start3A_585, %dma_start3A_586] : memref<100000x32xf32, #tpu.memory_space<hbm>> -> memref<100000x32xf32, #tpu.memory_space<hbm>>
        tpu.enqueue_indirect_dma source(%dma_start3A_587 : memref<100000x32xf32, #tpu.memory_space<hbm>>) target(%arg13 : memref<432x32xf32, #tpu.memory_space<vmem>>) offsets(%arg7 : memref<432xi32, #tpu.memory_space<vmem>>) semaphore(%arg22 : memref<!tpu.dma_semaphore, #tpu.memory_space<semaphore_mem>>)
      } else {
      }
      %dma_wait3A_350 = arith.constant 0 : i32
      %dma_wait3A_351 = arith.constant 0 : i32
      %dma_wait3A_352 = tpu.memref_slice %arg2[%dma_wait3A_350, %dma_wait3A_351] : memref<100000x32xf32, #tpu.memory_space<hbm>> -> memref<100000x32xf32, #tpu.memory_space<hbm>>
      tpu.wait_indirect_dma semaphore(%arg23 : memref<!tpu.dma_semaphore, #tpu.memory_space<semaphore_mem>>) src(%dma_wait3A_352 : memref<100000x32xf32, #tpu.memory_space<hbm>>) dst(%arg14 : memref<432x32xf32, #tpu.memory_space<vmem>>)
      %dma_start3A_353 = arith.constant 0 : i32
      %dma_start3A_354 = arith.constant 0 : i32
      %dma_start3A_355 = tpu.memref_slice %arg15[%dma_start3A_353, %dma_start3A_354] : memref<50048x32xf32, #tpu.memory_space<vmem_shared>> -> memref<50048x32xf32, #tpu.memory_space<vmem_shared>>
      tpu.enqueue_indirect_dma source(%arg14 : memref<432x32xf32, #tpu.memory_space<vmem>>) target(%dma_start3A_355 : memref<50048x32xf32, #tpu.memory_space<vmem_shared>>) offsets(%arg12 : memref<432xi32, #tpu.memory_space<vmem>>) semaphore(%arg25 : memref<!tpu.dma_semaphore, #tpu.memory_space<semaphore_mem>>) {add = true}
      %lt3A_356 = arith.constant 114 : i32
      %lt3A_357 = arith.cmpi slt, %add3A_339, %lt3A_356 : i32
      %convert_element_type3A_358 = arith.extui %lt3A_357 : i1 to i32
      %cond3A_359 = arith.constant 0 : i32
      %cond3A_360 = arith.cmpi ne, %convert_element_type3A_358, %cond3A_359 : i32
      scf.if %cond3A_360 {
        %add3A_361 = arith.constant 2 : i32
        %add3A_362 = arith.addi %add3A_339, %add3A_361 : i32
        %mul3A_363 = arith.constant 432 : i32
        %mul3A_364 = arith.muli %add3A_362, %mul3A_363 : i32
        %add3A_365 = arith.addi %mul3A_0, %mul3A_364 : i32
        %dma_start3A_366 = tpu.memref_slice %arg3[%add3A_365] : memref<801792xi32, #tpu.memory_space<hbm>> -> memref<432xi32, #tpu.memory_space<hbm>>
        %dma_start3A_367 = tpu.memref_slice %arg3[%add3A_365] : memref<801792xi32, #tpu.memory_space<hbm>> -> memref<432xi32, #tpu.memory_space<hbm>>
        tpu.enqueue_dma source(%dma_start3A_367 : memref<432xi32, #tpu.memory_space<hbm>>) target(%arg8 : memref<432xi32, #tpu.memory_space<vmem>>) target_semaphore(%arg17 : memref<!tpu.dma_semaphore, #tpu.memory_space<semaphore_mem>>)
        %mul3A_368 = arith.constant 432 : i32
        %mul3A_369 = arith.muli %add3A_362, %mul3A_368 : i32
        %add3A_370 = arith.addi %mul3A_0, %mul3A_369 : i32
        %dma_start3A_371 = tpu.memref_slice %arg4[%add3A_370] : memref<801792xi32, #tpu.memory_space<hbm>> -> memref<432xi32, #tpu.memory_space<hbm>>
        %dma_start3A_372 = tpu.memref_slice %arg4[%add3A_370] : memref<801792xi32, #tpu.memory_space<hbm>> -> memref<432xi32, #tpu.memory_space<hbm>>
        tpu.enqueue_dma source(%dma_start3A_372 : memref<432xi32, #tpu.memory_space<hbm>>) target(%arg10 : memref<432xi32, #tpu.memory_space<vmem>>) target_semaphore(%arg19 : memref<!tpu.dma_semaphore, #tpu.memory_space<semaphore_mem>>)
      } else {
      }
    }
    %scan3A_247 = arith.constant 29 : i32
    %dma_wait3A_248 = arith.constant 0 : i32
    %dma_wait3A_249 = arith.constant 0 : i32
    %dma_wait3A_250 = tpu.memref_slice %arg15[%dma_wait3A_248, %dma_wait3A_249] : memref<50048x32xf32, #tpu.memory_space<vmem_shared>> -> memref<50048x32xf32, #tpu.memory_space<vmem_shared>>
    tpu.wait_indirect_dma semaphore(%arg25 : memref<!tpu.dma_semaphore, #tpu.memory_space<semaphore_mem>>) src(%arg14 : memref<432x32xf32, #tpu.memory_space<vmem>>) dst(%dma_wait3A_250 : memref<50048x32xf32, #tpu.memory_space<vmem_shared>>)
    %barrier3A_251 = arith.constant 0 : index
    tpu.barrier barrier_id(%barrier3A_251)
    %lt3A = arith.constant 25 : i32
    %lt3A_252 = arith.cmpi slt, %arg1, %lt3A : i32
    %convert_element_type3A = arith.extui %lt3A_252 : i1 to i32
    %cond3A = arith.constant 0 : i32
    %cond3A_253 = arith.cmpi ne, %convert_element_type3A, %cond3A : i32
    scf.if %cond3A_253 {
      %mul3A_261 = arith.constant 2000 : i32
      %mul3A_262 = arith.muli %arg1, %mul3A_261 : i32
      %mul3A_263 = arith.constant 4000 : i32
      %mul3A_264 = arith.muli %mul3A_263, %arg1 : i32
      %mul3A_265 = arith.constant 2000 : i32
      %mul3A_266 = arith.muli %mul3A_265, %arg0 : i32
      %add3A_267 = arith.addi %mul3A_264, %mul3A_266 : i32
      "tpu.region"() ({
        %run_scoped3A = tpu.sem_alloc : memref<!tpu.dma_semaphore, #tpu.memory_space<semaphore_mem>>
        %dma_start3A_268 = arith.constant 0 : i32
        %dma_start3A_269 = tpu.memref_slice %arg6[%add3A_267, %dma_start3A_268] : memref<100000x32xf32, #tpu.memory_space<hbm>> -> memref<2000x32xf32, #tpu.memory_space<hbm>>
        %dma_start3A_270 = arith.constant 0 : i32
        %dma_start3A_271 = tpu.memref_slice %arg15[%mul3A_262, %dma_start3A_270] : memref<50048x32xf32, #tpu.memory_space<vmem_shared>> -> memref<2000x32xf32, #tpu.memory_space<vmem_shared>>
        tpu.enqueue_dma source(%dma_start3A_271 : memref<2000x32xf32, #tpu.memory_space<vmem_shared>>) target(%dma_start3A_269 : memref<2000x32xf32, #tpu.memory_space<hbm>>) target_semaphore(%run_scoped3A : memref<!tpu.dma_semaphore, #tpu.memory_space<semaphore_mem>>)
        %dma_wait3A_272 = arith.constant 0 : i32
        %dma_wait3A_273 = tpu.memref_slice %arg6[%add3A_267, %dma_wait3A_272] : memref<100000x32xf32, #tpu.memory_space<hbm>> -> memref<2000x32xf32, #tpu.memory_space<hbm>>
        %dma_wait3A_274 = arith.constant 0 : i32
        %dma_wait3A_275 = tpu.memref_slice %arg15[%mul3A_262, %dma_wait3A_274] : memref<50048x32xf32, #tpu.memory_space<vmem_shared>> -> memref<2000x32xf32, #tpu.memory_space<vmem_shared>>
        tpu.wait_dma2 semaphore(%run_scoped3A : memref<!tpu.dma_semaphore, #tpu.memory_space<semaphore_mem>>) src(%dma_wait3A_275 : memref<2000x32xf32, #tpu.memory_space<vmem_shared>>) dst(%dma_wait3A_273 : memref<2000x32xf32, #tpu.memory_space<hbm>>)
        tpu.yield
      }) : () -> ()
    } else {
    }
    %add3A_254 = arith.constant 16 : i32
    %add3A_255 = arith.addi %arg1, %add3A_254 : i32
    %lt3A_256 = arith.constant 25 : i32
    %lt3A_257 = arith.cmpi slt, %add3A_255, %lt3A_256 : i32
    %convert_element_type3A_258 = arith.extui %lt3A_257 : i1 to i32
    %cond3A_259 = arith.constant 0 : i32
    %cond3A_260 = arith.cmpi ne, %convert_element_type3A_258, %cond3A_259 : i32
    scf.if %cond3A_260 {
      %add3A_261 = arith.constant 16 : i32
      %add3A_262 = arith.addi %arg1, %add3A_261 : i32
      %mul3A_263 = arith.constant 2000 : i32
      %mul3A_264 = arith.muli %add3A_262, %mul3A_263 : i32
      %mul3A_265 = arith.constant 4000 : i32
      %mul3A_266 = arith.muli %mul3A_265, %add3A_262 : i32
      %mul3A_267 = arith.constant 2000 : i32
      %mul3A_268 = arith.muli %mul3A_267, %arg0 : i32
      %add3A_269 = arith.addi %mul3A_266, %mul3A_268 : i32
      "tpu.region"() ({
        %run_scoped3A = tpu.sem_alloc : memref<!tpu.dma_semaphore, #tpu.memory_space<semaphore_mem>>
        %dma_start3A_270 = arith.constant 0 : i32
        %dma_start3A_271 = tpu.memref_slice %arg6[%add3A_269, %dma_start3A_270] : memref<100000x32xf32, #tpu.memory_space<hbm>> -> memref<2000x32xf32, #tpu.memory_space<hbm>>
        %dma_start3A_272 = arith.constant 0 : i32
        %dma_start3A_273 = tpu.memref_slice %arg15[%mul3A_264, %dma_start3A_272] : memref<50048x32xf32, #tpu.memory_space<vmem_shared>> -> memref<2000x32xf32, #tpu.memory_space<vmem_shared>>
        tpu.enqueue_dma source(%dma_start3A_273 : memref<2000x32xf32, #tpu.memory_space<vmem_shared>>) target(%dma_start3A_271 : memref<2000x32xf32, #tpu.memory_space<hbm>>) target_semaphore(%run_scoped3A : memref<!tpu.dma_semaphore, #tpu.memory_space<semaphore_mem>>)
        %dma_wait3A_274 = arith.constant 0 : i32
        %dma_wait3A_275 = tpu.memref_slice %arg6[%add3A_269, %dma_wait3A_274] : memref<100000x32xf32, #tpu.memory_space<hbm>> -> memref<2000x32xf32, #tpu.memory_space<hbm>>
        %dma_wait3A_276 = arith.constant 0 : i32
        %dma_wait3A_277 = tpu.memref_slice %arg15[%mul3A_264, %dma_wait3A_276] : memref<50048x32xf32, #tpu.memory_space<vmem_shared>> -> memref<2000x32xf32, #tpu.memory_space<vmem_shared>>
        tpu.wait_dma2 semaphore(%run_scoped3A : memref<!tpu.dma_semaphore, #tpu.memory_space<semaphore_mem>>) src(%dma_wait3A_277 : memref<2000x32xf32, #tpu.memory_space<vmem_shared>>) dst(%dma_wait3A_275 : memref<2000x32xf32, #tpu.memory_space<hbm>>)
        tpu.yield
      }) : () -> ()
    } else {
    }
    return
  }
}

module attributes {stable_mosaic.version = 14 : i64} {
  func.func @_enc_body(%arg0: i32, %arg1: memref<2000x128xf32, #tpu.memory_space<vmem>>, %arg2: memref<128x128xf32, #tpu.memory_space<vmem>>, %arg3: memref<1x128xf32, #tpu.memory_space<vmem>>, %arg4: memref<128x96xf32, #tpu.memory_space<vmem>>, %arg5: memref<1x96xf32, #tpu.memory_space<vmem>>, %arg6: memref<96x64xf32, #tpu.memory_space<vmem>>, %arg7: memref<1x64xf32, #tpu.memory_space<vmem>>, %arg8: memref<64x64xf32, #tpu.memory_space<vmem>>, %arg9: memref<1000x128xf32, #tpu.memory_space<vmem>>) attributes {dimension_semantics = [#tpu.dimension_semantics<arbitrary>], iteration_bounds = array<i64: 25>, scalar_prefetch = 0 : i64, scratch_operands = 0 : i64, tpu.core_type = #tpu.core_type<tc>, window_params = [{transform_indices = @transform_0, window_bounds = array<i64: 2000, 128>}, {pipeline_mode = #tpu.pipeline_mode<synchronous>, transform_indices = @transform_1, window_bounds = array<i64: 128, 128>}, {pipeline_mode = #tpu.pipeline_mode<synchronous>, transform_indices = @transform_2, window_bounds = array<i64: 1, 128>}, {pipeline_mode = #tpu.pipeline_mode<synchronous>, transform_indices = @transform_3, window_bounds = array<i64: 128, 96>}, {pipeline_mode = #tpu.pipeline_mode<synchronous>, transform_indices = @transform_4, window_bounds = array<i64: 1, 96>}, {pipeline_mode = #tpu.pipeline_mode<synchronous>, transform_indices = @transform_5, window_bounds = array<i64: 96, 64>}, {pipeline_mode = #tpu.pipeline_mode<synchronous>, transform_indices = @transform_6, window_bounds = array<i64: 1, 64>}, {pipeline_mode = #tpu.pipeline_mode<synchronous>, transform_indices = @transform_7, window_bounds = array<i64: 64, 64>}, {transform_indices = @transform_8, window_bounds = array<i64: 1000, 128>}]} {
    %get3A = arith.constant 0 : index
    %get3A_0 = arith.constant 0 : index
    %get3A_1 = vector.load %arg1[%get3A, %get3A_0] : memref<2000x128xf32, #tpu.memory_space<vmem>>, vector<2000x128xf32>
    %get3A_2 = arith.constant 0 : index
    %get3A_3 = arith.constant 0 : index
    %get3A_4 = vector.load %arg2[%get3A_2, %get3A_3] : memref<128x128xf32, #tpu.memory_space<vmem>>, vector<128x128xf32>
    %dot_general3A = arith.constant dense<0.000000e+00> : vector<2000x128xf32>
    %dot_general3A_5 = tpu.matmul %get3A_1, %get3A_4, %dot_general3A {dimension_numbers = #tpu.dot_dimension_numbers<[1], [0], [0], [1], [0, 0, 1, 1], [], []>, transpose_lhs_hint = false} : vector<2000x128xf32>, vector<128x128xf32>, vector<2000x128xf32> -> vector<2000x128xf32>
    %get3A_6 = arith.constant 0 : index
    %get3A_7 = arith.constant 0 : index
    %get3A_8 = vector.load %arg3[%get3A_6, %get3A_7] : memref<1x128xf32, #tpu.memory_space<vmem>>, vector<1x128xf32>
    %add3A = vector.broadcast %get3A_8 : vector<1x128xf32> to vector<2000x128xf32>
    %add3A_9 = arith.addf %dot_general3A_5, %add3A : vector<2000x128xf32>
    %max3A = arith.constant 0.000000e+00 : f32
    %max3A_10 = vector.broadcast %max3A : f32 to vector<2000x128xf32>
    %max3A_11 = arith.maximumf %add3A_9, %max3A_10 : vector<2000x128xf32>
    %get3A_12 = arith.constant 0 : index
    %get3A_13 = arith.constant 0 : index
    %get3A_14 = vector.load %arg4[%get3A_12, %get3A_13] : memref<128x96xf32, #tpu.memory_space<vmem>>, vector<128x96xf32>
    %dot_general3A_15 = arith.constant dense<0.000000e+00> : vector<2000x96xf32>
    %dot_general3A_16 = tpu.matmul %max3A_11, %get3A_14, %dot_general3A_15 {dimension_numbers = #tpu.dot_dimension_numbers<[1], [0], [0], [1], [0, 0, 1, 1], [], []>, transpose_lhs_hint = false} : vector<2000x128xf32>, vector<128x96xf32>, vector<2000x96xf32> -> vector<2000x96xf32>
    %get3A_17 = arith.constant 0 : index
    %get3A_18 = arith.constant 0 : index
    %get3A_19 = vector.load %arg5[%get3A_17, %get3A_18] : memref<1x96xf32, #tpu.memory_space<vmem>>, vector<1x96xf32>
    %add3A_20 = vector.broadcast %get3A_19 : vector<1x96xf32> to vector<2000x96xf32>
    %add3A_21 = arith.addf %dot_general3A_16, %add3A_20 : vector<2000x96xf32>
    %max3A_22 = arith.constant 0.000000e+00 : f32
    %max3A_23 = vector.broadcast %max3A_22 : f32 to vector<2000x96xf32>
    %max3A_24 = arith.maximumf %add3A_21, %max3A_23 : vector<2000x96xf32>
    %get3A_25 = arith.constant 0 : index
    %get3A_26 = arith.constant 0 : index
    %get3A_27 = vector.load %arg6[%get3A_25, %get3A_26] : memref<96x64xf32, #tpu.memory_space<vmem>>, vector<96x64xf32>
    %dot_general3A_28 = arith.constant dense<0.000000e+00> : vector<2000x64xf32>
    %dot_general3A_29 = tpu.matmul %max3A_24, %get3A_27, %dot_general3A_28 {dimension_numbers = #tpu.dot_dimension_numbers<[1], [0], [0], [1], [0, 0, 1, 1], [], []>, transpose_lhs_hint = false} : vector<2000x96xf32>, vector<96x64xf32>, vector<2000x64xf32> -> vector<2000x64xf32>
    %get3A_30 = arith.constant 0 : index
    %get3A_31 = arith.constant 0 : index
    %get3A_32 = vector.load %arg7[%get3A_30, %get3A_31] : memref<1x64xf32, #tpu.memory_space<vmem>>, vector<1x64xf32>
    %add3A_33 = vector.broadcast %get3A_32 : vector<1x64xf32> to vector<2000x64xf32>
    %add3A_34 = arith.addf %dot_general3A_29, %add3A_33 : vector<2000x64xf32>
    %max3A_35 = arith.constant 0.000000e+00 : f32
    %max3A_36 = vector.broadcast %max3A_35 : f32 to vector<2000x64xf32>
    %max3A_37 = arith.maximumf %add3A_34, %max3A_36 : vector<2000x64xf32>
    %get3A_38 = arith.constant 0 : index
    %get3A_39 = arith.constant 0 : index
    %get3A_40 = vector.load %arg8[%get3A_38, %get3A_39] : memref<64x64xf32, #tpu.memory_space<vmem>>, vector<64x64xf32>
    %dot_general3A_41 = arith.constant dense<0.000000e+00> : vector<2000x64xf32>
    %dot_general3A_42 = tpu.matmul %max3A_37, %get3A_40, %dot_general3A_41 {dimension_numbers = #tpu.dot_dimension_numbers<[1], [0], [0], [1], [0, 0, 1, 1], [], []>, transpose_lhs_hint = false} : vector<2000x64xf32>, vector<64x64xf32>, vector<2000x64xf32> -> vector<2000x64xf32>
    %slice3A = vector.extract_strided_slice %dot_general3A_42 {offsets = [0, 0], sizes = [2000, 32], strides = [1, 1]} : vector<2000x64xf32> to vector<2000x32xf32>
    %slice3A_43 = vector.extract_strided_slice %slice3A {offsets = [0, 0], sizes = [500, 32], strides = [1, 1]} : vector<2000x32xf32> to vector<500x32xf32>
    %slice3A_44 = vector.extract_strided_slice %slice3A {offsets = [500, 0], sizes = [500, 32], strides = [1, 1]} : vector<2000x32xf32> to vector<500x32xf32>
    %slice3A_45 = vector.extract_strided_slice %slice3A {offsets = [1000, 0], sizes = [500, 32], strides = [1, 1]} : vector<2000x32xf32> to vector<500x32xf32>
    %slice3A_46 = vector.extract_strided_slice %slice3A {offsets = [1500, 0], sizes = [500, 32], strides = [1, 1]} : vector<2000x32xf32> to vector<500x32xf32>
    %concatenate3A = tpu.concatenate %slice3A_43, %slice3A_44, %slice3A_45, %slice3A_46 in 1 : vector<500x32xf32>, vector<500x32xf32>, vector<500x32xf32>, vector<500x32xf32> -> vector<500x128xf32>
    %slice3A_47 = vector.extract_strided_slice %dot_general3A_42 {offsets = [0, 32], sizes = [2000, 32], strides = [1, 1]} : vector<2000x64xf32> to vector<2000x32xf32>
    %slice3A_48 = vector.extract_strided_slice %slice3A_47 {offsets = [0, 0], sizes = [500, 32], strides = [1, 1]} : vector<2000x32xf32> to vector<500x32xf32>
    %slice3A_49 = vector.extract_strided_slice %slice3A_47 {offsets = [500, 0], sizes = [500, 32], strides = [1, 1]} : vector<2000x32xf32> to vector<500x32xf32>
    %slice3A_50 = vector.extract_strided_slice %slice3A_47 {offsets = [1000, 0], sizes = [500, 32], strides = [1, 1]} : vector<2000x32xf32> to vector<500x32xf32>
    %slice3A_51 = vector.extract_strided_slice %slice3A_47 {offsets = [1500, 0], sizes = [500, 32], strides = [1, 1]} : vector<2000x32xf32> to vector<500x32xf32>
    %concatenate3A_52 = tpu.concatenate %slice3A_48, %slice3A_49, %slice3A_50, %slice3A_51 in 1 : vector<500x32xf32>, vector<500x32xf32>, vector<500x32xf32>, vector<500x32xf32> -> vector<500x128xf32>
    %concatenate3A_53 = tpu.concatenate %concatenate3A, %concatenate3A_52 in 0 : vector<500x128xf32>, vector<500x128xf32> -> vector<1000x128xf32>
    %swap3A = arith.constant 0 : index
    %swap3A_54 = arith.constant 0 : index
    %swap3A_55 = vector.load %arg9[%swap3A, %swap3A_54] : memref<1000x128xf32, #tpu.memory_space<vmem>>, vector<1000x128xf32>
    tpu.vector_store %arg9[%swap3A, %swap3A_54], %concatenate3A_53 {strides = array<i32>} : memref<1000x128xf32, #tpu.memory_space<vmem>>, vector<1000x128xf32>,
    return
  }
  func.func @transform_0(%arg0: i32) -> (i32, i32) {
    %c0_i32 = arith.constant 0 : i32
    %c0_i32_0 = arith.constant 0 : i32
    return %arg0, %c0_i32 : i32, i32
  }
  func.func @transform_1(%arg0: i32) -> (i32, i32) {
    %c0_i32 = arith.constant 0 : i32
    %c0_i32_0 = arith.constant 0 : i32
    %c0_i32_1 = arith.constant 0 : i32
    return %c0_i32, %c0_i32_0 : i32, i32
  }
  func.func @transform_2(%arg0: i32) -> (i32, i32) {
    %c0_i32 = arith.constant 0 : i32
    %c0_i32_0 = arith.constant 0 : i32
    %c0_i32_1 = arith.constant 0 : i32
    return %c0_i32, %c0_i32_0 : i32, i32
  }
  func.func @transform_3(%arg0: i32) -> (i32, i32) {
    %c0_i32 = arith.constant 0 : i32
    %c0_i32_0 = arith.constant 0 : i32
    %c0_i32_1 = arith.constant 0 : i32
    return %c0_i32, %c0_i32_0 : i32, i32
  }
  func.func @transform_4(%arg0: i32) -> (i32, i32) {
    %c0_i32 = arith.constant 0 : i32
    %c0_i32_0 = arith.constant 0 : i32
    %c0_i32_1 = arith.constant 0 : i32
    return %c0_i32, %c0_i32_0 : i32, i32
  }
  func.func @transform_5(%arg0: i32) -> (i32, i32) {
    %c0_i32 = arith.constant 0 : i32
    %c0_i32_0 = arith.constant 0 : i32
    %c0_i32_1 = arith.constant 0 : i32
    return %c0_i32, %c0_i32_0 : i32, i32
  }
  func.func @transform_6(%arg0: i32) -> (i32, i32) {
    %c0_i32 = arith.constant 0 : i32
    %c0_i32_0 = arith.constant 0 : i32
    %c0_i32_1 = arith.constant 0 : i32
    return %c0_i32, %c0_i32_0 : i32, i32
  }
  func.func @transform_7(%arg0: i32) -> (i32, i32) {
    %c0_i32 = arith.constant 0 : i32
    %c0_i32_0 = arith.constant 0 : i32
    %c0_i32_1 = arith.constant 0 : i32
    return %c0_i32, %c0_i32_0 : i32, i32
  }
  func.func @transform_8(%arg0: i32) -> (i32, i32) {
    %c0_i32 = arith.constant 0 : i32
    %c0_i32_0 = arith.constant 0 : i32
    return %arg0, %c0_i32 : i32, i32
  }
}

module attributes {stable_mosaic.version = 14 : i64} {
  func.func @_mid_body(%arg0: i32, %arg1: memref<1000x128xf32, #tpu.memory_space<vmem>>, %arg2: memref<1x64xf32, #tpu.memory_space<vmem>>, %arg3: memref<64x64xf32, #tpu.memory_space<vmem>>, %arg4: memref<1000x128xf32, #tpu.memory_space<vmem>>) attributes {dimension_semantics = [#tpu.dimension_semantics<arbitrary>], iteration_bounds = array<i64: 25>, scalar_prefetch = 0 : i64, scratch_operands = 0 : i64, tpu.core_type = #tpu.core_type<tc>, window_params = [{transform_indices = @transform_0, window_bounds = array<i64: 1000, 128>}, {pipeline_mode = #tpu.pipeline_mode<synchronous>, transform_indices = @transform_1, window_bounds = array<i64: 1, 64>}, {pipeline_mode = #tpu.pipeline_mode<synchronous>, transform_indices = @transform_2, window_bounds = array<i64: 64, 64>}, {transform_indices = @transform_3, window_bounds = array<i64: 1000, 128>}]} {
    %get3A = arith.constant 0 : index
    %get3A_0 = arith.constant 0 : index
    %get3A_1 = vector.load %arg1[%get3A, %get3A_0] : memref<1000x128xf32, #tpu.memory_space<vmem>>, vector<1000x128xf32>
    %slice3A = vector.extract_strided_slice %get3A_1 {offsets = [0, 0], sizes = [500, 128], strides = [1, 1]} : vector<1000x128xf32> to vector<500x128xf32>
    %slice3A_2 = vector.extract_strided_slice %slice3A {offsets = [0, 0], sizes = [500, 32], strides = [1, 1]} : vector<500x128xf32> to vector<500x32xf32>
    %slice3A_3 = vector.extract_strided_slice %slice3A {offsets = [0, 32], sizes = [500, 32], strides = [1, 1]} : vector<500x128xf32> to vector<500x32xf32>
    %slice3A_4 = vector.extract_strided_slice %slice3A {offsets = [0, 64], sizes = [500, 32], strides = [1, 1]} : vector<500x128xf32> to vector<500x32xf32>
    %slice3A_5 = vector.extract_strided_slice %slice3A {offsets = [0, 96], sizes = [500, 32], strides = [1, 1]} : vector<500x128xf32> to vector<500x32xf32>
    %concatenate3A = tpu.concatenate %slice3A_2, %slice3A_3, %slice3A_4, %slice3A_5 in 0 : vector<500x32xf32>, vector<500x32xf32>, vector<500x32xf32>, vector<500x32xf32> -> vector<2000x32xf32>
    %slice3A_6 = vector.extract_strided_slice %get3A_1 {offsets = [500, 0], sizes = [500, 128], strides = [1, 1]} : vector<1000x128xf32> to vector<500x128xf32>
    %slice3A_7 = vector.extract_strided_slice %slice3A_6 {offsets = [0, 0], sizes = [500, 32], strides = [1, 1]} : vector<500x128xf32> to vector<500x32xf32>
    %slice3A_8 = vector.extract_strided_slice %slice3A_6 {offsets = [0, 32], sizes = [500, 32], strides = [1, 1]} : vector<500x128xf32> to vector<500x32xf32>
    %slice3A_9 = vector.extract_strided_slice %slice3A_6 {offsets = [0, 64], sizes = [500, 32], strides = [1, 1]} : vector<500x128xf32> to vector<500x32xf32>
    %slice3A_10 = vector.extract_strided_slice %slice3A_6 {offsets = [0, 96], sizes = [500, 32], strides = [1, 1]} : vector<500x128xf32> to vector<500x32xf32>
    %concatenate3A_11 = tpu.concatenate %slice3A_7, %slice3A_8, %slice3A_9, %slice3A_10 in 0 : vector<500x32xf32>, vector<500x32xf32>, vector<500x32xf32>, vector<500x32xf32> -> vector<2000x32xf32>
    %concatenate3A_12 = tpu.concatenate %concatenate3A, %concatenate3A_11 in 1 : vector<2000x32xf32>, vector<2000x32xf32> -> vector<2000x64xf32>
    %get3A_13 = arith.constant 0 : index
    %get3A_14 = arith.constant 0 : index
    %get3A_15 = vector.load %arg2[%get3A_13, %get3A_14] : memref<1x64xf32, #tpu.memory_space<vmem>>, vector<1x64xf32>
    %add3A = vector.broadcast %get3A_15 : vector<1x64xf32> to vector<2000x64xf32>
    %add3A_16 = arith.addf %concatenate3A_12, %add3A : vector<2000x64xf32>
    %max3A = arith.constant 0.000000e+00 : f32
    %max3A_17 = vector.broadcast %max3A : f32 to vector<2000x64xf32>
    %max3A_18 = arith.maximumf %add3A_16, %max3A_17 : vector<2000x64xf32>
    %get3A_19 = arith.constant 0 : index
    %get3A_20 = arith.constant 0 : index
    %get3A_21 = vector.load %arg3[%get3A_19, %get3A_20] : memref<64x64xf32, #tpu.memory_space<vmem>>, vector<64x64xf32>
    %dot_general3A = arith.constant dense<0.000000e+00> : vector<2000x64xf32>
    %dot_general3A_22 = tpu.matmul %max3A_18, %get3A_21, %dot_general3A {dimension_numbers = #tpu.dot_dimension_numbers<[1], [0], [0], [1], [0, 0, 1, 1], [], []>, transpose_lhs_hint = false} : vector<2000x64xf32>, vector<64x64xf32>, vector<2000x64xf32> -> vector<2000x64xf32>
    %slice3A_23 = vector.extract_strided_slice %dot_general3A_22 {offsets = [0, 0], sizes = [2000, 32], strides = [1, 1]} : vector<2000x64xf32> to vector<2000x32xf32>
    %slice3A_24 = vector.extract_strided_slice %slice3A_23 {offsets = [0, 0], sizes = [500, 32], strides = [1, 1]} : vector<2000x32xf32> to vector<500x32xf32>
    %slice3A_25 = vector.extract_strided_slice %slice3A_23 {offsets = [500, 0], sizes = [500, 32], strides = [1, 1]} : vector<2000x32xf32> to vector<500x32xf32>
    %slice3A_26 = vector.extract_strided_slice %slice3A_23 {offsets = [1000, 0], sizes = [500, 32], strides = [1, 1]} : vector<2000x32xf32> to vector<500x32xf32>
    %slice3A_27 = vector.extract_strided_slice %slice3A_23 {offsets = [1500, 0], sizes = [500, 32], strides = [1, 1]} : vector<2000x32xf32> to vector<500x32xf32>
    %concatenate3A_28 = tpu.concatenate %slice3A_24, %slice3A_25, %slice3A_26, %slice3A_27 in 1 : vector<500x32xf32>, vector<500x32xf32>, vector<500x32xf32>, vector<500x32xf32> -> vector<500x128xf32>
    %slice3A_29 = vector.extract_strided_slice %dot_general3A_22 {offsets = [0, 32], sizes = [2000, 32], strides = [1, 1]} : vector<2000x64xf32> to vector<2000x32xf32>
    %slice3A_30 = vector.extract_strided_slice %slice3A_29 {offsets = [0, 0], sizes = [500, 32], strides = [1, 1]} : vector<2000x32xf32> to vector<500x32xf32>
    %slice3A_31 = vector.extract_strided_slice %slice3A_29 {offsets = [500, 0], sizes = [500, 32], strides = [1, 1]} : vector<2000x32xf32> to vector<500x32xf32>
    %slice3A_32 = vector.extract_strided_slice %slice3A_29 {offsets = [1000, 0], sizes = [500, 32], strides = [1, 1]} : vector<2000x32xf32> to vector<500x32xf32>
    %slice3A_33 = vector.extract_strided_slice %slice3A_29 {offsets = [1500, 0], sizes = [500, 32], strides = [1, 1]} : vector<2000x32xf32> to vector<500x32xf32>
    %concatenate3A_34 = tpu.concatenate %slice3A_30, %slice3A_31, %slice3A_32, %slice3A_33 in 1 : vector<500x32xf32>, vector<500x32xf32>, vector<500x32xf32>, vector<500x32xf32> -> vector<500x128xf32>
    %concatenate3A_35 = tpu.concatenate %concatenate3A_28, %concatenate3A_34 in 0 : vector<500x128xf32>, vector<500x128xf32> -> vector<1000x128xf32>
    %swap3A = arith.constant 0 : index
    %swap3A_36 = arith.constant 0 : index
    %swap3A_37 = vector.load %arg4[%swap3A, %swap3A_36] : memref<1000x128xf32, #tpu.memory_space<vmem>>, vector<1000x128xf32>
    tpu.vector_store %arg4[%swap3A, %swap3A_36], %concatenate3A_35 {strides = array<i32>} : memref<1000x128xf32, #tpu.memory_space<vmem>>, vector<1000x128xf32>,
    return
  }
  func.func @transform_0(%arg0: i32) -> (i32, i32) {
    %c0_i32 = arith.constant 0 : i32
    %c0_i32_0 = arith.constant 0 : i32
    return %arg0, %c0_i32 : i32, i32
  }
  func.func @transform_1(%arg0: i32) -> (i32, i32) {
    %c0_i32 = arith.constant 0 : i32
    %c0_i32_0 = arith.constant 0 : i32
    %c0_i32_1 = arith.constant 0 : i32
    return %c0_i32, %c0_i32_0 : i32, i32
  }
  func.func @transform_2(%arg0: i32) -> (i32, i32) {
    %c0_i32 = arith.constant 0 : i32
    %c0_i32_0 = arith.constant 0 : i32
    %c0_i32_1 = arith.constant 0 : i32
    return %c0_i32, %c0_i32_0 : i32, i32
  }
  func.func @transform_3(%arg0: i32) -> (i32, i32) {
    %c0_i32 = arith.constant 0 : i32
    %c0_i32_0 = arith.constant 0 : i32
    return %arg0, %c0_i32 : i32, i32
  }
}

module attributes {stable_mosaic.version = 14 : i64} {
  func.func @_dec_body(%arg0: i32, %arg1: memref<1000x128xf32, #tpu.memory_space<vmem>>, %arg2: memref<1x64xf32, #tpu.memory_space<vmem>>, %arg3: memref<64x96xf32, #tpu.memory_space<vmem>>, %arg4: memref<1x96xf32, #tpu.memory_space<vmem>>, %arg5: memref<96x128xf32, #tpu.memory_space<vmem>>, %arg6: memref<1x128xf32, #tpu.memory_space<vmem>>, %arg7: memref<128x128xf32, #tpu.memory_space<vmem>>, %arg8: memref<1x128xf32, #tpu.memory_space<vmem>>, %arg9: memref<2000x128xf32, #tpu.memory_space<vmem>>) attributes {dimension_semantics = [#tpu.dimension_semantics<arbitrary>], iteration_bounds = array<i64: 25>, scalar_prefetch = 0 : i64, scratch_operands = 0 : i64, tpu.core_type = #tpu.core_type<tc>, window_params = [{transform_indices = @transform_0, window_bounds = array<i64: 1000, 128>}, {pipeline_mode = #tpu.pipeline_mode<synchronous>, transform_indices = @transform_1, window_bounds = array<i64: 1, 64>}, {pipeline_mode = #tpu.pipeline_mode<synchronous>, transform_indices = @transform_2, window_bounds = array<i64: 64, 96>}, {pipeline_mode = #tpu.pipeline_mode<synchronous>, transform_indices = @transform_3, window_bounds = array<i64: 1, 96>}, {pipeline_mode = #tpu.pipeline_mode<synchronous>, transform_indices = @transform_4, window_bounds = array<i64: 96, 128>}, {pipeline_mode = #tpu.pipeline_mode<synchronous>, transform_indices = @transform_5, window_bounds = array<i64: 1, 128>}, {pipeline_mode = #tpu.pipeline_mode<synchronous>, transform_indices = @transform_6, window_bounds = array<i64: 128, 128>}, {pipeline_mode = #tpu.pipeline_mode<synchronous>, transform_indices = @transform_7, window_bounds = array<i64: 1, 128>}, {transform_indices = @transform_8, window_bounds = array<i64: 2000, 128>}]} {
    %get3A = arith.constant 0 : index
    %get3A_0 = arith.constant 0 : index
    %get3A_1 = vector.load %arg1[%get3A, %get3A_0] : memref<1000x128xf32, #tpu.memory_space<vmem>>, vector<1000x128xf32>
    %slice3A = vector.extract_strided_slice %get3A_1 {offsets = [0, 0], sizes = [500, 128], strides = [1, 1]} : vector<1000x128xf32> to vector<500x128xf32>
    %slice3A_2 = vector.extract_strided_slice %slice3A {offsets = [0, 0], sizes = [500, 32], strides = [1, 1]} : vector<500x128xf32> to vector<500x32xf32>
    %slice3A_3 = vector.extract_strided_slice %slice3A {offsets = [0, 32], sizes = [500, 32], strides = [1, 1]} : vector<500x128xf32> to vector<500x32xf32>
    %slice3A_4 = vector.extract_strided_slice %slice3A {offsets = [0, 64], sizes = [500, 32], strides = [1, 1]} : vector<500x128xf32> to vector<500x32xf32>
    %slice3A_5 = vector.extract_strided_slice %slice3A {offsets = [0, 96], sizes = [500, 32], strides = [1, 1]} : vector<500x128xf32> to vector<500x32xf32>
    %concatenate3A = tpu.concatenate %slice3A_2, %slice3A_3, %slice3A_4, %slice3A_5 in 0 : vector<500x32xf32>, vector<500x32xf32>, vector<500x32xf32>, vector<500x32xf32> -> vector<2000x32xf32>
    %slice3A_6 = vector.extract_strided_slice %get3A_1 {offsets = [500, 0], sizes = [500, 128], strides = [1, 1]} : vector<1000x128xf32> to vector<500x128xf32>
    %slice3A_7 = vector.extract_strided_slice %slice3A_6 {offsets = [0, 0], sizes = [500, 32], strides = [1, 1]} : vector<500x128xf32> to vector<500x32xf32>
    %slice3A_8 = vector.extract_strided_slice %slice3A_6 {offsets = [0, 32], sizes = [500, 32], strides = [1, 1]} : vector<500x128xf32> to vector<500x32xf32>
    %slice3A_9 = vector.extract_strided_slice %slice3A_6 {offsets = [0, 64], sizes = [500, 32], strides = [1, 1]} : vector<500x128xf32> to vector<500x32xf32>
    %slice3A_10 = vector.extract_strided_slice %slice3A_6 {offsets = [0, 96], sizes = [500, 32], strides = [1, 1]} : vector<500x128xf32> to vector<500x32xf32>
    %concatenate3A_11 = tpu.concatenate %slice3A_7, %slice3A_8, %slice3A_9, %slice3A_10 in 0 : vector<500x32xf32>, vector<500x32xf32>, vector<500x32xf32>, vector<500x32xf32> -> vector<2000x32xf32>
    %concatenate3A_12 = tpu.concatenate %concatenate3A, %concatenate3A_11 in 1 : vector<2000x32xf32>, vector<2000x32xf32> -> vector<2000x64xf32>
    %get3A_13 = arith.constant 0 : index
    %get3A_14 = arith.constant 0 : index
    %get3A_15 = vector.load %arg2[%get3A_13, %get3A_14] : memref<1x64xf32, #tpu.memory_space<vmem>>, vector<1x64xf32>
    %add3A = vector.broadcast %get3A_15 : vector<1x64xf32> to vector<2000x64xf32>
    %add3A_16 = arith.addf %concatenate3A_12, %add3A : vector<2000x64xf32>
    %max3A = arith.constant 0.000000e+00 : f32
    %max3A_17 = vector.broadcast %max3A : f32 to vector<2000x64xf32>
    %max3A_18 = arith.maximumf %add3A_16, %max3A_17 : vector<2000x64xf32>
    %get3A_19 = arith.constant 0 : index
    %get3A_20 = arith.constant 0 : index
    %get3A_21 = vector.load %arg3[%get3A_19, %get3A_20] : memref<64x96xf32, #tpu.memory_space<vmem>>, vector<64x96xf32>
    %dot_general3A = arith.constant dense<0.000000e+00> : vector<2000x96xf32>
    %dot_general3A_22 = tpu.matmul %max3A_18, %get3A_21, %dot_general3A {dimension_numbers = #tpu.dot_dimension_numbers<[1], [0], [0], [1], [0, 0, 1, 1], [], []>, transpose_lhs_hint = false} : vector<2000x64xf32>, vector<64x96xf32>, vector<2000x96xf32> -> vector<2000x96xf32>
    %get3A_23 = arith.constant 0 : index
    %get3A_24 = arith.constant 0 : index
    %get3A_25 = vector.load %arg4[%get3A_23, %get3A_24] : memref<1x96xf32, #tpu.memory_space<vmem>>, vector<1x96xf32>
    %add3A_26 = vector.broadcast %get3A_25 : vector<1x96xf32> to vector<2000x96xf32>
    %add3A_27 = arith.addf %dot_general3A_22, %add3A_26 : vector<2000x96xf32>
    %max3A_28 = arith.constant 0.000000e+00 : f32
    %max3A_29 = vector.broadcast %max3A_28 : f32 to vector<2000x96xf32>
    %max3A_30 = arith.maximumf %add3A_27, %max3A_29 : vector<2000x96xf32>
    %get3A_31 = arith.constant 0 : index
    %get3A_32 = arith.constant 0 : index
    %get3A_33 = vector.load %arg5[%get3A_31, %get3A_32] : memref<96x128xf32, #tpu.memory_space<vmem>>, vector<96x128xf32>
    %dot_general3A_34 = arith.constant dense<0.000000e+00> : vector<2000x128xf32>
    %dot_general3A_35 = tpu.matmul %max3A_30, %get3A_33, %dot_general3A_34 {dimension_numbers = #tpu.dot_dimension_numbers<[1], [0], [0], [1], [0, 0, 1, 1], [], []>, transpose_lhs_hint = false} : vector<2000x96xf32>, vector<96x128xf32>, vector<2000x128xf32> -> vector<2000x128xf32>
    %get3A_36 = arith.constant 0 : index
    %get3A_37 = arith.constant 0 : index
    %get3A_38 = vector.load %arg6[%get3A_36, %get3A_37] : memref<1x128xf32, #tpu.memory_space<vmem>>, vector<1x128xf32>
    %add3A_39 = vector.broadcast %get3A_38 : vector<1x128xf32> to vector<2000x128xf32>
    %add3A_40 = arith.addf %dot_general3A_35, %add3A_39 : vector<2000x128xf32>
    %max3A_41 = arith.constant 0.000000e+00 : f32
    %max3A_42 = vector.broadcast %max3A_41 : f32 to vector<2000x128xf32>
    %max3A_43 = arith.maximumf %add3A_40, %max3A_42 : vector<2000x128xf32>
    %get3A_44 = arith.constant 0 : index
    %get3A_45 = arith.constant 0 : index
    %get3A_46 = vector.load %arg7[%get3A_44, %get3A_45] : memref<128x128xf32, #tpu.memory_space<vmem>>, vector<128x128xf32>
    %dot_general3A_47 = arith.constant dense<0.000000e+00> : vector<2000x128xf32>
    %dot_general3A_48 = tpu.matmul %max3A_43, %get3A_46, %dot_general3A_47 {dimension_numbers = #tpu.dot_dimension_numbers<[1], [0], [0], [1], [0, 0, 1, 1], [], []>, transpose_lhs_hint = false} : vector<2000x128xf32>, vector<128x128xf32>, vector<2000x128xf32> -> vector<2000x128xf32>
    %get3A_49 = arith.constant 0 : index
    %get3A_50 = arith.constant 0 : index
    %get3A_51 = vector.load %arg8[%get3A_49, %get3A_50] : memref<1x128xf32, #tpu.memory_space<vmem>>, vector<1x128xf32>
    %add3A_52 = vector.broadcast %get3A_51 : vector<1x128xf32> to vector<2000x128xf32>
    %add3A_53 = arith.addf %dot_general3A_48, %add3A_52 : vector<2000x128xf32>
    %max3A_54 = arith.constant 0.000000e+00 : f32
    %max3A_55 = vector.broadcast %max3A_54 : f32 to vector<2000x128xf32>
    %max3A_56 = arith.maximumf %add3A_53, %max3A_55 : vector<2000x128xf32>
    %swap3A = arith.constant 0 : index
    %swap3A_57 = arith.constant 0 : index
    %swap3A_58 = vector.load %arg9[%swap3A, %swap3A_57] : memref<2000x128xf32, #tpu.memory_space<vmem>>, vector<2000x128xf32>
    tpu.vector_store %arg9[%swap3A, %swap3A_57], %max3A_56 {strides = array<i32>} : memref<2000x128xf32, #tpu.memory_space<vmem>>, vector<2000x128xf32>,
    return
  }
  func.func @transform_0(%arg0: i32) -> (i32, i32) {
    %c0_i32 = arith.constant 0 : i32
    %c0_i32_0 = arith.constant 0 : i32
    return %arg0, %c0_i32 : i32, i32
  }
  func.func @transform_1(%arg0: i32) -> (i32, i32) {
    %c0_i32 = arith.constant 0 : i32
    %c0_i32_0 = arith.constant 0 : i32
    %c0_i32_1 = arith.constant 0 : i32
    return %c0_i32, %c0_i32_0 : i32, i32
  }
  func.func @transform_2(%arg0: i32) -> (i32, i32) {
    %c0_i32 = arith.constant 0 : i32
    %c0_i32_0 = arith.constant 0 : i32
    %c0_i32_1 = arith.constant 0 : i32
    return %c0_i32, %c0_i32_0 : i32, i32
  }
  func.func @transform_3(%arg0: i32) -> (i32, i32) {
    %c0_i32 = arith.constant 0 : i32
    %c0_i32_0 = arith.constant 0 : i32
    %c0_i32_1 = arith.constant 0 : i32
    return %c0_i32, %c0_i32_0 : i32, i32
  }
  func.func @transform_4(%arg0: i32) -> (i32, i32) {
    %c0_i32 = arith.constant 0 : i32
    %c0_i32_0 = arith.constant 0 : i32
    %c0_i32_1 = arith.constant 0 : i32
    return %c0_i32, %c0_i32_0 : i32, i32
  }
  func.func @transform_5(%arg0: i32) -> (i32, i32) {
    %c0_i32 = arith.constant 0 : i32
    %c0_i32_0 = arith.constant 0 : i32
    %c0_i32_1 = arith.constant 0 : i32
    return %c0_i32, %c0_i32_0 : i32, i32
  }
  func.func @transform_6(%arg0: i32) -> (i32, i32) {
    %c0_i32 = arith.constant 0 : i32
    %c0_i32_0 = arith.constant 0 : i32
    %c0_i32_1 = arith.constant 0 : i32
    return %c0_i32, %c0_i32_0 : i32, i32
  }
  func.func @transform_7(%arg0: i32) -> (i32, i32) {
    %c0_i32 = arith.constant 0 : i32
    %c0_i32_0 = arith.constant 0 : i32
    %c0_i32_1 = arith.constant 0 : i32
    return %c0_i32, %c0_i32_0 : i32, i32
  }
  func.func @transform_8(%arg0: i32) -> (i32, i32) {
    %c0_i32 = arith.constant 0 : i32
    %c0_i32_0 = arith.constant 0 : i32
    return %arg0, %c0_i32 : i32, i32
  }
}

</mosaic_0001>

<sc_bundles>
// kernel: kernel.10.cloned.1.call-start
scs
__scs_entry_jumppad:
0x0: {  	(pc) =	sbr.rel $0x88, $3  }
0x1: {  	(tag) =	ssettag $0x0;
	lr =	simm.s32 $0x1  }
0x2: {  	[smem:$0x3F8F] =	sst lr;
	_ =	strace $0xD0000000  }
0x3: {  	_ = 	snop  }
0x4: {  	_ = 	snop  }
0x5: {  	_ = 	snop  }
0x6: {  	_ = 	snop  }
0x7: {  	_ = 	snop  }
__scs_overlays_trampoline_lowered:
0x8: {  	[smem:$0x3F9E] =	sst s0  }
0x9: {  	[smem:$0x3F9F] =	sst s1  }
0xa: {  	[smem:$0x3FA0] =	sst s2  }
0xb: {  	[smem:$0x3FA1] =	sst s3  }
0xc: {  	[smem:$0x3FA2] =	sst s4  }
0xd: {  	[smem:$0x3FA3] =	sst s5  }
0xe: {  	[smem:$0x3FA4] =	sst s6  }
0xf: {  	[smem:$0x3FA5] =	sst s7  }
0x10: {  	[smem:$0x3FA6] =	sst s8  }
0x11: {  	[smem:$0x3FA7] =	sst s9;
	s0 =	simm.s32 @!p0 $0x0  }
0x12: {  	s1 =	sld [smem:$0x3F8D];
	s0 =	simm.s32 @p0 $0x1  }
0x13: {  	[smem:$0x3FA8] =	sst s0;
	s0 =	simm.s32 @!p1 $0x0  }
0x14: {  	s2 =	sld [smem:$0x3F8C];
	s0 =	simm.s32 @p1 $0x1  }
0x15: {  	[smem:$0x3FA9] =	sst s0;
	s0 =	simm.s32 @!p2 $0x0  }
0x16: {  	s3 =	sld [smem:$0x3FDB];
	s0 =	simm.s32 @p2 $0x1  }
0x17: {  	s4 =	simm.s32 $0x1BF5;
	[smem:$0x3FAB] =	sst s0  }
0x18: {  	s0 =	sld [smem:$0x3F8E];
	_ =	swait.ge [sflag:s4], $0x0  }
0x19: {  	s7 =	sld [smem:$0x3F8F]  }
0x1a: {  	s8 =	sadd.s32 $0xFFFFE003, lr  }
0x1b: {  	s9 =	sadd.s32 $0xFFFFFEF7, lr;
	s5 =	simm.s32 $0xFFFFFFFF;
	p2 =	slt.u32 s8, $0xFFFFF086  }
0x1c: {  	p1 =	slt.u32 s9, $0xF7A;
	s5 =	simm.s32 @!p2 $0x0  }
0x1d: {  	s5 =	simm.s32 @p1 $0x1;
	p0 =	seq.s32 s7, s2  }
0x1e: {  	s7 =	smul.u32 @!p0 $0xF7A, s2;
	p2 =	seq.s32 @!p0 s5, $0x0  }
0x1f: {  	s9 =	smul.u32 $0xF7A, s1;
	s8 =	simm.s32 @!p0 $0x1BF5;
	p2 =	por !p2, p0  }
0x20: {  	[sflag:s8] =	ssyncset.s32 @!p0 $0xFFFFF086;
	s6 =	sadd.s32 @!p0 s3, s7;
	s7 =	simm.s32 @!p0 $0x108  }
0x21: {  	s3 =	sadd.s32 s3, s9;
	s6 =	sadd.s32 @!p0 $0x88, s6;
	s7 =	simm.s32 @p2 $0x1082  }
0x22: {  	[simem:s7], [sflag:s8] =	dma.local @!p0 [hbm:s6], $0xF7A  }
0x23: {  	s9 =	sor.u32 $0xD0000000, s2;
	s6 =	simm.s32 $0x108;
	_ =	swait.ge @!p0 [sflag:s8], $0x0  }
0x24: {  	s3 =	sadd.s32 $0x88, s3;
	s6 =	simm.s32 @!p1 $0x1082;
	[sflag:s4] =	ssyncset.s32 $0xFFFFF086  }
0x25: {  	[simem:s6], [sflag:s4] =	dma.local [hbm:s3], $0xF7A  }
0x26: {  	[smem:$0x3F8F] =	sst s1;
	(tag) =	ssettag s2;
	_ =	strace s9  }
0x27: {  	s1 =	sld [smem:$0x3F9F]  }
0x28: {  	s2 =	sld [smem:$0x3FA0]  }
0x29: {  	s4 =	sld [smem:$0x3FA2]  }
0x2a: {  	p0 =	seq.s32 s5, $0x0;
	s5 =	sld [smem:$0x3FA3]  }
0x2b: {  	s6 =	sld [smem:$0x3FA4]  }
0x2c: {  	s7 =	sld [smem:$0x3FA5]  }
0x2d: {  	s3 =	simm.s32 $0x108;
	s8 =	sld [smem:$0x3FA6]  }
0x2e: {  	s3 =	simm.s32 @!p0 $0x1082;
	s9 =	sld [smem:$0x3FA7]  }
0x2f: {  	lr =	sadd.s32 s0, s3;
	s0 =	sld [smem:$0x3F9E]  }
0x30: {  	s3 =	sld [smem:$0x3FA1]  }
0x31: {  	[smem:$0x3FAA] =	sst s10  }
0x32: {  	s10 =	sld [smem:$0x3FA8];
	_ =	sdelay $0x3  }
0x33: {  	p0 =	seq.s32 s10, $0x1;
	s10 =	sld [smem:$0x3FAA];
	_ =	sdelay $0x3  }
0x34: {  	[smem:$0x3FAA] =	sst s10  }
0x35: {  	s10 =	sld [smem:$0x3FA9];
	_ =	sdelay $0x3  }
0x36: {  	p1 =	seq.s32 s10, $0x1;
	s10 =	sld [smem:$0x3FAA];
	_ =	sdelay $0x3  }
0x37: {  	[smem:$0x3FAA] =	sst s10  }
0x38: {  	s10 =	sld [smem:$0x3FAB]  }
0x39: {  	_ = 	snop;
	(pc) =	sbr.ind lr, $3  }
0x3a: {  	_ = 	snop  }
0x3b: {  	_ = 	snop  }
0x3c: {  	p2 =	seq.s32 s10, $0x1;
	s10 =	sld [smem:$0x3FAA]  }
0x3d: {  	_ =	shalt  }
0x3e: {  	_ =	shalt  }
0x3f: {  	_ =	shalt  }
0x40: {  	_ =	shalt  }
0x41: {  	_ =	shalt  }
0x42: {  	_ =	shalt  }
0x43: {  	_ =	shalt  }
0x44: {  	_ =	shalt  }
0x45: {  	_ =	shalt  }
0x46: {  	_ =	shalt  }
0x47: {  	_ =	shalt  }
0x48: {  	_ =	shalt  }
0x49: {  	_ =	shalt  }
0x4a: {  	_ =	shalt  }
0x4b: {  	_ =	shalt  }
0x4c: {  	_ =	shalt  }
0x4d: {  	_ =	shalt  }
0x4e: {  	_ =	shalt  }
0x4f: {  	_ =	shalt  }
0x50: {  	_ =	shalt  }
0x51: {  	_ =	shalt  }
0x52: {  	_ =	shalt  }
0x53: {  	_ =	shalt  }
0x54: {  	_ =	shalt  }
0x55: {  	_ =	shalt  }
0x56: {  	_ =	shalt  }
0x57: {  	_ =	shalt  }
0x58: {  	_ =	shalt  }
0x59: {  	_ =	shalt  }
0x5a: {  	_ =	shalt  }
0x5b: {  	_ =	shalt  }
0x5c: {  	_ =	shalt  }
0x5d: {  	_ =	shalt  }
0x5e: {  	_ =	shalt  }
0x5f: {  	_ =	shalt  }
0x60: {  	_ =	shalt  }
0x61: {  	_ =	shalt  }
0x62: {  	_ =	shalt  }
0x63: {  	_ =	shalt  }
0x64: {  	_ =	shalt  }
0x65: {  	_ =	shalt  }
0x66: {  	_ =	shalt  }
0x67: {  	_ =	shalt  }
0x68: {  	_ =	shalt  }
0x69: {  	_ =	shalt  }
0x6a: {  	_ =	shalt  }
0x6b: {  	_ =	shalt  }
0x6c: {  	_ =	shalt  }
0x6d: {  	_ =	shalt  }
0x6e: {  	_ =	shalt  }
0x6f: {  	_ =	shalt  }
0x70: {  	_ =	shalt  }
0x71: {  	_ =	shalt  }
0x72: {  	_ =	shalt  }
0x73: {  	_ =	shalt  }
0x74: {  	_ =	shalt  }
0x75: {  	_ =	shalt  }
0x76: {  	_ =	shalt  }
0x77: {  	_ =	shalt  }
0x78: {  	_ =	shalt  }
0x79: {  	_ =	shalt  }
0x7a: {  	_ =	shalt  }
0x7b: {  	_ =	shalt  }
0x7c: {  	_ =	shalt  }
0x7d: {  	_ =	shalt  }
0x7e: {  	_ =	shalt  }
0x7f: {  	_ =	shalt  }
0x80: {  	_ =	shalt  }
0x81: {  	_ =	shalt  }
0x82: {  	_ =	shalt  }
0x83: {  	_ =	shalt  }
0x84: {  	_ =	shalt  }
0x85: {  	_ =	shalt  }
0x86: {  	_ =	shalt  }
0x87: {  	_ =	shalt  }
.Lfunc_end0:
.L_simem_size_0:
called_computation.1_lowered:
.L_overlay_start_0:
0x88: {  	s2 =	sld [smem:$0x3FD9]  }
0x89: {  	s3 =	sld [smem:$0x3FFE];
	_ =	sdelay $0x1  }
0x8a: {  	s1 =	srdreg.scid  }
0x8b: {  	s0 =	sand.u32 $0x1, s1  }
0x8c: {  	s17 =	sshll.u32 s0, $0xA;
	s2 =	sadd.s32 s3, s2  }
0x8d: {  	s2 =	sadd.s32 s2, s17  }
0x8e: {  	[smem:$0x3FB6] =	sst s2  }
0x8f: {  	_ = 	snop  }
0x90: {  	s2 =	sld [smem:$0x3FD0];
	(tm) =	ssettm $0x1  }
0x91: {  	s18 =	sld [smem:$0x3FFB];
	_ =	sdelay $0x3  }
0x92: {  	_ =	strace s18  }
0x93: {  	s3 =	sld [smem:$0x3FFC];
	_ =	sdelay $0x3  }
0x94: {  	_ =	strace s3  }
0x95: {  	s3 =	sld [smem:$0x3FFD];
	_ =	sdelay $0x3  }
0x96: {  	_ =	strace s3  }
0x97: {  	_ =	strace $0x8FFFFFFF  }
0x98: {  	s19 =	sld [smem:$0x3FDB];
	_ =	sdelay $0x1  }
0x99: {  	s4 =	simm.s32 $_scs_section_size  }
0x9a: {  	s5 =	simm.s32 $_size__tile_overlayer_lowered;
	s6 =	simm.s32 $_tile_overlayer_lowered  }
0x9b: {  	s22 =	simm.s32 $0x1BFF;
	s21 =	sshll.u32 s6, $0x1;
	s3 =	sadd.s32 s4, s19  }
0x9c: {  	s7 =	simm.s32 $0x0;
	s20 =	sshll.u32 s5, $0x1;
	s5 =	sadd.s32 s21, s3  }
0x9d: {  	[timem:s7], [sflag:s22] =	dma.local [hbm:s5], s20  }
0x9e: {  	_ =	swait.ge [sflag:s22], s20  }
0x9f: {  	s4 =	ssub.s32 $0x0, s20;
	[sflag:s22] =	ssyncset.done $0x0  }
0xa0: {  	[sflag:s22] =	ssyncadd.s32 s4;
	_ =	sdelay $0x1  }
0xa1: {  	s23 =	simm.s32 $0x1B8B  }
0xa2: {  	_ =	swait.ge [sflag:s23], $0x1  }
0xa3: {  	[sflag:s23] =	ssyncset.done $0x0  }
0xa4: {  	s25 =	simm.s32 $0x1B8E;
	s24 =	sld [smem:$0x3FFE];
	[sflag:s23] =	ssyncadd.s32 $0xFFFFFFFF  }
0xa5: {  	s26 =	simm.s32 $execute0_lowered;
	[smem:$0x3FD2] =	sst s25  }
0xa6: {  	s5 =	sshll.u32 s26, $0x1;
	_ =	strace $0x80000049;
	[dreg:$0x1] =	wrdreg $0xFFFFFFFF  }
0xa7: {  	s28 =	simm.s32 $_size_execute0_lowered;
	s3 =	sadd.s32 s3, s5;
	[dreg:$0x0] =	wrdreg $0x0  }
0xa8: {  	s5 =	sshll.u32 s28, $0x1;
	[dreg:$0x2] =	wrdreg s3  }
0xa9: {  	[dreg:$0x3] =	wrdreg s5  }
0xaa: {  	[dreg:$0x4] =	wrdreg $0xC0  }
0xab: {  	_ =	task [dreg:s7], $0x5FFFF  }
0xac: {  	[dreg:$0x1] =	wrdreg $0xFFFFFFFF  }
0xad: {  	[dreg:$0x0] =	wrdreg $0x60  }
0xae: {  	[dreg:$0x2] =	wrdreg s2  }
0xaf: {  	[dreg:$0x3] =	wrdreg s24  }
0xb0: {  	[dreg:$0x4] =	wrdreg $0x76200  }
0xb1: {  	[dreg:$0x5] =	wrdreg $0x9  }
0xb2: {  	_ =	task.clear_ibuf [dreg:s7], $0x6FFFF;
	_ =	strace $0x90000049  }
0xb3: {  	s29 =	simm.s32 $0x9;
	_ =	strace $0x8000004B  }
0xb4: {  	_ =	swait.ge [sflag:s29], $0x1  }
0xb5: {  	[sflag:s29] =	ssyncadd.s32 $0xFFFFFFFF  }
0xb6: {  	_ =	strace $0x9000004B  }
0xb7: {  	_ =	sfence  }
0xb8: {  	s30 =	sld [smem:$0x0];
	_ =	sdelay $0x2  }
0xb9: {  	s31 =	sshll.u32 s1, $0xD;
	s1 =	sshrl.u32 s1, $0x2  }
0xba: {  	s3 =	sand.u32 $0x4000, s31;
	s1 =	sadd.s32 s1, s30  }
0xbb: {  	s0 =	sor.u32 s3, s0;
	s1 =	sshll.u32 s1, $0x11  }
0xbc: {  	s0 =	sor.u32 s1, s0  }
0xbd: {  	s0 =	sadd.s32 $0x8F2B, s0  }
0xbe: {  	[sflag:s0] =	ssyncadd.remote.s32 $0x1  }
0xbf: {  	_ =	sfence.sel $0xFFFF  }
0xc0: {  	[dreg:$0x0] =	wrdreg $0xFFFFFFFF;
	(pc) =	sbr.abs _section_cstart, $3  }
0xc1: {  	[dreg:$0x1] =	wrdreg $0xFFFFFFFF  }
0xc2: {  	_ =	task.clear_ibuf [dreg:s7], $0x2FFFF;
	_ =	strace $0x9FFFFFFF  }
0xc3: {  	(tm) =	ssettm $0x7FFFFFFF  }
tec
execute0_lowered:
.L_overlay_start_1:
0x0: {  	(tag) =	ssettag $0x1  }
0x1: {  	s1 =	rddreg [dreg:$0x0]  }
0x2: {  	s0 =	rddreg [dreg:$0x1]  }
0x3: {  	s2 =	rddreg [dreg:$0x2]  }
0x4: {  	s3 =	simm.s32 $0x0;
	s5 =	srdreg.scid;
	s20 =	stileid.u32  }
0x5: {  	s28 =	simm.s32 $0x7;
	s29 =	simm.s32 $0x6C0;
	s30 =	simm.s32 $0x9  }
0x6: {  	s31 =	simm.s32 $0x5;
	[smem:$0x7FF] =	sst s3;
	s7 =	smul.u32 $0xC3C0, s20  }
0x7: {  	s4 =	sadd.s32 $0x1AC00, s0;
	s6 =	sadd.s32 $0x2400, s0;
	s14 =	smul.u32 $0x61C00, s20  }
0x8: {  	s5 =	sand.u32 $0x1, s5;
	s8 =	sadd.s32 $0x33400, s0;
	s16 =	smul.u32 $0xFA0, s20  }
0x9: {  	s0 =	sadd.s32 $0x36600, s0;
	s17 =	sor.u32 $0x10, s20;
	s12 =	smul.u32 $0x3E800, s20  }
0xa: {  	s22 =	smul.u32 $0x1878, s20;
	p0 =	sgt.u32 s20, $0x8;
	_ =	strace $0x8000004A  }
0xb: {  	[dreg:$0x4] =	wrdreg s8;
	s24 =	ssub.s32 $0x2, s5;
	s10 =	smul.u32 $0x7D0, s5  }
0xc: {  	s18 =	smul.u32 $0xFA0, s17;
	s9 =	sshrl.u32 s24, $0x1;
	s25 =	sshrl.u32 s7, $0x3  }
0xd: {  	s8 =	sshrl.u32 s14, $0x2;
	s21 =	sshrl.u32 s12, $0x2;
	s14 =	sadd.s32 s22, s4  }
0xe: {  	s7 =	simm.s32 $0x3;
	s26 =	ssub.s32 s24, s9;
	s13 =	sadd.s32 s4, s25  }
0xf: {  	s15 =	sadd.s32 s6, s25;
	s5 =	sadd.s32 $0x36, s25;
	s9 =	sadd.s32 s10, s16  }
0x10: {  	s8 =	sadd.s32 s8, s2;
	s19 =	sadd.s32 s10, s18;
	[dreg:$0x5] =	wrdreg s13  }
0x11: {  	s16 =	simm.s32 $0x1B0;
	s18 =	simm.s32 $0x1;
	[dreg:$0x6] =	wrdreg s15  }
0x12: {  	s11 =	sadd.s32 s4, s5;
	s5 =	sadd.s32 s6, s5;
	s9 =	sshll.u32 s9, $0x2  }
0x13: {  	s24 =	smax.u32 s26, $0x1;
	s13 =	sadd.s32 s22, s6;
	s15 =	simm.s32 $0x360  }
0x14: {  	s25 =	sshrl.u32 s8, $0x3;
	s22 =	simm.s32 $0x2;
	s4 =	simm.s32 $0x870  }
0x15: {  	s6 =	simm.s32 $0x6;
	s8 =	simm.s32 $0x0;
	[dreg:$0x7] =	wrdreg s11  }
0x16: {  	[dreg:$0x8] =	wrdreg s5;
	s9 =	sadd.s32 s0, s9;
	s5 =	smul.u32 $0x3E800, s17  }
0x17: {  	s11 =	sadd.s32 s21, s2;
	[dreg:$0xb] =	wrdreg s24;
	s17 =	simm.s32 $0x510  }
0x18: {  	[dreg:$0xc] =	wrdreg s25;
	s21 =	simm.s32 $0xB;
	s25 =	simm.s32 $0x4  }
.Ltmp0:
0x19: {  	[dreg:$0x9] =	wrdreg s9;
	s9 =	sshll.u32 s19, $0x2;
	(pc) =	sbr.rel .LBB2_1-.Ltmp0, $4  }
0x1a: {  	s19 =	simm.s32 $0xA20;
	s0 =	sadd.s32 s0, s9;
	s23 =	sshrl.u32 s5, $0x2  }
0x1b: {  	s26 =	sshrl.u32 s11, $0x3;
	[dreg:$0xa] =	wrdreg s0;
	s0 =	sadd.s32 s23, s2  }
0x1c: {  	[dreg:$0xd] =	wrdreg s26;
	s26 =	simm.s32 $0x4020;
	s0 =	sshrl.u32 @!p0 s0, $0x3  }
0x1d: {  	v0 =	vmov s10;
	s5 =	simm.s32 $0xA;
	[dreg:$0xe] =	wrdreg s0;
	s0 =	simm.s32 $0x8  }
.LBB2_5:
0x1e: {  	_ =	swait.ge [sflag:s5], $0x3600  }
0x1f: {  	[sflag:s5] =	ssyncset.done $0x0  }
0x20: {  	[sflag:s5] =	ssyncadd.s32 $0xFFFFCA00  }
0x21: {  	[bflag:$0x0] =	sbarrier.arrive $0xFFFF  }
0x22: {  	s10 =	rddreg [dreg:$0x9]  }
0x23: {  	s11 =	rddreg [dreg:$0xd]  }
0x24: {  	[hbm:s10], [sflag:s9] =	dma.local [spmem:s11], $0x1F40  }
0x25: {  	_ =	swait.ge [sflag:s21], $0x1F40  }
0x26: {  	[sflag:s21] =	ssyncset.done $0x0;
	s10 =	rddreg [dreg:$0xa]  }
0x27: {  	s11 =	rddreg [dreg:$0xe];
	[sflag:s21] =	ssyncadd.s32 $0xFFFFE0C0  }
0x28: {  	[hbm:s10], [sflag:s9] =	dma.local @!p0 [spmem:s11], $0x1F40  }
0x29: {  	s9 =	simm.s32 @!p0 $0xB  }
0x2a: {  	_ =	swait.ge @!p0 [sflag:s9], $0x1F40  }
0x2b: {  	s8 =	sadd.s32 $0x1, s8;
	s24 =	rddreg [dreg:$0xb]  }
0x2c: {  	p1 =	sne.s32 s8, s24  }
.Ltmp1:
0x2d: {  	_ = 	snop;
	(pc) =	sbr.rel @!p1 .LBB2_6-.Ltmp1, $3  }
0x2e: {  	_ =	sdelay $0x1  }
0x2f: {  	[sflag:s9] =	ssyncset.done @!p0 $0x0  }
0x30: {  	[sflag:s9] =	ssyncadd.s32 @!p0 $0xFFFFE0C0  }
.LBB2_1:
0x31: {  	s9 =	rddreg [dreg:$0x5]  }
0x32: {  	[tilespmem:s3], [sflag:$0x1] =	stream.linear.gather [hbm4b:s9+s3], $0x1B0, $0x38;
	[tilespmem:$0x1FD20] =	vst v63  }
0x33: {  	s12 =	rddreg [dreg:$0x6]  }
0x34: {  	[tilespmem:s15], [sflag:$0x3] =	stream.linear.gather [hbm4b:s12+s3], $0x1B0, $0x38;
	[tilespmem:$0x1FD20] =	vst v63  }
0x35: {  	s20 =	rddreg [dreg:$0x7]  }
0x36: {  	[tilespmem:s16], [sflag:$0x2] =	stream.linear.gather [hbm4b:s20+s3], $0x1B0, $0x38;
	[tilespmem:$0x1FD20] =	vst v63  }
0x37: {  	s23 =	rddreg [dreg:$0x8]  }
0x38: {  	[tilespmem:s17], [sflag:$0x4] =	stream.linear.gather [hbm4b:s23+s3], $0x1B0, $0x38;
	[tilespmem:$0x1FD20] =	vst v63  }
0x39: {  	_ =	swait.ge [sflag:s18], $0x1B0  }
0x3a: {  	[sflag:s18] =	ssyncset.done $0x0  }
0x3b: {  	[sflag:s18] =	ssyncadd.s32 $0xFFFFFE50  }
0x3c: {  	_ =	swait.ge [sflag:s7], $0x1B0  }
0x3d: {  	[sflag:s7] =	ssyncset.done $0x0  }
0x3e: {  	[sflag:s7] =	ssyncadd.s32 $0xFFFFFE50  }
0x3f: {  	v1 =	vld [tilespmem:$0x0]  }
0x40: {  	v2 =	vld [tilespmem:$0x10]  }
0x41: {  	v3 =	vld [tilespmem:$0x20]  }
0x42: {  	v4 =	vld [tilespmem:$0x30]  }
0x43: {  	v5 =	vld [tilespmem:$0x40]  }
0x44: {  	v6 =	vld [tilespmem:$0x50];
	v1 =	vadd.s32 v0, v1  }
0x45: {  	[tilespmem:$0x0] =	vst v1;
	v1 =	vadd.s32 v0, v2;
	v2 =	vld [tilespmem:$0x60]  }
0x46: {  	[tilespmem:$0x10] =	vst v1;
	v1 =	vadd.s32 v0, v3;
	v3 =	vld [tilespmem:$0x70]  }
0x47: {  	v52 =	vld [tilespmem:$0x80];
	[tilespmem:$0x20] =	vst v1;
	v1 =	vadd.s32 v0, v4  }
0x48: {  	v53 =	vld [tilespmem:$0x90];
	[tilespmem:$0x30] =	vst v1;
	v1 =	vadd.s32 v0, v5  }
0x49: {  	v54 =	vld [tilespmem:$0xA0];
	[tilespmem:$0x40] =	vst v1;
	v1 =	vadd.s32 v0, v6  }
0x4a: {  	[tilespmem:$0x50] =	vst v1;
	v1 =	vadd.s32 v0, v2;
	v2 =	vld [tilespmem:$0xB0]  }
0x4b: {  	[tilespmem:$0x60] =	vst v1;
	v1 =	vadd.s32 v0, v3;
	v3 =	vld [tilespmem:$0xC0]  }
0x4c: {  	v55 =	vld [tilespmem:$0xD0];
	[tilespmem:$0x70] =	vst v1;
	v1 =	vadd.s32 v0, v52  }
0x4d: {  	v56 =	vld [tilespmem:$0xE0];
	[tilespmem:$0x80] =	vst v1;
	v1 =	vadd.s32 v0, v53  }
0x4e: {  	v57 =	vld [tilespmem:$0xF0];
	[tilespmem:$0x90] =	vst v1;
	v1 =	vadd.s32 v0, v54  }
0x4f: {  	[tilespmem:$0xA0] =	vst v1;
	v1 =	vadd.s32 v0, v2;
	v2 =	vld [tilespmem:$0x100]  }
0x50: {  	[tilespmem:$0xB0] =	vst v1;
	v1 =	vadd.s32 v0, v3;
	v3 =	vld [tilespmem:$0x110]  }
0x51: {  	v58 =	vld [tilespmem:$0x120];
	[tilespmem:$0xC0] =	vst v1;
	v1 =	vadd.s32 v0, v55  }
0x52: {  	v59 =	vld [tilespmem:$0x130];
	[tilespmem:$0xD0] =	vst v1;
	v1 =	vadd.s32 v0, v56  }
0x53: {  	v60 =	vld [tilespmem:$0x140];
	[tilespmem:$0xE0] =	vst v1;
	v1 =	vadd.s32 v0, v57  }
0x54: {  	[tilespmem:$0xF0] =	vst v1;
	v1 =	vadd.s32 v0, v2;
	v2 =	vld [tilespmem:$0x150]  }
0x55: {  	[tilespmem:$0x100] =	vst v1;
	v1 =	vadd.s32 v0, v3;
	v3 =	vld [tilespmem:$0x160]  }
0x56: {  	v61 =	vld [tilespmem:$0x170];
	[tilespmem:$0x110] =	vst v1;
	v1 =	vadd.s32 v0, v58  }
0x57: {  	v62 =	vld [tilespmem:$0x180];
	[tilespmem:$0x120] =	vst v1;
	v1 =	vadd.s32 v0, v59  }
0x58: {  	v63 =	vld [tilespmem:$0x190];
	[tilespmem:$0x130] =	vst v1;
	v1 =	vadd.s32 v0, v60  }
0x59: {  	[tilespmem:$0x140] =	vst v1;
	v1 =	vadd.s32 v0, v2;
	v2 =	vld [tilespmem:$0x1A0]  }
0x5a: {  	[tilespmem:$0x150] =	vst v1;
	v1 =	vadd.s32 v0, v3  }
0x5b: {  	[tilespmem:$0x160] =	vst v1;
	v1 =	vadd.s32 v0, v61  }
0x5c: {  	[tilespmem:$0x170] =	vst v1;
	v1 =	vadd.s32 v0, v62  }
0x5d: {  	s24 =	stileid.u32;
	[tilespmem:$0x180] =	vst v1;
	v1 =	vadd.s32 v0, v63  }
0x5e: {  	s9 =	sshll.u32 s24, $0x6;
	s10 =	rddreg [dreg:$0x4];
	[tilespmem:$0x190] =	vst v1;
	v1 =	vadd.s32 v0, v2  }
0x5f: {  	s9 =	sor.u32 $0x1C0B, s9;
	s11 =	rddreg [dreg:$0xc];
	[tilespmem:$0x1A0] =	vst v1  }
0x60: {  	[tilespmem:s19], [sflag:$0x7] =	stream.indirect.gather [hbm4b:s1+s16], $0x20, s3, s16, $0xb8;
	[tilespmem:$0x1FD20] =	vst v63  }
0x61: {  	[spmem:s11], [sflag:s9] =	dma.local [hbm:s10], $0x30E0  }
.Ltmp2:
0x62: {  	_ =	swait.ge [sflag:s21], $0x30E0;
	(pc) =	sbr.rel .LBB2_2-.Ltmp2, $4  }
0x63: {  	[sflag:s21] =	ssyncset.done $0x0  }
0x64: {  	[sflag:s21] =	ssyncadd.s32 $0xFFFFCF20  }
0x65: {  	[bflag:$0x0] =	sbarrier.arrive $0xFFFF  }
0x66: {  	s12 =	simm.s32 $0x0;
	s10 =	simm.s32 $0x3;
	s11 =	simm.s32 $0x0  }
.LBB2_4:
0x67: {  	_ =	swait.ge [sflag:s0], $0x3600  }
0x68: {  	p1 =	sgt.u32 s10, $0x71;
	[sflag:s0] =	ssyncset.done $0x0  }
0x69: {  	s20 =	sadd.s32 @!p1 s11, s14;
	[sflag:s0] =	ssyncadd.s32 $0xFFFFCA00  }
0x6a: {  	[spmem:s2] =	stream.indirect.scatter.add.f32 [tilespmem:s26], [sflag:$0xA], $0x20, s4, s16, $0xb8;
	[tilespmem:$0x1FD20] =	vst v63  }
0x6b: {  	s23 =	simm.s32 @!p1 $0x0;
	s24 =	simm.s32 @!p1 $0x1B0;
	s20 =	sadd.s32 @!p1 $0x10E, s20  }
0x6c: {  	[tilespmem:s24], [sflag:$0x2] =	stream.linear.gather @!p1 [hbm4b:s20+s23], $0x1B0, $0x38;
	[tilespmem:$0x1FD20] =	vst v63  }
0x6d: {  	s20 =	sadd.s32 @!p1 s11, s13  }
0x6e: {  	s24 =	simm.s32 @!p1 $0x510;
	s11 =	sadd.s32 $0xD8, s11;
	s20 =	sadd.s32 @!p1 $0x10E, s20  }
0x6f: {  	[tilespmem:s24], [sflag:$0x4] =	stream.linear.gather @!p1 [hbm4b:s20+s23], $0x1B0, $0x38;
	[tilespmem:$0x1FD20] =	vst v63  }
0x70: {  	p1 =	sne.s32 s11, $0x1878  }
.Ltmp3:
0x71: {  	_ = 	snop;
	(pc) =	sbr.rel @!p1 .LBB2_5-.Ltmp3, $2  }
0x72: {  	_ =	sdelay $0x2  }
0x73: {  	s12 =	sadd.s32 $0x1, s12;
	s10 =	sadd.s32 $0x4, s10  }
.LBB2_2:
0x74: {  	p1 =	seq.s32 s11, $0x0  }
0x75: {  	s20 =	simm.s32 @!p1 $0xA  }
0x76: {  	_ =	swait.ge @!p1 [sflag:s20], $0x3600  }
0x77: {  	[sflag:s20] =	ssyncset.done @!p1 $0x0  }
0x78: {  	[sflag:s20] =	ssyncadd.s32 @!p1 $0xFFFFCA00  }
0x79: {  	_ =	swait.ge [sflag:s22], $0x1B0  }
0x7a: {  	[sflag:s22] =	ssyncset.done $0x0  }
0x7b: {  	[sflag:s22] =	ssyncadd.s32 $0xFFFFFE50  }
0x7c: {  	_ =	swait.ge [sflag:s25], $0x1B0  }
0x7d: {  	[sflag:s25] =	ssyncset.done $0x0  }
0x7e: {  	[sflag:s25] =	ssyncadd.s32 $0xFFFFFE50  }
0x7f: {  	v1 =	vld [tilespmem:$0x1B0]  }
0x80: {  	v2 =	vld [tilespmem:$0x1C0]  }
0x81: {  	v3 =	vld [tilespmem:$0x1D0]  }
0x82: {  	v4 =	vld [tilespmem:$0x1E0]  }
0x83: {  	v5 =	vld [tilespmem:$0x1F0]  }
0x84: {  	v6 =	vld [tilespmem:$0x200];
	v1 =	vadd.s32 v0, v1  }
0x85: {  	[tilespmem:$0x1B0] =	vst v1;
	v1 =	vadd.s32 v0, v2;
	v2 =	vld [tilespmem:$0x210]  }
0x86: {  	[tilespmem:$0x1C0] =	vst v1;
	v1 =	vadd.s32 v0, v3;
	v3 =	vld [tilespmem:$0x220]  }
0x87: {  	v22 =	vld [tilespmem:$0x230];
	[tilespmem:$0x1D0] =	vst v1;
	v1 =	vadd.s32 v0, v4  }
0x88: {  	v23 =	vld [tilespmem:$0x240];
	[tilespmem:$0x1E0] =	vst v1;
	v1 =	vadd.s32 v0, v5  }
0x89: {  	v24 =	vld [tilespmem:$0x250];
	[tilespmem:$0x1F0] =	vst v1;
	v1 =	vadd.s32 v0, v6  }
0x8a: {  	[tilespmem:$0x200] =	vst v1;
	v1 =	vadd.s32 v0, v2;
	v2 =	vld [tilespmem:$0x260]  }
0x8b: {  	[tilespmem:$0x210] =	vst v1;
	v1 =	vadd.s32 v0, v3;
	v3 =	vld [tilespmem:$0x270]  }
0x8c: {  	v25 =	vld [tilespmem:$0x280];
	[tilespmem:$0x220] =	vst v1;
	v1 =	vadd.s32 v0, v22  }
0x8d: {  	v26 =	vld [tilespmem:$0x290];
	[tilespmem:$0x230] =	vst v1;
	v1 =	vadd.s32 v0, v23  }
0x8e: {  	v27 =	vld [tilespmem:$0x2A0];
	[tilespmem:$0x240] =	vst v1;
	v1 =	vadd.s32 v0, v24  }
0x8f: {  	[tilespmem:$0x250] =	vst v1;
	v1 =	vadd.s32 v0, v2;
	v2 =	vld [tilespmem:$0x2B0]  }
0x90: {  	[tilespmem:$0x260] =	vst v1;
	v1 =	vadd.s32 v0, v3;
	v3 =	vld [tilespmem:$0x2C0]  }
0x91: {  	v28 =	vld [tilespmem:$0x2D0];
	[tilespmem:$0x270] =	vst v1;
	v1 =	vadd.s32 v0, v25  }
0x92: {  	v29 =	vld [tilespmem:$0x2E0];
	[tilespmem:$0x280] =	vst v1;
	v1 =	vadd.s32 v0, v26  }
0x93: {  	v30 =	vld [tilespmem:$0x2F0];
	[tilespmem:$0x290] =	vst v1;
	v1 =	vadd.s32 v0, v27  }
0x94: {  	[tilespmem:$0x2A0] =	vst v1;
	v1 =	vadd.s32 v0, v2;
	v2 =	vld [tilespmem:$0x300]  }
0x95: {  	[tilespmem:$0x2B0] =	vst v1;
	v1 =	vadd.s32 v0, v3;
	v3 =	vld [tilespmem:$0x310]  }
0x96: {  	v31 =	vld [tilespmem:$0x320];
	[tilespmem:$0x2C0] =	vst v1;
	v1 =	vadd.s32 v0, v28  }
0x97: {  	v32 =	vld [tilespmem:$0x330];
	[tilespmem:$0x2D0] =	vst v1;
	v1 =	vadd.s32 v0, v29  }
0x98: {  	v33 =	vld [tilespmem:$0x340];
	[tilespmem:$0x2E0] =	vst v1;
	v1 =	vadd.s32 v0, v30  }
0x99: {  	[tilespmem:$0x2F0] =	vst v1;
	v1 =	vadd.s32 v0, v2;
	v2 =	vld [tilespmem:$0x350]  }
0x9a: {  	[tilespmem:$0x300] =	vst v1;
	v1 =	vadd.s32 v0, v3  }
0x9b: {  	[tilespmem:$0x310] =	vst v1;
	v1 =	vadd.s32 v0, v31  }
0x9c: {  	[tilespmem:$0x320] =	vst v1;
	v1 =	vadd.s32 v0, v32  }
0x9d: {  	[tilespmem:$0x330] =	vst v1;
	v1 =	vadd.s32 v0, v33  }
0x9e: {  	[tilespmem:$0x340] =	vst v1;
	v1 =	vadd.s32 v0, v2  }
0x9f: {  	[tilespmem:$0x350] =	vst v1  }
0xa0: {  	[tilespmem:s26], [sflag:$0x8] =	stream.indirect.gather [hbm4b:s1+s16], $0x20, s16, s16, $0xb8;
	[tilespmem:$0x1FD20] =	vst v63  }
0xa1: {  	_ =	swait.ge [sflag:s28], $0x3600  }
0xa2: {  	[sflag:s28] =	ssyncset.done $0x0  }
0xa3: {  	s20 =	sadd.s32 s11, s14;
	[sflag:s28] =	ssyncadd.s32 $0xFFFFCA00  }
0xa4: {  	[spmem:s2] =	stream.indirect.scatter.add.f32 [tilespmem:s19], [sflag:$0x9], $0x20, s15, s16, $0xb8;
	[tilespmem:$0x1FD20] =	vst v63  }
0xa5: {  	s23 =	sadd.s32 $0x6C, s20  }
0xa6: {  	[tilespmem:s3], [sflag:$0x1] =	stream.linear.gather [hbm4b:s23+s3], $0x1B0, $0x38;
	[tilespmem:$0x1FD20] =	vst v63  }
0xa7: {  	s23 =	sadd.s32 s11, s13  }
0xa8: {  	s24 =	sadd.s32 $0x6C, s23  }
0xa9: {  	[tilespmem:s29], [sflag:$0x5] =	stream.linear.gather [hbm4b:s24+s3], $0x1B0, $0x38;
	[tilespmem:$0x1FD20] =	vst v63  }
0xaa: {  	_ =	swait.ge [sflag:s30], $0x3600  }
0xab: {  	[sflag:s30] =	ssyncset.done $0x0  }
0xac: {  	[sflag:s30] =	ssyncadd.s32 $0xFFFFCA00  }
0xad: {  	_ =	swait.ge [sflag:s18], $0x1B0  }
0xae: {  	[sflag:s18] =	ssyncset.done $0x0  }
0xaf: {  	[sflag:s18] =	ssyncadd.s32 $0xFFFFFE50  }
0xb0: {  	_ =	swait.ge [sflag:s31], $0x1B0  }
0xb1: {  	[sflag:s31] =	ssyncset.done $0x0  }
0xb2: {  	[sflag:s31] =	ssyncadd.s32 $0xFFFFFE50  }
0xb3: {  	v1 =	vld [tilespmem:$0x0]  }
0xb4: {  	v2 =	vld [tilespmem:$0x10]  }
0xb5: {  	v3 =	vld [tilespmem:$0x20]  }
0xb6: {  	v34 =	vld [tilespmem:$0x30]  }
0xb7: {  	v35 =	vld [tilespmem:$0x40]  }
0xb8: {  	v36 =	vld [tilespmem:$0x50];
	v1 =	vadd.s32 v0, v1  }
0xb9: {  	[tilespmem:$0x0] =	vst v1;
	v1 =	vadd.s32 v0, v2;
	v2 =	vld [tilespmem:$0x60]  }
0xba: {  	[tilespmem:$0x10] =	vst v1;
	v1 =	vadd.s32 v0, v3;
	v3 =	vld [tilespmem:$0x70]  }
0xbb: {  	v37 =	vld [tilespmem:$0x80];
	[tilespmem:$0x20] =	vst v1;
	v1 =	vadd.s32 v0, v34  }
0xbc: {  	v38 =	vld [tilespmem:$0x90];
	[tilespmem:$0x30] =	vst v1;
	v1 =	vadd.s32 v0, v35  }
0xbd: {  	v39 =	vld [tilespmem:$0xA0];
	[tilespmem:$0x40] =	vst v1;
	v1 =	vadd.s32 v0, v36  }
0xbe: {  	[tilespmem:$0x50] =	vst v1;
	v1 =	vadd.s32 v0, v2;
	v2 =	vld [tilespmem:$0xB0]  }
0xbf: {  	[tilespmem:$0x60] =	vst v1;
	v1 =	vadd.s32 v0, v3;
	v3 =	vld [tilespmem:$0xC0]  }
0xc0: {  	v40 =	vld [tilespmem:$0xD0];
	[tilespmem:$0x70] =	vst v1;
	v1 =	vadd.s32 v0, v37  }
0xc1: {  	v41 =	vld [tilespmem:$0xE0];
	[tilespmem:$0x80] =	vst v1;
	v1 =	vadd.s32 v0, v38  }
0xc2: {  	v42 =	vld [tilespmem:$0xF0];
	[tilespmem:$0x90] =	vst v1;
	v1 =	vadd.s32 v0, v39  }
0xc3: {  	[tilespmem:$0xA0] =	vst v1;
	v1 =	vadd.s32 v0, v2;
	v2 =	vld [tilespmem:$0x100]  }
0xc4: {  	[tilespmem:$0xB0] =	vst v1;
	v1 =	vadd.s32 v0, v3;
	v3 =	vld [tilespmem:$0x110]  }
0xc5: {  	v43 =	vld [tilespmem:$0x120];
	[tilespmem:$0xC0] =	vst v1;
	v1 =	vadd.s32 v0, v40  }
0xc6: {  	v44 =	vld [tilespmem:$0x130];
	[tilespmem:$0xD0] =	vst v1;
	v1 =	vadd.s32 v0, v41  }
0xc7: {  	v45 =	vld [tilespmem:$0x140];
	[tilespmem:$0xE0] =	vst v1;
	v1 =	vadd.s32 v0, v42  }
0xc8: {  	[tilespmem:$0xF0] =	vst v1;
	v1 =	vadd.s32 v0, v2;
	v2 =	vld [tilespmem:$0x150]  }
0xc9: {  	[tilespmem:$0x100] =	vst v1;
	v1 =	vadd.s32 v0, v3;
	v3 =	vld [tilespmem:$0x160]  }
0xca: {  	v46 =	vld [tilespmem:$0x170];
	[tilespmem:$0x110] =	vst v1;
	v1 =	vadd.s32 v0, v43  }
0xcb: {  	v47 =	vld [tilespmem:$0x180];
	[tilespmem:$0x120] =	vst v1;
	v1 =	vadd.s32 v0, v44  }
0xcc: {  	v48 =	vld [tilespmem:$0x190];
	[tilespmem:$0x130] =	vst v1;
	v1 =	vadd.s32 v0, v45  }
0xcd: {  	[tilespmem:$0x140] =	vst v1;
	v1 =	vadd.s32 v0, v2;
	v2 =	vld [tilespmem:$0x1A0]  }
0xce: {  	[tilespmem:$0x150] =	vst v1;
	v1 =	vadd.s32 v0, v3  }
0xcf: {  	[tilespmem:$0x160] =	vst v1;
	v1 =	vadd.s32 v0, v46  }
0xd0: {  	[tilespmem:$0x170] =	vst v1;
	v1 =	vadd.s32 v0, v47  }
0xd1: {  	[tilespmem:$0x180] =	vst v1;
	v1 =	vadd.s32 v0, v48  }
0xd2: {  	[tilespmem:$0x190] =	vst v1;
	v1 =	vadd.s32 v0, v2  }
0xd3: {  	[tilespmem:$0x1A0] =	vst v1  }
0xd4: {  	[tilespmem:s19], [sflag:$0x7] =	stream.indirect.gather [hbm4b:s1+s16], $0x20, s3, s16, $0xb8;
	[tilespmem:$0x1FD20] =	vst v63  }
0xd5: {  	_ =	swait.ge [sflag:s0], $0x3600  }
0xd6: {  	[sflag:s0] =	ssyncset.done $0x0  }
0xd7: {  	[sflag:s0] =	ssyncadd.s32 $0xFFFFCA00  }
0xd8: {  	[spmem:s2] =	stream.indirect.scatter.add.f32 [tilespmem:s26], [sflag:$0xA], $0x20, s17, s16, $0xb8;
	[tilespmem:$0x1FD20] =	vst v63  }
0xd9: {  	s20 =	sadd.s32 $0xA2, s20  }
0xda: {  	[tilespmem:s16], [sflag:$0x2] =	stream.linear.gather [hbm4b:s20+s3], $0x1B0, $0x38;
	[tilespmem:$0x1FD20] =	vst v63  }
0xdb: {  	s24 =	sadd.s32 $0xA2, s23  }
0xdc: {  	[tilespmem:s4], [sflag:$0x6] =	stream.linear.gather [hbm4b:s24+s3], $0x1B0, $0x38;
	[tilespmem:$0x1FD20] =	vst v63  }
0xdd: {  	_ =	swait.ge [sflag:s5], $0x3600  }
0xde: {  	[sflag:s5] =	ssyncset.done $0x0  }
0xdf: {  	[sflag:s5] =	ssyncadd.s32 $0xFFFFCA00  }
0xe0: {  	_ =	swait.ge [sflag:s22], $0x1B0  }
0xe1: {  	[sflag:s22] =	ssyncset.done $0x0  }
0xe2: {  	[sflag:s22] =	ssyncadd.s32 $0xFFFFFE50  }
0xe3: {  	_ =	swait.ge [sflag:s6], $0x1B0  }
0xe4: {  	[sflag:s6] =	ssyncset.done $0x0  }
0xe5: {  	[sflag:s6] =	ssyncadd.s32 $0xFFFFFE50  }
0xe6: {  	v1 =	vld [tilespmem:$0x1B0]  }
0xe7: {  	v2 =	vld [tilespmem:$0x1C0]  }
0xe8: {  	v3 =	vld [tilespmem:$0x1D0]  }
0xe9: {  	v49 =	vld [tilespmem:$0x1E0]  }
0xea: {  	v50 =	vld [tilespmem:$0x1F0]  }
0xeb: {  	v51 =	vld [tilespmem:$0x200];
	v1 =	vadd.s32 v0, v1  }
0xec: {  	[tilespmem:$0x1B0] =	vst v1;
	v1 =	vadd.s32 v0, v2;
	v2 =	vld [tilespmem:$0x210]  }
0xed: {  	[tilespmem:$0x1C0] =	vst v1;
	v1 =	vadd.s32 v0, v3;
	v3 =	vld [tilespmem:$0x220]  }
0xee: {  	v52 =	vld [tilespmem:$0x230];
	[tilespmem:$0x1D0] =	vst v1;
	v1 =	vadd.s32 v0, v49  }
0xef: {  	v53 =	vld [tilespmem:$0x240];
	[tilespmem:$0x1E0] =	vst v1;
	v1 =	vadd.s32 v0, v50  }
0xf0: {  	v54 =	vld [tilespmem:$0x250];
	[tilespmem:$0x1F0] =	vst v1;
	v1 =	vadd.s32 v0, v51  }
0xf1: {  	[tilespmem:$0x200] =	vst v1;
	v1 =	vadd.s32 v0, v2;
	v2 =	vld [tilespmem:$0x260]  }
0xf2: {  	[tilespmem:$0x210] =	vst v1;
	v1 =	vadd.s32 v0, v3;
	v3 =	vld [tilespmem:$0x270]  }
0xf3: {  	v55 =	vld [tilespmem:$0x280];
	[tilespmem:$0x220] =	vst v1;
	v1 =	vadd.s32 v0, v52  }
0xf4: {  	v56 =	vld [tilespmem:$0x290];
	[tilespmem:$0x230] =	vst v1;
	v1 =	vadd.s32 v0, v53  }
0xf5: {  	v57 =	vld [tilespmem:$0x2A0];
	[tilespmem:$0x240] =	vst v1;
	v1 =	vadd.s32 v0, v54  }
0xf6: {  	[tilespmem:$0x250] =	vst v1;
	v1 =	vadd.s32 v0, v2;
	v2 =	vld [tilespmem:$0x2B0]  }
0xf7: {  	[tilespmem:$0x260] =	vst v1;
	v1 =	vadd.s32 v0, v3;
	v3 =	vld [tilespmem:$0x2C0]  }
0xf8: {  	v58 =	vld [tilespmem:$0x2D0];
	[tilespmem:$0x270] =	vst v1;
	v1 =	vadd.s32 v0, v55  }
0xf9: {  	v59 =	vld [tilespmem:$0x2E0];
	[tilespmem:$0x280] =	vst v1;
	v1 =	vadd.s32 v0, v56  }
0xfa: {  	v60 =	vld [tilespmem:$0x2F0];
	[tilespmem:$0x290] =	vst v1;
	v1 =	vadd.s32 v0, v57  }
0xfb: {  	[tilespmem:$0x2A0] =	vst v1;
	v1 =	vadd.s32 v0, v2;
	v2 =	vld [tilespmem:$0x300]  }
0xfc: {  	[tilespmem:$0x2B0] =	vst v1;
	v1 =	vadd.s32 v0, v3;
	v3 =	vld [tilespmem:$0x310]  }
0xfd: {  	v61 =	vld [tilespmem:$0x320];
	[tilespmem:$0x2C0] =	vst v1;
	v1 =	vadd.s32 v0, v58  }
0xfe: {  	v62 =	vld [tilespmem:$0x330];
	[tilespmem:$0x2D0] =	vst v1;
	v1 =	vadd.s32 v0, v59  }
0xff: {  	v63 =	vld [tilespmem:$0x340];
	[tilespmem:$0x2E0] =	vst v1;
	v1 =	vadd.s32 v0, v60  }
0x100: {  	[tilespmem:$0x2F0] =	vst v1;
	v1 =	vadd.s32 v0, v2;
	v2 =	vld [tilespmem:$0x350]  }
0x101: {  	[tilespmem:$0x300] =	vst v1;
	v1 =	vadd.s32 v0, v3  }
0x102: {  	[tilespmem:$0x310] =	vst v1;
	v1 =	vadd.s32 v0, v61  }
0x103: {  	[tilespmem:$0x320] =	vst v1;
	v1 =	vadd.s32 v0, v62  }
0x104: {  	[tilespmem:$0x330] =	vst v1;
	v1 =	vadd.s32 v0, v63  }
0x105: {  	[tilespmem:$0x340] =	vst v1;
	v1 =	vadd.s32 v0, v2  }
0x106: {  	[tilespmem:$0x350] =	vst v1  }
0x107: {  	[tilespmem:s26], [sflag:$0x8] =	stream.indirect.gather [hbm4b:s1+s16], $0x20, s16, s16, $0xb8;
	[tilespmem:$0x1FD20] =	vst v63  }
0x108: {  	_ =	swait.ge [sflag:s28], $0x3600  }
0x109: {  	p1 =	sgt.u32 s12, $0x1B;
	[sflag:s28] =	ssyncset.done $0x0  }
0x10a: {  	s20 =	sadd.s32 @!p1 s11, s14;
	[sflag:s28] =	ssyncadd.s32 $0xFFFFCA00  }
0x10b: {  	[spmem:s2] =	stream.indirect.scatter.add.f32 [tilespmem:s19], [sflag:$0x9], $0x20, s29, s16, $0xb8;
	[tilespmem:$0x1FD20] =	vst v63  }
0x10c: {  	s23 =	simm.s32 @!p1 $0x0;
	s20 =	sadd.s32 @!p1 $0xD8, s20  }
0x10d: {  	[tilespmem:s23], [sflag:$0x1] =	stream.linear.gather @!p1 [hbm4b:s20+s23], $0x1B0, $0x38;
	[tilespmem:$0x1FD20] =	vst v63  }
0x10e: {  	s20 =	sadd.s32 @!p1 s11, s13  }
0x10f: {  	s24 =	simm.s32 @!p1 $0x360;
	s20 =	sadd.s32 @!p1 $0xD8, s20  }
0x110: {  	[tilespmem:s24], [sflag:$0x3] =	stream.linear.gather @!p1 [hbm4b:s20+s23], $0x1B0, $0x38;
	[tilespmem:$0x1FD20] =	vst v63  }
0x111: {  	p1 =	sgt.u32 s10, $0x72  }
.Ltmp4:
0x112: {  	_ = 	snop;
	(pc) =	sbr.rel @p1 .LBB2_4-.Ltmp4, $4  }
0x113: {  	_ = 	snop  }
0x114: {  	_ =	swait.ge [sflag:s30], $0x3600  }
0x115: {  	[sflag:s30] =	ssyncset.done $0x0  }
0x116: {  	[sflag:s30] =	ssyncadd.s32 $0xFFFFCA00  }
0x117: {  	_ =	swait.ge [sflag:s18], $0x1B0  }
0x118: {  	[sflag:s18] =	ssyncset.done $0x0  }
0x119: {  	[sflag:s18] =	ssyncadd.s32 $0xFFFFFE50  }
0x11a: {  	_ =	swait.ge [sflag:s7], $0x1B0  }
0x11b: {  	[sflag:s7] =	ssyncset.done $0x0  }
0x11c: {  	[sflag:s7] =	ssyncadd.s32 $0xFFFFFE50  }
0x11d: {  	v1 =	vld [tilespmem:$0x0]  }
0x11e: {  	v2 =	vld [tilespmem:$0x10]  }
0x11f: {  	v3 =	vld [tilespmem:$0x20]  }
0x120: {  	v4 =	vld [tilespmem:$0x30]  }
0x121: {  	v5 =	vld [tilespmem:$0x40]  }
0x122: {  	v6 =	vld [tilespmem:$0x50];
	v1 =	vadd.s32 v0, v1  }
0x123: {  	[tilespmem:$0x0] =	vst v1;
	v1 =	vadd.s32 v0, v2;
	v2 =	vld [tilespmem:$0x60]  }
0x124: {  	[tilespmem:$0x10] =	vst v1;
	v1 =	vadd.s32 v0, v3;
	v3 =	vld [tilespmem:$0x70]  }
0x125: {  	v52 =	vld [tilespmem:$0x80];
	[tilespmem:$0x20] =	vst v1;
	v1 =	vadd.s32 v0, v4  }
0x126: {  	v53 =	vld [tilespmem:$0x90];
	[tilespmem:$0x30] =	vst v1;
	v1 =	vadd.s32 v0, v5  }
0x127: {  	v54 =	vld [tilespmem:$0xA0];
	[tilespmem:$0x40] =	vst v1;
	v1 =	vadd.s32 v0, v6  }
0x128: {  	[tilespmem:$0x50] =	vst v1;
	v1 =	vadd.s32 v0, v2;
	v2 =	vld [tilespmem:$0xB0]  }
0x129: {  	[tilespmem:$0x60] =	vst v1;
	v1 =	vadd.s32 v0, v3;
	v3 =	vld [tilespmem:$0xC0]  }
0x12a: {  	v55 =	vld [tilespmem:$0xD0];
	[tilespmem:$0x70] =	vst v1;
	v1 =	vadd.s32 v0, v52  }
0x12b: {  	v56 =	vld [tilespmem:$0xE0];
	[tilespmem:$0x80] =	vst v1;
	v1 =	vadd.s32 v0, v53  }
0x12c: {  	v57 =	vld [tilespmem:$0xF0];
	[tilespmem:$0x90] =	vst v1;
	v1 =	vadd.s32 v0, v54  }
0x12d: {  	[tilespmem:$0xA0] =	vst v1;
	v1 =	vadd.s32 v0, v2;
	v2 =	vld [tilespmem:$0x100]  }
0x12e: {  	[tilespmem:$0xB0] =	vst v1;
	v1 =	vadd.s32 v0, v3;
	v3 =	vld [tilespmem:$0x110]  }
0x12f: {  	v58 =	vld [tilespmem:$0x120];
	[tilespmem:$0xC0] =	vst v1;
	v1 =	vadd.s32 v0, v55  }
0x130: {  	v59 =	vld [tilespmem:$0x130];
	[tilespmem:$0xD0] =	vst v1;
	v1 =	vadd.s32 v0, v56  }
0x131: {  	v60 =	vld [tilespmem:$0x140];
	[tilespmem:$0xE0] =	vst v1;
	v1 =	vadd.s32 v0, v57  }
0x132: {  	[tilespmem:$0xF0] =	vst v1;
	v1 =	vadd.s32 v0, v2;
	v2 =	vld [tilespmem:$0x150]  }
0x133: {  	[tilespmem:$0x100] =	vst v1;
	v1 =	vadd.s32 v0, v3;
	v3 =	vld [tilespmem:$0x160]  }
0x134: {  	v61 =	vld [tilespmem:$0x170];
	[tilespmem:$0x110] =	vst v1;
	v1 =	vadd.s32 v0, v58  }
0x135: {  	v62 =	vld [tilespmem:$0x180];
	[tilespmem:$0x120] =	vst v1;
	v1 =	vadd.s32 v0, v59  }
0x136: {  	v63 =	vld [tilespmem:$0x190];
	[tilespmem:$0x130] =	vst v1;
	v1 =	vadd.s32 v0, v60  }
0x137: {  	[tilespmem:$0x140] =	vst v1;
	v1 =	vadd.s32 v0, v2;
	v2 =	vld [tilespmem:$0x1A0]  }
0x138: {  	[tilespmem:$0x150] =	vst v1;
	v1 =	vadd.s32 v0, v3  }
0x139: {  	[tilespmem:$0x160] =	vst v1;
	v1 =	vadd.s32 v0, v61  }
.Ltmp5:
0x13a: {  	[tilespmem:$0x170] =	vst v1;
	v1 =	vadd.s32 v0, v62;
	(pc) =	sbr.rel .LBB2_4-.Ltmp5, $4  }
0x13b: {  	[tilespmem:$0x180] =	vst v1;
	v1 =	vadd.s32 v0, v63  }
0x13c: {  	[tilespmem:$0x190] =	vst v1;
	v1 =	vadd.s32 v0, v2  }
0x13d: {  	[tilespmem:$0x1A0] =	vst v1  }
0x13e: {  	[tilespmem:s19], [sflag:$0x7] =	stream.indirect.gather [hbm4b:s1+s16], $0x20, s3, s16, $0xb8;
	[tilespmem:$0x1FD20] =	vst v63  }
.LBB2_6:
0x13f: {  	_ =	sfence.sel $0x180000  }
0x140: {  	[bflag:$0x0] =	sbarrier.arrive $0xFFFF  }
0x141: {  	_ =	strace $0x9000004A  }
0x142: {  	s0 =	stileid.u32;
	[bflag:$0x2] =	sbarrier.arrive $0xFFFF  }
0x143: {  	p0 =	sne.s32 s0, $0x0;
	s0 =	rddreg [dreg:$0x3]  }
0x144: {  	s0 =	sadd.s32 @!p0 $0x100000, s0  }
0x145: {  	[sflag:s0] =	ssyncadd.tile.s32 @!p0 $0x1;
	_ =	shalt  }
.Lfunc_end2:
_tile_overlayer_lowered:
.L_overlay_start_2:
0x146: {  	(tag) =	ssettag $0x2  }
0x147: {  	s0 =	rddreg [dreg:$0x0];
	s2 =	stileid.u32  }
0x148: {  	s1 =	rddreg [dreg:$0x1];
	p0 =	sne.s32 s2, $0x0  }
0x149: {  	s3 =	rddreg [dreg:$0x2];
	[bflag:$0x3] =	sbarrier.arrive $0xFFFF;
	s2 =	simm.s32 @!p0 $0x1C0B  }
0x14a: {  	[timem:s3], [sflag:s2] =	dma.local @!p0 [hbm:s0], s1  }
0x14b: {  	s0 =	simm.s32 @!p0 $0xB  }
0x14c: {  	_ =	swait.ge @!p0 [sflag:s0], s1  }
0x14d: {  	s1 =	ssub.s32 @!p0 $0x0, s1;
	[sflag:s0] =	ssyncset.done @!p0 $0x0  }
0x14e: {  	[sflag:s0] =	ssyncadd.s32 @!p0 s1  }
0x14f: {  	[bflag:$0x3] =	sbarrier.arrive $0xFFFF  }
0x150: {  	_ =	shalt  }

// kernel: kernel.7.cloned.1.call-start
scs
__scs_entry_jumppad:
0x0: {  	(pc) =	sbr.rel $0x88, $3  }
0x1: {  	(tag) =	ssettag $0x0;
	lr =	simm.s32 $0x1  }
0x2: {  	[smem:$0x3F8F] =	sst lr;
	_ =	strace $0xD0000000  }
0x3: {  	_ = 	snop  }
0x4: {  	_ = 	snop  }
0x5: {  	_ = 	snop  }
0x6: {  	_ = 	snop  }
0x7: {  	_ = 	snop  }
__scs_overlays_trampoline_lowered:
0x8: {  	[smem:$0x3F9E] =	sst s0  }
0x9: {  	[smem:$0x3F9F] =	sst s1  }
0xa: {  	[smem:$0x3FA0] =	sst s2  }
0xb: {  	[smem:$0x3FA1] =	sst s3  }
0xc: {  	[smem:$0x3FA2] =	sst s4  }
0xd: {  	[smem:$0x3FA3] =	sst s5  }
0xe: {  	[smem:$0x3FA4] =	sst s6  }
0xf: {  	[smem:$0x3FA5] =	sst s7  }
0x10: {  	[smem:$0x3FA6] =	sst s8  }
0x11: {  	[smem:$0x3FA7] =	sst s9;
	s0 =	simm.s32 @!p0 $0x0  }
0x12: {  	s1 =	sld [smem:$0x3F8D];
	s0 =	simm.s32 @p0 $0x1  }
0x13: {  	[smem:$0x3FA8] =	sst s0;
	s0 =	simm.s32 @!p1 $0x0  }
0x14: {  	s2 =	sld [smem:$0x3F8C];
	s0 =	simm.s32 @p1 $0x1  }
0x15: {  	[smem:$0x3FA9] =	sst s0;
	s0 =	simm.s32 @!p2 $0x0  }
0x16: {  	s3 =	sld [smem:$0x3FDB];
	s0 =	simm.s32 @p2 $0x1  }
0x17: {  	s4 =	simm.s32 $0x1BF5;
	[smem:$0x3FAB] =	sst s0  }
0x18: {  	s0 =	sld [smem:$0x3F8E];
	_ =	swait.ge [sflag:s4], $0x0  }
0x19: {  	s7 =	sld [smem:$0x3F8F]  }
0x1a: {  	s8 =	sadd.s32 $0xFFFFE003, lr  }
0x1b: {  	s9 =	sadd.s32 $0xFFFFFEF7, lr;
	s5 =	simm.s32 $0xFFFFFFFF;
	p2 =	slt.u32 s8, $0xFFFFF086  }
0x1c: {  	p1 =	slt.u32 s9, $0xF7A;
	s5 =	simm.s32 @!p2 $0x0  }
0x1d: {  	s5 =	simm.s32 @p1 $0x1;
	p0 =	seq.s32 s7, s2  }
0x1e: {  	s7 =	smul.u32 @!p0 $0xF7A, s2;
	p2 =	seq.s32 @!p0 s5, $0x0  }
0x1f: {  	s9 =	smul.u32 $0xF7A, s1;
	s8 =	simm.s32 @!p0 $0x1BF5;
	p2 =	por !p2, p0  }
0x20: {  	[sflag:s8] =	ssyncset.s32 @!p0 $0xFFFFF086;
	s6 =	sadd.s32 @!p0 s3, s7;
	s7 =	simm.s32 @!p0 $0x108  }
0x21: {  	s3 =	sadd.s32 s3, s9;
	s6 =	sadd.s32 @!p0 $0x88, s6;
	s7 =	simm.s32 @p2 $0x1082  }
0x22: {  	[simem:s7], [sflag:s8] =	dma.local @!p0 [hbm:s6], $0xF7A  }
0x23: {  	s9 =	sor.u32 $0xD0000000, s2;
	s6 =	simm.s32 $0x108;
	_ =	swait.ge @!p0 [sflag:s8], $0x0  }
0x24: {  	s3 =	sadd.s32 $0x88, s3;
	s6 =	simm.s32 @!p1 $0x1082;
	[sflag:s4] =	ssyncset.s32 $0xFFFFF086  }
0x25: {  	[simem:s6], [sflag:s4] =	dma.local [hbm:s3], $0xF7A  }
0x26: {  	[smem:$0x3F8F] =	sst s1;
	(tag) =	ssettag s2;
	_ =	strace s9  }
0x27: {  	s1 =	sld [smem:$0x3F9F]  }
0x28: {  	s2 =	sld [smem:$0x3FA0]  }
0x29: {  	s4 =	sld [smem:$0x3FA2]  }
0x2a: {  	p0 =	seq.s32 s5, $0x0;
	s5 =	sld [smem:$0x3FA3]  }
0x2b: {  	s6 =	sld [smem:$0x3FA4]  }
0x2c: {  	s7 =	sld [smem:$0x3FA5]  }
0x2d: {  	s3 =	simm.s32 $0x108;
	s8 =	sld [smem:$0x3FA6]  }
0x2e: {  	s3 =	simm.s32 @!p0 $0x1082;
	s9 =	sld [smem:$0x3FA7]  }
0x2f: {  	lr =	sadd.s32 s0, s3;
	s0 =	sld [smem:$0x3F9E]  }
0x30: {  	s3 =	sld [smem:$0x3FA1]  }
0x31: {  	[smem:$0x3FAA] =	sst s10  }
0x32: {  	s10 =	sld [smem:$0x3FA8];
	_ =	sdelay $0x3  }
0x33: {  	p0 =	seq.s32 s10, $0x1;
	s10 =	sld [smem:$0x3FAA];
	_ =	sdelay $0x3  }
0x34: {  	[smem:$0x3FAA] =	sst s10  }
0x35: {  	s10 =	sld [smem:$0x3FA9];
	_ =	sdelay $0x3  }
0x36: {  	p1 =	seq.s32 s10, $0x1;
	s10 =	sld [smem:$0x3FAA];
	_ =	sdelay $0x3  }
0x37: {  	[smem:$0x3FAA] =	sst s10  }
0x38: {  	s10 =	sld [smem:$0x3FAB]  }
0x39: {  	_ = 	snop;
	(pc) =	sbr.ind lr, $3  }
0x3a: {  	_ = 	snop  }
0x3b: {  	_ = 	snop  }
0x3c: {  	p2 =	seq.s32 s10, $0x1;
	s10 =	sld [smem:$0x3FAA]  }
0x3d: {  	_ =	shalt  }
0x3e: {  	_ =	shalt  }
0x3f: {  	_ =	shalt  }
0x40: {  	_ =	shalt  }
0x41: {  	_ =	shalt  }
0x42: {  	_ =	shalt  }
0x43: {  	_ =	shalt  }
0x44: {  	_ =	shalt  }
0x45: {  	_ =	shalt  }
0x46: {  	_ =	shalt  }
0x47: {  	_ =	shalt  }
0x48: {  	_ =	shalt  }
0x49: {  	_ =	shalt  }
0x4a: {  	_ =	shalt  }
0x4b: {  	_ =	shalt  }
0x4c: {  	_ =	shalt  }
0x4d: {  	_ =	shalt  }
0x4e: {  	_ =	shalt  }
0x4f: {  	_ =	shalt  }
0x50: {  	_ =	shalt  }
0x51: {  	_ =	shalt  }
0x52: {  	_ =	shalt  }
0x53: {  	_ =	shalt  }
0x54: {  	_ =	shalt  }
0x55: {  	_ =	shalt  }
0x56: {  	_ =	shalt  }
0x57: {  	_ =	shalt  }
0x58: {  	_ =	shalt  }
0x59: {  	_ =	shalt  }
0x5a: {  	_ =	shalt  }
0x5b: {  	_ =	shalt  }
0x5c: {  	_ =	shalt  }
0x5d: {  	_ =	shalt  }
0x5e: {  	_ =	shalt  }
0x5f: {  	_ =	shalt  }
0x60: {  	_ =	shalt  }
0x61: {  	_ =	shalt  }
0x62: {  	_ =	shalt  }
0x63: {  	_ =	shalt  }
0x64: {  	_ =	shalt  }
0x65: {  	_ =	shalt  }
0x66: {  	_ =	shalt  }
0x67: {  	_ =	shalt  }
0x68: {  	_ =	shalt  }
0x69: {  	_ =	shalt  }
0x6a: {  	_ =	shalt  }
0x6b: {  	_ =	shalt  }
0x6c: {  	_ =	shalt  }
0x6d: {  	_ =	shalt  }
0x6e: {  	_ =	shalt  }
0x6f: {  	_ =	shalt  }
0x70: {  	_ =	shalt  }
0x71: {  	_ =	shalt  }
0x72: {  	_ =	shalt  }
0x73: {  	_ =	shalt  }
0x74: {  	_ =	shalt  }
0x75: {  	_ =	shalt  }
0x76: {  	_ =	shalt  }
0x77: {  	_ =	shalt  }
0x78: {  	_ =	shalt  }
0x79: {  	_ =	shalt  }
0x7a: {  	_ =	shalt  }
0x7b: {  	_ =	shalt  }
0x7c: {  	_ =	shalt  }
0x7d: {  	_ =	shalt  }
0x7e: {  	_ =	shalt  }
0x7f: {  	_ =	shalt  }
0x80: {  	_ =	shalt  }
0x81: {  	_ =	shalt  }
0x82: {  	_ =	shalt  }
0x83: {  	_ =	shalt  }
0x84: {  	_ =	shalt  }
0x85: {  	_ =	shalt  }
0x86: {  	_ =	shalt  }
0x87: {  	_ =	shalt  }
.Lfunc_end0:
.L_simem_size_0:
called_computation_lowered:
.L_overlay_start_0:
0x88: {  	s2 =	sld [smem:$0x3FD9]  }
0x89: {  	s3 =	sld [smem:$0x3FFE];
	_ =	sdelay $0x1  }
0x8a: {  	s1 =	srdreg.scid  }
0x8b: {  	s0 =	sand.u32 $0x1, s1  }
0x8c: {  	s17 =	sshll.u32 s0, $0xA;
	s2 =	sadd.s32 s3, s2  }
0x8d: {  	s2 =	sadd.s32 s2, s17  }
0x8e: {  	[smem:$0x3FB6] =	sst s2  }
0x8f: {  	_ = 	snop  }
0x90: {  	s2 =	sld [smem:$0x3FD0];
	(tm) =	ssettm $0x1  }
0x91: {  	s18 =	sld [smem:$0x3FFB];
	_ =	sdelay $0x3  }
0x92: {  	_ =	strace s18  }
0x93: {  	s3 =	sld [smem:$0x3FFC];
	_ =	sdelay $0x3  }
0x94: {  	_ =	strace s3  }
0x95: {  	s3 =	sld [smem:$0x3FFD];
	_ =	sdelay $0x3  }
0x96: {  	_ =	strace s3  }
0x97: {  	_ =	strace $0x8FFFFFFF  }
0x98: {  	s19 =	sld [smem:$0x3FDB];
	_ =	sdelay $0x1  }
0x99: {  	s4 =	simm.s32 $_scs_section_size  }
0x9a: {  	s5 =	simm.s32 $_size__tile_overlayer_lowered;
	s6 =	simm.s32 $_tile_overlayer_lowered  }
0x9b: {  	s22 =	simm.s32 $0x1BFF;
	s21 =	sshll.u32 s6, $0x1;
	s3 =	sadd.s32 s4, s19  }
0x9c: {  	s7 =	simm.s32 $0x0;
	s20 =	sshll.u32 s5, $0x1;
	s5 =	sadd.s32 s21, s3  }
0x9d: {  	[timem:s7], [sflag:s22] =	dma.local [hbm:s5], s20  }
0x9e: {  	_ =	swait.ge [sflag:s22], s20  }
0x9f: {  	s4 =	ssub.s32 $0x0, s20;
	[sflag:s22] =	ssyncset.done $0x0  }
0xa0: {  	[sflag:s22] =	ssyncadd.s32 s4;
	_ =	sdelay $0x1  }
0xa1: {  	s23 =	simm.s32 $0x1B8B  }
0xa2: {  	_ =	swait.ge [sflag:s23], $0x1  }
0xa3: {  	[sflag:s23] =	ssyncset.done $0x0  }
0xa4: {  	s25 =	simm.s32 $0x1B8E;
	s24 =	sld [smem:$0x3FFE];
	[sflag:s23] =	ssyncadd.s32 $0xFFFFFFFF  }
0xa5: {  	s26 =	simm.s32 $execute0_lowered;
	[smem:$0x3FD2] =	sst s25  }
0xa6: {  	s5 =	sshll.u32 s26, $0x1;
	_ =	strace $0x80000046;
	[dreg:$0x1] =	wrdreg $0xFFFFFFFF  }
0xa7: {  	s28 =	simm.s32 $_size_execute0_lowered;
	s3 =	sadd.s32 s3, s5;
	[dreg:$0x0] =	wrdreg $0x0  }
0xa8: {  	s5 =	sshll.u32 s28, $0x1;
	[dreg:$0x2] =	wrdreg s3  }
0xa9: {  	[dreg:$0x3] =	wrdreg s5  }
0xaa: {  	[dreg:$0x4] =	wrdreg $0xC0  }
0xab: {  	_ =	task [dreg:s7], $0x5FFFF  }
0xac: {  	[dreg:$0x1] =	wrdreg $0xFFFFFFFF  }
0xad: {  	[dreg:$0x0] =	wrdreg $0x60  }
0xae: {  	[dreg:$0x2] =	wrdreg s2  }
0xaf: {  	[dreg:$0x3] =	wrdreg s24  }
0xb0: {  	[dreg:$0x4] =	wrdreg $0x76200  }
0xb1: {  	[dreg:$0x5] =	wrdreg $0x9  }
0xb2: {  	_ =	task.clear_ibuf [dreg:s7], $0x6FFFF;
	_ =	strace $0x90000046  }
0xb3: {  	s29 =	simm.s32 $0x9;
	_ =	strace $0x80000048  }
0xb4: {  	_ =	swait.ge [sflag:s29], $0x1  }
0xb5: {  	[sflag:s29] =	ssyncadd.s32 $0xFFFFFFFF  }
0xb6: {  	_ =	strace $0x90000048  }
0xb7: {  	_ =	sfence  }
0xb8: {  	s30 =	sld [smem:$0x0];
	_ =	sdelay $0x2  }
0xb9: {  	s31 =	sshll.u32 s1, $0xD;
	s1 =	sshrl.u32 s1, $0x2  }
0xba: {  	s3 =	sand.u32 $0x4000, s31;
	s1 =	sadd.s32 s1, s30  }
0xbb: {  	s0 =	sor.u32 s3, s0;
	s1 =	sshll.u32 s1, $0x11  }
0xbc: {  	s0 =	sor.u32 s1, s0  }
0xbd: {  	s0 =	sadd.s32 $0x8F2B, s0  }
0xbe: {  	[sflag:s0] =	ssyncadd.remote.s32 $0x1  }
0xbf: {  	_ =	sfence.sel $0xFFFF  }
0xc0: {  	[dreg:$0x0] =	wrdreg $0xFFFFFFFF;
	(pc) =	sbr.abs _section_cstart, $3  }
0xc1: {  	[dreg:$0x1] =	wrdreg $0xFFFFFFFF  }
0xc2: {  	_ =	task.clear_ibuf [dreg:s7], $0x2FFFF;
	_ =	strace $0x9FFFFFFF  }
0xc3: {  	(tm) =	ssettm $0x7FFFFFFF  }
tec
execute0_lowered:
.L_overlay_start_1:
0x0: {  	(tag) =	ssettag $0x1  }
0x1: {  	s1 =	rddreg [dreg:$0x0]  }
0x2: {  	s0 =	rddreg [dreg:$0x1]  }
0x3: {  	s2 =	rddreg [dreg:$0x2]  }
0x4: {  	s3 =	simm.s32 $0x0;
	s5 =	srdreg.scid;
	s20 =	stileid.u32  }
0x5: {  	s28 =	simm.s32 $0x7;
	s29 =	simm.s32 $0x6C0;
	s30 =	simm.s32 $0x9  }
0x6: {  	s31 =	simm.s32 $0x5;
	[smem:$0x7FF] =	sst s3;
	s7 =	smul.u32 $0xC3C0, s20  }
0x7: {  	s4 =	sadd.s32 $0x1AC00, s0;
	s6 =	sadd.s32 $0x2400, s0;
	s14 =	smul.u32 $0x61C00, s20  }
0x8: {  	s5 =	sand.u32 $0x1, s5;
	s8 =	sadd.s32 $0x33400, s0;
	s16 =	smul.u32 $0xFA0, s20  }
0x9: {  	s0 =	sadd.s32 $0x36600, s0;
	s17 =	sor.u32 $0x10, s20;
	s12 =	smul.u32 $0x3E800, s20  }
0xa: {  	s22 =	smul.u32 $0x1878, s20;
	p0 =	sgt.u32 s20, $0x8;
	_ =	strace $0x80000047  }
0xb: {  	[dreg:$0x4] =	wrdreg s8;
	s24 =	ssub.s32 $0x2, s5;
	s10 =	smul.u32 $0x7D0, s5  }
0xc: {  	s18 =	smul.u32 $0xFA0, s17;
	s9 =	sshrl.u32 s24, $0x1;
	s25 =	sshrl.u32 s7, $0x3  }
0xd: {  	s8 =	sshrl.u32 s14, $0x2;
	s21 =	sshrl.u32 s12, $0x2;
	s14 =	sadd.s32 s22, s4  }
0xe: {  	s7 =	simm.s32 $0x3;
	s26 =	ssub.s32 s24, s9;
	s13 =	sadd.s32 s4, s25  }
0xf: {  	s15 =	sadd.s32 s6, s25;
	s5 =	sadd.s32 $0x36, s25;
	s9 =	sadd.s32 s10, s16  }
0x10: {  	s8 =	sadd.s32 s8, s2;
	s19 =	sadd.s32 s10, s18;
	[dreg:$0x5] =	wrdreg s13  }
0x11: {  	s16 =	simm.s32 $0x1B0;
	s18 =	simm.s32 $0x1;
	[dreg:$0x6] =	wrdreg s15  }
0x12: {  	s11 =	sadd.s32 s4, s5;
	s5 =	sadd.s32 s6, s5;
	s9 =	sshll.u32 s9, $0x2  }
0x13: {  	s24 =	smax.u32 s26, $0x1;
	s13 =	sadd.s32 s22, s6;
	s15 =	simm.s32 $0x360  }
0x14: {  	s25 =	sshrl.u32 s8, $0x3;
	s22 =	simm.s32 $0x2;
	s4 =	simm.s32 $0x870  }
0x15: {  	s6 =	simm.s32 $0x6;
	s8 =	simm.s32 $0x0;
	[dreg:$0x7] =	wrdreg s11  }
0x16: {  	[dreg:$0x8] =	wrdreg s5;
	s9 =	sadd.s32 s0, s9;
	s5 =	smul.u32 $0x3E800, s17  }
0x17: {  	s11 =	sadd.s32 s21, s2;
	[dreg:$0xb] =	wrdreg s24;
	s17 =	simm.s32 $0x510  }
0x18: {  	[dreg:$0xc] =	wrdreg s25;
	s21 =	simm.s32 $0xB;
	s25 =	simm.s32 $0x4  }
.Ltmp0:
0x19: {  	[dreg:$0x9] =	wrdreg s9;
	s9 =	sshll.u32 s19, $0x2;
	(pc) =	sbr.rel .LBB2_1-.Ltmp0, $4  }
0x1a: {  	s19 =	simm.s32 $0xA20;
	s0 =	sadd.s32 s0, s9;
	s23 =	sshrl.u32 s5, $0x2  }
0x1b: {  	s26 =	sshrl.u32 s11, $0x3;
	[dreg:$0xa] =	wrdreg s0;
	s0 =	sadd.s32 s23, s2  }
0x1c: {  	[dreg:$0xd] =	wrdreg s26;
	s26 =	simm.s32 $0x4020;
	s0 =	sshrl.u32 @!p0 s0, $0x3  }
0x1d: {  	v0 =	vmov s10;
	s5 =	simm.s32 $0xA;
	[dreg:$0xe] =	wrdreg s0;
	s0 =	simm.s32 $0x8  }
.LBB2_5:
0x1e: {  	_ =	swait.ge [sflag:s5], $0x3600  }
0x1f: {  	[sflag:s5] =	ssyncset.done $0x0  }
0x20: {  	[sflag:s5] =	ssyncadd.s32 $0xFFFFCA00  }
0x21: {  	[bflag:$0x0] =	sbarrier.arrive $0xFFFF  }
0x22: {  	s10 =	rddreg [dreg:$0x9]  }
0x23: {  	s11 =	rddreg [dreg:$0xd]  }
0x24: {  	[hbm:s10], [sflag:s9] =	dma.local [spmem:s11], $0x1F40  }
0x25: {  	_ =	swait.ge [sflag:s21], $0x1F40  }
0x26: {  	[sflag:s21] =	ssyncset.done $0x0;
	s10 =	rddreg [dreg:$0xa]  }
0x27: {  	s11 =	rddreg [dreg:$0xe];
	[sflag:s21] =	ssyncadd.s32 $0xFFFFE0C0  }
0x28: {  	[hbm:s10], [sflag:s9] =	dma.local @!p0 [spmem:s11], $0x1F40  }
0x29: {  	s9 =	simm.s32 @!p0 $0xB  }
0x2a: {  	_ =	swait.ge @!p0 [sflag:s9], $0x1F40  }
0x2b: {  	s8 =	sadd.s32 $0x1, s8;
	s24 =	rddreg [dreg:$0xb]  }
0x2c: {  	p1 =	sne.s32 s8, s24  }
.Ltmp1:
0x2d: {  	_ = 	snop;
	(pc) =	sbr.rel @!p1 .LBB2_6-.Ltmp1, $3  }
0x2e: {  	_ =	sdelay $0x1  }
0x2f: {  	[sflag:s9] =	ssyncset.done @!p0 $0x0  }
0x30: {  	[sflag:s9] =	ssyncadd.s32 @!p0 $0xFFFFE0C0  }
.LBB2_1:
0x31: {  	s9 =	rddreg [dreg:$0x5]  }
0x32: {  	[tilespmem:s3], [sflag:$0x1] =	stream.linear.gather [hbm4b:s9+s3], $0x1B0, $0x38;
	[tilespmem:$0x1FD20] =	vst v63  }
0x33: {  	s12 =	rddreg [dreg:$0x6]  }
0x34: {  	[tilespmem:s15], [sflag:$0x3] =	stream.linear.gather [hbm4b:s12+s3], $0x1B0, $0x38;
	[tilespmem:$0x1FD20] =	vst v63  }
0x35: {  	s20 =	rddreg [dreg:$0x7]  }
0x36: {  	[tilespmem:s16], [sflag:$0x2] =	stream.linear.gather [hbm4b:s20+s3], $0x1B0, $0x38;
	[tilespmem:$0x1FD20] =	vst v63  }
0x37: {  	s23 =	rddreg [dreg:$0x8]  }
0x38: {  	[tilespmem:s17], [sflag:$0x4] =	stream.linear.gather [hbm4b:s23+s3], $0x1B0, $0x38;
	[tilespmem:$0x1FD20] =	vst v63  }
0x39: {  	_ =	swait.ge [sflag:s18], $0x1B0  }
0x3a: {  	[sflag:s18] =	ssyncset.done $0x0  }
0x3b: {  	[sflag:s18] =	ssyncadd.s32 $0xFFFFFE50  }
0x3c: {  	_ =	swait.ge [sflag:s7], $0x1B0  }
0x3d: {  	[sflag:s7] =	ssyncset.done $0x0  }
0x3e: {  	[sflag:s7] =	ssyncadd.s32 $0xFFFFFE50  }
0x3f: {  	v1 =	vld [tilespmem:$0x0]  }
0x40: {  	v2 =	vld [tilespmem:$0x10]  }
0x41: {  	v3 =	vld [tilespmem:$0x20]  }
0x42: {  	v4 =	vld [tilespmem:$0x30]  }
0x43: {  	v5 =	vld [tilespmem:$0x40]  }
0x44: {  	v6 =	vld [tilespmem:$0x50];
	v1 =	vadd.s32 v0, v1  }
0x45: {  	[tilespmem:$0x0] =	vst v1;
	v1 =	vadd.s32 v0, v2;
	v2 =	vld [tilespmem:$0x60]  }
0x46: {  	[tilespmem:$0x10] =	vst v1;
	v1 =	vadd.s32 v0, v3;
	v3 =	vld [tilespmem:$0x70]  }
0x47: {  	v52 =	vld [tilespmem:$0x80];
	[tilespmem:$0x20] =	vst v1;
	v1 =	vadd.s32 v0, v4  }
0x48: {  	v53 =	vld [tilespmem:$0x90];
	[tilespmem:$0x30] =	vst v1;
	v1 =	vadd.s32 v0, v5  }
0x49: {  	v54 =	vld [tilespmem:$0xA0];
	[tilespmem:$0x40] =	vst v1;
	v1 =	vadd.s32 v0, v6  }
0x4a: {  	[tilespmem:$0x50] =	vst v1;
	v1 =	vadd.s32 v0, v2;
	v2 =	vld [tilespmem:$0xB0]  }
0x4b: {  	[tilespmem:$0x60] =	vst v1;
	v1 =	vadd.s32 v0, v3;
	v3 =	vld [tilespmem:$0xC0]  }
0x4c: {  	v55 =	vld [tilespmem:$0xD0];
	[tilespmem:$0x70] =	vst v1;
	v1 =	vadd.s32 v0, v52  }
0x4d: {  	v56 =	vld [tilespmem:$0xE0];
	[tilespmem:$0x80] =	vst v1;
	v1 =	vadd.s32 v0, v53  }
0x4e: {  	v57 =	vld [tilespmem:$0xF0];
	[tilespmem:$0x90] =	vst v1;
	v1 =	vadd.s32 v0, v54  }
0x4f: {  	[tilespmem:$0xA0] =	vst v1;
	v1 =	vadd.s32 v0, v2;
	v2 =	vld [tilespmem:$0x100]  }
0x50: {  	[tilespmem:$0xB0] =	vst v1;
	v1 =	vadd.s32 v0, v3;
	v3 =	vld [tilespmem:$0x110]  }
0x51: {  	v58 =	vld [tilespmem:$0x120];
	[tilespmem:$0xC0] =	vst v1;
	v1 =	vadd.s32 v0, v55  }
0x52: {  	v59 =	vld [tilespmem:$0x130];
	[tilespmem:$0xD0] =	vst v1;
	v1 =	vadd.s32 v0, v56  }
0x53: {  	v60 =	vld [tilespmem:$0x140];
	[tilespmem:$0xE0] =	vst v1;
	v1 =	vadd.s32 v0, v57  }
0x54: {  	[tilespmem:$0xF0] =	vst v1;
	v1 =	vadd.s32 v0, v2;
	v2 =	vld [tilespmem:$0x150]  }
0x55: {  	[tilespmem:$0x100] =	vst v1;
	v1 =	vadd.s32 v0, v3;
	v3 =	vld [tilespmem:$0x160]  }
0x56: {  	v61 =	vld [tilespmem:$0x170];
	[tilespmem:$0x110] =	vst v1;
	v1 =	vadd.s32 v0, v58  }
0x57: {  	v62 =	vld [tilespmem:$0x180];
	[tilespmem:$0x120] =	vst v1;
	v1 =	vadd.s32 v0, v59  }
0x58: {  	v63 =	vld [tilespmem:$0x190];
	[tilespmem:$0x130] =	vst v1;
	v1 =	vadd.s32 v0, v60  }
0x59: {  	[tilespmem:$0x140] =	vst v1;
	v1 =	vadd.s32 v0, v2;
	v2 =	vld [tilespmem:$0x1A0]  }
0x5a: {  	[tilespmem:$0x150] =	vst v1;
	v1 =	vadd.s32 v0, v3  }
0x5b: {  	[tilespmem:$0x160] =	vst v1;
	v1 =	vadd.s32 v0, v61  }
0x5c: {  	[tilespmem:$0x170] =	vst v1;
	v1 =	vadd.s32 v0, v62  }
0x5d: {  	s24 =	stileid.u32;
	[tilespmem:$0x180] =	vst v1;
	v1 =	vadd.s32 v0, v63  }
0x5e: {  	s9 =	sshll.u32 s24, $0x6;
	s10 =	rddreg [dreg:$0x4];
	[tilespmem:$0x190] =	vst v1;
	v1 =	vadd.s32 v0, v2  }
0x5f: {  	s9 =	sor.u32 $0x1C0B, s9;
	s11 =	rddreg [dreg:$0xc];
	[tilespmem:$0x1A0] =	vst v1  }
0x60: {  	[tilespmem:s19], [sflag:$0x7] =	stream.indirect.gather [hbm4b:s1+s16], $0x20, s3, s16, $0xb8;
	[tilespmem:$0x1FD20] =	vst v63  }
0x61: {  	[spmem:s11], [sflag:s9] =	dma.local [hbm:s10], $0x30E0  }
.Ltmp2:
0x62: {  	_ =	swait.ge [sflag:s21], $0x30E0;
	(pc) =	sbr.rel .LBB2_2-.Ltmp2, $4  }
0x63: {  	[sflag:s21] =	ssyncset.done $0x0  }
0x64: {  	[sflag:s21] =	ssyncadd.s32 $0xFFFFCF20  }
0x65: {  	[bflag:$0x0] =	sbarrier.arrive $0xFFFF  }
0x66: {  	s12 =	simm.s32 $0x0;
	s10 =	simm.s32 $0x3;
	s11 =	simm.s32 $0x0  }
.LBB2_4:
0x67: {  	_ =	swait.ge [sflag:s0], $0x3600  }
0x68: {  	p1 =	sgt.u32 s10, $0x71;
	[sflag:s0] =	ssyncset.done $0x0  }
0x69: {  	s20 =	sadd.s32 @!p1 s11, s14;
	[sflag:s0] =	ssyncadd.s32 $0xFFFFCA00  }
0x6a: {  	[spmem:s2] =	stream.indirect.scatter.add.f32 [tilespmem:s26], [sflag:$0xA], $0x20, s4, s16, $0xb8;
	[tilespmem:$0x1FD20] =	vst v63  }
0x6b: {  	s23 =	simm.s32 @!p1 $0x0;
	s24 =	simm.s32 @!p1 $0x1B0;
	s20 =	sadd.s32 @!p1 $0x10E, s20  }
0x6c: {  	[tilespmem:s24], [sflag:$0x2] =	stream.linear.gather @!p1 [hbm4b:s20+s23], $0x1B0, $0x38;
	[tilespmem:$0x1FD20] =	vst v63  }
0x6d: {  	s20 =	sadd.s32 @!p1 s11, s13  }
0x6e: {  	s24 =	simm.s32 @!p1 $0x510;
	s11 =	sadd.s32 $0xD8, s11;
	s20 =	sadd.s32 @!p1 $0x10E, s20  }
0x6f: {  	[tilespmem:s24], [sflag:$0x4] =	stream.linear.gather @!p1 [hbm4b:s20+s23], $0x1B0, $0x38;
	[tilespmem:$0x1FD20] =	vst v63  }
0x70: {  	p1 =	sne.s32 s11, $0x1878  }
.Ltmp3:
0x71: {  	_ = 	snop;
	(pc) =	sbr.rel @!p1 .LBB2_5-.Ltmp3, $2  }
0x72: {  	_ =	sdelay $0x2  }
0x73: {  	s12 =	sadd.s32 $0x1, s12;
	s10 =	sadd.s32 $0x4, s10  }
.LBB2_2:
0x74: {  	p1 =	seq.s32 s11, $0x0  }
0x75: {  	s20 =	simm.s32 @!p1 $0xA  }
0x76: {  	_ =	swait.ge @!p1 [sflag:s20], $0x3600  }
0x77: {  	[sflag:s20] =	ssyncset.done @!p1 $0x0  }
0x78: {  	[sflag:s20] =	ssyncadd.s32 @!p1 $0xFFFFCA00  }
0x79: {  	_ =	swait.ge [sflag:s22], $0x1B0  }
0x7a: {  	[sflag:s22] =	ssyncset.done $0x0  }
0x7b: {  	[sflag:s22] =	ssyncadd.s32 $0xFFFFFE50  }
0x7c: {  	_ =	swait.ge [sflag:s25], $0x1B0  }
0x7d: {  	[sflag:s25] =	ssyncset.done $0x0  }
0x7e: {  	[sflag:s25] =	ssyncadd.s32 $0xFFFFFE50  }
0x7f: {  	v1 =	vld [tilespmem:$0x1B0]  }
0x80: {  	v2 =	vld [tilespmem:$0x1C0]  }
0x81: {  	v3 =	vld [tilespmem:$0x1D0]  }
0x82: {  	v4 =	vld [tilespmem:$0x1E0]  }
0x83: {  	v5 =	vld [tilespmem:$0x1F0]  }
0x84: {  	v6 =	vld [tilespmem:$0x200];
	v1 =	vadd.s32 v0, v1  }
0x85: {  	[tilespmem:$0x1B0] =	vst v1;
	v1 =	vadd.s32 v0, v2;
	v2 =	vld [tilespmem:$0x210]  }
0x86: {  	[tilespmem:$0x1C0] =	vst v1;
	v1 =	vadd.s32 v0, v3;
	v3 =	vld [tilespmem:$0x220]  }
0x87: {  	v22 =	vld [tilespmem:$0x230];
	[tilespmem:$0x1D0] =	vst v1;
	v1 =	vadd.s32 v0, v4  }
0x88: {  	v23 =	vld [tilespmem:$0x240];
	[tilespmem:$0x1E0] =	vst v1;
	v1 =	vadd.s32 v0, v5  }
0x89: {  	v24 =	vld [tilespmem:$0x250];
	[tilespmem:$0x1F0] =	vst v1;
	v1 =	vadd.s32 v0, v6  }
0x8a: {  	[tilespmem:$0x200] =	vst v1;
	v1 =	vadd.s32 v0, v2;
	v2 =	vld [tilespmem:$0x260]  }
0x8b: {  	[tilespmem:$0x210] =	vst v1;
	v1 =	vadd.s32 v0, v3;
	v3 =	vld [tilespmem:$0x270]  }
0x8c: {  	v25 =	vld [tilespmem:$0x280];
	[tilespmem:$0x220] =	vst v1;
	v1 =	vadd.s32 v0, v22  }
0x8d: {  	v26 =	vld [tilespmem:$0x290];
	[tilespmem:$0x230] =	vst v1;
	v1 =	vadd.s32 v0, v23  }
0x8e: {  	v27 =	vld [tilespmem:$0x2A0];
	[tilespmem:$0x240] =	vst v1;
	v1 =	vadd.s32 v0, v24  }
0x8f: {  	[tilespmem:$0x250] =	vst v1;
	v1 =	vadd.s32 v0, v2;
	v2 =	vld [tilespmem:$0x2B0]  }
0x90: {  	[tilespmem:$0x260] =	vst v1;
	v1 =	vadd.s32 v0, v3;
	v3 =	vld [tilespmem:$0x2C0]  }
0x91: {  	v28 =	vld [tilespmem:$0x2D0];
	[tilespmem:$0x270] =	vst v1;
	v1 =	vadd.s32 v0, v25  }
0x92: {  	v29 =	vld [tilespmem:$0x2E0];
	[tilespmem:$0x280] =	vst v1;
	v1 =	vadd.s32 v0, v26  }
0x93: {  	v30 =	vld [tilespmem:$0x2F0];
	[tilespmem:$0x290] =	vst v1;
	v1 =	vadd.s32 v0, v27  }
0x94: {  	[tilespmem:$0x2A0] =	vst v1;
	v1 =	vadd.s32 v0, v2;
	v2 =	vld [tilespmem:$0x300]  }
0x95: {  	[tilespmem:$0x2B0] =	vst v1;
	v1 =	vadd.s32 v0, v3;
	v3 =	vld [tilespmem:$0x310]  }
0x96: {  	v31 =	vld [tilespmem:$0x320];
	[tilespmem:$0x2C0] =	vst v1;
	v1 =	vadd.s32 v0, v28  }
0x97: {  	v32 =	vld [tilespmem:$0x330];
	[tilespmem:$0x2D0] =	vst v1;
	v1 =	vadd.s32 v0, v29  }
0x98: {  	v33 =	vld [tilespmem:$0x340];
	[tilespmem:$0x2E0] =	vst v1;
	v1 =	vadd.s32 v0, v30  }
0x99: {  	[tilespmem:$0x2F0] =	vst v1;
	v1 =	vadd.s32 v0, v2;
	v2 =	vld [tilespmem:$0x350]  }
0x9a: {  	[tilespmem:$0x300] =	vst v1;
	v1 =	vadd.s32 v0, v3  }
0x9b: {  	[tilespmem:$0x310] =	vst v1;
	v1 =	vadd.s32 v0, v31  }
0x9c: {  	[tilespmem:$0x320] =	vst v1;
	v1 =	vadd.s32 v0, v32  }
0x9d: {  	[tilespmem:$0x330] =	vst v1;
	v1 =	vadd.s32 v0, v33  }
0x9e: {  	[tilespmem:$0x340] =	vst v1;
	v1 =	vadd.s32 v0, v2  }
0x9f: {  	[tilespmem:$0x350] =	vst v1  }
0xa0: {  	[tilespmem:s26], [sflag:$0x8] =	stream.indirect.gather [hbm4b:s1+s16], $0x20, s16, s16, $0xb8;
	[tilespmem:$0x1FD20] =	vst v63  }
0xa1: {  	_ =	swait.ge [sflag:s28], $0x3600  }
0xa2: {  	[sflag:s28] =	ssyncset.done $0x0  }
0xa3: {  	s20 =	sadd.s32 s11, s14;
	[sflag:s28] =	ssyncadd.s32 $0xFFFFCA00  }
0xa4: {  	[spmem:s2] =	stream.indirect.scatter.add.f32 [tilespmem:s19], [sflag:$0x9], $0x20, s15, s16, $0xb8;
	[tilespmem:$0x1FD20] =	vst v63  }
0xa5: {  	s23 =	sadd.s32 $0x6C, s20  }
0xa6: {  	[tilespmem:s3], [sflag:$0x1] =	stream.linear.gather [hbm4b:s23+s3], $0x1B0, $0x38;
	[tilespmem:$0x1FD20] =	vst v63  }
0xa7: {  	s23 =	sadd.s32 s11, s13  }
0xa8: {  	s24 =	sadd.s32 $0x6C, s23  }
0xa9: {  	[tilespmem:s29], [sflag:$0x5] =	stream.linear.gather [hbm4b:s24+s3], $0x1B0, $0x38;
	[tilespmem:$0x1FD20] =	vst v63  }
0xaa: {  	_ =	swait.ge [sflag:s30], $0x3600  }
0xab: {  	[sflag:s30] =	ssyncset.done $0x0  }
0xac: {  	[sflag:s30] =	ssyncadd.s32 $0xFFFFCA00  }
0xad: {  	_ =	swait.ge [sflag:s18], $0x1B0  }
0xae: {  	[sflag:s18] =	ssyncset.done $0x0  }
0xaf: {  	[sflag:s18] =	ssyncadd.s32 $0xFFFFFE50  }
0xb0: {  	_ =	swait.ge [sflag:s31], $0x1B0  }
0xb1: {  	[sflag:s31] =	ssyncset.done $0x0  }
0xb2: {  	[sflag:s31] =	ssyncadd.s32 $0xFFFFFE50  }
0xb3: {  	v1 =	vld [tilespmem:$0x0]  }
0xb4: {  	v2 =	vld [tilespmem:$0x10]  }
0xb5: {  	v3 =	vld [tilespmem:$0x20]  }
0xb6: {  	v34 =	vld [tilespmem:$0x30]  }
0xb7: {  	v35 =	vld [tilespmem:$0x40]  }
0xb8: {  	v36 =	vld [tilespmem:$0x50];
	v1 =	vadd.s32 v0, v1  }
0xb9: {  	[tilespmem:$0x0] =	vst v1;
	v1 =	vadd.s32 v0, v2;
	v2 =	vld [tilespmem:$0x60]  }
0xba: {  	[tilespmem:$0x10] =	vst v1;
	v1 =	vadd.s32 v0, v3;
	v3 =	vld [tilespmem:$0x70]  }
0xbb: {  	v37 =	vld [tilespmem:$0x80];
	[tilespmem:$0x20] =	vst v1;
	v1 =	vadd.s32 v0, v34  }
0xbc: {  	v38 =	vld [tilespmem:$0x90];
	[tilespmem:$0x30] =	vst v1;
	v1 =	vadd.s32 v0, v35  }
0xbd: {  	v39 =	vld [tilespmem:$0xA0];
	[tilespmem:$0x40] =	vst v1;
	v1 =	vadd.s32 v0, v36  }
0xbe: {  	[tilespmem:$0x50] =	vst v1;
	v1 =	vadd.s32 v0, v2;
	v2 =	vld [tilespmem:$0xB0]  }
0xbf: {  	[tilespmem:$0x60] =	vst v1;
	v1 =	vadd.s32 v0, v3;
	v3 =	vld [tilespmem:$0xC0]  }
0xc0: {  	v40 =	vld [tilespmem:$0xD0];
	[tilespmem:$0x70] =	vst v1;
	v1 =	vadd.s32 v0, v37  }
0xc1: {  	v41 =	vld [tilespmem:$0xE0];
	[tilespmem:$0x80] =	vst v1;
	v1 =	vadd.s32 v0, v38  }
0xc2: {  	v42 =	vld [tilespmem:$0xF0];
	[tilespmem:$0x90] =	vst v1;
	v1 =	vadd.s32 v0, v39  }
0xc3: {  	[tilespmem:$0xA0] =	vst v1;
	v1 =	vadd.s32 v0, v2;
	v2 =	vld [tilespmem:$0x100]  }
0xc4: {  	[tilespmem:$0xB0] =	vst v1;
	v1 =	vadd.s32 v0, v3;
	v3 =	vld [tilespmem:$0x110]  }
0xc5: {  	v43 =	vld [tilespmem:$0x120];
	[tilespmem:$0xC0] =	vst v1;
	v1 =	vadd.s32 v0, v40  }
0xc6: {  	v44 =	vld [tilespmem:$0x130];
	[tilespmem:$0xD0] =	vst v1;
	v1 =	vadd.s32 v0, v41  }
0xc7: {  	v45 =	vld [tilespmem:$0x140];
	[tilespmem:$0xE0] =	vst v1;
	v1 =	vadd.s32 v0, v42  }
0xc8: {  	[tilespmem:$0xF0] =	vst v1;
	v1 =	vadd.s32 v0, v2;
	v2 =	vld [tilespmem:$0x150]  }
0xc9: {  	[tilespmem:$0x100] =	vst v1;
	v1 =	vadd.s32 v0, v3;
	v3 =	vld [tilespmem:$0x160]  }
0xca: {  	v46 =	vld [tilespmem:$0x170];
	[tilespmem:$0x110] =	vst v1;
	v1 =	vadd.s32 v0, v43  }
0xcb: {  	v47 =	vld [tilespmem:$0x180];
	[tilespmem:$0x120] =	vst v1;
	v1 =	vadd.s32 v0, v44  }
0xcc: {  	v48 =	vld [tilespmem:$0x190];
	[tilespmem:$0x130] =	vst v1;
	v1 =	vadd.s32 v0, v45  }
0xcd: {  	[tilespmem:$0x140] =	vst v1;
	v1 =	vadd.s32 v0, v2;
	v2 =	vld [tilespmem:$0x1A0]  }
0xce: {  	[tilespmem:$0x150] =	vst v1;
	v1 =	vadd.s32 v0, v3  }
0xcf: {  	[tilespmem:$0x160] =	vst v1;
	v1 =	vadd.s32 v0, v46  }
0xd0: {  	[tilespmem:$0x170] =	vst v1;
	v1 =	vadd.s32 v0, v47  }
0xd1: {  	[tilespmem:$0x180] =	vst v1;
	v1 =	vadd.s32 v0, v48  }
0xd2: {  	[tilespmem:$0x190] =	vst v1;
	v1 =	vadd.s32 v0, v2  }
0xd3: {  	[tilespmem:$0x1A0] =	vst v1  }
0xd4: {  	[tilespmem:s19], [sflag:$0x7] =	stream.indirect.gather [hbm4b:s1+s16], $0x20, s3, s16, $0xb8;
	[tilespmem:$0x1FD20] =	vst v63  }
0xd5: {  	_ =	swait.ge [sflag:s0], $0x3600  }
0xd6: {  	[sflag:s0] =	ssyncset.done $0x0  }
0xd7: {  	[sflag:s0] =	ssyncadd.s32 $0xFFFFCA00  }
0xd8: {  	[spmem:s2] =	stream.indirect.scatter.add.f32 [tilespmem:s26], [sflag:$0xA], $0x20, s17, s16, $0xb8;
	[tilespmem:$0x1FD20] =	vst v63  }
0xd9: {  	s20 =	sadd.s32 $0xA2, s20  }
0xda: {  	[tilespmem:s16], [sflag:$0x2] =	stream.linear.gather [hbm4b:s20+s3], $0x1B0, $0x38;
	[tilespmem:$0x1FD20] =	vst v63  }
0xdb: {  	s24 =	sadd.s32 $0xA2, s23  }
0xdc: {  	[tilespmem:s4], [sflag:$0x6] =	stream.linear.gather [hbm4b:s24+s3], $0x1B0, $0x38;
	[tilespmem:$0x1FD20] =	vst v63  }
0xdd: {  	_ =	swait.ge [sflag:s5], $0x3600  }
0xde: {  	[sflag:s5] =	ssyncset.done $0x0  }
0xdf: {  	[sflag:s5] =	ssyncadd.s32 $0xFFFFCA00  }
0xe0: {  	_ =	swait.ge [sflag:s22], $0x1B0  }
0xe1: {  	[sflag:s22] =	ssyncset.done $0x0  }
0xe2: {  	[sflag:s22] =	ssyncadd.s32 $0xFFFFFE50  }
0xe3: {  	_ =	swait.ge [sflag:s6], $0x1B0  }
0xe4: {  	[sflag:s6] =	ssyncset.done $0x0  }
0xe5: {  	[sflag:s6] =	ssyncadd.s32 $0xFFFFFE50  }
0xe6: {  	v1 =	vld [tilespmem:$0x1B0]  }
0xe7: {  	v2 =	vld [tilespmem:$0x1C0]  }
0xe8: {  	v3 =	vld [tilespmem:$0x1D0]  }
0xe9: {  	v49 =	vld [tilespmem:$0x1E0]  }
0xea: {  	v50 =	vld [tilespmem:$0x1F0]  }
0xeb: {  	v51 =	vld [tilespmem:$0x200];
	v1 =	vadd.s32 v0, v1  }
0xec: {  	[tilespmem:$0x1B0] =	vst v1;
	v1 =	vadd.s32 v0, v2;
	v2 =	vld [tilespmem:$0x210]  }
0xed: {  	[tilespmem:$0x1C0] =	vst v1;
	v1 =	vadd.s32 v0, v3;
	v3 =	vld [tilespmem:$0x220]  }
0xee: {  	v52 =	vld [tilespmem:$0x230];
	[tilespmem:$0x1D0] =	vst v1;
	v1 =	vadd.s32 v0, v49  }
0xef: {  	v53 =	vld [tilespmem:$0x240];
	[tilespmem:$0x1E0] =	vst v1;
	v1 =	vadd.s32 v0, v50  }
0xf0: {  	v54 =	vld [tilespmem:$0x250];
	[tilespmem:$0x1F0] =	vst v1;
	v1 =	vadd.s32 v0, v51  }
0xf1: {  	[tilespmem:$0x200] =	vst v1;
	v1 =	vadd.s32 v0, v2;
	v2 =	vld [tilespmem:$0x260]  }
0xf2: {  	[tilespmem:$0x210] =	vst v1;
	v1 =	vadd.s32 v0, v3;
	v3 =	vld [tilespmem:$0x270]  }
0xf3: {  	v55 =	vld [tilespmem:$0x280];
	[tilespmem:$0x220] =	vst v1;
	v1 =	vadd.s32 v0, v52  }
0xf4: {  	v56 =	vld [tilespmem:$0x290];
	[tilespmem:$0x230] =	vst v1;
	v1 =	vadd.s32 v0, v53  }
0xf5: {  	v57 =	vld [tilespmem:$0x2A0];
	[tilespmem:$0x240] =	vst v1;
	v1 =	vadd.s32 v0, v54  }
0xf6: {  	[tilespmem:$0x250] =	vst v1;
	v1 =	vadd.s32 v0, v2;
	v2 =	vld [tilespmem:$0x2B0]  }
0xf7: {  	[tilespmem:$0x260] =	vst v1;
	v1 =	vadd.s32 v0, v3;
	v3 =	vld [tilespmem:$0x2C0]  }
0xf8: {  	v58 =	vld [tilespmem:$0x2D0];
	[tilespmem:$0x270] =	vst v1;
	v1 =	vadd.s32 v0, v55  }
0xf9: {  	v59 =	vld [tilespmem:$0x2E0];
	[tilespmem:$0x280] =	vst v1;
	v1 =	vadd.s32 v0, v56  }
0xfa: {  	v60 =	vld [tilespmem:$0x2F0];
	[tilespmem:$0x290] =	vst v1;
	v1 =	vadd.s32 v0, v57  }
0xfb: {  	[tilespmem:$0x2A0] =	vst v1;
	v1 =	vadd.s32 v0, v2;
	v2 =	vld [tilespmem:$0x300]  }
0xfc: {  	[tilespmem:$0x2B0] =	vst v1;
	v1 =	vadd.s32 v0, v3;
	v3 =	vld [tilespmem:$0x310]  }
0xfd: {  	v61 =	vld [tilespmem:$0x320];
	[tilespmem:$0x2C0] =	vst v1;
	v1 =	vadd.s32 v0, v58  }
0xfe: {  	v62 =	vld [tilespmem:$0x330];
	[tilespmem:$0x2D0] =	vst v1;
	v1 =	vadd.s32 v0, v59  }
0xff: {  	v63 =	vld [tilespmem:$0x340];
	[tilespmem:$0x2E0] =	vst v1;
	v1 =	vadd.s32 v0, v60  }
0x100: {  	[tilespmem:$0x2F0] =	vst v1;
	v1 =	vadd.s32 v0, v2;
	v2 =	vld [tilespmem:$0x350]  }
0x101: {  	[tilespmem:$0x300] =	vst v1;
	v1 =	vadd.s32 v0, v3  }
0x102: {  	[tilespmem:$0x310] =	vst v1;
	v1 =	vadd.s32 v0, v61  }
0x103: {  	[tilespmem:$0x320] =	vst v1;
	v1 =	vadd.s32 v0, v62  }
0x104: {  	[tilespmem:$0x330] =	vst v1;
	v1 =	vadd.s32 v0, v63  }
0x105: {  	[tilespmem:$0x340] =	vst v1;
	v1 =	vadd.s32 v0, v2  }
0x106: {  	[tilespmem:$0x350] =	vst v1  }
0x107: {  	[tilespmem:s26], [sflag:$0x8] =	stream.indirect.gather [hbm4b:s1+s16], $0x20, s16, s16, $0xb8;
	[tilespmem:$0x1FD20] =	vst v63  }
0x108: {  	_ =	swait.ge [sflag:s28], $0x3600  }
0x109: {  	p1 =	sgt.u32 s12, $0x1B;
	[sflag:s28] =	ssyncset.done $0x0  }
0x10a: {  	s20 =	sadd.s32 @!p1 s11, s14;
	[sflag:s28] =	ssyncadd.s32 $0xFFFFCA00  }
0x10b: {  	[spmem:s2] =	stream.indirect.scatter.add.f32 [tilespmem:s19], [sflag:$0x9], $0x20, s29, s16, $0xb8;
	[tilespmem:$0x1FD20] =	vst v63  }
0x10c: {  	s23 =	simm.s32 @!p1 $0x0;
	s20 =	sadd.s32 @!p1 $0xD8, s20  }
0x10d: {  	[tilespmem:s23], [sflag:$0x1] =	stream.linear.gather @!p1 [hbm4b:s20+s23], $0x1B0, $0x38;
	[tilespmem:$0x1FD20] =	vst v63  }
0x10e: {  	s20 =	sadd.s32 @!p1 s11, s13  }
0x10f: {  	s24 =	simm.s32 @!p1 $0x360;
	s20 =	sadd.s32 @!p1 $0xD8, s20  }
0x110: {  	[tilespmem:s24], [sflag:$0x3] =	stream.linear.gather @!p1 [hbm4b:s20+s23], $0x1B0, $0x38;
	[tilespmem:$0x1FD20] =	vst v63  }
0x111: {  	p1 =	sgt.u32 s10, $0x72  }
.Ltmp4:
0x112: {  	_ = 	snop;
	(pc) =	sbr.rel @p1 .LBB2_4-.Ltmp4, $4  }
0x113: {  	_ = 	snop  }
0x114: {  	_ =	swait.ge [sflag:s30], $0x3600  }
0x115: {  	[sflag:s30] =	ssyncset.done $0x0  }
0x116: {  	[sflag:s30] =	ssyncadd.s32 $0xFFFFCA00  }
0x117: {  	_ =	swait.ge [sflag:s18], $0x1B0  }
0x118: {  	[sflag:s18] =	ssyncset.done $0x0  }
0x119: {  	[sflag:s18] =	ssyncadd.s32 $0xFFFFFE50  }
0x11a: {  	_ =	swait.ge [sflag:s7], $0x1B0  }
0x11b: {  	[sflag:s7] =	ssyncset.done $0x0  }
0x11c: {  	[sflag:s7] =	ssyncadd.s32 $0xFFFFFE50  }
0x11d: {  	v1 =	vld [tilespmem:$0x0]  }
0x11e: {  	v2 =	vld [tilespmem:$0x10]  }
0x11f: {  	v3 =	vld [tilespmem:$0x20]  }
0x120: {  	v4 =	vld [tilespmem:$0x30]  }
0x121: {  	v5 =	vld [tilespmem:$0x40]  }
0x122: {  	v6 =	vld [tilespmem:$0x50];
	v1 =	vadd.s32 v0, v1  }
0x123: {  	[tilespmem:$0x0] =	vst v1;
	v1 =	vadd.s32 v0, v2;
	v2 =	vld [tilespmem:$0x60]  }
0x124: {  	[tilespmem:$0x10] =	vst v1;
	v1 =	vadd.s32 v0, v3;
	v3 =	vld [tilespmem:$0x70]  }
0x125: {  	v52 =	vld [tilespmem:$0x80];
	[tilespmem:$0x20] =	vst v1;
	v1 =	vadd.s32 v0, v4  }
0x126: {  	v53 =	vld [tilespmem:$0x90];
	[tilespmem:$0x30] =	vst v1;
	v1 =	vadd.s32 v0, v5  }
0x127: {  	v54 =	vld [tilespmem:$0xA0];
	[tilespmem:$0x40] =	vst v1;
	v1 =	vadd.s32 v0, v6  }
0x128: {  	[tilespmem:$0x50] =	vst v1;
	v1 =	vadd.s32 v0, v2;
	v2 =	vld [tilespmem:$0xB0]  }
0x129: {  	[tilespmem:$0x60] =	vst v1;
	v1 =	vadd.s32 v0, v3;
	v3 =	vld [tilespmem:$0xC0]  }
0x12a: {  	v55 =	vld [tilespmem:$0xD0];
	[tilespmem:$0x70] =	vst v1;
	v1 =	vadd.s32 v0, v52  }
0x12b: {  	v56 =	vld [tilespmem:$0xE0];
	[tilespmem:$0x80] =	vst v1;
	v1 =	vadd.s32 v0, v53  }
0x12c: {  	v57 =	vld [tilespmem:$0xF0];
	[tilespmem:$0x90] =	vst v1;
	v1 =	vadd.s32 v0, v54  }
0x12d: {  	[tilespmem:$0xA0] =	vst v1;
	v1 =	vadd.s32 v0, v2;
	v2 =	vld [tilespmem:$0x100]  }
0x12e: {  	[tilespmem:$0xB0] =	vst v1;
	v1 =	vadd.s32 v0, v3;
	v3 =	vld [tilespmem:$0x110]  }
0x12f: {  	v58 =	vld [tilespmem:$0x120];
	[tilespmem:$0xC0] =	vst v1;
	v1 =	vadd.s32 v0, v55  }
0x130: {  	v59 =	vld [tilespmem:$0x130];
	[tilespmem:$0xD0] =	vst v1;
	v1 =	vadd.s32 v0, v56  }
0x131: {  	v60 =	vld [tilespmem:$0x140];
	[tilespmem:$0xE0] =	vst v1;
	v1 =	vadd.s32 v0, v57  }
0x132: {  	[tilespmem:$0xF0] =	vst v1;
	v1 =	vadd.s32 v0, v2;
	v2 =	vld [tilespmem:$0x150]  }
0x133: {  	[tilespmem:$0x100] =	vst v1;
	v1 =	vadd.s32 v0, v3;
	v3 =	vld [tilespmem:$0x160]  }
0x134: {  	v61 =	vld [tilespmem:$0x170];
	[tilespmem:$0x110] =	vst v1;
	v1 =	vadd.s32 v0, v58  }
0x135: {  	v62 =	vld [tilespmem:$0x180];
	[tilespmem:$0x120] =	vst v1;
	v1 =	vadd.s32 v0, v59  }
0x136: {  	v63 =	vld [tilespmem:$0x190];
	[tilespmem:$0x130] =	vst v1;
	v1 =	vadd.s32 v0, v60  }
0x137: {  	[tilespmem:$0x140] =	vst v1;
	v1 =	vadd.s32 v0, v2;
	v2 =	vld [tilespmem:$0x1A0]  }
0x138: {  	[tilespmem:$0x150] =	vst v1;
	v1 =	vadd.s32 v0, v3  }
0x139: {  	[tilespmem:$0x160] =	vst v1;
	v1 =	vadd.s32 v0, v61  }
.Ltmp5:
0x13a: {  	[tilespmem:$0x170] =	vst v1;
	v1 =	vadd.s32 v0, v62;
	(pc) =	sbr.rel .LBB2_4-.Ltmp5, $4  }
0x13b: {  	[tilespmem:$0x180] =	vst v1;
	v1 =	vadd.s32 v0, v63  }
0x13c: {  	[tilespmem:$0x190] =	vst v1;
	v1 =	vadd.s32 v0, v2  }
0x13d: {  	[tilespmem:$0x1A0] =	vst v1  }
0x13e: {  	[tilespmem:s19], [sflag:$0x7] =	stream.indirect.gather [hbm4b:s1+s16], $0x20, s3, s16, $0xb8;
	[tilespmem:$0x1FD20] =	vst v63  }
.LBB2_6:
0x13f: {  	_ =	sfence.sel $0x180000  }
0x140: {  	[bflag:$0x0] =	sbarrier.arrive $0xFFFF  }
0x141: {  	_ =	strace $0x90000047  }
0x142: {  	s0 =	stileid.u32;
	[bflag:$0x2] =	sbarrier.arrive $0xFFFF  }
0x143: {  	p0 =	sne.s32 s0, $0x0;
	s0 =	rddreg [dreg:$0x3]  }
0x144: {  	s0 =	sadd.s32 @!p0 $0x100000, s0  }
0x145: {  	[sflag:s0] =	ssyncadd.tile.s32 @!p0 $0x1;
	_ =	shalt  }
.Lfunc_end2:
_tile_overlayer_lowered:
.L_overlay_start_2:
0x146: {  	(tag) =	ssettag $0x2  }
0x147: {  	s0 =	rddreg [dreg:$0x0];
	s2 =	stileid.u32  }
0x148: {  	s1 =	rddreg [dreg:$0x1];
	p0 =	sne.s32 s2, $0x0  }
0x149: {  	s3 =	rddreg [dreg:$0x2];
	[bflag:$0x3] =	sbarrier.arrive $0xFFFF;
	s2 =	simm.s32 @!p0 $0x1C0B  }
0x14a: {  	[timem:s3], [sflag:s2] =	dma.local @!p0 [hbm:s0], s1  }
0x14b: {  	s0 =	simm.s32 @!p0 $0xB  }
0x14c: {  	_ =	swait.ge @!p0 [sflag:s0], s1  }
0x14d: {  	s1 =	ssub.s32 @!p0 $0x0, s1;
	[sflag:s0] =	ssyncset.done @!p0 $0x0  }
0x14e: {  	[sflag:s0] =	ssyncadd.s32 @!p0 s1  }
0x14f: {  	[bflag:$0x3] =	sbarrier.arrive $0xFFFF  }
0x150: {  	_ =	shalt  }

</sc_bundles>
